<compile_context>
chip_gen: v7x
topology: tpu7x:2x2x1
jax: 0.10.2.dev20260603
libtpu: 0.0.44.dev20260713+nightly
codegen_flags: <defaults>
</compile_context>

<pallas_src>
import functools

import jax
import jax.numpy as jnp
from jax import lax
from jax.experimental import pallas as pl
from jax.experimental.pallas import tpu as pltpu
from jax.experimental.pallas import tpu_sc as plsc

N = 10000
E = 320000
D_NODE = 128
D_EDGE = 16
NEW_EDGE = 16
NEW_NODE = 8
FINAL_NODE = 4

NC = 2
NS = 16
NW = NC * NS
EW = E // NW
CHUNK = 128
NCHUNKS = EW // CHUNK
TAIL = EW - NCHUNKS * CHUNK
COPY_SUBS = 10
ROWS_PER_SUB = N // COPY_SUBS


def _prologue_proj(x, Wab, W2a, edge8, Wbd, b1t):
    nblk = 1000
    eblk = 2000
    erows = E // 8

    def body(x_ref, wab_ref, wq_ref, a_ref, w_ref, b_ref,
             p2_ref, q_ref, t_ref):
        xb = x_ref[...]
        p2_ref[...] = jnp.dot(xb, wab_ref[0], preferred_element_type=jnp.float32)
        q_ref[...] = jnp.dot(xb, wq_ref[...], preferred_element_type=jnp.float32)
        t_ref[...] = (
            jnp.dot(a_ref[...], w_ref[...], preferred_element_type=jnp.float32)
            + b_ref[...]
        )

    return pl.pallas_call(
        body,
        grid=(2 * N // nblk,),
        in_specs=[
            pl.BlockSpec((nblk, D_NODE), lambda i: (i % 10, 0)),
            pl.BlockSpec((1, D_NODE, NEW_EDGE), lambda i: (i // 10, 0, 0)),
            pl.BlockSpec((D_NODE, NEW_NODE), lambda i: (0, 0)),
            pl.BlockSpec((eblk, 128), lambda i: (i, 0)),
            pl.BlockSpec((128, 128), lambda i: (0, 0)),
            pl.BlockSpec((1, 128), lambda i: (0, 0)),
        ],
        out_specs=[
            pl.BlockSpec((nblk, NEW_EDGE), lambda i: (i, 0)),
            pl.BlockSpec((nblk, NEW_NODE), lambda i: (i % 10, 0)),
            pl.BlockSpec((eblk, 128), lambda i: (i, 0)),
        ],
        out_shape=[
            jax.ShapeDtypeStruct((2 * N, NEW_EDGE), jnp.float32),
            jax.ShapeDtypeStruct((N, NEW_NODE), jnp.float32),
            jax.ShapeDtypeStruct((erows, 128), jnp.float32),
        ],
    )(x, Wab, W2a, edge8, Wbd, b1t)


def _edge_aggregate(src, dst, p2, t8):
    mesh = plsc.VectorSubcoreMesh(core_axis_name="c", subcore_axis_name="s")

    @functools.partial(
        pl.kernel,
        mesh=mesh,
        compiler_params=pltpu.CompilerParams(use_tc_tiling_on_sc=False),
        out_type=jax.ShapeDtypeStruct((NC, N, NEW_EDGE), jnp.float32),
        scratch_types=[
            pltpu.VMEM((2, CHUNK), jnp.int32),
            pltpu.VMEM((2, CHUNK), jnp.int32),
            pltpu.VMEM((2, CHUNK, NEW_EDGE), jnp.float32),
            pltpu.VMEM((2, CHUNK, NEW_EDGE), jnp.float32),
            pltpu.VMEM((2, CHUNK * NEW_EDGE // 128, 128), jnp.float32),
            pltpu.VMEM((ROWS_PER_SUB, NEW_EDGE), jnp.float32),
            pltpu.VMEM_SHARED((N, NEW_EDGE), jnp.float32),
            pltpu.VMEM((TAIL,), jnp.int32),
            pltpu.VMEM((TAIL,), jnp.int32),
            pltpu.VMEM((TAIL, NEW_EDGE), jnp.float32),
            pltpu.VMEM((TAIL, NEW_EDGE), jnp.float32),
            pltpu.VMEM((TAIL * NEW_EDGE // 128, 128), jnp.float32),
            pltpu.VMEM((2, CHUNK), jnp.int32),
            pltpu.SemaphoreType.DMA,
            pltpu.SemaphoreType.DMA,
            pltpu.SemaphoreType.DMA,
            pltpu.SemaphoreType.DMA,
            pltpu.SemaphoreType.DMA,
            pltpu.SemaphoreType.DMA,
        ],
    )
    def body(src_hbm, dst_hbm, p2_hbm, t_hbm, out_hbm,
             sidx, didx, srows, drows, trows, zbuf, agg,
             tsidx, tdidx, tsrows, tdrows, ttrows, dscat,
             sem_i0, sem_i1, sem_g0, sem_g1, sem_s0, sem_s1):
        c = lax.axis_index("c")
        s = lax.axis_index("s")
        wid = s * NC + c
        sem_i = (sem_i0, sem_i1)
        sem_g = (sem_g0, sem_g1)
        sem_s = (sem_s0, sem_s1)

        @pl.when(s < COPY_SUBS)
        def _():
            def zero_row(jj, _):
                for k in range(8):
                    zbuf[jj * 8 + k] = jnp.zeros((NEW_EDGE,), jnp.float32)
                return 0

            lax.fori_loop(0, ROWS_PER_SUB // 8, zero_row, 0)
            pltpu.sync_copy(zbuf, agg.at[pl.ds(s * ROWS_PER_SUB, ROWS_PER_SUB)])

        plsc.subcore_barrier()

        def issue_idx(ci, b):
            ebase = wid * EW + ci * CHUNK
            pltpu.async_copy(src_hbm.at[pl.ds(ebase, CHUNK)], sidx.at[b],
                             sem_i[b])
            pltpu.async_copy(dst_hbm.at[pl.ds(ebase, CHUNK)], didx.at[b],
                             sem_i[b])
            pltpu.async_copy(
                t_hbm.at[pl.ds(ebase * NEW_EDGE // 128, CHUNK * NEW_EDGE // 128)],
                trows.at[b], sem_i[b])

        def wait_idx(ci, b):
            ebase = wid * EW + ci * CHUNK
            pltpu.make_async_copy(src_hbm.at[pl.ds(ebase, CHUNK)],
                                  sidx.at[b], sem_i[b]).wait()
            pltpu.make_async_copy(dst_hbm.at[pl.ds(ebase, CHUNK)],
                                  didx.at[b], sem_i[b]).wait()
            pltpu.make_async_copy(
                t_hbm.at[pl.ds(ebase * NEW_EDGE // 128, CHUNK * NEW_EDGE // 128)],
                trows.at[b], sem_i[b]).wait()

        def shift_src(b):
            six = sidx.at[b]
            for k in range(CHUNK // 16):
                six[pl.ds(k * 16, 16)] = six[pl.ds(k * 16, 16)] + N

        def issue_gather(b):
            pltpu.async_copy(p2_hbm.at[sidx.at[b]], srows.at[b], sem_g[b])
            pltpu.async_copy(p2_hbm.at[didx.at[b]], drows.at[b], sem_g[b])

        def wait_gather(b):
            pltpu.make_async_copy(p2_hbm.at[sidx.at[b]], srows.at[b],
                                  sem_g[b]).wait()
            pltpu.make_async_copy(p2_hbm.at[didx.at[b]], drows.at[b],
                                  sem_g[b]).wait()

        def wait_scatter(b):
            pltpu.make_async_copy(srows.at[b], agg.at[dscat.at[b]],
                                  sem_s[b]).wait()

        def process(ci, b):
            @pl.when(ci + 1 < NCHUNKS)
            def _():
                wait_idx(ci + 1, 1 - b)
                shift_src(1 - b)

                @pl.when(ci >= 1)
                def _():
                    wait_scatter(1 - b)

                issue_gather(1 - b)

            wait_gather(b)
            sr = srows.at[b]
            dr = drows.at[b]
            tr = trows.at[b]
            dix = didx.at[b]
            dsc = dscat.at[b]

            def edge_body(jj, _):
                for k in range(8):
                    j = jj * 8 + k
                    v = sr[j] + dr[j] + tr[j // 8, pl.ds((j % 8) * NEW_EDGE,
                                                         NEW_EDGE)]
                    sr[j] = jnp.maximum(v, 0.0)
                return 0

            lax.fori_loop(0, CHUNK // 8, edge_body, 0)
            for k in range(CHUNK // 16):
                dsc[pl.ds(k * 16, 16)] = dix[pl.ds(k * 16, 16)]
            pltpu.async_copy(sr, agg.at[dsc], sem_s[b], add=True)

            @pl.when(ci + 2 < NCHUNKS)
            def _():
                issue_idx(ci + 2, b)

        issue_idx(0, 0)
        issue_idx(1, 1)
        wait_idx(0, 0)
        shift_src(0)
        issue_gather(0)

        def pair_body(i, _):
            ci = 2 * i
            process(ci, 0)
            process(ci + 1, 1)
            return 0

        lax.fori_loop(0, NCHUNKS // 2, pair_body, 0)
        if NCHUNKS % 2:
            process(NCHUNKS - 1, 0)
        wait_scatter(0)
        wait_scatter(1)

        if TAIL:
            tbase = wid * EW + NCHUNKS * CHUNK
            pltpu.sync_copy(src_hbm.at[pl.ds(tbase, TAIL)], tsidx)
            pltpu.sync_copy(dst_hbm.at[pl.ds(tbase, TAIL)], tdidx)
            for k in range(TAIL // 16):
                tsidx[pl.ds(k * 16, 16)] = tsidx[pl.ds(k * 16, 16)] + N
            cp1 = pltpu.async_copy(p2_hbm.at[tsidx], tsrows, sem_g0)
            cp2 = pltpu.async_copy(p2_hbm.at[tdidx], tdrows, sem_g1)
            pltpu.sync_copy(
                t_hbm.at[pl.ds(tbase * NEW_EDGE // 128,
                               TAIL * NEW_EDGE // 128)], ttrows)
            cp1.wait()
            cp2.wait()

            def tail_body(j, _):
                v = (tsrows[j] + tdrows[j]
                     + ttrows[j // 8, pl.ds((j % 8) * NEW_EDGE, NEW_EDGE)])
                tsrows[j] = jnp.maximum(v, 0.0)
                return 0

            lax.fori_loop(0, TAIL, tail_body, 0)
            pltpu.sync_copy(tsrows, agg.at[tdidx], add=True)

        plsc.subcore_barrier()

        @pl.when(s < COPY_SUBS)
        def _():
            base = s * ROWS_PER_SUB
            pltpu.sync_copy(
                agg.at[pl.ds(base, ROWS_PER_SUB)],
                out_hbm.at[c, pl.ds(base, ROWS_PER_SUB)],
            )

    return body(src, dst, p2, t8)


def _node_update(agg0, agg1, q, W2b, b2, W3, b3):
    blk = 1000

    def body(a0_ref, a1_ref, q_ref, w2_ref, b2_ref, w3_ref, b3_ref, o_ref):
        agg = a0_ref[...] + a1_ref[...]
        h = jnp.dot(agg, w2_ref[...], preferred_element_type=jnp.float32)
        h = jnp.maximum(h + q_ref[...] + b2_ref[...], 0.0)
        o_ref[...] = (
            jnp.dot(h, w3_ref[...], preferred_element_type=jnp.float32)
            + b3_ref[...]
        )

    return pl.pallas_call(
        body,
        grid=(N // blk,),
        in_specs=[
            pl.BlockSpec((blk, NEW_EDGE), lambda i: (i, 0)),
            pl.BlockSpec((blk, NEW_EDGE), lambda i: (i, 0)),
            pl.BlockSpec((blk, NEW_NODE), lambda i: (i, 0)),
            pl.BlockSpec((NEW_EDGE, NEW_NODE), lambda i: (0, 0)),
            pl.BlockSpec((1, NEW_NODE), lambda i: (0, 0)),
            pl.BlockSpec((NEW_NODE, FINAL_NODE), lambda i: (0, 0)),
            pl.BlockSpec((1, FINAL_NODE), lambda i: (0, 0)),
        ],
        out_specs=pl.BlockSpec((blk, FINAL_NODE), lambda i: (i, 0)),
        out_shape=jax.ShapeDtypeStruct((N, FINAL_NODE), jnp.float32),
    )(agg0, agg1, q, W2b, b2, W3, b3)


def kernel(x, edge_index, edge_attr, W1, b1, W2, b2, W3, b3):
    W1a = W1[:D_NODE]
    W1b = W1[D_NODE:2 * D_NODE]
    W1c = W1[2 * D_NODE:]
    W2a = W2[:D_NODE]
    W2b = W2[D_NODE:]

    edge8 = edge_attr.reshape(E // 8, 128)
    Wbd = jnp.kron(jnp.eye(8, dtype=jnp.float32), W1c)
    b1t = jnp.tile(b1, 8).reshape(1, 128)
    Wab = jnp.stack([W1b, W1a])
    p2, q, t8 = _prologue_proj(x, Wab, W2a, edge8, Wbd, b1t)

    src = edge_index[0]
    dst = edge_index[1]
    aggs = _edge_aggregate(src, dst, p2, t8)

    out = _node_update(aggs[0], aggs[1], q, W2b, b2.reshape(1, -1),
                       W3, b3.reshape(1, -1))
    return out

# --- scband reference (transcript-rebuilt; emitter-appended) ---
"""Pipeline reference for scband-example-net-39728447488025 (READ-ONLY COPY).

The authoritative reference and input builder live on the scoring server;
editing this copy changes nothing except your own understanding.
"""

import jax, jax.numpy as jnp
import numpy as np

N, E, D_NODE, D_EDGE = 10000, 320000, 128, 16
NEW_EDGE, NEW_NODE, FINAL_NODE = 16, 8, 4


def setup_inputs(seed: int = 0) -> dict:
    key = jax.random.key(seed)
    ks = jax.random.split(key, 10)
    x = jax.random.normal(ks[0], (N, D_NODE), dtype=jnp.float32)
    edge_index = jax.random.randint(ks[1], (2, E), 0, N, dtype=jnp.int32)
    edge_attr = jax.random.normal(ks[2], (E, D_EDGE), dtype=jnp.float32)
    # NodeToEdgeLayer params: Linear([x_src, x_dst, edge_attr] -> new_edge_dim)
    W1 = jax.random.normal(ks[3], (2 * D_NODE + D_EDGE, NEW_EDGE), dtype=jnp.float32) * (1.0 / np.sqrt(2 * D_NODE + D_EDGE))
    b1 = jnp.zeros((NEW_EDGE,), dtype=jnp.float32)
    # EdgeToNodeLayer params: Linear([x, agg_edge] -> new_node_dim)
    W2 = jax.random.normal(ks[4], (D_NODE + NEW_EDGE, NEW_NODE), dtype=jnp.float32) * (1.0 / np.sqrt(D_NODE + NEW_EDGE))
    b2 = jnp.zeros((NEW_NODE,), dtype=jnp.float32)
    # NodeToNodeLayer params: Linear(new_node_dim -> final_node_dim)
    W3 = jax.random.normal(ks[5], (NEW_NODE, FINAL_NODE), dtype=jnp.float32) * (1.0 / np.sqrt(NEW_NODE))
    b3 = jnp.zeros((FINAL_NODE,), dtype=jnp.float32)
    return {"x": x, "edge_index": edge_index, "edge_attr": edge_attr,
            "W1": W1, "b1": b1, "W2": W2, "b2": b2, "W3": W3, "b3": b3}


def reference(x, edge_index, edge_attr, W1, b1, W2, b2, W3, b3):
    src = edge_index[0]
    dst = edge_index[1]
    # NodeToEdgeLayer: per-edge MLP over [x_src, x_dst, edge_attr] (SparseCore gather)
    h_e = jnp.concatenate([jnp.take(x, src, axis=0), jnp.take(x, dst, axis=0), edge_attr], axis=-1)
    e_new = jax.nn.relu(h_e @ W1 + b1)
    # EdgeToNodeLayer: scatter-add edge feats to dst nodes, combine with node feats
    agg = jnp.zeros((x.shape[0], e_new.shape[1]), dtype=e_new.dtype).at[dst].add(e_new)
    n_new = jax.nn.relu(jnp.concatenate([x, agg], axis=-1) @ W2 + b2)
    # NodeToNodeLayer: final node transform
    out = n_new @ W3 + b3
    return out

if __name__ == "__main__":
    import jax
    _d = setup_inputs()
    print(jax.jit(kernel)(*tuple(_d.values())))

</pallas_src>

<mosaic_0001>
#map = affine_map<(d0, d1) -> (0)>
#map1 = affine_map<(d0, d1) -> (0, 0)>
#map2 = affine_map<(d0, d1) -> (0, 0, 0)>
module attributes {stable_mosaic.version = 14 : i64} {
  func.func @body(%arg0: i32, %arg1: i32, %arg2: memref<320000xi32, #tpu.memory_space<hbm>>, %arg3: memref<320000xi32, #tpu.memory_space<hbm>>, %arg4: memref<20000x16xf32, #tpu.memory_space<hbm>>, %arg5: memref<40000x128xf32, #tpu.memory_space<hbm>>, %arg6: memref<2x10000x16xf32, #tpu.memory_space<hbm>>, %arg7: memref<2x128xi32, #tpu.memory_space<vmem>>, %arg8: memref<2x128xi32, #tpu.memory_space<vmem>>, %arg9: memref<2x128x16xf32, #tpu.memory_space<vmem>>, %arg10: memref<2x128x16xf32, #tpu.memory_space<vmem>>, %arg11: memref<2x16x128xf32, #tpu.memory_space<vmem>>, %arg12: memref<1000x16xf32, #tpu.memory_space<vmem>>, %arg13: memref<10000x16xf32, #tpu.memory_space<vmem_shared>>, %arg14: memref<16xi32, #tpu.memory_space<vmem>>, %arg15: memref<16xi32, #tpu.memory_space<vmem>>, %arg16: memref<16x16xf32, #tpu.memory_space<vmem>>, %arg17: memref<16x16xf32, #tpu.memory_space<vmem>>, %arg18: memref<2x128xf32, #tpu.memory_space<vmem>>, %arg19: memref<2x128xi32, #tpu.memory_space<vmem>>, %arg20: memref<!tpu.dma_semaphore, #tpu.memory_space<semaphore_mem>>, %arg21: memref<!tpu.dma_semaphore, #tpu.memory_space<semaphore_mem>>, %arg22: memref<!tpu.dma_semaphore, #tpu.memory_space<semaphore_mem>>, %arg23: memref<!tpu.dma_semaphore, #tpu.memory_space<semaphore_mem>>, %arg24: memref<!tpu.dma_semaphore, #tpu.memory_space<semaphore_mem>>, %arg25: memref<!tpu.dma_semaphore, #tpu.memory_space<semaphore_mem>>) attributes {dimension_semantics = [#tpu.dimension_semantics<core_parallel>, #tpu.dimension_semantics<subcore_parallel>], iteration_bounds = array<i64: 2, 16>, scalar_prefetch = 0 : i64, scratch_operands = 19 : i64, tpu.core_type = #tpu.core_type<sc_vector_subcore>, window_params = [{transform_indices = #map}, {transform_indices = #map}, {transform_indices = #map1}, {transform_indices = #map1}, {transform_indices = #map2}]} {
    %mul3A = arith.constant 2 : i32
    %mul3A_0 = arith.muli %arg1, %mul3A : i32
    %add3A = arith.addi %mul3A_0, %arg0 : i32
    %lt3A = arith.constant 10 : i32
    %lt3A_1 = arith.cmpi slt, %arg1, %lt3A : i32
    %convert_element_type3A = arith.extui %lt3A_1 : i1 to i32
    %cond3A = arith.constant 0 : i32
    %cond3A_2 = arith.cmpi ne, %convert_element_type3A, %cond3A : i32
    scf.if %cond3A_2 {
      %scan3A_437 = arith.constant 0 : i32
      %scan3A_438 = arith.constant 0 : i32
      %scan3A_439 = arith.constant 125 : i32
      %scan3A_440 = arith.addi %scan3A_438, %scan3A_439 : i32
      %scan3A_441 = arith.constant 1 : i32
      %scan3A_442 = scf.for %scan3A_446 = %scan3A_438 to %scan3A_440 step %scan3A_441 iter_args(%scan3A_447 = %scan3A_437) -> (i32)  : i32 {
        %broadcast_in_dim3A = arith.constant 0.000000e+00 : f32
        %broadcast_in_dim3A_448 = vector.broadcast %broadcast_in_dim3A : f32 to vector<16xf32>
        %mul3A_449 = arith.constant 8 : i32
        %mul3A_450 = arith.muli %scan3A_446, %mul3A_449 : i32
        %add3A_451 = arith.constant 0 : i32
        %add3A_452 = arith.addi %mul3A_450, %add3A_451 : i32
        %swap3A_453 = arith.index_cast %add3A_452 : i32 to index
        %swap3A_454 = arith.constant 0 : index
        %swap3A_455 = tpu.vector_load %arg12[%swap3A_453, %swap3A_454] {strides = array<i32>} : memref<1000x16xf32, #tpu.memory_space<vmem>>, vector<1x16xf32>,
        %swap3A_456 = vector.shape_cast %swap3A_455 : vector<1x16xf32> to vector<16xf32>
        %swap3A_457 = vector.shape_cast %broadcast_in_dim3A_448 : vector<16xf32> to vector<1x16xf32>
        tpu.vector_store %arg12[%swap3A_453, %swap3A_454], %swap3A_457 {strides = array<i32>} : memref<1000x16xf32, #tpu.memory_space<vmem>>, vector<1x16xf32>,
        %broadcast_in_dim3A_458 = arith.constant 0.000000e+00 : f32
        %broadcast_in_dim3A_459 = vector.broadcast %broadcast_in_dim3A_458 : f32 to vector<16xf32>
        %mul3A_460 = arith.constant 8 : i32
        %mul3A_461 = arith.muli %scan3A_446, %mul3A_460 : i32
        %add3A_462 = arith.constant 1 : i32
        %add3A_463 = arith.addi %mul3A_461, %add3A_462 : i32
        %swap3A_464 = arith.index_cast %add3A_463 : i32 to index
        %swap3A_465 = arith.constant 0 : index
        %swap3A_466 = tpu.vector_load %arg12[%swap3A_464, %swap3A_465] {strides = array<i32>} : memref<1000x16xf32, #tpu.memory_space<vmem>>, vector<1x16xf32>,
        %swap3A_467 = vector.shape_cast %swap3A_466 : vector<1x16xf32> to vector<16xf32>
        %swap3A_468 = vector.shape_cast %broadcast_in_dim3A_459 : vector<16xf32> to vector<1x16xf32>
        tpu.vector_store %arg12[%swap3A_464, %swap3A_465], %swap3A_468 {strides = array<i32>} : memref<1000x16xf32, #tpu.memory_space<vmem>>, vector<1x16xf32>,
        %broadcast_in_dim3A_469 = arith.constant 0.000000e+00 : f32
        %broadcast_in_dim3A_470 = vector.broadcast %broadcast_in_dim3A_469 : f32 to vector<16xf32>
        %mul3A_471 = arith.constant 8 : i32
        %mul3A_472 = arith.muli %scan3A_446, %mul3A_471 : i32
        %add3A_473 = arith.constant 2 : i32
        %add3A_474 = arith.addi %mul3A_472, %add3A_473 : i32
        %swap3A_475 = arith.index_cast %add3A_474 : i32 to index
        %swap3A_476 = arith.constant 0 : index
        %swap3A_477 = tpu.vector_load %arg12[%swap3A_475, %swap3A_476] {strides = array<i32>} : memref<1000x16xf32, #tpu.memory_space<vmem>>, vector<1x16xf32>,
        %swap3A_478 = vector.shape_cast %swap3A_477 : vector<1x16xf32> to vector<16xf32>
        %swap3A_479 = vector.shape_cast %broadcast_in_dim3A_470 : vector<16xf32> to vector<1x16xf32>
        tpu.vector_store %arg12[%swap3A_475, %swap3A_476], %swap3A_479 {strides = array<i32>} : memref<1000x16xf32, #tpu.memory_space<vmem>>, vector<1x16xf32>,
        %broadcast_in_dim3A_480 = arith.constant 0.000000e+00 : f32
        %broadcast_in_dim3A_481 = vector.broadcast %broadcast_in_dim3A_480 : f32 to vector<16xf32>
        %mul3A_482 = arith.constant 8 : i32
        %mul3A_483 = arith.muli %scan3A_446, %mul3A_482 : i32
        %add3A_484 = arith.constant 3 : i32
        %add3A_485 = arith.addi %mul3A_483, %add3A_484 : i32
        %swap3A_486 = arith.index_cast %add3A_485 : i32 to index
        %swap3A_487 = arith.constant 0 : index
        %swap3A_488 = tpu.vector_load %arg12[%swap3A_486, %swap3A_487] {strides = array<i32>} : memref<1000x16xf32, #tpu.memory_space<vmem>>, vector<1x16xf32>,
        %swap3A_489 = vector.shape_cast %swap3A_488 : vector<1x16xf32> to vector<16xf32>
        %swap3A_490 = vector.shape_cast %broadcast_in_dim3A_481 : vector<16xf32> to vector<1x16xf32>
        tpu.vector_store %arg12[%swap3A_486, %swap3A_487], %swap3A_490 {strides = array<i32>} : memref<1000x16xf32, #tpu.memory_space<vmem>>, vector<1x16xf32>,
        %broadcast_in_dim3A_491 = arith.constant 0.000000e+00 : f32
        %broadcast_in_dim3A_492 = vector.broadcast %broadcast_in_dim3A_491 : f32 to vector<16xf32>
        %mul3A_493 = arith.constant 8 : i32
        %mul3A_494 = arith.muli %scan3A_446, %mul3A_493 : i32
        %add3A_495 = arith.constant 4 : i32
        %add3A_496 = arith.addi %mul3A_494, %add3A_495 : i32
        %swap3A_497 = arith.index_cast %add3A_496 : i32 to index
        %swap3A_498 = arith.constant 0 : index
        %swap3A_499 = tpu.vector_load %arg12[%swap3A_497, %swap3A_498] {strides = array<i32>} : memref<1000x16xf32, #tpu.memory_space<vmem>>, vector<1x16xf32>,
        %swap3A_500 = vector.shape_cast %swap3A_499 : vector<1x16xf32> to vector<16xf32>
        %swap3A_501 = vector.shape_cast %broadcast_in_dim3A_492 : vector<16xf32> to vector<1x16xf32>
        tpu.vector_store %arg12[%swap3A_497, %swap3A_498], %swap3A_501 {strides = array<i32>} : memref<1000x16xf32, #tpu.memory_space<vmem>>, vector<1x16xf32>,
        %broadcast_in_dim3A_502 = arith.constant 0.000000e+00 : f32
        %broadcast_in_dim3A_503 = vector.broadcast %broadcast_in_dim3A_502 : f32 to vector<16xf32>
        %mul3A_504 = arith.constant 8 : i32
        %mul3A_505 = arith.muli %scan3A_446, %mul3A_504 : i32
        %add3A_506 = arith.constant 5 : i32
        %add3A_507 = arith.addi %mul3A_505, %add3A_506 : i32
        %swap3A_508 = arith.index_cast %add3A_507 : i32 to index
        %swap3A_509 = arith.constant 0 : index
        %swap3A_510 = tpu.vector_load %arg12[%swap3A_508, %swap3A_509] {strides = array<i32>} : memref<1000x16xf32, #tpu.memory_space<vmem>>, vector<1x16xf32>,
        %swap3A_511 = vector.shape_cast %swap3A_510 : vector<1x16xf32> to vector<16xf32>
        %swap3A_512 = vector.shape_cast %broadcast_in_dim3A_503 : vector<16xf32> to vector<1x16xf32>
        tpu.vector_store %arg12[%swap3A_508, %swap3A_509], %swap3A_512 {strides = array<i32>} : memref<1000x16xf32, #tpu.memory_space<vmem>>, vector<1x16xf32>,
        %broadcast_in_dim3A_513 = arith.constant 0.000000e+00 : f32
        %broadcast_in_dim3A_514 = vector.broadcast %broadcast_in_dim3A_513 : f32 to vector<16xf32>
        %mul3A_515 = arith.constant 8 : i32
        %mul3A_516 = arith.muli %scan3A_446, %mul3A_515 : i32
        %add3A_517 = arith.constant 6 : i32
        %add3A_518 = arith.addi %mul3A_516, %add3A_517 : i32
        %swap3A_519 = arith.index_cast %add3A_518 : i32 to index
        %swap3A_520 = arith.constant 0 : index
        %swap3A_521 = tpu.vector_load %arg12[%swap3A_519, %swap3A_520] {strides = array<i32>} : memref<1000x16xf32, #tpu.memory_space<vmem>>, vector<1x16xf32>,
        %swap3A_522 = vector.shape_cast %swap3A_521 : vector<1x16xf32> to vector<16xf32>
        %swap3A_523 = vector.shape_cast %broadcast_in_dim3A_514 : vector<16xf32> to vector<1x16xf32>
        tpu.vector_store %arg12[%swap3A_519, %swap3A_520], %swap3A_523 {strides = array<i32>} : memref<1000x16xf32, #tpu.memory_space<vmem>>, vector<1x16xf32>,
        %broadcast_in_dim3A_524 = arith.constant 0.000000e+00 : f32
        %broadcast_in_dim3A_525 = vector.broadcast %broadcast_in_dim3A_524 : f32 to vector<16xf32>
        %mul3A_526 = arith.constant 8 : i32
        %mul3A_527 = arith.muli %scan3A_446, %mul3A_526 : i32
        %add3A_528 = arith.constant 7 : i32
        %add3A_529 = arith.addi %mul3A_527, %add3A_528 : i32
        %swap3A_530 = arith.index_cast %add3A_529 : i32 to index
        %swap3A_531 = arith.constant 0 : index
        %swap3A_532 = tpu.vector_load %arg12[%swap3A_530, %swap3A_531] {strides = array<i32>} : memref<1000x16xf32, #tpu.memory_space<vmem>>, vector<1x16xf32>,
        %swap3A_533 = vector.shape_cast %swap3A_532 : vector<1x16xf32> to vector<16xf32>
        %swap3A_534 = vector.shape_cast %broadcast_in_dim3A_525 : vector<16xf32> to vector<1x16xf32>
        tpu.vector_store %arg12[%swap3A_530, %swap3A_531], %swap3A_534 {strides = array<i32>} : memref<1000x16xf32, #tpu.memory_space<vmem>>, vector<1x16xf32>,
        %scan3A_535 = arith.constant 0 : i32
        scf.yield %scan3A_535 : i32
      }
      %scan3A_443 = arith.constant 125 : i32
      %mul3A_444 = arith.constant 1000 : i32
      %mul3A_445 = arith.muli %arg1, %mul3A_444 : i32
      "tpu.region"() ({
        %run_scoped3A = tpu.sem_alloc : memref<!tpu.dma_semaphore, #tpu.memory_space<semaphore_mem>>
        %dma_start3A_446 = arith.constant 0 : i32
        %dma_start3A_447 = tpu.memref_slice %arg13[%mul3A_445, %dma_start3A_446] : memref<10000x16xf32, #tpu.memory_space<vmem_shared>> -> memref<1000x16xf32, #tpu.memory_space<vmem_shared>>
        %dma_start3A_448 = arith.constant 0 : i32
        %dma_start3A_449 = tpu.memref_slice %arg13[%mul3A_445, %dma_start3A_448] : memref<10000x16xf32, #tpu.memory_space<vmem_shared>> -> memref<1000x16xf32, #tpu.memory_space<vmem_shared>>
        tpu.enqueue_dma source(%arg12 : memref<1000x16xf32, #tpu.memory_space<vmem>>) target(%dma_start3A_449 : memref<1000x16xf32, #tpu.memory_space<vmem_shared>>) target_semaphore(%run_scoped3A : memref<!tpu.dma_semaphore, #tpu.memory_space<semaphore_mem>>)
        %dma_wait3A_450 = arith.constant 0 : i32
        %dma_wait3A_451 = tpu.memref_slice %arg13[%mul3A_445, %dma_wait3A_450] : memref<10000x16xf32, #tpu.memory_space<vmem_shared>> -> memref<1000x16xf32, #tpu.memory_space<vmem_shared>>
        %dma_wait3A_452 = arith.constant 0 : i32
        %dma_wait3A_453 = tpu.memref_slice %arg13[%mul3A_445, %dma_wait3A_452] : memref<10000x16xf32, #tpu.memory_space<vmem_shared>> -> memref<1000x16xf32, #tpu.memory_space<vmem_shared>>
        tpu.wait_dma2 semaphore(%run_scoped3A : memref<!tpu.dma_semaphore, #tpu.memory_space<semaphore_mem>>) src(%arg12 : memref<1000x16xf32, #tpu.memory_space<vmem>>) dst(%dma_wait3A_453 : memref<1000x16xf32, #tpu.memory_space<vmem_shared>>)
        tpu.yield
      }) : () -> ()
    } else {
    }
    %barrier3A = arith.constant 0 : index
    tpu.barrier barrier_id(%barrier3A)
    %mul3A_3 = arith.constant 10000 : i32
    %mul3A_4 = arith.muli %add3A, %mul3A_3 : i32
    %add3A_5 = arith.constant 0 : i32
    %add3A_6 = arith.addi %mul3A_4, %add3A_5 : i32
    %dma_start3A = arith.constant 0 : i32
    %dma_start3A_7 = arith.constant 0 : i32
    %dma_start3A_8 = tpu.memref_slice %arg7[%dma_start3A, %dma_start3A_7] : memref<2x128xi32, #tpu.memory_space<vmem>> -> memref<1x128xi32, #tpu.memory_space<vmem>>
    %dma_start3A_9 = tpu.memref_squeeze %dma_start3A_8 : memref<1x128xi32, #tpu.memory_space<vmem>> -> memref<128xi32, #tpu.memory_space<vmem>>
    %dma_start3A_10 = tpu.memref_slice %arg2[%add3A_6] : memref<320000xi32, #tpu.memory_space<hbm>> -> memref<128xi32, #tpu.memory_space<hbm>>
    %dma_start3A_11 = arith.constant 0 : i32
    %dma_start3A_12 = tpu.memref_slice %arg7[%dma_start3A, %dma_start3A_11] : memref<2x128xi32, #tpu.memory_space<vmem>> -> memref<1x128xi32, #tpu.memory_space<vmem>>
    %dma_start3A_13 = tpu.memref_squeeze %dma_start3A_12 : memref<1x128xi32, #tpu.memory_space<vmem>> -> memref<128xi32, #tpu.memory_space<vmem>>
    %dma_start3A_14 = tpu.memref_slice %arg2[%add3A_6] : memref<320000xi32, #tpu.memory_space<hbm>> -> memref<128xi32, #tpu.memory_space<hbm>>
    tpu.enqueue_dma source(%dma_start3A_14 : memref<128xi32, #tpu.memory_space<hbm>>) target(%dma_start3A_13 : memref<128xi32, #tpu.memory_space<vmem>>) target_semaphore(%arg20 : memref<!tpu.dma_semaphore, #tpu.memory_space<semaphore_mem>>)
    %dma_start3A_15 = arith.constant 0 : i32
    %dma_start3A_16 = arith.constant 0 : i32
    %dma_start3A_17 = tpu.memref_slice %arg8[%dma_start3A_15, %dma_start3A_16] : memref<2x128xi32, #tpu.memory_space<vmem>> -> memref<1x128xi32, #tpu.memory_space<vmem>>
    %dma_start3A_18 = tpu.memref_squeeze %dma_start3A_17 : memref<1x128xi32, #tpu.memory_space<vmem>> -> memref<128xi32, #tpu.memory_space<vmem>>
    %dma_start3A_19 = tpu.memref_slice %arg3[%add3A_6] : memref<320000xi32, #tpu.memory_space<hbm>> -> memref<128xi32, #tpu.memory_space<hbm>>
    %dma_start3A_20 = arith.constant 0 : i32
    %dma_start3A_21 = tpu.memref_slice %arg8[%dma_start3A_15, %dma_start3A_20] : memref<2x128xi32, #tpu.memory_space<vmem>> -> memref<1x128xi32, #tpu.memory_space<vmem>>
    %dma_start3A_22 = tpu.memref_squeeze %dma_start3A_21 : memref<1x128xi32, #tpu.memory_space<vmem>> -> memref<128xi32, #tpu.memory_space<vmem>>
    %dma_start3A_23 = tpu.memref_slice %arg3[%add3A_6] : memref<320000xi32, #tpu.memory_space<hbm>> -> memref<128xi32, #tpu.memory_space<hbm>>
    tpu.enqueue_dma source(%dma_start3A_23 : memref<128xi32, #tpu.memory_space<hbm>>) target(%dma_start3A_22 : memref<128xi32, #tpu.memory_space<vmem>>) target_semaphore(%arg20 : memref<!tpu.dma_semaphore, #tpu.memory_space<semaphore_mem>>)
    %mul3A_24 = arith.constant 16 : i32
    %mul3A_25 = arith.muli %add3A_6, %mul3A_24 : i32
    %jit3A = arith.constant 128 : i32
    %div3A = arith.divsi %mul3A_25, %jit3A : i32
    %sign3A = arith.constant 0 : i32
    %sign3A_26 = arith.cmpi sgt, %mul3A_25, %sign3A : i32
    %sign3A_27 = arith.extui %sign3A_26 : i1 to i32
    %sign3A_28 = arith.constant 0 : i32
    %sign3A_29 = arith.cmpi slt, %mul3A_25, %sign3A_28 : i32
    %sign3A_30 = arith.extui %sign3A_29 : i1 to i32
    %sign3A_31 = arith.subi %sign3A_27, %sign3A_30 : i32
    %sign3A_32 = arith.constant 0 : i32
    %sign3A_33 = arith.cmpi sgt, %jit3A, %sign3A_32 : i32
    %sign3A_34 = arith.extui %sign3A_33 : i1 to i32
    %sign3A_35 = arith.constant 0 : i32
    %sign3A_36 = arith.cmpi slt, %jit3A, %sign3A_35 : i32
    %sign3A_37 = arith.extui %sign3A_36 : i1 to i32
    %sign3A_38 = arith.subi %sign3A_34, %sign3A_37 : i32
    %ne3A = arith.cmpi ne, %sign3A_31, %sign3A_38 : i32
    %rem3A = arith.remsi %mul3A_25, %jit3A : i32
    %ne3A_39 = arith.constant 0 : i32
    %ne3A_40 = arith.cmpi ne, %rem3A, %ne3A_39 : i32
    %and3A = arith.andi %ne3A, %ne3A_40 : i1
    %sub3A = arith.constant 1 : i32
    %sub3A_41 = arith.subi %div3A, %sub3A : i32
    %select_n3A = arith.select %and3A, %sub3A_41, %div3A : i32
    %dma_start3A_42 = arith.constant 0 : i32
    %dma_start3A_43 = arith.constant 0 : i32
    %dma_start3A_44 = arith.constant 0 : i32
    %dma_start3A_45 = tpu.memref_slice %arg11[%dma_start3A_42, %dma_start3A_43, %dma_start3A_44] : memref<2x16x128xf32, #tpu.memory_space<vmem>> -> memref<1x16x128xf32, #tpu.memory_space<vmem>>
    %dma_start3A_46 = tpu.memref_squeeze %dma_start3A_45 : memref<1x16x128xf32, #tpu.memory_space<vmem>> -> memref<16x128xf32, #tpu.memory_space<vmem>>
    %dma_start3A_47 = arith.constant 0 : i32
    %dma_start3A_48 = tpu.memref_slice %arg5[%select_n3A, %dma_start3A_47] : memref<40000x128xf32, #tpu.memory_space<hbm>> -> memref<16x128xf32, #tpu.memory_space<hbm>>
    %dma_start3A_49 = arith.constant 0 : i32
    %dma_start3A_50 = arith.constant 0 : i32
    %dma_start3A_51 = tpu.memref_slice %arg11[%dma_start3A_42, %dma_start3A_49, %dma_start3A_50] : memref<2x16x128xf32, #tpu.memory_space<vmem>> -> memref<1x16x128xf32, #tpu.memory_space<vmem>>
    %dma_start3A_52 = tpu.memref_squeeze %dma_start3A_51 : memref<1x16x128xf32, #tpu.memory_space<vmem>> -> memref<16x128xf32, #tpu.memory_space<vmem>>
    %dma_start3A_53 = arith.constant 0 : i32
    %dma_start3A_54 = tpu.memref_slice %arg5[%select_n3A, %dma_start3A_53] : memref<40000x128xf32, #tpu.memory_space<hbm>> -> memref<16x128xf32, #tpu.memory_space<hbm>>
    tpu.enqueue_dma source(%dma_start3A_54 : memref<16x128xf32, #tpu.memory_space<hbm>>) target(%dma_start3A_52 : memref<16x128xf32, #tpu.memory_space<vmem>>) target_semaphore(%arg20 : memref<!tpu.dma_semaphore, #tpu.memory_space<semaphore_mem>>)
    %mul3A_55 = arith.constant 10000 : i32
    %mul3A_56 = arith.muli %add3A, %mul3A_55 : i32
    %add3A_57 = arith.constant 128 : i32
    %add3A_58 = arith.addi %mul3A_56, %add3A_57 : i32
    %dma_start3A_59 = arith.constant 1 : i32
    %dma_start3A_60 = arith.constant 0 : i32
    %dma_start3A_61 = tpu.memref_slice %arg7[%dma_start3A_59, %dma_start3A_60] : memref<2x128xi32, #tpu.memory_space<vmem>> -> memref<1x128xi32, #tpu.memory_space<vmem>>
    %dma_start3A_62 = tpu.memref_squeeze %dma_start3A_61 : memref<1x128xi32, #tpu.memory_space<vmem>> -> memref<128xi32, #tpu.memory_space<vmem>>
    %dma_start3A_63 = tpu.memref_slice %arg2[%add3A_58] : memref<320000xi32, #tpu.memory_space<hbm>> -> memref<128xi32, #tpu.memory_space<hbm>>
    %dma_start3A_64 = arith.constant 0 : i32
    %dma_start3A_65 = tpu.memref_slice %arg7[%dma_start3A_59, %dma_start3A_64] : memref<2x128xi32, #tpu.memory_space<vmem>> -> memref<1x128xi32, #tpu.memory_space<vmem>>
    %dma_start3A_66 = tpu.memref_squeeze %dma_start3A_65 : memref<1x128xi32, #tpu.memory_space<vmem>> -> memref<128xi32, #tpu.memory_space<vmem>>
    %dma_start3A_67 = tpu.memref_slice %arg2[%add3A_58] : memref<320000xi32, #tpu.memory_space<hbm>> -> memref<128xi32, #tpu.memory_space<hbm>>
    tpu.enqueue_dma source(%dma_start3A_67 : memref<128xi32, #tpu.memory_space<hbm>>) target(%dma_start3A_66 : memref<128xi32, #tpu.memory_space<vmem>>) target_semaphore(%arg21 : memref<!tpu.dma_semaphore, #tpu.memory_space<semaphore_mem>>)
    %dma_start3A_68 = arith.constant 1 : i32
    %dma_start3A_69 = arith.constant 0 : i32
    %dma_start3A_70 = tpu.memref_slice %arg8[%dma_start3A_68, %dma_start3A_69] : memref<2x128xi32, #tpu.memory_space<vmem>> -> memref<1x128xi32, #tpu.memory_space<vmem>>
    %dma_start3A_71 = tpu.memref_squeeze %dma_start3A_70 : memref<1x128xi32, #tpu.memory_space<vmem>> -> memref<128xi32, #tpu.memory_space<vmem>>
    %dma_start3A_72 = tpu.memref_slice %arg3[%add3A_58] : memref<320000xi32, #tpu.memory_space<hbm>> -> memref<128xi32, #tpu.memory_space<hbm>>
    %dma_start3A_73 = arith.constant 0 : i32
    %dma_start3A_74 = tpu.memref_slice %arg8[%dma_start3A_68, %dma_start3A_73] : memref<2x128xi32, #tpu.memory_space<vmem>> -> memref<1x128xi32, #tpu.memory_space<vmem>>
    %dma_start3A_75 = tpu.memref_squeeze %dma_start3A_74 : memref<1x128xi32, #tpu.memory_space<vmem>> -> memref<128xi32, #tpu.memory_space<vmem>>
    %dma_start3A_76 = tpu.memref_slice %arg3[%add3A_58] : memref<320000xi32, #tpu.memory_space<hbm>> -> memref<128xi32, #tpu.memory_space<hbm>>
    tpu.enqueue_dma source(%dma_start3A_76 : memref<128xi32, #tpu.memory_space<hbm>>) target(%dma_start3A_75 : memref<128xi32, #tpu.memory_space<vmem>>) target_semaphore(%arg21 : memref<!tpu.dma_semaphore, #tpu.memory_space<semaphore_mem>>)
    %mul3A_77 = arith.constant 16 : i32
    %mul3A_78 = arith.muli %add3A_58, %mul3A_77 : i32
    %jit3A_79 = arith.constant 128 : i32
    %div3A_80 = arith.divsi %mul3A_78, %jit3A_79 : i32
    %sign3A_81 = arith.constant 0 : i32
    %sign3A_82 = arith.cmpi sgt, %mul3A_78, %sign3A_81 : i32
    %sign3A_83 = arith.extui %sign3A_82 : i1 to i32
    %sign3A_84 = arith.constant 0 : i32
    %sign3A_85 = arith.cmpi slt, %mul3A_78, %sign3A_84 : i32
    %sign3A_86 = arith.extui %sign3A_85 : i1 to i32
    %sign3A_87 = arith.subi %sign3A_83, %sign3A_86 : i32
    %sign3A_88 = arith.constant 0 : i32
    %sign3A_89 = arith.cmpi sgt, %jit3A_79, %sign3A_88 : i32
    %sign3A_90 = arith.extui %sign3A_89 : i1 to i32
    %sign3A_91 = arith.constant 0 : i32
    %sign3A_92 = arith.cmpi slt, %jit3A_79, %sign3A_91 : i32
    %sign3A_93 = arith.extui %sign3A_92 : i1 to i32
    %sign3A_94 = arith.subi %sign3A_90, %sign3A_93 : i32
    %ne3A_95 = arith.cmpi ne, %sign3A_87, %sign3A_94 : i32
    %rem3A_96 = arith.remsi %mul3A_78, %jit3A_79 : i32
    %ne3A_97 = arith.constant 0 : i32
    %ne3A_98 = arith.cmpi ne, %rem3A_96, %ne3A_97 : i32
    %and3A_99 = arith.andi %ne3A_95, %ne3A_98 : i1
    %sub3A_100 = arith.constant 1 : i32
    %sub3A_101 = arith.subi %div3A_80, %sub3A_100 : i32
    %select_n3A_102 = arith.select %and3A_99, %sub3A_101, %div3A_80 : i32
    %dma_start3A_103 = arith.constant 1 : i32
    %dma_start3A_104 = arith.constant 0 : i32
    %dma_start3A_105 = arith.constant 0 : i32
    %dma_start3A_106 = tpu.memref_slice %arg11[%dma_start3A_103, %dma_start3A_104, %dma_start3A_105] : memref<2x16x128xf32, #tpu.memory_space<vmem>> -> memref<1x16x128xf32, #tpu.memory_space<vmem>>
    %dma_start3A_107 = tpu.memref_squeeze %dma_start3A_106 : memref<1x16x128xf32, #tpu.memory_space<vmem>> -> memref<16x128xf32, #tpu.memory_space<vmem>>
    %dma_start3A_108 = arith.constant 0 : i32
    %dma_start3A_109 = tpu.memref_slice %arg5[%select_n3A_102, %dma_start3A_108] : memref<40000x128xf32, #tpu.memory_space<hbm>> -> memref<16x128xf32, #tpu.memory_space<hbm>>
    %dma_start3A_110 = arith.constant 0 : i32
    %dma_start3A_111 = arith.constant 0 : i32
    %dma_start3A_112 = tpu.memref_slice %arg11[%dma_start3A_103, %dma_start3A_110, %dma_start3A_111] : memref<2x16x128xf32, #tpu.memory_space<vmem>> -> memref<1x16x128xf32, #tpu.memory_space<vmem>>
    %dma_start3A_113 = tpu.memref_squeeze %dma_start3A_112 : memref<1x16x128xf32, #tpu.memory_space<vmem>> -> memref<16x128xf32, #tpu.memory_space<vmem>>
    %dma_start3A_114 = arith.constant 0 : i32
    %dma_start3A_115 = tpu.memref_slice %arg5[%select_n3A_102, %dma_start3A_114] : memref<40000x128xf32, #tpu.memory_space<hbm>> -> memref<16x128xf32, #tpu.memory_space<hbm>>
    tpu.enqueue_dma source(%dma_start3A_115 : memref<16x128xf32, #tpu.memory_space<hbm>>) target(%dma_start3A_113 : memref<16x128xf32, #tpu.memory_space<vmem>>) target_semaphore(%arg21 : memref<!tpu.dma_semaphore, #tpu.memory_space<semaphore_mem>>)
    %mul3A_116 = arith.constant 10000 : i32
    %mul3A_117 = arith.muli %add3A, %mul3A_116 : i32
    %add3A_118 = arith.constant 0 : i32
    %add3A_119 = arith.addi %mul3A_117, %add3A_118 : i32
    %dma_wait3A = arith.constant 0 : i32
    %dma_wait3A_120 = arith.constant 0 : i32
    %dma_wait3A_121 = tpu.memref_slice %arg7[%dma_wait3A, %dma_wait3A_120] : memref<2x128xi32, #tpu.memory_space<vmem>> -> memref<1x128xi32, #tpu.memory_space<vmem>>
    %dma_wait3A_122 = tpu.memref_squeeze %dma_wait3A_121 : memref<1x128xi32, #tpu.memory_space<vmem>> -> memref<128xi32, #tpu.memory_space<vmem>>
    %dma_wait3A_123 = tpu.memref_slice %arg2[%add3A_119] : memref<320000xi32, #tpu.memory_space<hbm>> -> memref<128xi32, #tpu.memory_space<hbm>>
    %dma_wait3A_124 = arith.constant 0 : i32
    %dma_wait3A_125 = tpu.memref_slice %arg7[%dma_wait3A, %dma_wait3A_124] : memref<2x128xi32, #tpu.memory_space<vmem>> -> memref<1x128xi32, #tpu.memory_space<vmem>>
    %dma_wait3A_126 = tpu.memref_squeeze %dma_wait3A_125 : memref<1x128xi32, #tpu.memory_space<vmem>> -> memref<128xi32, #tpu.memory_space<vmem>>
    %dma_wait3A_127 = tpu.memref_slice %arg2[%add3A_119] : memref<320000xi32, #tpu.memory_space<hbm>> -> memref<128xi32, #tpu.memory_space<hbm>>
    tpu.wait_dma2 semaphore(%arg20 : memref<!tpu.dma_semaphore, #tpu.memory_space<semaphore_mem>>) src(%dma_wait3A_127 : memref<128xi32, #tpu.memory_space<hbm>>) dst(%dma_wait3A_126 : memref<128xi32, #tpu.memory_space<vmem>>)
    %dma_wait3A_128 = arith.constant 0 : i32
    %dma_wait3A_129 = arith.constant 0 : i32
    %dma_wait3A_130 = tpu.memref_slice %arg8[%dma_wait3A_128, %dma_wait3A_129] : memref<2x128xi32, #tpu.memory_space<vmem>> -> memref<1x128xi32, #tpu.memory_space<vmem>>
    %dma_wait3A_131 = tpu.memref_squeeze %dma_wait3A_130 : memref<1x128xi32, #tpu.memory_space<vmem>> -> memref<128xi32, #tpu.memory_space<vmem>>
    %dma_wait3A_132 = tpu.memref_slice %arg3[%add3A_119] : memref<320000xi32, #tpu.memory_space<hbm>> -> memref<128xi32, #tpu.memory_space<hbm>>
    %dma_wait3A_133 = arith.constant 0 : i32
    %dma_wait3A_134 = tpu.memref_slice %arg8[%dma_wait3A_128, %dma_wait3A_133] : memref<2x128xi32, #tpu.memory_space<vmem>> -> memref<1x128xi32, #tpu.memory_space<vmem>>
    %dma_wait3A_135 = tpu.memref_squeeze %dma_wait3A_134 : memref<1x128xi32, #tpu.memory_space<vmem>> -> memref<128xi32, #tpu.memory_space<vmem>>
    %dma_wait3A_136 = tpu.memref_slice %arg3[%add3A_119] : memref<320000xi32, #tpu.memory_space<hbm>> -> memref<128xi32, #tpu.memory_space<hbm>>
    tpu.wait_dma2 semaphore(%arg20 : memref<!tpu.dma_semaphore, #tpu.memory_space<semaphore_mem>>) src(%dma_wait3A_136 : memref<128xi32, #tpu.memory_space<hbm>>) dst(%dma_wait3A_135 : memref<128xi32, #tpu.memory_space<vmem>>)
    %mul3A_137 = arith.constant 16 : i32
    %mul3A_138 = arith.muli %add3A_119, %mul3A_137 : i32
    %jit3A_139 = arith.constant 128 : i32
    %div3A_140 = arith.divsi %mul3A_138, %jit3A_139 : i32
    %sign3A_141 = arith.constant 0 : i32
    %sign3A_142 = arith.cmpi sgt, %mul3A_138, %sign3A_141 : i32
    %sign3A_143 = arith.extui %sign3A_142 : i1 to i32
    %sign3A_144 = arith.constant 0 : i32
    %sign3A_145 = arith.cmpi slt, %mul3A_138, %sign3A_144 : i32
    %sign3A_146 = arith.extui %sign3A_145 : i1 to i32
    %sign3A_147 = arith.subi %sign3A_143, %sign3A_146 : i32
    %sign3A_148 = arith.constant 0 : i32
    %sign3A_149 = arith.cmpi sgt, %jit3A_139, %sign3A_148 : i32
    %sign3A_150 = arith.extui %sign3A_149 : i1 to i32
    %sign3A_151 = arith.constant 0 : i32
    %sign3A_152 = arith.cmpi slt, %jit3A_139, %sign3A_151 : i32
    %sign3A_153 = arith.extui %sign3A_152 : i1 to i32
    %sign3A_154 = arith.subi %sign3A_150, %sign3A_153 : i32
    %ne3A_155 = arith.cmpi ne, %sign3A_147, %sign3A_154 : i32
    %rem3A_156 = arith.remsi %mul3A_138, %jit3A_139 : i32
    %ne3A_157 = arith.constant 0 : i32
    %ne3A_158 = arith.cmpi ne, %rem3A_156, %ne3A_157 : i32
    %and3A_159 = arith.andi %ne3A_155, %ne3A_158 : i1
    %sub3A_160 = arith.constant 1 : i32
    %sub3A_161 = arith.subi %div3A_140, %sub3A_160 : i32
    %select_n3A_162 = arith.select %and3A_159, %sub3A_161, %div3A_140 : i32
    %dma_wait3A_163 = arith.constant 0 : i32
    %dma_wait3A_164 = arith.constant 0 : i32
    %dma_wait3A_165 = arith.constant 0 : i32
    %dma_wait3A_166 = tpu.memref_slice %arg11[%dma_wait3A_163, %dma_wait3A_164, %dma_wait3A_165] : memref<2x16x128xf32, #tpu.memory_space<vmem>> -> memref<1x16x128xf32, #tpu.memory_space<vmem>>
    %dma_wait3A_167 = tpu.memref_squeeze %dma_wait3A_166 : memref<1x16x128xf32, #tpu.memory_space<vmem>> -> memref<16x128xf32, #tpu.memory_space<vmem>>
    %dma_wait3A_168 = arith.constant 0 : i32
    %dma_wait3A_169 = tpu.memref_slice %arg5[%select_n3A_162, %dma_wait3A_168] : memref<40000x128xf32, #tpu.memory_space<hbm>> -> memref<16x128xf32, #tpu.memory_space<hbm>>
    %dma_wait3A_170 = arith.constant 0 : i32
    %dma_wait3A_171 = arith.constant 0 : i32
    %dma_wait3A_172 = tpu.memref_slice %arg11[%dma_wait3A_163, %dma_wait3A_170, %dma_wait3A_171] : memref<2x16x128xf32, #tpu.memory_space<vmem>> -> memref<1x16x128xf32, #tpu.memory_space<vmem>>
    %dma_wait3A_173 = tpu.memref_squeeze %dma_wait3A_172 : memref<1x16x128xf32, #tpu.memory_space<vmem>> -> memref<16x128xf32, #tpu.memory_space<vmem>>
    %dma_wait3A_174 = arith.constant 0 : i32
    %dma_wait3A_175 = tpu.memref_slice %arg5[%select_n3A_162, %dma_wait3A_174] : memref<40000x128xf32, #tpu.memory_space<hbm>> -> memref<16x128xf32, #tpu.memory_space<hbm>>
    tpu.wait_dma2 semaphore(%arg20 : memref<!tpu.dma_semaphore, #tpu.memory_space<semaphore_mem>>) src(%dma_wait3A_175 : memref<16x128xf32, #tpu.memory_space<hbm>>) dst(%dma_wait3A_173 : memref<16x128xf32, #tpu.memory_space<vmem>>)
    %get3A = arith.constant 0 : i32
    %get3A_176 = arith.constant 0 : i32
    %get3A_177 = tpu.memref_slice %arg7[%get3A, %get3A_176] : memref<2x128xi32, #tpu.memory_space<vmem>> -> memref<1x128xi32, #tpu.memory_space<vmem>>
    %get3A_178 = tpu.memref_squeeze %get3A_177 : memref<1x128xi32, #tpu.memory_space<vmem>> -> memref<128xi32, #tpu.memory_space<vmem>>
    %get3A_179 = arith.constant 0 : index
    %get3A_180 = tpu.vector_load %get3A_178[%get3A_179] {strides = array<i32>} : memref<128xi32, #tpu.memory_space<vmem>>, vector<16xi32>,
    %get3A_181 = vector.shape_cast %get3A_180 : vector<16xi32> to vector<16xi32>
    %add3A_182 = arith.constant 10000 : i32
    %add3A_183 = vector.broadcast %add3A_182 : i32 to vector<16xi32>
    %add3A_184 = arith.addi %get3A_181, %add3A_183 : vector<16xi32>
    %swap3A = arith.constant 0 : i32
    %swap3A_185 = arith.constant 0 : i32
    %swap3A_186 = tpu.memref_slice %arg7[%swap3A, %swap3A_185] : memref<2x128xi32, #tpu.memory_space<vmem>> -> memref<1x128xi32, #tpu.memory_space<vmem>>
    %swap3A_187 = tpu.memref_squeeze %swap3A_186 : memref<1x128xi32, #tpu.memory_space<vmem>> -> memref<128xi32, #tpu.memory_space<vmem>>
    %swap3A_188 = arith.constant 0 : index
    %swap3A_189 = tpu.vector_load %swap3A_187[%swap3A_188] {strides = array<i32>} : memref<128xi32, #tpu.memory_space<vmem>>, vector<16xi32>,
    %swap3A_190 = vector.shape_cast %swap3A_189 : vector<16xi32> to vector<16xi32>
    %swap3A_191 = vector.shape_cast %add3A_184 : vector<16xi32> to vector<16xi32>
    tpu.vector_store %swap3A_187[%swap3A_188], %swap3A_191 {strides = array<i32>} : memref<128xi32, #tpu.memory_space<vmem>>, vector<16xi32>,
    %get3A_192 = arith.constant 0 : i32
    %get3A_193 = arith.constant 0 : i32
    %get3A_194 = tpu.memref_slice %arg7[%get3A_192, %get3A_193] : memref<2x128xi32, #tpu.memory_space<vmem>> -> memref<1x128xi32, #tpu.memory_space<vmem>>
    %get3A_195 = tpu.memref_squeeze %get3A_194 : memref<1x128xi32, #tpu.memory_space<vmem>> -> memref<128xi32, #tpu.memory_space<vmem>>
    %get3A_196 = arith.constant 16 : index
    %get3A_197 = tpu.vector_load %get3A_195[%get3A_196] {strides = array<i32>} : memref<128xi32, #tpu.memory_space<vmem>>, vector<16xi32>,
    %get3A_198 = vector.shape_cast %get3A_197 : vector<16xi32> to vector<16xi32>
    %add3A_199 = arith.constant 10000 : i32
    %add3A_200 = vector.broadcast %add3A_199 : i32 to vector<16xi32>
    %add3A_201 = arith.addi %get3A_198, %add3A_200 : vector<16xi32>
    %swap3A_202 = arith.constant 0 : i32
    %swap3A_203 = arith.constant 0 : i32
    %swap3A_204 = tpu.memref_slice %arg7[%swap3A_202, %swap3A_203] : memref<2x128xi32, #tpu.memory_space<vmem>> -> memref<1x128xi32, #tpu.memory_space<vmem>>
    %swap3A_205 = tpu.memref_squeeze %swap3A_204 : memref<1x128xi32, #tpu.memory_space<vmem>> -> memref<128xi32, #tpu.memory_space<vmem>>
    %swap3A_206 = arith.constant 16 : index
    %swap3A_207 = tpu.vector_load %swap3A_205[%swap3A_206] {strides = array<i32>} : memref<128xi32, #tpu.memory_space<vmem>>, vector<16xi32>,
    %swap3A_208 = vector.shape_cast %swap3A_207 : vector<16xi32> to vector<16xi32>
    %swap3A_209 = vector.shape_cast %add3A_201 : vector<16xi32> to vector<16xi32>
    tpu.vector_store %swap3A_205[%swap3A_206], %swap3A_209 {strides = array<i32>} : memref<128xi32, #tpu.memory_space<vmem>>, vector<16xi32>,
    %get3A_210 = arith.constant 0 : i32
    %get3A_211 = arith.constant 0 : i32
    %get3A_212 = tpu.memref_slice %arg7[%get3A_210, %get3A_211] : memref<2x128xi32, #tpu.memory_space<vmem>> -> memref<1x128xi32, #tpu.memory_space<vmem>>
    %get3A_213 = tpu.memref_squeeze %get3A_212 : memref<1x128xi32, #tpu.memory_space<vmem>> -> memref<128xi32, #tpu.memory_space<vmem>>
    %get3A_214 = arith.constant 32 : index
    %get3A_215 = tpu.vector_load %get3A_213[%get3A_214] {strides = array<i32>} : memref<128xi32, #tpu.memory_space<vmem>>, vector<16xi32>,
    %get3A_216 = vector.shape_cast %get3A_215 : vector<16xi32> to vector<16xi32>
    %add3A_217 = arith.constant 10000 : i32
    %add3A_218 = vector.broadcast %add3A_217 : i32 to vector<16xi32>
    %add3A_219 = arith.addi %get3A_216, %add3A_218 : vector<16xi32>
    %swap3A_220 = arith.constant 0 : i32
    %swap3A_221 = arith.constant 0 : i32
    %swap3A_222 = tpu.memref_slice %arg7[%swap3A_220, %swap3A_221] : memref<2x128xi32, #tpu.memory_space<vmem>> -> memref<1x128xi32, #tpu.memory_space<vmem>>
    %swap3A_223 = tpu.memref_squeeze %swap3A_222 : memref<1x128xi32, #tpu.memory_space<vmem>> -> memref<128xi32, #tpu.memory_space<vmem>>
    %swap3A_224 = arith.constant 32 : index
    %swap3A_225 = tpu.vector_load %swap3A_223[%swap3A_224] {strides = array<i32>} : memref<128xi32, #tpu.memory_space<vmem>>, vector<16xi32>,
    %swap3A_226 = vector.shape_cast %swap3A_225 : vector<16xi32> to vector<16xi32>
    %swap3A_227 = vector.shape_cast %add3A_219 : vector<16xi32> to vector<16xi32>
    tpu.vector_store %swap3A_223[%swap3A_224], %swap3A_227 {strides = array<i32>} : memref<128xi32, #tpu.memory_space<vmem>>, vector<16xi32>,
    %get3A_228 = arith.constant 0 : i32
    %get3A_229 = arith.constant 0 : i32
    %get3A_230 = tpu.memref_slice %arg7[%get3A_228, %get3A_229] : memref<2x128xi32, #tpu.memory_space<vmem>> -> memref<1x128xi32, #tpu.memory_space<vmem>>
    %get3A_231 = tpu.memref_squeeze %get3A_230 : memref<1x128xi32, #tpu.memory_space<vmem>> -> memref<128xi32, #tpu.memory_space<vmem>>
    %get3A_232 = arith.constant 48 : index
    %get3A_233 = tpu.vector_load %get3A_231[%get3A_232] {strides = array<i32>} : memref<128xi32, #tpu.memory_space<vmem>>, vector<16xi32>,
    %get3A_234 = vector.shape_cast %get3A_233 : vector<16xi32> to vector<16xi32>
    %add3A_235 = arith.constant 10000 : i32
    %add3A_236 = vector.broadcast %add3A_235 : i32 to vector<16xi32>
    %add3A_237 = arith.addi %get3A_234, %add3A_236 : vector<16xi32>
    %swap3A_238 = arith.constant 0 : i32
    %swap3A_239 = arith.constant 0 : i32
    %swap3A_240 = tpu.memref_slice %arg7[%swap3A_238, %swap3A_239] : memref<2x128xi32, #tpu.memory_space<vmem>> -> memref<1x128xi32, #tpu.memory_space<vmem>>
    %swap3A_241 = tpu.memref_squeeze %swap3A_240 : memref<1x128xi32, #tpu.memory_space<vmem>> -> memref<128xi32, #tpu.memory_space<vmem>>
    %swap3A_242 = arith.constant 48 : index
    %swap3A_243 = tpu.vector_load %swap3A_241[%swap3A_242] {strides = array<i32>} : memref<128xi32, #tpu.memory_space<vmem>>, vector<16xi32>,
    %swap3A_244 = vector.shape_cast %swap3A_243 : vector<16xi32> to vector<16xi32>
    %swap3A_245 = vector.shape_cast %add3A_237 : vector<16xi32> to vector<16xi32>
    tpu.vector_store %swap3A_241[%swap3A_242], %swap3A_245 {strides = array<i32>} : memref<128xi32, #tpu.memory_space<vmem>>, vector<16xi32>,
    %get3A_246 = arith.constant 0 : i32
    %get3A_247 = arith.constant 0 : i32
    %get3A_248 = tpu.memref_slice %arg7[%get3A_246, %get3A_247] : memref<2x128xi32, #tpu.memory_space<vmem>> -> memref<1x128xi32, #tpu.memory_space<vmem>>
    %get3A_249 = tpu.memref_squeeze %get3A_248 : memref<1x128xi32, #tpu.memory_space<vmem>> -> memref<128xi32, #tpu.memory_space<vmem>>
    %get3A_250 = arith.constant 64 : index
    %get3A_251 = tpu.vector_load %get3A_249[%get3A_250] {strides = array<i32>} : memref<128xi32, #tpu.memory_space<vmem>>, vector<16xi32>,
    %get3A_252 = vector.shape_cast %get3A_251 : vector<16xi32> to vector<16xi32>
    %add3A_253 = arith.constant 10000 : i32
    %add3A_254 = vector.broadcast %add3A_253 : i32 to vector<16xi32>
    %add3A_255 = arith.addi %get3A_252, %add3A_254 : vector<16xi32>
    %swap3A_256 = arith.constant 0 : i32
    %swap3A_257 = arith.constant 0 : i32
    %swap3A_258 = tpu.memref_slice %arg7[%swap3A_256, %swap3A_257] : memref<2x128xi32, #tpu.memory_space<vmem>> -> memref<1x128xi32, #tpu.memory_space<vmem>>
    %swap3A_259 = tpu.memref_squeeze %swap3A_258 : memref<1x128xi32, #tpu.memory_space<vmem>> -> memref<128xi32, #tpu.memory_space<vmem>>
    %swap3A_260 = arith.constant 64 : index
    %swap3A_261 = tpu.vector_load %swap3A_259[%swap3A_260] {strides = array<i32>} : memref<128xi32, #tpu.memory_space<vmem>>, vector<16xi32>,
    %swap3A_262 = vector.shape_cast %swap3A_261 : vector<16xi32> to vector<16xi32>
    %swap3A_263 = vector.shape_cast %add3A_255 : vector<16xi32> to vector<16xi32>
    tpu.vector_store %swap3A_259[%swap3A_260], %swap3A_263 {strides = array<i32>} : memref<128xi32, #tpu.memory_space<vmem>>, vector<16xi32>,
    %get3A_264 = arith.constant 0 : i32
    %get3A_265 = arith.constant 0 : i32
    %get3A_266 = tpu.memref_slice %arg7[%get3A_264, %get3A_265] : memref<2x128xi32, #tpu.memory_space<vmem>> -> memref<1x128xi32, #tpu.memory_space<vmem>>
    %get3A_267 = tpu.memref_squeeze %get3A_266 : memref<1x128xi32, #tpu.memory_space<vmem>> -> memref<128xi32, #tpu.memory_space<vmem>>
    %get3A_268 = arith.constant 80 : index
    %get3A_269 = tpu.vector_load %get3A_267[%get3A_268] {strides = array<i32>} : memref<128xi32, #tpu.memory_space<vmem>>, vector<16xi32>,
    %get3A_270 = vector.shape_cast %get3A_269 : vector<16xi32> to vector<16xi32>
    %add3A_271 = arith.constant 10000 : i32
    %add3A_272 = vector.broadcast %add3A_271 : i32 to vector<16xi32>
    %add3A_273 = arith.addi %get3A_270, %add3A_272 : vector<16xi32>
    %swap3A_274 = arith.constant 0 : i32
    %swap3A_275 = arith.constant 0 : i32
    %swap3A_276 = tpu.memref_slice %arg7[%swap3A_274, %swap3A_275] : memref<2x128xi32, #tpu.memory_space<vmem>> -> memref<1x128xi32, #tpu.memory_space<vmem>>
    %swap3A_277 = tpu.memref_squeeze %swap3A_276 : memref<1x128xi32, #tpu.memory_space<vmem>> -> memref<128xi32, #tpu.memory_space<vmem>>
    %swap3A_278 = arith.constant 80 : index
    %swap3A_279 = tpu.vector_load %swap3A_277[%swap3A_278] {strides = array<i32>} : memref<128xi32, #tpu.memory_space<vmem>>, vector<16xi32>,
    %swap3A_280 = vector.shape_cast %swap3A_279 : vector<16xi32> to vector<16xi32>
    %swap3A_281 = vector.shape_cast %add3A_273 : vector<16xi32> to vector<16xi32>
    tpu.vector_store %swap3A_277[%swap3A_278], %swap3A_281 {strides = array<i32>} : memref<128xi32, #tpu.memory_space<vmem>>, vector<16xi32>,
    %get3A_282 = arith.constant 0 : i32
    %get3A_283 = arith.constant 0 : i32
    %get3A_284 = tpu.memref_slice %arg7[%get3A_282, %get3A_283] : memref<2x128xi32, #tpu.memory_space<vmem>> -> memref<1x128xi32, #tpu.memory_space<vmem>>
    %get3A_285 = tpu.memref_squeeze %get3A_284 : memref<1x128xi32, #tpu.memory_space<vmem>> -> memref<128xi32, #tpu.memory_space<vmem>>
    %get3A_286 = arith.constant 96 : index
    %get3A_287 = tpu.vector_load %get3A_285[%get3A_286] {strides = array<i32>} : memref<128xi32, #tpu.memory_space<vmem>>, vector<16xi32>,
    %get3A_288 = vector.shape_cast %get3A_287 : vector<16xi32> to vector<16xi32>
    %add3A_289 = arith.constant 10000 : i32
    %add3A_290 = vector.broadcast %add3A_289 : i32 to vector<16xi32>
    %add3A_291 = arith.addi %get3A_288, %add3A_290 : vector<16xi32>
    %swap3A_292 = arith.constant 0 : i32
    %swap3A_293 = arith.constant 0 : i32
    %swap3A_294 = tpu.memref_slice %arg7[%swap3A_292, %swap3A_293] : memref<2x128xi32, #tpu.memory_space<vmem>> -> memref<1x128xi32, #tpu.memory_space<vmem>>
    %swap3A_295 = tpu.memref_squeeze %swap3A_294 : memref<1x128xi32, #tpu.memory_space<vmem>> -> memref<128xi32, #tpu.memory_space<vmem>>
    %swap3A_296 = arith.constant 96 : index
    %swap3A_297 = tpu.vector_load %swap3A_295[%swap3A_296] {strides = array<i32>} : memref<128xi32, #tpu.memory_space<vmem>>, vector<16xi32>,
    %swap3A_298 = vector.shape_cast %swap3A_297 : vector<16xi32> to vector<16xi32>
    %swap3A_299 = vector.shape_cast %add3A_291 : vector<16xi32> to vector<16xi32>
    tpu.vector_store %swap3A_295[%swap3A_296], %swap3A_299 {strides = array<i32>} : memref<128xi32, #tpu.memory_space<vmem>>, vector<16xi32>,
    %get3A_300 = arith.constant 0 : i32
    %get3A_301 = arith.constant 0 : i32
    %get3A_302 = tpu.memref_slice %arg7[%get3A_300, %get3A_301] : memref<2x128xi32, #tpu.memory_space<vmem>> -> memref<1x128xi32, #tpu.memory_space<vmem>>
    %get3A_303 = tpu.memref_squeeze %get3A_302 : memref<1x128xi32, #tpu.memory_space<vmem>> -> memref<128xi32, #tpu.memory_space<vmem>>
    %get3A_304 = arith.constant 112 : index
    %get3A_305 = tpu.vector_load %get3A_303[%get3A_304] {strides = array<i32>} : memref<128xi32, #tpu.memory_space<vmem>>, vector<16xi32>,
    %get3A_306 = vector.shape_cast %get3A_305 : vector<16xi32> to vector<16xi32>
    %add3A_307 = arith.constant 10000 : i32
    %add3A_308 = vector.broadcast %add3A_307 : i32 to vector<16xi32>
    %add3A_309 = arith.addi %get3A_306, %add3A_308 : vector<16xi32>
    %swap3A_310 = arith.constant 0 : i32
    %swap3A_311 = arith.constant 0 : i32
    %swap3A_312 = tpu.memref_slice %arg7[%swap3A_310, %swap3A_311] : memref<2x128xi32, #tpu.memory_space<vmem>> -> memref<1x128xi32, #tpu.memory_space<vmem>>
    %swap3A_313 = tpu.memref_squeeze %swap3A_312 : memref<1x128xi32, #tpu.memory_space<vmem>> -> memref<128xi32, #tpu.memory_space<vmem>>
    %swap3A_314 = arith.constant 112 : index
    %swap3A_315 = tpu.vector_load %swap3A_313[%swap3A_314] {strides = array<i32>} : memref<128xi32, #tpu.memory_space<vmem>>, vector<16xi32>,
    %swap3A_316 = vector.shape_cast %swap3A_315 : vector<16xi32> to vector<16xi32>
    %swap3A_317 = vector.shape_cast %add3A_309 : vector<16xi32> to vector<16xi32>
    tpu.vector_store %swap3A_313[%swap3A_314], %swap3A_317 {strides = array<i32>} : memref<128xi32, #tpu.memory_space<vmem>>, vector<16xi32>,
    %dma_start3A_318 = arith.constant 0 : i32
    %dma_start3A_319 = arith.constant 0 : i32
    %dma_start3A_320 = arith.constant 0 : i32
    %dma_start3A_321 = arith.constant 0 : i32
    %dma_start3A_322 = tpu.memref_slice %arg9[%dma_start3A_319, %dma_start3A_320, %dma_start3A_321] : memref<2x128x16xf32, #tpu.memory_space<vmem>> -> memref<1x128x16xf32, #tpu.memory_space<vmem>>
    %dma_start3A_323 = tpu.memref_squeeze %dma_start3A_322 : memref<1x128x16xf32, #tpu.memory_space<vmem>> -> memref<128x16xf32, #tpu.memory_space<vmem>>
    %dma_start3A_324 = arith.constant 0 : i32
    %dma_start3A_325 = tpu.memref_slice %arg7[%dma_start3A_318, %dma_start3A_324] : memref<2x128xi32, #tpu.memory_space<vmem>> -> memref<1x128xi32, #tpu.memory_space<vmem>>
    %dma_start3A_326 = tpu.memref_squeeze %dma_start3A_325 : memref<1x128xi32, #tpu.memory_space<vmem>> -> memref<128xi32, #tpu.memory_space<vmem>>
    %dma_start3A_327 = arith.constant 0 : i32
    %dma_start3A_328 = arith.constant 0 : i32
    %dma_start3A_329 = tpu.memref_slice %arg4[%dma_start3A_327, %dma_start3A_328] : memref<20000x16xf32, #tpu.memory_space<hbm>> -> memref<20000x16xf32, #tpu.memory_space<hbm>>
    tpu.enqueue_indirect_dma source(%dma_start3A_329 : memref<20000x16xf32, #tpu.memory_space<hbm>>) target(%dma_start3A_323 : memref<128x16xf32, #tpu.memory_space<vmem>>) offsets(%dma_start3A_326 : memref<128xi32, #tpu.memory_space<vmem>>) semaphore(%arg22 : memref<!tpu.dma_semaphore, #tpu.memory_space<semaphore_mem>>)
    %dma_start3A_330 = arith.constant 0 : i32
    %dma_start3A_331 = arith.constant 0 : i32
    %dma_start3A_332 = arith.constant 0 : i32
    %dma_start3A_333 = arith.constant 0 : i32
    %dma_start3A_334 = tpu.memref_slice %arg10[%dma_start3A_331, %dma_start3A_332, %dma_start3A_333] : memref<2x128x16xf32, #tpu.memory_space<vmem>> -> memref<1x128x16xf32, #tpu.memory_space<vmem>>
    %dma_start3A_335 = tpu.memref_squeeze %dma_start3A_334 : memref<1x128x16xf32, #tpu.memory_space<vmem>> -> memref<128x16xf32, #tpu.memory_space<vmem>>
    %dma_start3A_336 = arith.constant 0 : i32
    %dma_start3A_337 = tpu.memref_slice %arg8[%dma_start3A_330, %dma_start3A_336] : memref<2x128xi32, #tpu.memory_space<vmem>> -> memref<1x128xi32, #tpu.memory_space<vmem>>
    %dma_start3A_338 = tpu.memref_squeeze %dma_start3A_337 : memref<1x128xi32, #tpu.memory_space<vmem>> -> memref<128xi32, #tpu.memory_space<vmem>>
    %dma_start3A_339 = arith.constant 0 : i32
    %dma_start3A_340 = arith.constant 0 : i32
    %dma_start3A_341 = tpu.memref_slice %arg4[%dma_start3A_339, %dma_start3A_340] : memref<20000x16xf32, #tpu.memory_space<hbm>> -> memref<20000x16xf32, #tpu.memory_space<hbm>>
    tpu.enqueue_indirect_dma source(%dma_start3A_341 : memref<20000x16xf32, #tpu.memory_space<hbm>>) target(%dma_start3A_335 : memref<128x16xf32, #tpu.memory_space<vmem>>) offsets(%dma_start3A_338 : memref<128xi32, #tpu.memory_space<vmem>>) semaphore(%arg22 : memref<!tpu.dma_semaphore, #tpu.memory_space<semaphore_mem>>)
    %scan3A = arith.constant 0 : i32
    %scan3A_342 = arith.constant 0 : i32
    %scan3A_343 = arith.constant 39 : i32
    %scan3A_344 = arith.addi %scan3A_342, %scan3A_343 : i32
    %scan3A_345 = arith.constant 1 : i32
    %scan3A_346 = scf.for %scan3A_437 = %scan3A_342 to %scan3A_344 step %scan3A_345 iter_args(%scan3A_438 = %scan3A) -> (i32)  : i32 {
      %mul3A_439 = arith.constant 2 : i32
      %mul3A_440 = arith.muli %mul3A_439, %scan3A_437 : i32
      %add3A_441 = arith.constant 1 : i32
      %add3A_442 = arith.addi %mul3A_440, %add3A_441 : i32
      %lt3A_443 = arith.constant 78 : i32
      %lt3A_444 = arith.cmpi slt, %add3A_442, %lt3A_443 : i32
      %convert_element_type3A_445 = arith.extui %lt3A_444 : i1 to i32
      %cond3A_446 = arith.constant 0 : i32
      %cond3A_447 = arith.cmpi ne, %convert_element_type3A_445, %cond3A_446 : i32
      scf.if %cond3A_447 {
        %add3A_804 = arith.constant 1 : i32
        %add3A_805 = arith.addi %mul3A_440, %add3A_804 : i32
        %mul3A_806 = arith.constant 10000 : i32
        %mul3A_807 = arith.muli %add3A, %mul3A_806 : i32
        %mul3A_808 = arith.constant 128 : i32
        %mul3A_809 = arith.muli %add3A_805, %mul3A_808 : i32
        %add3A_810 = arith.addi %mul3A_807, %mul3A_809 : i32
        %dma_wait3A_811 = arith.constant 1 : i32
        %dma_wait3A_812 = arith.constant 0 : i32
        %dma_wait3A_813 = tpu.memref_slice %arg7[%dma_wait3A_811, %dma_wait3A_812] : memref<2x128xi32, #tpu.memory_space<vmem>> -> memref<1x128xi32, #tpu.memory_space<vmem>>
        %dma_wait3A_814 = tpu.memref_squeeze %dma_wait3A_813 : memref<1x128xi32, #tpu.memory_space<vmem>> -> memref<128xi32, #tpu.memory_space<vmem>>
        %dma_wait3A_815 = tpu.memref_slice %arg2[%add3A_810] : memref<320000xi32, #tpu.memory_space<hbm>> -> memref<128xi32, #tpu.memory_space<hbm>>
        %dma_wait3A_816 = arith.constant 0 : i32
        %dma_wait3A_817 = tpu.memref_slice %arg7[%dma_wait3A_811, %dma_wait3A_816] : memref<2x128xi32, #tpu.memory_space<vmem>> -> memref<1x128xi32, #tpu.memory_space<vmem>>
        %dma_wait3A_818 = tpu.memref_squeeze %dma_wait3A_817 : memref<1x128xi32, #tpu.memory_space<vmem>> -> memref<128xi32, #tpu.memory_space<vmem>>
        %dma_wait3A_819 = tpu.memref_slice %arg2[%add3A_810] : memref<320000xi32, #tpu.memory_space<hbm>> -> memref<128xi32, #tpu.memory_space<hbm>>
        tpu.wait_dma2 semaphore(%arg21 : memref<!tpu.dma_semaphore, #tpu.memory_space<semaphore_mem>>) src(%dma_wait3A_819 : memref<128xi32, #tpu.memory_space<hbm>>) dst(%dma_wait3A_818 : memref<128xi32, #tpu.memory_space<vmem>>)
        %dma_wait3A_820 = arith.constant 1 : i32
        %dma_wait3A_821 = arith.constant 0 : i32
        %dma_wait3A_822 = tpu.memref_slice %arg8[%dma_wait3A_820, %dma_wait3A_821] : memref<2x128xi32, #tpu.memory_space<vmem>> -> memref<1x128xi32, #tpu.memory_space<vmem>>
        %dma_wait3A_823 = tpu.memref_squeeze %dma_wait3A_822 : memref<1x128xi32, #tpu.memory_space<vmem>> -> memref<128xi32, #tpu.memory_space<vmem>>
        %dma_wait3A_824 = tpu.memref_slice %arg3[%add3A_810] : memref<320000xi32, #tpu.memory_space<hbm>> -> memref<128xi32, #tpu.memory_space<hbm>>
        %dma_wait3A_825 = arith.constant 0 : i32
        %dma_wait3A_826 = tpu.memref_slice %arg8[%dma_wait3A_820, %dma_wait3A_825] : memref<2x128xi32, #tpu.memory_space<vmem>> -> memref<1x128xi32, #tpu.memory_space<vmem>>
        %dma_wait3A_827 = tpu.memref_squeeze %dma_wait3A_826 : memref<1x128xi32, #tpu.memory_space<vmem>> -> memref<128xi32, #tpu.memory_space<vmem>>
        %dma_wait3A_828 = tpu.memref_slice %arg3[%add3A_810] : memref<320000xi32, #tpu.memory_space<hbm>> -> memref<128xi32, #tpu.memory_space<hbm>>
        tpu.wait_dma2 semaphore(%arg21 : memref<!tpu.dma_semaphore, #tpu.memory_space<semaphore_mem>>) src(%dma_wait3A_828 : memref<128xi32, #tpu.memory_space<hbm>>) dst(%dma_wait3A_827 : memref<128xi32, #tpu.memory_space<vmem>>)
        %mul3A_829 = arith.constant 16 : i32
        %mul3A_830 = arith.muli %add3A_810, %mul3A_829 : i32
        %jit3A_831 = arith.constant 128 : i32
        %div3A_832 = arith.divsi %mul3A_830, %jit3A_831 : i32
        %sign3A_833 = arith.constant 0 : i32
        %sign3A_834 = arith.cmpi sgt, %mul3A_830, %sign3A_833 : i32
        %sign3A_835 = arith.extui %sign3A_834 : i1 to i32
        %sign3A_836 = arith.constant 0 : i32
        %sign3A_837 = arith.cmpi slt, %mul3A_830, %sign3A_836 : i32
        %sign3A_838 = arith.extui %sign3A_837 : i1 to i32
        %sign3A_839 = arith.subi %sign3A_835, %sign3A_838 : i32
        %sign3A_840 = arith.constant 0 : i32
        %sign3A_841 = arith.cmpi sgt, %jit3A_831, %sign3A_840 : i32
        %sign3A_842 = arith.extui %sign3A_841 : i1 to i32
        %sign3A_843 = arith.constant 0 : i32
        %sign3A_844 = arith.cmpi slt, %jit3A_831, %sign3A_843 : i32
        %sign3A_845 = arith.extui %sign3A_844 : i1 to i32
        %sign3A_846 = arith.subi %sign3A_842, %sign3A_845 : i32
        %ne3A_847 = arith.cmpi ne, %sign3A_839, %sign3A_846 : i32
        %rem3A_848 = arith.remsi %mul3A_830, %jit3A_831 : i32
        %ne3A_849 = arith.constant 0 : i32
        %ne3A_850 = arith.cmpi ne, %rem3A_848, %ne3A_849 : i32
        %and3A_851 = arith.andi %ne3A_847, %ne3A_850 : i1
        %sub3A_852 = arith.constant 1 : i32
        %sub3A_853 = arith.subi %div3A_832, %sub3A_852 : i32
        %select_n3A_854 = arith.select %and3A_851, %sub3A_853, %div3A_832 : i32
        %dma_wait3A_855 = arith.constant 1 : i32
        %dma_wait3A_856 = arith.constant 0 : i32
        %dma_wait3A_857 = arith.constant 0 : i32
        %dma_wait3A_858 = tpu.memref_slice %arg11[%dma_wait3A_855, %dma_wait3A_856, %dma_wait3A_857] : memref<2x16x128xf32, #tpu.memory_space<vmem>> -> memref<1x16x128xf32, #tpu.memory_space<vmem>>
        %dma_wait3A_859 = tpu.memref_squeeze %dma_wait3A_858 : memref<1x16x128xf32, #tpu.memory_space<vmem>> -> memref<16x128xf32, #tpu.memory_space<vmem>>
        %dma_wait3A_860 = arith.constant 0 : i32
        %dma_wait3A_861 = tpu.memref_slice %arg5[%select_n3A_854, %dma_wait3A_860] : memref<40000x128xf32, #tpu.memory_space<hbm>> -> memref<16x128xf32, #tpu.memory_space<hbm>>
        %dma_wait3A_862 = arith.constant 0 : i32
        %dma_wait3A_863 = arith.constant 0 : i32
        %dma_wait3A_864 = tpu.memref_slice %arg11[%dma_wait3A_855, %dma_wait3A_862, %dma_wait3A_863] : memref<2x16x128xf32, #tpu.memory_space<vmem>> -> memref<1x16x128xf32, #tpu.memory_space<vmem>>
        %dma_wait3A_865 = tpu.memref_squeeze %dma_wait3A_864 : memref<1x16x128xf32, #tpu.memory_space<vmem>> -> memref<16x128xf32, #tpu.memory_space<vmem>>
        %dma_wait3A_866 = arith.constant 0 : i32
        %dma_wait3A_867 = tpu.memref_slice %arg5[%select_n3A_854, %dma_wait3A_866] : memref<40000x128xf32, #tpu.memory_space<hbm>> -> memref<16x128xf32, #tpu.memory_space<hbm>>
        tpu.wait_dma2 semaphore(%arg21 : memref<!tpu.dma_semaphore, #tpu.memory_space<semaphore_mem>>) src(%dma_wait3A_867 : memref<16x128xf32, #tpu.memory_space<hbm>>) dst(%dma_wait3A_865 : memref<16x128xf32, #tpu.memory_space<vmem>>)
        %get3A_868 = arith.constant 1 : i32
        %get3A_869 = arith.constant 0 : i32
        %get3A_870 = tpu.memref_slice %arg7[%get3A_868, %get3A_869] : memref<2x128xi32, #tpu.memory_space<vmem>> -> memref<1x128xi32, #tpu.memory_space<vmem>>
        %get3A_871 = tpu.memref_squeeze %get3A_870 : memref<1x128xi32, #tpu.memory_space<vmem>> -> memref<128xi32, #tpu.memory_space<vmem>>
        %get3A_872 = arith.constant 0 : index
        %get3A_873 = tpu.vector_load %get3A_871[%get3A_872] {strides = array<i32>} : memref<128xi32, #tpu.memory_space<vmem>>, vector<16xi32>,
        %get3A_874 = vector.shape_cast %get3A_873 : vector<16xi32> to vector<16xi32>
        %add3A_875 = arith.constant 10000 : i32
        %add3A_876 = vector.broadcast %add3A_875 : i32 to vector<16xi32>
        %add3A_877 = arith.addi %get3A_874, %add3A_876 : vector<16xi32>
        %swap3A_878 = arith.constant 1 : i32
        %swap3A_879 = arith.constant 0 : i32
        %swap3A_880 = tpu.memref_slice %arg7[%swap3A_878, %swap3A_879] : memref<2x128xi32, #tpu.memory_space<vmem>> -> memref<1x128xi32, #tpu.memory_space<vmem>>
        %swap3A_881 = tpu.memref_squeeze %swap3A_880 : memref<1x128xi32, #tpu.memory_space<vmem>> -> memref<128xi32, #tpu.memory_space<vmem>>
        %swap3A_882 = arith.constant 0 : index
        %swap3A_883 = tpu.vector_load %swap3A_881[%swap3A_882] {strides = array<i32>} : memref<128xi32, #tpu.memory_space<vmem>>, vector<16xi32>,
        %swap3A_884 = vector.shape_cast %swap3A_883 : vector<16xi32> to vector<16xi32>
        %swap3A_885 = vector.shape_cast %add3A_877 : vector<16xi32> to vector<16xi32>
        tpu.vector_store %swap3A_881[%swap3A_882], %swap3A_885 {strides = array<i32>} : memref<128xi32, #tpu.memory_space<vmem>>, vector<16xi32>,
        %get3A_886 = arith.constant 1 : i32
        %get3A_887 = arith.constant 0 : i32
        %get3A_888 = tpu.memref_slice %arg7[%get3A_886, %get3A_887] : memref<2x128xi32, #tpu.memory_space<vmem>> -> memref<1x128xi32, #tpu.memory_space<vmem>>
        %get3A_889 = tpu.memref_squeeze %get3A_888 : memref<1x128xi32, #tpu.memory_space<vmem>> -> memref<128xi32, #tpu.memory_space<vmem>>
        %get3A_890 = arith.constant 16 : index
        %get3A_891 = tpu.vector_load %get3A_889[%get3A_890] {strides = array<i32>} : memref<128xi32, #tpu.memory_space<vmem>>, vector<16xi32>,
        %get3A_892 = vector.shape_cast %get3A_891 : vector<16xi32> to vector<16xi32>
        %add3A_893 = arith.constant 10000 : i32
        %add3A_894 = vector.broadcast %add3A_893 : i32 to vector<16xi32>
        %add3A_895 = arith.addi %get3A_892, %add3A_894 : vector<16xi32>
        %swap3A_896 = arith.constant 1 : i32
        %swap3A_897 = arith.constant 0 : i32
        %swap3A_898 = tpu.memref_slice %arg7[%swap3A_896, %swap3A_897] : memref<2x128xi32, #tpu.memory_space<vmem>> -> memref<1x128xi32, #tpu.memory_space<vmem>>
        %swap3A_899 = tpu.memref_squeeze %swap3A_898 : memref<1x128xi32, #tpu.memory_space<vmem>> -> memref<128xi32, #tpu.memory_space<vmem>>
        %swap3A_900 = arith.constant 16 : index
        %swap3A_901 = tpu.vector_load %swap3A_899[%swap3A_900] {strides = array<i32>} : memref<128xi32, #tpu.memory_space<vmem>>, vector<16xi32>,
        %swap3A_902 = vector.shape_cast %swap3A_901 : vector<16xi32> to vector<16xi32>
        %swap3A_903 = vector.shape_cast %add3A_895 : vector<16xi32> to vector<16xi32>
        tpu.vector_store %swap3A_899[%swap3A_900], %swap3A_903 {strides = array<i32>} : memref<128xi32, #tpu.memory_space<vmem>>, vector<16xi32>,
        %get3A_904 = arith.constant 1 : i32
        %get3A_905 = arith.constant 0 : i32
        %get3A_906 = tpu.memref_slice %arg7[%get3A_904, %get3A_905] : memref<2x128xi32, #tpu.memory_space<vmem>> -> memref<1x128xi32, #tpu.memory_space<vmem>>
        %get3A_907 = tpu.memref_squeeze %get3A_906 : memref<1x128xi32, #tpu.memory_space<vmem>> -> memref<128xi32, #tpu.memory_space<vmem>>
        %get3A_908 = arith.constant 32 : index
        %get3A_909 = tpu.vector_load %get3A_907[%get3A_908] {strides = array<i32>} : memref<128xi32, #tpu.memory_space<vmem>>, vector<16xi32>,
        %get3A_910 = vector.shape_cast %get3A_909 : vector<16xi32> to vector<16xi32>
        %add3A_911 = arith.constant 10000 : i32
        %add3A_912 = vector.broadcast %add3A_911 : i32 to vector<16xi32>
        %add3A_913 = arith.addi %get3A_910, %add3A_912 : vector<16xi32>
        %swap3A_914 = arith.constant 1 : i32
        %swap3A_915 = arith.constant 0 : i32
        %swap3A_916 = tpu.memref_slice %arg7[%swap3A_914, %swap3A_915] : memref<2x128xi32, #tpu.memory_space<vmem>> -> memref<1x128xi32, #tpu.memory_space<vmem>>
        %swap3A_917 = tpu.memref_squeeze %swap3A_916 : memref<1x128xi32, #tpu.memory_space<vmem>> -> memref<128xi32, #tpu.memory_space<vmem>>
        %swap3A_918 = arith.constant 32 : index
        %swap3A_919 = tpu.vector_load %swap3A_917[%swap3A_918] {strides = array<i32>} : memref<128xi32, #tpu.memory_space<vmem>>, vector<16xi32>,
        %swap3A_920 = vector.shape_cast %swap3A_919 : vector<16xi32> to vector<16xi32>
        %swap3A_921 = vector.shape_cast %add3A_913 : vector<16xi32> to vector<16xi32>
        tpu.vector_store %swap3A_917[%swap3A_918], %swap3A_921 {strides = array<i32>} : memref<128xi32, #tpu.memory_space<vmem>>, vector<16xi32>,
        %get3A_922 = arith.constant 1 : i32
        %get3A_923 = arith.constant 0 : i32
        %get3A_924 = tpu.memref_slice %arg7[%get3A_922, %get3A_923] : memref<2x128xi32, #tpu.memory_space<vmem>> -> memref<1x128xi32, #tpu.memory_space<vmem>>
        %get3A_925 = tpu.memref_squeeze %get3A_924 : memref<1x128xi32, #tpu.memory_space<vmem>> -> memref<128xi32, #tpu.memory_space<vmem>>
        %get3A_926 = arith.constant 48 : index
        %get3A_927 = tpu.vector_load %get3A_925[%get3A_926] {strides = array<i32>} : memref<128xi32, #tpu.memory_space<vmem>>, vector<16xi32>,
        %get3A_928 = vector.shape_cast %get3A_927 : vector<16xi32> to vector<16xi32>
        %add3A_929 = arith.constant 10000 : i32
        %add3A_930 = vector.broadcast %add3A_929 : i32 to vector<16xi32>
        %add3A_931 = arith.addi %get3A_928, %add3A_930 : vector<16xi32>
        %swap3A_932 = arith.constant 1 : i32
        %swap3A_933 = arith.constant 0 : i32
        %swap3A_934 = tpu.memref_slice %arg7[%swap3A_932, %swap3A_933] : memref<2x128xi32, #tpu.memory_space<vmem>> -> memref<1x128xi32, #tpu.memory_space<vmem>>
        %swap3A_935 = tpu.memref_squeeze %swap3A_934 : memref<1x128xi32, #tpu.memory_space<vmem>> -> memref<128xi32, #tpu.memory_space<vmem>>
        %swap3A_936 = arith.constant 48 : index
        %swap3A_937 = tpu.vector_load %swap3A_935[%swap3A_936] {strides = array<i32>} : memref<128xi32, #tpu.memory_space<vmem>>, vector<16xi32>,
        %swap3A_938 = vector.shape_cast %swap3A_937 : vector<16xi32> to vector<16xi32>
        %swap3A_939 = vector.shape_cast %add3A_931 : vector<16xi32> to vector<16xi32>
        tpu.vector_store %swap3A_935[%swap3A_936], %swap3A_939 {strides = array<i32>} : memref<128xi32, #tpu.memory_space<vmem>>, vector<16xi32>,
        %get3A_940 = arith.constant 1 : i32
        %get3A_941 = arith.constant 0 : i32
        %get3A_942 = tpu.memref_slice %arg7[%get3A_940, %get3A_941] : memref<2x128xi32, #tpu.memory_space<vmem>> -> memref<1x128xi32, #tpu.memory_space<vmem>>
        %get3A_943 = tpu.memref_squeeze %get3A_942 : memref<1x128xi32, #tpu.memory_space<vmem>> -> memref<128xi32, #tpu.memory_space<vmem>>
        %get3A_944 = arith.constant 64 : index
        %get3A_945 = tpu.vector_load %get3A_943[%get3A_944] {strides = array<i32>} : memref<128xi32, #tpu.memory_space<vmem>>, vector<16xi32>,
        %get3A_946 = vector.shape_cast %get3A_945 : vector<16xi32> to vector<16xi32>
        %add3A_947 = arith.constant 10000 : i32
        %add3A_948 = vector.broadcast %add3A_947 : i32 to vector<16xi32>
        %add3A_949 = arith.addi %get3A_946, %add3A_948 : vector<16xi32>
        %swap3A_950 = arith.constant 1 : i32
        %swap3A_951 = arith.constant 0 : i32
        %swap3A_952 = tpu.memref_slice %arg7[%swap3A_950, %swap3A_951] : memref<2x128xi32, #tpu.memory_space<vmem>> -> memref<1x128xi32, #tpu.memory_space<vmem>>
        %swap3A_953 = tpu.memref_squeeze %swap3A_952 : memref<1x128xi32, #tpu.memory_space<vmem>> -> memref<128xi32, #tpu.memory_space<vmem>>
        %swap3A_954 = arith.constant 64 : index
        %swap3A_955 = tpu.vector_load %swap3A_953[%swap3A_954] {strides = array<i32>} : memref<128xi32, #tpu.memory_space<vmem>>, vector<16xi32>,
        %swap3A_956 = vector.shape_cast %swap3A_955 : vector<16xi32> to vector<16xi32>
        %swap3A_957 = vector.shape_cast %add3A_949 : vector<16xi32> to vector<16xi32>
        tpu.vector_store %swap3A_953[%swap3A_954], %swap3A_957 {strides = array<i32>} : memref<128xi32, #tpu.memory_space<vmem>>, vector<16xi32>,
        %get3A_958 = arith.constant 1 : i32
        %get3A_959 = arith.constant 0 : i32
        %get3A_960 = tpu.memref_slice %arg7[%get3A_958, %get3A_959] : memref<2x128xi32, #tpu.memory_space<vmem>> -> memref<1x128xi32, #tpu.memory_space<vmem>>
        %get3A_961 = tpu.memref_squeeze %get3A_960 : memref<1x128xi32, #tpu.memory_space<vmem>> -> memref<128xi32, #tpu.memory_space<vmem>>
        %get3A_962 = arith.constant 80 : index
        %get3A_963 = tpu.vector_load %get3A_961[%get3A_962] {strides = array<i32>} : memref<128xi32, #tpu.memory_space<vmem>>, vector<16xi32>,
        %get3A_964 = vector.shape_cast %get3A_963 : vector<16xi32> to vector<16xi32>
        %add3A_965 = arith.constant 10000 : i32
        %add3A_966 = vector.broadcast %add3A_965 : i32 to vector<16xi32>
        %add3A_967 = arith.addi %get3A_964, %add3A_966 : vector<16xi32>
        %swap3A_968 = arith.constant 1 : i32
        %swap3A_969 = arith.constant 0 : i32
        %swap3A_970 = tpu.memref_slice %arg7[%swap3A_968, %swap3A_969] : memref<2x128xi32, #tpu.memory_space<vmem>> -> memref<1x128xi32, #tpu.memory_space<vmem>>
        %swap3A_971 = tpu.memref_squeeze %swap3A_970 : memref<1x128xi32, #tpu.memory_space<vmem>> -> memref<128xi32, #tpu.memory_space<vmem>>
        %swap3A_972 = arith.constant 80 : index
        %swap3A_973 = tpu.vector_load %swap3A_971[%swap3A_972] {strides = array<i32>} : memref<128xi32, #tpu.memory_space<vmem>>, vector<16xi32>,
        %swap3A_974 = vector.shape_cast %swap3A_973 : vector<16xi32> to vector<16xi32>
        %swap3A_975 = vector.shape_cast %add3A_967 : vector<16xi32> to vector<16xi32>
        tpu.vector_store %swap3A_971[%swap3A_972], %swap3A_975 {strides = array<i32>} : memref<128xi32, #tpu.memory_space<vmem>>, vector<16xi32>,
        %get3A_976 = arith.constant 1 : i32
        %get3A_977 = arith.constant 0 : i32
        %get3A_978 = tpu.memref_slice %arg7[%get3A_976, %get3A_977] : memref<2x128xi32, #tpu.memory_space<vmem>> -> memref<1x128xi32, #tpu.memory_space<vmem>>
        %get3A_979 = tpu.memref_squeeze %get3A_978 : memref<1x128xi32, #tpu.memory_space<vmem>> -> memref<128xi32, #tpu.memory_space<vmem>>
        %get3A_980 = arith.constant 96 : index
        %get3A_981 = tpu.vector_load %get3A_979[%get3A_980] {strides = array<i32>} : memref<128xi32, #tpu.memory_space<vmem>>, vector<16xi32>,
        %get3A_982 = vector.shape_cast %get3A_981 : vector<16xi32> to vector<16xi32>
        %add3A_983 = arith.constant 10000 : i32
        %add3A_984 = vector.broadcast %add3A_983 : i32 to vector<16xi32>
        %add3A_985 = arith.addi %get3A_982, %add3A_984 : vector<16xi32>
        %swap3A_986 = arith.constant 1 : i32
        %swap3A_987 = arith.constant 0 : i32
        %swap3A_988 = tpu.memref_slice %arg7[%swap3A_986, %swap3A_987] : memref<2x128xi32, #tpu.memory_space<vmem>> -> memref<1x128xi32, #tpu.memory_space<vmem>>
        %swap3A_989 = tpu.memref_squeeze %swap3A_988 : memref<1x128xi32, #tpu.memory_space<vmem>> -> memref<128xi32, #tpu.memory_space<vmem>>
        %swap3A_990 = arith.constant 96 : index
        %swap3A_991 = tpu.vector_load %swap3A_989[%swap3A_990] {strides = array<i32>} : memref<128xi32, #tpu.memory_space<vmem>>, vector<16xi32>,
        %swap3A_992 = vector.shape_cast %swap3A_991 : vector<16xi32> to vector<16xi32>
        %swap3A_993 = vector.shape_cast %add3A_985 : vector<16xi32> to vector<16xi32>
        tpu.vector_store %swap3A_989[%swap3A_990], %swap3A_993 {strides = array<i32>} : memref<128xi32, #tpu.memory_space<vmem>>, vector<16xi32>,
        %get3A_994 = arith.constant 1 : i32
        %get3A_995 = arith.constant 0 : i32
        %get3A_996 = tpu.memref_slice %arg7[%get3A_994, %get3A_995] : memref<2x128xi32, #tpu.memory_space<vmem>> -> memref<1x128xi32, #tpu.memory_space<vmem>>
        %get3A_997 = tpu.memref_squeeze %get3A_996 : memref<1x128xi32, #tpu.memory_space<vmem>> -> memref<128xi32, #tpu.memory_space<vmem>>
        %get3A_998 = arith.constant 112 : index
        %get3A_999 = tpu.vector_load %get3A_997[%get3A_998] {strides = array<i32>} : memref<128xi32, #tpu.memory_space<vmem>>, vector<16xi32>,
        %get3A_1000 = vector.shape_cast %get3A_999 : vector<16xi32> to vector<16xi32>
        %add3A_1001 = arith.constant 10000 : i32
        %add3A_1002 = vector.broadcast %add3A_1001 : i32 to vector<16xi32>
        %add3A_1003 = arith.addi %get3A_1000, %add3A_1002 : vector<16xi32>
        %swap3A_1004 = arith.constant 1 : i32
        %swap3A_1005 = arith.constant 0 : i32
        %swap3A_1006 = tpu.memref_slice %arg7[%swap3A_1004, %swap3A_1005] : memref<2x128xi32, #tpu.memory_space<vmem>> -> memref<1x128xi32, #tpu.memory_space<vmem>>
        %swap3A_1007 = tpu.memref_squeeze %swap3A_1006 : memref<1x128xi32, #tpu.memory_space<vmem>> -> memref<128xi32, #tpu.memory_space<vmem>>
        %swap3A_1008 = arith.constant 112 : index
        %swap3A_1009 = tpu.vector_load %swap3A_1007[%swap3A_1008] {strides = array<i32>} : memref<128xi32, #tpu.memory_space<vmem>>, vector<16xi32>,
        %swap3A_1010 = vector.shape_cast %swap3A_1009 : vector<16xi32> to vector<16xi32>
        %swap3A_1011 = vector.shape_cast %add3A_1003 : vector<16xi32> to vector<16xi32>
        tpu.vector_store %swap3A_1007[%swap3A_1008], %swap3A_1011 {strides = array<i32>} : memref<128xi32, #tpu.memory_space<vmem>>, vector<16xi32>,
        %ge3A = arith.constant 1 : i32
        %ge3A_1012 = arith.cmpi sge, %mul3A_440, %ge3A : i32
        %convert_element_type3A_1013 = arith.extui %ge3A_1012 : i1 to i32
        %cond3A_1014 = arith.constant 0 : i32
        %cond3A_1015 = arith.cmpi ne, %convert_element_type3A_1013, %cond3A_1014 : i32
        scf.if %cond3A_1015 {
          %dma_wait3A_1040 = arith.constant 1 : i32
          %dma_wait3A_1041 = arith.constant 1 : i32
          %dma_wait3A_1042 = arith.constant 0 : i32
          %dma_wait3A_1043 = arith.constant 0 : i32
          %dma_wait3A_1044 = tpu.memref_slice %arg9[%dma_wait3A_1040, %dma_wait3A_1042, %dma_wait3A_1043] : memref<2x128x16xf32, #tpu.memory_space<vmem>> -> memref<1x128x16xf32, #tpu.memory_space<vmem>>
          %dma_wait3A_1045 = tpu.memref_squeeze %dma_wait3A_1044 : memref<1x128x16xf32, #tpu.memory_space<vmem>> -> memref<128x16xf32, #tpu.memory_space<vmem>>
          %dma_wait3A_1046 = arith.constant 0 : i32
          %dma_wait3A_1047 = tpu.memref_slice %arg19[%dma_wait3A_1041, %dma_wait3A_1046] : memref<2x128xi32, #tpu.memory_space<vmem>> -> memref<1x128xi32, #tpu.memory_space<vmem>>
          %dma_wait3A_1048 = tpu.memref_squeeze %dma_wait3A_1047 : memref<1x128xi32, #tpu.memory_space<vmem>> -> memref<128xi32, #tpu.memory_space<vmem>>
          %dma_wait3A_1049 = arith.constant 0 : i32
          %dma_wait3A_1050 = arith.constant 0 : i32
          %dma_wait3A_1051 = tpu.memref_slice %arg13[%dma_wait3A_1049, %dma_wait3A_1050] : memref<10000x16xf32, #tpu.memory_space<vmem_shared>> -> memref<10000x16xf32, #tpu.memory_space<vmem_shared>>
          tpu.wait_indirect_dma semaphore(%arg25 : memref<!tpu.dma_semaphore, #tpu.memory_space<semaphore_mem>>) src(%dma_wait3A_1045 : memref<128x16xf32, #tpu.memory_space<vmem>>) dst(%dma_wait3A_1051 : memref<10000x16xf32, #tpu.memory_space<vmem_shared>>)
        } else {
        }
        %dma_start3A_1016 = arith.constant 1 : i32
        %dma_start3A_1017 = arith.constant 1 : i32
        %dma_start3A_1018 = arith.constant 0 : i32
        %dma_start3A_1019 = arith.constant 0 : i32
        %dma_start3A_1020 = tpu.memref_slice %arg9[%dma_start3A_1017, %dma_start3A_1018, %dma_start3A_1019] : memref<2x128x16xf32, #tpu.memory_space<vmem>> -> memref<1x128x16xf32, #tpu.memory_space<vmem>>
        %dma_start3A_1021 = tpu.memref_squeeze %dma_start3A_1020 : memref<1x128x16xf32, #tpu.memory_space<vmem>> -> memref<128x16xf32, #tpu.memory_space<vmem>>
        %dma_start3A_1022 = arith.constant 0 : i32
        %dma_start3A_1023 = tpu.memref_slice %arg7[%dma_start3A_1016, %dma_start3A_1022] : memref<2x128xi32, #tpu.memory_space<vmem>> -> memref<1x128xi32, #tpu.memory_space<vmem>>
        %dma_start3A_1024 = tpu.memref_squeeze %dma_start3A_1023 : memref<1x128xi32, #tpu.memory_space<vmem>> -> memref<128xi32, #tpu.memory_space<vmem>>
        %dma_start3A_1025 = arith.constant 0 : i32
        %dma_start3A_1026 = arith.constant 0 : i32
        %dma_start3A_1027 = tpu.memref_slice %arg4[%dma_start3A_1025, %dma_start3A_1026] : memref<20000x16xf32, #tpu.memory_space<hbm>> -> memref<20000x16xf32, #tpu.memory_space<hbm>>
        tpu.enqueue_indirect_dma source(%dma_start3A_1027 : memref<20000x16xf32, #tpu.memory_space<hbm>>) target(%dma_start3A_1021 : memref<128x16xf32, #tpu.memory_space<vmem>>) offsets(%dma_start3A_1024 : memref<128xi32, #tpu.memory_space<vmem>>) semaphore(%arg23 : memref<!tpu.dma_semaphore, #tpu.memory_space<semaphore_mem>>)
        %dma_start3A_1028 = arith.constant 1 : i32
        %dma_start3A_1029 = arith.constant 1 : i32
        %dma_start3A_1030 = arith.constant 0 : i32
        %dma_start3A_1031 = arith.constant 0 : i32
        %dma_start3A_1032 = tpu.memref_slice %arg10[%dma_start3A_1029, %dma_start3A_1030, %dma_start3A_1031] : memref<2x128x16xf32, #tpu.memory_space<vmem>> -> memref<1x128x16xf32, #tpu.memory_space<vmem>>
        %dma_start3A_1033 = tpu.memref_squeeze %dma_start3A_1032 : memref<1x128x16xf32, #tpu.memory_space<vmem>> -> memref<128x16xf32, #tpu.memory_space<vmem>>
        %dma_start3A_1034 = arith.constant 0 : i32
        %dma_start3A_1035 = tpu.memref_slice %arg8[%dma_start3A_1028, %dma_start3A_1034] : memref<2x128xi32, #tpu.memory_space<vmem>> -> memref<1x128xi32, #tpu.memory_space<vmem>>
        %dma_start3A_1036 = tpu.memref_squeeze %dma_start3A_1035 : memref<1x128xi32, #tpu.memory_space<vmem>> -> memref<128xi32, #tpu.memory_space<vmem>>
        %dma_start3A_1037 = arith.constant 0 : i32
        %dma_start3A_1038 = arith.constant 0 : i32
        %dma_start3A_1039 = tpu.memref_slice %arg4[%dma_start3A_1037, %dma_start3A_1038] : memref<20000x16xf32, #tpu.memory_space<hbm>> -> memref<20000x16xf32, #tpu.memory_space<hbm>>
        tpu.enqueue_indirect_dma source(%dma_start3A_1039 : memref<20000x16xf32, #tpu.memory_space<hbm>>) target(%dma_start3A_1033 : memref<128x16xf32, #tpu.memory_space<vmem>>) offsets(%dma_start3A_1036 : memref<128xi32, #tpu.memory_space<vmem>>) semaphore(%arg23 : memref<!tpu.dma_semaphore, #tpu.memory_space<semaphore_mem>>)
      } else {
      }
      %dma_wait3A_448 = arith.constant 0 : i32
      %dma_wait3A_449 = arith.constant 0 : i32
      %dma_wait3A_450 = arith.constant 0 : i32
      %dma_wait3A_451 = arith.constant 0 : i32
      %dma_wait3A_452 = tpu.memref_slice %arg9[%dma_wait3A_449, %dma_wait3A_450, %dma_wait3A_451] : memref<2x128x16xf32, #tpu.memory_space<vmem>> -> memref<1x128x16xf32, #tpu.memory_space<vmem>>
      %dma_wait3A_453 = tpu.memref_squeeze %dma_wait3A_452 : memref<1x128x16xf32, #tpu.memory_space<vmem>> -> memref<128x16xf32, #tpu.memory_space<vmem>>
      %dma_wait3A_454 = arith.constant 0 : i32
      %dma_wait3A_455 = tpu.memref_slice %arg7[%dma_wait3A_448, %dma_wait3A_454] : memref<2x128xi32, #tpu.memory_space<vmem>> -> memref<1x128xi32, #tpu.memory_space<vmem>>
      %dma_wait3A_456 = tpu.memref_squeeze %dma_wait3A_455 : memref<1x128xi32, #tpu.memory_space<vmem>> -> memref<128xi32, #tpu.memory_space<vmem>>
      %dma_wait3A_457 = arith.constant 0 : i32
      %dma_wait3A_458 = arith.constant 0 : i32
      %dma_wait3A_459 = tpu.memref_slice %arg4[%dma_wait3A_457, %dma_wait3A_458] : memref<20000x16xf32, #tpu.memory_space<hbm>> -> memref<20000x16xf32, #tpu.memory_space<hbm>>
      tpu.wait_indirect_dma semaphore(%arg22 : memref<!tpu.dma_semaphore, #tpu.memory_space<semaphore_mem>>) src(%dma_wait3A_459 : memref<20000x16xf32, #tpu.memory_space<hbm>>) dst(%dma_wait3A_453 : memref<128x16xf32, #tpu.memory_space<vmem>>)
      %dma_wait3A_460 = arith.constant 0 : i32
      %dma_wait3A_461 = arith.constant 0 : i32
      %dma_wait3A_462 = arith.constant 0 : i32
      %dma_wait3A_463 = arith.constant 0 : i32
      %dma_wait3A_464 = tpu.memref_slice %arg10[%dma_wait3A_461, %dma_wait3A_462, %dma_wait3A_463] : memref<2x128x16xf32, #tpu.memory_space<vmem>> -> memref<1x128x16xf32, #tpu.memory_space<vmem>>
      %dma_wait3A_465 = tpu.memref_squeeze %dma_wait3A_464 : memref<1x128x16xf32, #tpu.memory_space<vmem>> -> memref<128x16xf32, #tpu.memory_space<vmem>>
      %dma_wait3A_466 = arith.constant 0 : i32
      %dma_wait3A_467 = tpu.memref_slice %arg8[%dma_wait3A_460, %dma_wait3A_466] : memref<2x128xi32, #tpu.memory_space<vmem>> -> memref<1x128xi32, #tpu.memory_space<vmem>>
      %dma_wait3A_468 = tpu.memref_squeeze %dma_wait3A_467 : memref<1x128xi32, #tpu.memory_space<vmem>> -> memref<128xi32, #tpu.memory_space<vmem>>
      %dma_wait3A_469 = arith.constant 0 : i32
      %dma_wait3A_470 = arith.constant 0 : i32
      %dma_wait3A_471 = tpu.memref_slice %arg4[%dma_wait3A_469, %dma_wait3A_470] : memref<20000x16xf32, #tpu.memory_space<hbm>> -> memref<20000x16xf32, #tpu.memory_space<hbm>>
      tpu.wait_indirect_dma semaphore(%arg22 : memref<!tpu.dma_semaphore, #tpu.memory_space<semaphore_mem>>) src(%dma_wait3A_471 : memref<20000x16xf32, #tpu.memory_space<hbm>>) dst(%dma_wait3A_465 : memref<128x16xf32, #tpu.memory_space<vmem>>)
      %scan3A_472 = arith.constant 0 : i32
      %scan3A_473 = arith.constant 0 : i32
      %scan3A_474 = arith.constant 0 : i32
      %scan3A_475 = arith.constant 0 : i32
      %scan3A_476 = arith.constant 0 : i32
      %scan3A_477 = arith.constant 16 : i32
      %scan3A_478 = arith.addi %scan3A_476, %scan3A_477 : i32
      %scan3A_479 = arith.constant 1 : i32
      %scan3A_480 = scf.for %scan3A_804 = %scan3A_476 to %scan3A_478 step %scan3A_479 iter_args(%scan3A_805 = %scan3A_475) -> (i32)  : i32 {
        %mul3A_806 = arith.constant 8 : i32
        %mul3A_807 = arith.muli %scan3A_804, %mul3A_806 : i32
        %add3A_808 = arith.constant 0 : i32
        %add3A_809 = arith.addi %mul3A_807, %add3A_808 : i32
        %get3A_810 = arith.constant 0 : i32
        %get3A_811 = arith.constant 0 : i32
        %get3A_812 = tpu.memref_slice %arg9[%scan3A_472, %get3A_810, %get3A_811] : memref<2x128x16xf32, #tpu.memory_space<vmem>> -> memref<1x128x16xf32, #tpu.memory_space<vmem>>
        %get3A_813 = tpu.memref_squeeze %get3A_812 : memref<1x128x16xf32, #tpu.memory_space<vmem>> -> memref<128x16xf32, #tpu.memory_space<vmem>>
        %get3A_814 = arith.index_cast %add3A_809 : i32 to index
        %get3A_815 = arith.constant 0 : index
        %get3A_816 = tpu.vector_load %get3A_813[%get3A_814, %get3A_815] {strides = array<i32>} : memref<128x16xf32, #tpu.memory_space<vmem>>, vector<1x16xf32>,
        %get3A_817 = vector.shape_cast %get3A_816 : vector<1x16xf32> to vector<16xf32>
        %get3A_818 = arith.constant 0 : i32
        %get3A_819 = arith.constant 0 : i32
        %get3A_820 = tpu.memref_slice %arg10[%scan3A_473, %get3A_818, %get3A_819] : memref<2x128x16xf32, #tpu.memory_space<vmem>> -> memref<1x128x16xf32, #tpu.memory_space<vmem>>
        %get3A_821 = tpu.memref_squeeze %get3A_820 : memref<1x128x16xf32, #tpu.memory_space<vmem>> -> memref<128x16xf32, #tpu.memory_space<vmem>>
        %get3A_822 = arith.index_cast %add3A_809 : i32 to index
        %get3A_823 = arith.constant 0 : index
        %get3A_824 = tpu.vector_load %get3A_821[%get3A_822, %get3A_823] {strides = array<i32>} : memref<128x16xf32, #tpu.memory_space<vmem>>, vector<1x16xf32>,
        %get3A_825 = vector.shape_cast %get3A_824 : vector<1x16xf32> to vector<16xf32>
        %add3A_826 = arith.addf %get3A_817, %get3A_825 : vector<16xf32>
        %jit3A_827 = arith.constant 8 : i32
        %div3A_828 = arith.divsi %add3A_809, %jit3A_827 : i32
        %sign3A_829 = arith.constant 0 : i32
        %sign3A_830 = arith.cmpi sgt, %add3A_809, %sign3A_829 : i32
        %sign3A_831 = arith.extui %sign3A_830 : i1 to i32
        %sign3A_832 = arith.constant 0 : i32
        %sign3A_833 = arith.cmpi slt, %add3A_809, %sign3A_832 : i32
        %sign3A_834 = arith.extui %sign3A_833 : i1 to i32
        %sign3A_835 = arith.subi %sign3A_831, %sign3A_834 : i32
        %sign3A_836 = arith.constant 0 : i32
        %sign3A_837 = arith.cmpi sgt, %jit3A_827, %sign3A_836 : i32
        %sign3A_838 = arith.extui %sign3A_837 : i1 to i32
        %sign3A_839 = arith.constant 0 : i32
        %sign3A_840 = arith.cmpi slt, %jit3A_827, %sign3A_839 : i32
        %sign3A_841 = arith.extui %sign3A_840 : i1 to i32
        %sign3A_842 = arith.subi %sign3A_838, %sign3A_841 : i32
        %ne3A_843 = arith.cmpi ne, %sign3A_835, %sign3A_842 : i32
        %rem3A_844 = arith.remsi %add3A_809, %jit3A_827 : i32
        %ne3A_845 = arith.constant 0 : i32
        %ne3A_846 = arith.cmpi ne, %rem3A_844, %ne3A_845 : i32
        %and3A_847 = arith.andi %ne3A_843, %ne3A_846 : i1
        %sub3A_848 = arith.constant 1 : i32
        %sub3A_849 = arith.subi %div3A_828, %sub3A_848 : i32
        %select_n3A_850 = arith.select %and3A_847, %sub3A_849, %div3A_828 : i32
        %jit3A_851 = arith.constant 8 : i32
        %eq3A = arith.constant 0 : i32
        %eq3A_852 = arith.cmpi eq, %jit3A_851, %eq3A : i32
        %jit3A_853 = arith.constant 1 : i32
        %select_n3A_854 = arith.select %eq3A_852, %jit3A_853, %jit3A_851 : i32
        %rem3A_855 = arith.remsi %add3A_809, %select_n3A_854 : i32
        %ne3A_856 = arith.constant 0 : i32
        %ne3A_857 = arith.cmpi ne, %rem3A_855, %ne3A_856 : i32
        %lt3A_858 = arith.constant 0 : i32
        %lt3A_859 = arith.cmpi slt, %rem3A_855, %lt3A_858 : i32
        %lt3A_860 = arith.constant 0 : i32
        %lt3A_861 = arith.cmpi slt, %select_n3A_854, %lt3A_860 : i32
        %ne3A_862 = arith.xori %lt3A_859, %lt3A_861 : i1
        %and3A_863 = arith.andi %ne3A_862, %ne3A_857 : i1
        %add3A_864 = arith.addi %rem3A_855, %select_n3A_854 : i32
        %select_n3A_865 = arith.select %and3A_863, %add3A_864, %rem3A_855 : i32
        %mul3A_866 = arith.constant 16 : i32
        %mul3A_867 = arith.muli %select_n3A_865, %mul3A_866 : i32
        %get3A_868 = arith.constant 0 : i32
        %get3A_869 = arith.constant 0 : i32
        %get3A_870 = tpu.memref_slice %arg11[%scan3A_474, %get3A_868, %get3A_869] : memref<2x16x128xf32, #tpu.memory_space<vmem>> -> memref<1x16x128xf32, #tpu.memory_space<vmem>>
        %get3A_871 = tpu.memref_squeeze %get3A_870 : memref<1x16x128xf32, #tpu.memory_space<vmem>> -> memref<16x128xf32, #tpu.memory_space<vmem>>
        %get3A_872 = arith.index_cast %select_n3A_850 : i32 to index
        %get3A_873 = arith.index_cast %mul3A_867 : i32 to index
        %get3A_874 = tpu.vector_load %get3A_871[%get3A_872, %get3A_873] {strides = array<i32>} : memref<16x128xf32, #tpu.memory_space<vmem>>, vector<1x16xf32>,
        %get3A_875 = vector.shape_cast %get3A_874 : vector<1x16xf32> to vector<16xf32>
        %add3A_876 = arith.addf %add3A_826, %get3A_875 : vector<16xf32>
        %max3A = arith.constant 0.000000e+00 : f32
        %max3A_877 = vector.broadcast %max3A : f32 to vector<16xf32>
        %max3A_878 = arith.maximumf %add3A_876, %max3A_877 : vector<16xf32>
        %swap3A_879 = arith.constant 0 : i32
        %swap3A_880 = arith.constant 0 : i32
        %swap3A_881 = tpu.memref_slice %arg9[%scan3A_472, %swap3A_879, %swap3A_880] : memref<2x128x16xf32, #tpu.memory_space<vmem>> -> memref<1x128x16xf32, #tpu.memory_space<vmem>>
        %swap3A_882 = tpu.memref_squeeze %swap3A_881 : memref<1x128x16xf32, #tpu.memory_space<vmem>> -> memref<128x16xf32, #tpu.memory_space<vmem>>
        %swap3A_883 = arith.index_cast %add3A_809 : i32 to index
        %swap3A_884 = arith.constant 0 : index
        %swap3A_885 = tpu.vector_load %swap3A_882[%swap3A_883, %swap3A_884] {strides = array<i32>} : memref<128x16xf32, #tpu.memory_space<vmem>>, vector<1x16xf32>,
        %swap3A_886 = vector.shape_cast %swap3A_885 : vector<1x16xf32> to vector<16xf32>
        %swap3A_887 = vector.shape_cast %max3A_878 : vector<16xf32> to vector<1x16xf32>
        tpu.vector_store %swap3A_882[%swap3A_883, %swap3A_884], %swap3A_887 {strides = array<i32>} : memref<128x16xf32, #tpu.memory_space<vmem>>, vector<1x16xf32>,
        %mul3A_888 = arith.constant 8 : i32
        %mul3A_889 = arith.muli %scan3A_804, %mul3A_888 : i32
        %add3A_890 = arith.constant 1 : i32
        %add3A_891 = arith.addi %mul3A_889, %add3A_890 : i32
        %get3A_892 = arith.constant 0 : i32
        %get3A_893 = arith.constant 0 : i32
        %get3A_894 = tpu.memref_slice %arg9[%scan3A_472, %get3A_892, %get3A_893] : memref<2x128x16xf32, #tpu.memory_space<vmem>> -> memref<1x128x16xf32, #tpu.memory_space<vmem>>
        %get3A_895 = tpu.memref_squeeze %get3A_894 : memref<1x128x16xf32, #tpu.memory_space<vmem>> -> memref<128x16xf32, #tpu.memory_space<vmem>>
        %get3A_896 = arith.index_cast %add3A_891 : i32 to index
        %get3A_897 = arith.constant 0 : index
        %get3A_898 = tpu.vector_load %get3A_895[%get3A_896, %get3A_897] {strides = array<i32>} : memref<128x16xf32, #tpu.memory_space<vmem>>, vector<1x16xf32>,
        %get3A_899 = vector.shape_cast %get3A_898 : vector<1x16xf32> to vector<16xf32>
        %get3A_900 = arith.constant 0 : i32
        %get3A_901 = arith.constant 0 : i32
        %get3A_902 = tpu.memref_slice %arg10[%scan3A_473, %get3A_900, %get3A_901] : memref<2x128x16xf32, #tpu.memory_space<vmem>> -> memref<1x128x16xf32, #tpu.memory_space<vmem>>
        %get3A_903 = tpu.memref_squeeze %get3A_902 : memref<1x128x16xf32, #tpu.memory_space<vmem>> -> memref<128x16xf32, #tpu.memory_space<vmem>>
        %get3A_904 = arith.index_cast %add3A_891 : i32 to index
        %get3A_905 = arith.constant 0 : index
        %get3A_906 = tpu.vector_load %get3A_903[%get3A_904, %get3A_905] {strides = array<i32>} : memref<128x16xf32, #tpu.memory_space<vmem>>, vector<1x16xf32>,
        %get3A_907 = vector.shape_cast %get3A_906 : vector<1x16xf32> to vector<16xf32>
        %add3A_908 = arith.addf %get3A_899, %get3A_907 : vector<16xf32>
        %jit3A_909 = arith.constant 8 : i32
        %div3A_910 = arith.divsi %add3A_891, %jit3A_909 : i32
        %sign3A_911 = arith.constant 0 : i32
        %sign3A_912 = arith.cmpi sgt, %add3A_891, %sign3A_911 : i32
        %sign3A_913 = arith.extui %sign3A_912 : i1 to i32
        %sign3A_914 = arith.constant 0 : i32
        %sign3A_915 = arith.cmpi slt, %add3A_891, %sign3A_914 : i32
        %sign3A_916 = arith.extui %sign3A_915 : i1 to i32
        %sign3A_917 = arith.subi %sign3A_913, %sign3A_916 : i32
        %sign3A_918 = arith.constant 0 : i32
        %sign3A_919 = arith.cmpi sgt, %jit3A_909, %sign3A_918 : i32
        %sign3A_920 = arith.extui %sign3A_919 : i1 to i32
        %sign3A_921 = arith.constant 0 : i32
        %sign3A_922 = arith.cmpi slt, %jit3A_909, %sign3A_921 : i32
        %sign3A_923 = arith.extui %sign3A_922 : i1 to i32
        %sign3A_924 = arith.subi %sign3A_920, %sign3A_923 : i32
        %ne3A_925 = arith.cmpi ne, %sign3A_917, %sign3A_924 : i32
        %rem3A_926 = arith.remsi %add3A_891, %jit3A_909 : i32
        %ne3A_927 = arith.constant 0 : i32
        %ne3A_928 = arith.cmpi ne, %rem3A_926, %ne3A_927 : i32
        %and3A_929 = arith.andi %ne3A_925, %ne3A_928 : i1
        %sub3A_930 = arith.constant 1 : i32
        %sub3A_931 = arith.subi %div3A_910, %sub3A_930 : i32
        %select_n3A_932 = arith.select %and3A_929, %sub3A_931, %div3A_910 : i32
        %jit3A_933 = arith.constant 8 : i32
        %eq3A_934 = arith.constant 0 : i32
        %eq3A_935 = arith.cmpi eq, %jit3A_933, %eq3A_934 : i32
        %jit3A_936 = arith.constant 1 : i32
        %select_n3A_937 = arith.select %eq3A_935, %jit3A_936, %jit3A_933 : i32
        %rem3A_938 = arith.remsi %add3A_891, %select_n3A_937 : i32
        %ne3A_939 = arith.constant 0 : i32
        %ne3A_940 = arith.cmpi ne, %rem3A_938, %ne3A_939 : i32
        %lt3A_941 = arith.constant 0 : i32
        %lt3A_942 = arith.cmpi slt, %rem3A_938, %lt3A_941 : i32
        %lt3A_943 = arith.constant 0 : i32
        %lt3A_944 = arith.cmpi slt, %select_n3A_937, %lt3A_943 : i32
        %ne3A_945 = arith.xori %lt3A_942, %lt3A_944 : i1
        %and3A_946 = arith.andi %ne3A_945, %ne3A_940 : i1
        %add3A_947 = arith.addi %rem3A_938, %select_n3A_937 : i32
        %select_n3A_948 = arith.select %and3A_946, %add3A_947, %rem3A_938 : i32
        %mul3A_949 = arith.constant 16 : i32
        %mul3A_950 = arith.muli %select_n3A_948, %mul3A_949 : i32
        %get3A_951 = arith.constant 0 : i32
        %get3A_952 = arith.constant 0 : i32
        %get3A_953 = tpu.memref_slice %arg11[%scan3A_474, %get3A_951, %get3A_952] : memref<2x16x128xf32, #tpu.memory_space<vmem>> -> memref<1x16x128xf32, #tpu.memory_space<vmem>>
        %get3A_954 = tpu.memref_squeeze %get3A_953 : memref<1x16x128xf32, #tpu.memory_space<vmem>> -> memref<16x128xf32, #tpu.memory_space<vmem>>
        %get3A_955 = arith.index_cast %select_n3A_932 : i32 to index
        %get3A_956 = arith.index_cast %mul3A_950 : i32 to index
        %get3A_957 = tpu.vector_load %get3A_954[%get3A_955, %get3A_956] {strides = array<i32>} : memref<16x128xf32, #tpu.memory_space<vmem>>, vector<1x16xf32>,
        %get3A_958 = vector.shape_cast %get3A_957 : vector<1x16xf32> to vector<16xf32>
        %add3A_959 = arith.addf %add3A_908, %get3A_958 : vector<16xf32>
        %max3A_960 = arith.constant 0.000000e+00 : f32
        %max3A_961 = vector.broadcast %max3A_960 : f32 to vector<16xf32>
        %max3A_962 = arith.maximumf %add3A_959, %max3A_961 : vector<16xf32>
        %swap3A_963 = arith.constant 0 : i32
        %swap3A_964 = arith.constant 0 : i32
        %swap3A_965 = tpu.memref_slice %arg9[%scan3A_472, %swap3A_963, %swap3A_964] : memref<2x128x16xf32, #tpu.memory_space<vmem>> -> memref<1x128x16xf32, #tpu.memory_space<vmem>>
        %swap3A_966 = tpu.memref_squeeze %swap3A_965 : memref<1x128x16xf32, #tpu.memory_space<vmem>> -> memref<128x16xf32, #tpu.memory_space<vmem>>
        %swap3A_967 = arith.index_cast %add3A_891 : i32 to index
        %swap3A_968 = arith.constant 0 : index
        %swap3A_969 = tpu.vector_load %swap3A_966[%swap3A_967, %swap3A_968] {strides = array<i32>} : memref<128x16xf32, #tpu.memory_space<vmem>>, vector<1x16xf32>,
        %swap3A_970 = vector.shape_cast %swap3A_969 : vector<1x16xf32> to vector<16xf32>
        %swap3A_971 = vector.shape_cast %max3A_962 : vector<16xf32> to vector<1x16xf32>
        tpu.vector_store %swap3A_966[%swap3A_967, %swap3A_968], %swap3A_971 {strides = array<i32>} : memref<128x16xf32, #tpu.memory_space<vmem>>, vector<1x16xf32>,
        %mul3A_972 = arith.constant 8 : i32
        %mul3A_973 = arith.muli %scan3A_804, %mul3A_972 : i32
        %add3A_974 = arith.constant 2 : i32
        %add3A_975 = arith.addi %mul3A_973, %add3A_974 : i32
        %get3A_976 = arith.constant 0 : i32
        %get3A_977 = arith.constant 0 : i32
        %get3A_978 = tpu.memref_slice %arg9[%scan3A_472, %get3A_976, %get3A_977] : memref<2x128x16xf32, #tpu.memory_space<vmem>> -> memref<1x128x16xf32, #tpu.memory_space<vmem>>
        %get3A_979 = tpu.memref_squeeze %get3A_978 : memref<1x128x16xf32, #tpu.memory_space<vmem>> -> memref<128x16xf32, #tpu.memory_space<vmem>>
        %get3A_980 = arith.index_cast %add3A_975 : i32 to index
        %get3A_981 = arith.constant 0 : index
        %get3A_982 = tpu.vector_load %get3A_979[%get3A_980, %get3A_981] {strides = array<i32>} : memref<128x16xf32, #tpu.memory_space<vmem>>, vector<1x16xf32>,
        %get3A_983 = vector.shape_cast %get3A_982 : vector<1x16xf32> to vector<16xf32>
        %get3A_984 = arith.constant 0 : i32
        %get3A_985 = arith.constant 0 : i32
        %get3A_986 = tpu.memref_slice %arg10[%scan3A_473, %get3A_984, %get3A_985] : memref<2x128x16xf32, #tpu.memory_space<vmem>> -> memref<1x128x16xf32, #tpu.memory_space<vmem>>
        %get3A_987 = tpu.memref_squeeze %get3A_986 : memref<1x128x16xf32, #tpu.memory_space<vmem>> -> memref<128x16xf32, #tpu.memory_space<vmem>>
        %get3A_988 = arith.index_cast %add3A_975 : i32 to index
        %get3A_989 = arith.constant 0 : index
        %get3A_990 = tpu.vector_load %get3A_987[%get3A_988, %get3A_989] {strides = array<i32>} : memref<128x16xf32, #tpu.memory_space<vmem>>, vector<1x16xf32>,
        %get3A_991 = vector.shape_cast %get3A_990 : vector<1x16xf32> to vector<16xf32>
        %add3A_992 = arith.addf %get3A_983, %get3A_991 : vector<16xf32>
        %jit3A_993 = arith.constant 8 : i32
        %div3A_994 = arith.divsi %add3A_975, %jit3A_993 : i32
        %sign3A_995 = arith.constant 0 : i32
        %sign3A_996 = arith.cmpi sgt, %add3A_975, %sign3A_995 : i32
        %sign3A_997 = arith.extui %sign3A_996 : i1 to i32
        %sign3A_998 = arith.constant 0 : i32
        %sign3A_999 = arith.cmpi slt, %add3A_975, %sign3A_998 : i32
        %sign3A_1000 = arith.extui %sign3A_999 : i1 to i32
        %sign3A_1001 = arith.subi %sign3A_997, %sign3A_1000 : i32
        %sign3A_1002 = arith.constant 0 : i32
        %sign3A_1003 = arith.cmpi sgt, %jit3A_993, %sign3A_1002 : i32
        %sign3A_1004 = arith.extui %sign3A_1003 : i1 to i32
        %sign3A_1005 = arith.constant 0 : i32
        %sign3A_1006 = arith.cmpi slt, %jit3A_993, %sign3A_1005 : i32
        %sign3A_1007 = arith.extui %sign3A_1006 : i1 to i32
        %sign3A_1008 = arith.subi %sign3A_1004, %sign3A_1007 : i32
        %ne3A_1009 = arith.cmpi ne, %sign3A_1001, %sign3A_1008 : i32
        %rem3A_1010 = arith.remsi %add3A_975, %jit3A_993 : i32
        %ne3A_1011 = arith.constant 0 : i32
        %ne3A_1012 = arith.cmpi ne, %rem3A_1010, %ne3A_1011 : i32
        %and3A_1013 = arith.andi %ne3A_1009, %ne3A_1012 : i1
        %sub3A_1014 = arith.constant 1 : i32
        %sub3A_1015 = arith.subi %div3A_994, %sub3A_1014 : i32
        %select_n3A_1016 = arith.select %and3A_1013, %sub3A_1015, %div3A_994 : i32
        %jit3A_1017 = arith.constant 8 : i32
        %eq3A_1018 = arith.constant 0 : i32
        %eq3A_1019 = arith.cmpi eq, %jit3A_1017, %eq3A_1018 : i32
        %jit3A_1020 = arith.constant 1 : i32
        %select_n3A_1021 = arith.select %eq3A_1019, %jit3A_1020, %jit3A_1017 : i32
        %rem3A_1022 = arith.remsi %add3A_975, %select_n3A_1021 : i32
        %ne3A_1023 = arith.constant 0 : i32
        %ne3A_1024 = arith.cmpi ne, %rem3A_1022, %ne3A_1023 : i32
        %lt3A_1025 = arith.constant 0 : i32
        %lt3A_1026 = arith.cmpi slt, %rem3A_1022, %lt3A_1025 : i32
        %lt3A_1027 = arith.constant 0 : i32
        %lt3A_1028 = arith.cmpi slt, %select_n3A_1021, %lt3A_1027 : i32
        %ne3A_1029 = arith.xori %lt3A_1026, %lt3A_1028 : i1
        %and3A_1030 = arith.andi %ne3A_1029, %ne3A_1024 : i1
        %add3A_1031 = arith.addi %rem3A_1022, %select_n3A_1021 : i32
        %select_n3A_1032 = arith.select %and3A_1030, %add3A_1031, %rem3A_1022 : i32
        %mul3A_1033 = arith.constant 16 : i32
        %mul3A_1034 = arith.muli %select_n3A_1032, %mul3A_1033 : i32
        %get3A_1035 = arith.constant 0 : i32
        %get3A_1036 = arith.constant 0 : i32
        %get3A_1037 = tpu.memref_slice %arg11[%scan3A_474, %get3A_1035, %get3A_1036] : memref<2x16x128xf32, #tpu.memory_space<vmem>> -> memref<1x16x128xf32, #tpu.memory_space<vmem>>
        %get3A_1038 = tpu.memref_squeeze %get3A_1037 : memref<1x16x128xf32, #tpu.memory_space<vmem>> -> memref<16x128xf32, #tpu.memory_space<vmem>>
        %get3A_1039 = arith.index_cast %select_n3A_1016 : i32 to index
        %get3A_1040 = arith.index_cast %mul3A_1034 : i32 to index
        %get3A_1041 = tpu.vector_load %get3A_1038[%get3A_1039, %get3A_1040] {strides = array<i32>} : memref<16x128xf32, #tpu.memory_space<vmem>>, vector<1x16xf32>,
        %get3A_1042 = vector.shape_cast %get3A_1041 : vector<1x16xf32> to vector<16xf32>
        %add3A_1043 = arith.addf %add3A_992, %get3A_1042 : vector<16xf32>
        %max3A_1044 = arith.constant 0.000000e+00 : f32
        %max3A_1045 = vector.broadcast %max3A_1044 : f32 to vector<16xf32>
        %max3A_1046 = arith.maximumf %add3A_1043, %max3A_1045 : vector<16xf32>
        %swap3A_1047 = arith.constant 0 : i32
        %swap3A_1048 = arith.constant 0 : i32
        %swap3A_1049 = tpu.memref_slice %arg9[%scan3A_472, %swap3A_1047, %swap3A_1048] : memref<2x128x16xf32, #tpu.memory_space<vmem>> -> memref<1x128x16xf32, #tpu.memory_space<vmem>>
        %swap3A_1050 = tpu.memref_squeeze %swap3A_1049 : memref<1x128x16xf32, #tpu.memory_space<vmem>> -> memref<128x16xf32, #tpu.memory_space<vmem>>
        %swap3A_1051 = arith.index_cast %add3A_975 : i32 to index
        %swap3A_1052 = arith.constant 0 : index
        %swap3A_1053 = tpu.vector_load %swap3A_1050[%swap3A_1051, %swap3A_1052] {strides = array<i32>} : memref<128x16xf32, #tpu.memory_space<vmem>>, vector<1x16xf32>,
        %swap3A_1054 = vector.shape_cast %swap3A_1053 : vector<1x16xf32> to vector<16xf32>
        %swap3A_1055 = vector.shape_cast %max3A_1046 : vector<16xf32> to vector<1x16xf32>
        tpu.vector_store %swap3A_1050[%swap3A_1051, %swap3A_1052], %swap3A_1055 {strides = array<i32>} : memref<128x16xf32, #tpu.memory_space<vmem>>, vector<1x16xf32>,
        %mul3A_1056 = arith.constant 8 : i32
        %mul3A_1057 = arith.muli %scan3A_804, %mul3A_1056 : i32
        %add3A_1058 = arith.constant 3 : i32
        %add3A_1059 = arith.addi %mul3A_1057, %add3A_1058 : i32
        %get3A_1060 = arith.constant 0 : i32
        %get3A_1061 = arith.constant 0 : i32
        %get3A_1062 = tpu.memref_slice %arg9[%scan3A_472, %get3A_1060, %get3A_1061] : memref<2x128x16xf32, #tpu.memory_space<vmem>> -> memref<1x128x16xf32, #tpu.memory_space<vmem>>
        %get3A_1063 = tpu.memref_squeeze %get3A_1062 : memref<1x128x16xf32, #tpu.memory_space<vmem>> -> memref<128x16xf32, #tpu.memory_space<vmem>>
        %get3A_1064 = arith.index_cast %add3A_1059 : i32 to index
        %get3A_1065 = arith.constant 0 : index
        %get3A_1066 = tpu.vector_load %get3A_1063[%get3A_1064, %get3A_1065] {strides = array<i32>} : memref<128x16xf32, #tpu.memory_space<vmem>>, vector<1x16xf32>,
        %get3A_1067 = vector.shape_cast %get3A_1066 : vector<1x16xf32> to vector<16xf32>
        %get3A_1068 = arith.constant 0 : i32
        %get3A_1069 = arith.constant 0 : i32
        %get3A_1070 = tpu.memref_slice %arg10[%scan3A_473, %get3A_1068, %get3A_1069] : memref<2x128x16xf32, #tpu.memory_space<vmem>> -> memref<1x128x16xf32, #tpu.memory_space<vmem>>
        %get3A_1071 = tpu.memref_squeeze %get3A_1070 : memref<1x128x16xf32, #tpu.memory_space<vmem>> -> memref<128x16xf32, #tpu.memory_space<vmem>>
        %get3A_1072 = arith.index_cast %add3A_1059 : i32 to index
        %get3A_1073 = arith.constant 0 : index
        %get3A_1074 = tpu.vector_load %get3A_1071[%get3A_1072, %get3A_1073] {strides = array<i32>} : memref<128x16xf32, #tpu.memory_space<vmem>>, vector<1x16xf32>,
        %get3A_1075 = vector.shape_cast %get3A_1074 : vector<1x16xf32> to vector<16xf32>
        %add3A_1076 = arith.addf %get3A_1067, %get3A_1075 : vector<16xf32>
        %jit3A_1077 = arith.constant 8 : i32
        %div3A_1078 = arith.divsi %add3A_1059, %jit3A_1077 : i32
        %sign3A_1079 = arith.constant 0 : i32
        %sign3A_1080 = arith.cmpi sgt, %add3A_1059, %sign3A_1079 : i32
        %sign3A_1081 = arith.extui %sign3A_1080 : i1 to i32
        %sign3A_1082 = arith.constant 0 : i32
        %sign3A_1083 = arith.cmpi slt, %add3A_1059, %sign3A_1082 : i32
        %sign3A_1084 = arith.extui %sign3A_1083 : i1 to i32
        %sign3A_1085 = arith.subi %sign3A_1081, %sign3A_1084 : i32
        %sign3A_1086 = arith.constant 0 : i32
        %sign3A_1087 = arith.cmpi sgt, %jit3A_1077, %sign3A_1086 : i32
        %sign3A_1088 = arith.extui %sign3A_1087 : i1 to i32
        %sign3A_1089 = arith.constant 0 : i32
        %sign3A_1090 = arith.cmpi slt, %jit3A_1077, %sign3A_1089 : i32
        %sign3A_1091 = arith.extui %sign3A_1090 : i1 to i32
        %sign3A_1092 = arith.subi %sign3A_1088, %sign3A_1091 : i32
        %ne3A_1093 = arith.cmpi ne, %sign3A_1085, %sign3A_1092 : i32
        %rem3A_1094 = arith.remsi %add3A_1059, %jit3A_1077 : i32
        %ne3A_1095 = arith.constant 0 : i32
        %ne3A_1096 = arith.cmpi ne, %rem3A_1094, %ne3A_1095 : i32
        %and3A_1097 = arith.andi %ne3A_1093, %ne3A_1096 : i1
        %sub3A_1098 = arith.constant 1 : i32
        %sub3A_1099 = arith.subi %div3A_1078, %sub3A_1098 : i32
        %select_n3A_1100 = arith.select %and3A_1097, %sub3A_1099, %div3A_1078 : i32
        %jit3A_1101 = arith.constant 8 : i32
        %eq3A_1102 = arith.constant 0 : i32
        %eq3A_1103 = arith.cmpi eq, %jit3A_1101, %eq3A_1102 : i32
        %jit3A_1104 = arith.constant 1 : i32
        %select_n3A_1105 = arith.select %eq3A_1103, %jit3A_1104, %jit3A_1101 : i32
        %rem3A_1106 = arith.remsi %add3A_1059, %select_n3A_1105 : i32
        %ne3A_1107 = arith.constant 0 : i32
        %ne3A_1108 = arith.cmpi ne, %rem3A_1106, %ne3A_1107 : i32
        %lt3A_1109 = arith.constant 0 : i32
        %lt3A_1110 = arith.cmpi slt, %rem3A_1106, %lt3A_1109 : i32
        %lt3A_1111 = arith.constant 0 : i32
        %lt3A_1112 = arith.cmpi slt, %select_n3A_1105, %lt3A_1111 : i32
        %ne3A_1113 = arith.xori %lt3A_1110, %lt3A_1112 : i1
        %and3A_1114 = arith.andi %ne3A_1113, %ne3A_1108 : i1
        %add3A_1115 = arith.addi %rem3A_1106, %select_n3A_1105 : i32
        %select_n3A_1116 = arith.select %and3A_1114, %add3A_1115, %rem3A_1106 : i32
        %mul3A_1117 = arith.constant 16 : i32
        %mul3A_1118 = arith.muli %select_n3A_1116, %mul3A_1117 : i32
        %get3A_1119 = arith.constant 0 : i32
        %get3A_1120 = arith.constant 0 : i32
        %get3A_1121 = tpu.memref_slice %arg11[%scan3A_474, %get3A_1119, %get3A_1120] : memref<2x16x128xf32, #tpu.memory_space<vmem>> -> memref<1x16x128xf32, #tpu.memory_space<vmem>>
        %get3A_1122 = tpu.memref_squeeze %get3A_1121 : memref<1x16x128xf32, #tpu.memory_space<vmem>> -> memref<16x128xf32, #tpu.memory_space<vmem>>
        %get3A_1123 = arith.index_cast %select_n3A_1100 : i32 to index
        %get3A_1124 = arith.index_cast %mul3A_1118 : i32 to index
        %get3A_1125 = tpu.vector_load %get3A_1122[%get3A_1123, %get3A_1124] {strides = array<i32>} : memref<16x128xf32, #tpu.memory_space<vmem>>, vector<1x16xf32>,
        %get3A_1126 = vector.shape_cast %get3A_1125 : vector<1x16xf32> to vector<16xf32>
        %add3A_1127 = arith.addf %add3A_1076, %get3A_1126 : vector<16xf32>
        %max3A_1128 = arith.constant 0.000000e+00 : f32
        %max3A_1129 = vector.broadcast %max3A_1128 : f32 to vector<16xf32>
        %max3A_1130 = arith.maximumf %add3A_1127, %max3A_1129 : vector<16xf32>
        %swap3A_1131 = arith.constant 0 : i32
        %swap3A_1132 = arith.constant 0 : i32
        %swap3A_1133 = tpu.memref_slice %arg9[%scan3A_472, %swap3A_1131, %swap3A_1132] : memref<2x128x16xf32, #tpu.memory_space<vmem>> -> memref<1x128x16xf32, #tpu.memory_space<vmem>>
        %swap3A_1134 = tpu.memref_squeeze %swap3A_1133 : memref<1x128x16xf32, #tpu.memory_space<vmem>> -> memref<128x16xf32, #tpu.memory_space<vmem>>
        %swap3A_1135 = arith.index_cast %add3A_1059 : i32 to index
        %swap3A_1136 = arith.constant 0 : index
        %swap3A_1137 = tpu.vector_load %swap3A_1134[%swap3A_1135, %swap3A_1136] {strides = array<i32>} : memref<128x16xf32, #tpu.memory_space<vmem>>, vector<1x16xf32>,
        %swap3A_1138 = vector.shape_cast %swap3A_1137 : vector<1x16xf32> to vector<16xf32>
        %swap3A_1139 = vector.shape_cast %max3A_1130 : vector<16xf32> to vector<1x16xf32>
        tpu.vector_store %swap3A_1134[%swap3A_1135, %swap3A_1136], %swap3A_1139 {strides = array<i32>} : memref<128x16xf32, #tpu.memory_space<vmem>>, vector<1x16xf32>,
        %mul3A_1140 = arith.constant 8 : i32
        %mul3A_1141 = arith.muli %scan3A_804, %mul3A_1140 : i32
        %add3A_1142 = arith.constant 4 : i32
        %add3A_1143 = arith.addi %mul3A_1141, %add3A_1142 : i32
        %get3A_1144 = arith.constant 0 : i32
        %get3A_1145 = arith.constant 0 : i32
        %get3A_1146 = tpu.memref_slice %arg9[%scan3A_472, %get3A_1144, %get3A_1145] : memref<2x128x16xf32, #tpu.memory_space<vmem>> -> memref<1x128x16xf32, #tpu.memory_space<vmem>>
        %get3A_1147 = tpu.memref_squeeze %get3A_1146 : memref<1x128x16xf32, #tpu.memory_space<vmem>> -> memref<128x16xf32, #tpu.memory_space<vmem>>
        %get3A_1148 = arith.index_cast %add3A_1143 : i32 to index
        %get3A_1149 = arith.constant 0 : index
        %get3A_1150 = tpu.vector_load %get3A_1147[%get3A_1148, %get3A_1149] {strides = array<i32>} : memref<128x16xf32, #tpu.memory_space<vmem>>, vector<1x16xf32>,
        %get3A_1151 = vector.shape_cast %get3A_1150 : vector<1x16xf32> to vector<16xf32>
        %get3A_1152 = arith.constant 0 : i32
        %get3A_1153 = arith.constant 0 : i32
        %get3A_1154 = tpu.memref_slice %arg10[%scan3A_473, %get3A_1152, %get3A_1153] : memref<2x128x16xf32, #tpu.memory_space<vmem>> -> memref<1x128x16xf32, #tpu.memory_space<vmem>>
        %get3A_1155 = tpu.memref_squeeze %get3A_1154 : memref<1x128x16xf32, #tpu.memory_space<vmem>> -> memref<128x16xf32, #tpu.memory_space<vmem>>
        %get3A_1156 = arith.index_cast %add3A_1143 : i32 to index
        %get3A_1157 = arith.constant 0 : index
        %get3A_1158 = tpu.vector_load %get3A_1155[%get3A_1156, %get3A_1157] {strides = array<i32>} : memref<128x16xf32, #tpu.memory_space<vmem>>, vector<1x16xf32>,
        %get3A_1159 = vector.shape_cast %get3A_1158 : vector<1x16xf32> to vector<16xf32>
        %add3A_1160 = arith.addf %get3A_1151, %get3A_1159 : vector<16xf32>
        %jit3A_1161 = arith.constant 8 : i32
        %div3A_1162 = arith.divsi %add3A_1143, %jit3A_1161 : i32
        %sign3A_1163 = arith.constant 0 : i32
        %sign3A_1164 = arith.cmpi sgt, %add3A_1143, %sign3A_1163 : i32
        %sign3A_1165 = arith.extui %sign3A_1164 : i1 to i32
        %sign3A_1166 = arith.constant 0 : i32
        %sign3A_1167 = arith.cmpi slt, %add3A_1143, %sign3A_1166 : i32
        %sign3A_1168 = arith.extui %sign3A_1167 : i1 to i32
        %sign3A_1169 = arith.subi %sign3A_1165, %sign3A_1168 : i32
        %sign3A_1170 = arith.constant 0 : i32
        %sign3A_1171 = arith.cmpi sgt, %jit3A_1161, %sign3A_1170 : i32
        %sign3A_1172 = arith.extui %sign3A_1171 : i1 to i32
        %sign3A_1173 = arith.constant 0 : i32
        %sign3A_1174 = arith.cmpi slt, %jit3A_1161, %sign3A_1173 : i32
        %sign3A_1175 = arith.extui %sign3A_1174 : i1 to i32
        %sign3A_1176 = arith.subi %sign3A_1172, %sign3A_1175 : i32
        %ne3A_1177 = arith.cmpi ne, %sign3A_1169, %sign3A_1176 : i32
        %rem3A_1178 = arith.remsi %add3A_1143, %jit3A_1161 : i32
        %ne3A_1179 = arith.constant 0 : i32
        %ne3A_1180 = arith.cmpi ne, %rem3A_1178, %ne3A_1179 : i32
        %and3A_1181 = arith.andi %ne3A_1177, %ne3A_1180 : i1
        %sub3A_1182 = arith.constant 1 : i32
        %sub3A_1183 = arith.subi %div3A_1162, %sub3A_1182 : i32
        %select_n3A_1184 = arith.select %and3A_1181, %sub3A_1183, %div3A_1162 : i32
        %jit3A_1185 = arith.constant 8 : i32
        %eq3A_1186 = arith.constant 0 : i32
        %eq3A_1187 = arith.cmpi eq, %jit3A_1185, %eq3A_1186 : i32
        %jit3A_1188 = arith.constant 1 : i32
        %select_n3A_1189 = arith.select %eq3A_1187, %jit3A_1188, %jit3A_1185 : i32
        %rem3A_1190 = arith.remsi %add3A_1143, %select_n3A_1189 : i32
        %ne3A_1191 = arith.constant 0 : i32
        %ne3A_1192 = arith.cmpi ne, %rem3A_1190, %ne3A_1191 : i32
        %lt3A_1193 = arith.constant 0 : i32
        %lt3A_1194 = arith.cmpi slt, %rem3A_1190, %lt3A_1193 : i32
        %lt3A_1195 = arith.constant 0 : i32
        %lt3A_1196 = arith.cmpi slt, %select_n3A_1189, %lt3A_1195 : i32
        %ne3A_1197 = arith.xori %lt3A_1194, %lt3A_1196 : i1
        %and3A_1198 = arith.andi %ne3A_1197, %ne3A_1192 : i1
        %add3A_1199 = arith.addi %rem3A_1190, %select_n3A_1189 : i32
        %select_n3A_1200 = arith.select %and3A_1198, %add3A_1199, %rem3A_1190 : i32
        %mul3A_1201 = arith.constant 16 : i32
        %mul3A_1202 = arith.muli %select_n3A_1200, %mul3A_1201 : i32
        %get3A_1203 = arith.constant 0 : i32
        %get3A_1204 = arith.constant 0 : i32
        %get3A_1205 = tpu.memref_slice %arg11[%scan3A_474, %get3A_1203, %get3A_1204] : memref<2x16x128xf32, #tpu.memory_space<vmem>> -> memref<1x16x128xf32, #tpu.memory_space<vmem>>
        %get3A_1206 = tpu.memref_squeeze %get3A_1205 : memref<1x16x128xf32, #tpu.memory_space<vmem>> -> memref<16x128xf32, #tpu.memory_space<vmem>>
        %get3A_1207 = arith.index_cast %select_n3A_1184 : i32 to index
        %get3A_1208 = arith.index_cast %mul3A_1202 : i32 to index
        %get3A_1209 = tpu.vector_load %get3A_1206[%get3A_1207, %get3A_1208] {strides = array<i32>} : memref<16x128xf32, #tpu.memory_space<vmem>>, vector<1x16xf32>,
        %get3A_1210 = vector.shape_cast %get3A_1209 : vector<1x16xf32> to vector<16xf32>
        %add3A_1211 = arith.addf %add3A_1160, %get3A_1210 : vector<16xf32>
        %max3A_1212 = arith.constant 0.000000e+00 : f32
        %max3A_1213 = vector.broadcast %max3A_1212 : f32 to vector<16xf32>
        %max3A_1214 = arith.maximumf %add3A_1211, %max3A_1213 : vector<16xf32>
        %swap3A_1215 = arith.constant 0 : i32
        %swap3A_1216 = arith.constant 0 : i32
        %swap3A_1217 = tpu.memref_slice %arg9[%scan3A_472, %swap3A_1215, %swap3A_1216] : memref<2x128x16xf32, #tpu.memory_space<vmem>> -> memref<1x128x16xf32, #tpu.memory_space<vmem>>
        %swap3A_1218 = tpu.memref_squeeze %swap3A_1217 : memref<1x128x16xf32, #tpu.memory_space<vmem>> -> memref<128x16xf32, #tpu.memory_space<vmem>>
        %swap3A_1219 = arith.index_cast %add3A_1143 : i32 to index
        %swap3A_1220 = arith.constant 0 : index
        %swap3A_1221 = tpu.vector_load %swap3A_1218[%swap3A_1219, %swap3A_1220] {strides = array<i32>} : memref<128x16xf32, #tpu.memory_space<vmem>>, vector<1x16xf32>,
        %swap3A_1222 = vector.shape_cast %swap3A_1221 : vector<1x16xf32> to vector<16xf32>
        %swap3A_1223 = vector.shape_cast %max3A_1214 : vector<16xf32> to vector<1x16xf32>
        tpu.vector_store %swap3A_1218[%swap3A_1219, %swap3A_1220], %swap3A_1223 {strides = array<i32>} : memref<128x16xf32, #tpu.memory_space<vmem>>, vector<1x16xf32>,
        %mul3A_1224 = arith.constant 8 : i32
        %mul3A_1225 = arith.muli %scan3A_804, %mul3A_1224 : i32
        %add3A_1226 = arith.constant 5 : i32
        %add3A_1227 = arith.addi %mul3A_1225, %add3A_1226 : i32
        %get3A_1228 = arith.constant 0 : i32
        %get3A_1229 = arith.constant 0 : i32
        %get3A_1230 = tpu.memref_slice %arg9[%scan3A_472, %get3A_1228, %get3A_1229] : memref<2x128x16xf32, #tpu.memory_space<vmem>> -> memref<1x128x16xf32, #tpu.memory_space<vmem>>
        %get3A_1231 = tpu.memref_squeeze %get3A_1230 : memref<1x128x16xf32, #tpu.memory_space<vmem>> -> memref<128x16xf32, #tpu.memory_space<vmem>>
        %get3A_1232 = arith.index_cast %add3A_1227 : i32 to index
        %get3A_1233 = arith.constant 0 : index
        %get3A_1234 = tpu.vector_load %get3A_1231[%get3A_1232, %get3A_1233] {strides = array<i32>} : memref<128x16xf32, #tpu.memory_space<vmem>>, vector<1x16xf32>,
        %get3A_1235 = vector.shape_cast %get3A_1234 : vector<1x16xf32> to vector<16xf32>
        %get3A_1236 = arith.constant 0 : i32
        %get3A_1237 = arith.constant 0 : i32
        %get3A_1238 = tpu.memref_slice %arg10[%scan3A_473, %get3A_1236, %get3A_1237] : memref<2x128x16xf32, #tpu.memory_space<vmem>> -> memref<1x128x16xf32, #tpu.memory_space<vmem>>
        %get3A_1239 = tpu.memref_squeeze %get3A_1238 : memref<1x128x16xf32, #tpu.memory_space<vmem>> -> memref<128x16xf32, #tpu.memory_space<vmem>>
        %get3A_1240 = arith.index_cast %add3A_1227 : i32 to index
        %get3A_1241 = arith.constant 0 : index
        %get3A_1242 = tpu.vector_load %get3A_1239[%get3A_1240, %get3A_1241] {strides = array<i32>} : memref<128x16xf32, #tpu.memory_space<vmem>>, vector<1x16xf32>,
        %get3A_1243 = vector.shape_cast %get3A_1242 : vector<1x16xf32> to vector<16xf32>
        %add3A_1244 = arith.addf %get3A_1235, %get3A_1243 : vector<16xf32>
        %jit3A_1245 = arith.constant 8 : i32
        %div3A_1246 = arith.divsi %add3A_1227, %jit3A_1245 : i32
        %sign3A_1247 = arith.constant 0 : i32
        %sign3A_1248 = arith.cmpi sgt, %add3A_1227, %sign3A_1247 : i32
        %sign3A_1249 = arith.extui %sign3A_1248 : i1 to i32
        %sign3A_1250 = arith.constant 0 : i32
        %sign3A_1251 = arith.cmpi slt, %add3A_1227, %sign3A_1250 : i32
        %sign3A_1252 = arith.extui %sign3A_1251 : i1 to i32
        %sign3A_1253 = arith.subi %sign3A_1249, %sign3A_1252 : i32
        %sign3A_1254 = arith.constant 0 : i32
        %sign3A_1255 = arith.cmpi sgt, %jit3A_1245, %sign3A_1254 : i32
        %sign3A_1256 = arith.extui %sign3A_1255 : i1 to i32
        %sign3A_1257 = arith.constant 0 : i32
        %sign3A_1258 = arith.cmpi slt, %jit3A_1245, %sign3A_1257 : i32
        %sign3A_1259 = arith.extui %sign3A_1258 : i1 to i32
        %sign3A_1260 = arith.subi %sign3A_1256, %sign3A_1259 : i32
        %ne3A_1261 = arith.cmpi ne, %sign3A_1253, %sign3A_1260 : i32
        %rem3A_1262 = arith.remsi %add3A_1227, %jit3A_1245 : i32
        %ne3A_1263 = arith.constant 0 : i32
        %ne3A_1264 = arith.cmpi ne, %rem3A_1262, %ne3A_1263 : i32
        %and3A_1265 = arith.andi %ne3A_1261, %ne3A_1264 : i1
        %sub3A_1266 = arith.constant 1 : i32
        %sub3A_1267 = arith.subi %div3A_1246, %sub3A_1266 : i32
        %select_n3A_1268 = arith.select %and3A_1265, %sub3A_1267, %div3A_1246 : i32
        %jit3A_1269 = arith.constant 8 : i32
        %eq3A_1270 = arith.constant 0 : i32
        %eq3A_1271 = arith.cmpi eq, %jit3A_1269, %eq3A_1270 : i32
        %jit3A_1272 = arith.constant 1 : i32
        %select_n3A_1273 = arith.select %eq3A_1271, %jit3A_1272, %jit3A_1269 : i32
        %rem3A_1274 = arith.remsi %add3A_1227, %select_n3A_1273 : i32
        %ne3A_1275 = arith.constant 0 : i32
        %ne3A_1276 = arith.cmpi ne, %rem3A_1274, %ne3A_1275 : i32
        %lt3A_1277 = arith.constant 0 : i32
        %lt3A_1278 = arith.cmpi slt, %rem3A_1274, %lt3A_1277 : i32
        %lt3A_1279 = arith.constant 0 : i32
        %lt3A_1280 = arith.cmpi slt, %select_n3A_1273, %lt3A_1279 : i32
        %ne3A_1281 = arith.xori %lt3A_1278, %lt3A_1280 : i1
        %and3A_1282 = arith.andi %ne3A_1281, %ne3A_1276 : i1
        %add3A_1283 = arith.addi %rem3A_1274, %select_n3A_1273 : i32
        %select_n3A_1284 = arith.select %and3A_1282, %add3A_1283, %rem3A_1274 : i32
        %mul3A_1285 = arith.constant 16 : i32
        %mul3A_1286 = arith.muli %select_n3A_1284, %mul3A_1285 : i32
        %get3A_1287 = arith.constant 0 : i32
        %get3A_1288 = arith.constant 0 : i32
        %get3A_1289 = tpu.memref_slice %arg11[%scan3A_474, %get3A_1287, %get3A_1288] : memref<2x16x128xf32, #tpu.memory_space<vmem>> -> memref<1x16x128xf32, #tpu.memory_space<vmem>>
        %get3A_1290 = tpu.memref_squeeze %get3A_1289 : memref<1x16x128xf32, #tpu.memory_space<vmem>> -> memref<16x128xf32, #tpu.memory_space<vmem>>
        %get3A_1291 = arith.index_cast %select_n3A_1268 : i32 to index
        %get3A_1292 = arith.index_cast %mul3A_1286 : i32 to index
        %get3A_1293 = tpu.vector_load %get3A_1290[%get3A_1291, %get3A_1292] {strides = array<i32>} : memref<16x128xf32, #tpu.memory_space<vmem>>, vector<1x16xf32>,
        %get3A_1294 = vector.shape_cast %get3A_1293 : vector<1x16xf32> to vector<16xf32>
        %add3A_1295 = arith.addf %add3A_1244, %get3A_1294 : vector<16xf32>
        %max3A_1296 = arith.constant 0.000000e+00 : f32
        %max3A_1297 = vector.broadcast %max3A_1296 : f32 to vector<16xf32>
        %max3A_1298 = arith.maximumf %add3A_1295, %max3A_1297 : vector<16xf32>
        %swap3A_1299 = arith.constant 0 : i32
        %swap3A_1300 = arith.constant 0 : i32
        %swap3A_1301 = tpu.memref_slice %arg9[%scan3A_472, %swap3A_1299, %swap3A_1300] : memref<2x128x16xf32, #tpu.memory_space<vmem>> -> memref<1x128x16xf32, #tpu.memory_space<vmem>>
        %swap3A_1302 = tpu.memref_squeeze %swap3A_1301 : memref<1x128x16xf32, #tpu.memory_space<vmem>> -> memref<128x16xf32, #tpu.memory_space<vmem>>
        %swap3A_1303 = arith.index_cast %add3A_1227 : i32 to index
        %swap3A_1304 = arith.constant 0 : index
        %swap3A_1305 = tpu.vector_load %swap3A_1302[%swap3A_1303, %swap3A_1304] {strides = array<i32>} : memref<128x16xf32, #tpu.memory_space<vmem>>, vector<1x16xf32>,
        %swap3A_1306 = vector.shape_cast %swap3A_1305 : vector<1x16xf32> to vector<16xf32>
        %swap3A_1307 = vector.shape_cast %max3A_1298 : vector<16xf32> to vector<1x16xf32>
        tpu.vector_store %swap3A_1302[%swap3A_1303, %swap3A_1304], %swap3A_1307 {strides = array<i32>} : memref<128x16xf32, #tpu.memory_space<vmem>>, vector<1x16xf32>,
        %mul3A_1308 = arith.constant 8 : i32
        %mul3A_1309 = arith.muli %scan3A_804, %mul3A_1308 : i32
        %add3A_1310 = arith.constant 6 : i32
        %add3A_1311 = arith.addi %mul3A_1309, %add3A_1310 : i32
        %get3A_1312 = arith.constant 0 : i32
        %get3A_1313 = arith.constant 0 : i32
        %get3A_1314 = tpu.memref_slice %arg9[%scan3A_472, %get3A_1312, %get3A_1313] : memref<2x128x16xf32, #tpu.memory_space<vmem>> -> memref<1x128x16xf32, #tpu.memory_space<vmem>>
        %get3A_1315 = tpu.memref_squeeze %get3A_1314 : memref<1x128x16xf32, #tpu.memory_space<vmem>> -> memref<128x16xf32, #tpu.memory_space<vmem>>
        %get3A_1316 = arith.index_cast %add3A_1311 : i32 to index
        %get3A_1317 = arith.constant 0 : index
        %get3A_1318 = tpu.vector_load %get3A_1315[%get3A_1316, %get3A_1317] {strides = array<i32>} : memref<128x16xf32, #tpu.memory_space<vmem>>, vector<1x16xf32>,
        %get3A_1319 = vector.shape_cast %get3A_1318 : vector<1x16xf32> to vector<16xf32>
        %get3A_1320 = arith.constant 0 : i32
        %get3A_1321 = arith.constant 0 : i32
        %get3A_1322 = tpu.memref_slice %arg10[%scan3A_473, %get3A_1320, %get3A_1321] : memref<2x128x16xf32, #tpu.memory_space<vmem>> -> memref<1x128x16xf32, #tpu.memory_space<vmem>>
        %get3A_1323 = tpu.memref_squeeze %get3A_1322 : memref<1x128x16xf32, #tpu.memory_space<vmem>> -> memref<128x16xf32, #tpu.memory_space<vmem>>
        %get3A_1324 = arith.index_cast %add3A_1311 : i32 to index
        %get3A_1325 = arith.constant 0 : index
        %get3A_1326 = tpu.vector_load %get3A_1323[%get3A_1324, %get3A_1325] {strides = array<i32>} : memref<128x16xf32, #tpu.memory_space<vmem>>, vector<1x16xf32>,
        %get3A_1327 = vector.shape_cast %get3A_1326 : vector<1x16xf32> to vector<16xf32>
        %add3A_1328 = arith.addf %get3A_1319, %get3A_1327 : vector<16xf32>
        %jit3A_1329 = arith.constant 8 : i32
        %div3A_1330 = arith.divsi %add3A_1311, %jit3A_1329 : i32
        %sign3A_1331 = arith.constant 0 : i32
        %sign3A_1332 = arith.cmpi sgt, %add3A_1311, %sign3A_1331 : i32
        %sign3A_1333 = arith.extui %sign3A_1332 : i1 to i32
        %sign3A_1334 = arith.constant 0 : i32
        %sign3A_1335 = arith.cmpi slt, %add3A_1311, %sign3A_1334 : i32
        %sign3A_1336 = arith.extui %sign3A_1335 : i1 to i32
        %sign3A_1337 = arith.subi %sign3A_1333, %sign3A_1336 : i32
        %sign3A_1338 = arith.constant 0 : i32
        %sign3A_1339 = arith.cmpi sgt, %jit3A_1329, %sign3A_1338 : i32
        %sign3A_1340 = arith.extui %sign3A_1339 : i1 to i32
        %sign3A_1341 = arith.constant 0 : i32
        %sign3A_1342 = arith.cmpi slt, %jit3A_1329, %sign3A_1341 : i32
        %sign3A_1343 = arith.extui %sign3A_1342 : i1 to i32
        %sign3A_1344 = arith.subi %sign3A_1340, %sign3A_1343 : i32
        %ne3A_1345 = arith.cmpi ne, %sign3A_1337, %sign3A_1344 : i32
        %rem3A_1346 = arith.remsi %add3A_1311, %jit3A_1329 : i32
        %ne3A_1347 = arith.constant 0 : i32
        %ne3A_1348 = arith.cmpi ne, %rem3A_1346, %ne3A_1347 : i32
        %and3A_1349 = arith.andi %ne3A_1345, %ne3A_1348 : i1
        %sub3A_1350 = arith.constant 1 : i32
        %sub3A_1351 = arith.subi %div3A_1330, %sub3A_1350 : i32
        %select_n3A_1352 = arith.select %and3A_1349, %sub3A_1351, %div3A_1330 : i32
        %jit3A_1353 = arith.constant 8 : i32
        %eq3A_1354 = arith.constant 0 : i32
        %eq3A_1355 = arith.cmpi eq, %jit3A_1353, %eq3A_1354 : i32
        %jit3A_1356 = arith.constant 1 : i32
        %select_n3A_1357 = arith.select %eq3A_1355, %jit3A_1356, %jit3A_1353 : i32
        %rem3A_1358 = arith.remsi %add3A_1311, %select_n3A_1357 : i32
        %ne3A_1359 = arith.constant 0 : i32
        %ne3A_1360 = arith.cmpi ne, %rem3A_1358, %ne3A_1359 : i32
        %lt3A_1361 = arith.constant 0 : i32
        %lt3A_1362 = arith.cmpi slt, %rem3A_1358, %lt3A_1361 : i32
        %lt3A_1363 = arith.constant 0 : i32
        %lt3A_1364 = arith.cmpi slt, %select_n3A_1357, %lt3A_1363 : i32
        %ne3A_1365 = arith.xori %lt3A_1362, %lt3A_1364 : i1
        %and3A_1366 = arith.andi %ne3A_1365, %ne3A_1360 : i1
        %add3A_1367 = arith.addi %rem3A_1358, %select_n3A_1357 : i32
        %select_n3A_1368 = arith.select %and3A_1366, %add3A_1367, %rem3A_1358 : i32
        %mul3A_1369 = arith.constant 16 : i32
        %mul3A_1370 = arith.muli %select_n3A_1368, %mul3A_1369 : i32
        %get3A_1371 = arith.constant 0 : i32
        %get3A_1372 = arith.constant 0 : i32
        %get3A_1373 = tpu.memref_slice %arg11[%scan3A_474, %get3A_1371, %get3A_1372] : memref<2x16x128xf32, #tpu.memory_space<vmem>> -> memref<1x16x128xf32, #tpu.memory_space<vmem>>
        %get3A_1374 = tpu.memref_squeeze %get3A_1373 : memref<1x16x128xf32, #tpu.memory_space<vmem>> -> memref<16x128xf32, #tpu.memory_space<vmem>>
        %get3A_1375 = arith.index_cast %select_n3A_1352 : i32 to index
        %get3A_1376 = arith.index_cast %mul3A_1370 : i32 to index
        %get3A_1377 = tpu.vector_load %get3A_1374[%get3A_1375, %get3A_1376] {strides = array<i32>} : memref<16x128xf32, #tpu.memory_space<vmem>>, vector<1x16xf32>,
        %get3A_1378 = vector.shape_cast %get3A_1377 : vector<1x16xf32> to vector<16xf32>
        %add3A_1379 = arith.addf %add3A_1328, %get3A_1378 : vector<16xf32>
        %max3A_1380 = arith.constant 0.000000e+00 : f32
        %max3A_1381 = vector.broadcast %max3A_1380 : f32 to vector<16xf32>
        %max3A_1382 = arith.maximumf %add3A_1379, %max3A_1381 : vector<16xf32>
        %swap3A_1383 = arith.constant 0 : i32
        %swap3A_1384 = arith.constant 0 : i32
        %swap3A_1385 = tpu.memref_slice %arg9[%scan3A_472, %swap3A_1383, %swap3A_1384] : memref<2x128x16xf32, #tpu.memory_space<vmem>> -> memref<1x128x16xf32, #tpu.memory_space<vmem>>
        %swap3A_1386 = tpu.memref_squeeze %swap3A_1385 : memref<1x128x16xf32, #tpu.memory_space<vmem>> -> memref<128x16xf32, #tpu.memory_space<vmem>>
        %swap3A_1387 = arith.index_cast %add3A_1311 : i32 to index
        %swap3A_1388 = arith.constant 0 : index
        %swap3A_1389 = tpu.vector_load %swap3A_1386[%swap3A_1387, %swap3A_1388] {strides = array<i32>} : memref<128x16xf32, #tpu.memory_space<vmem>>, vector<1x16xf32>,
        %swap3A_1390 = vector.shape_cast %swap3A_1389 : vector<1x16xf32> to vector<16xf32>
        %swap3A_1391 = vector.shape_cast %max3A_1382 : vector<16xf32> to vector<1x16xf32>
        tpu.vector_store %swap3A_1386[%swap3A_1387, %swap3A_1388], %swap3A_1391 {strides = array<i32>} : memref<128x16xf32, #tpu.memory_space<vmem>>, vector<1x16xf32>,
        %mul3A_1392 = arith.constant 8 : i32
        %mul3A_1393 = arith.muli %scan3A_804, %mul3A_1392 : i32
        %add3A_1394 = arith.constant 7 : i32
        %add3A_1395 = arith.addi %mul3A_1393, %add3A_1394 : i32
        %get3A_1396 = arith.constant 0 : i32
        %get3A_1397 = arith.constant 0 : i32
        %get3A_1398 = tpu.memref_slice %arg9[%scan3A_472, %get3A_1396, %get3A_1397] : memref<2x128x16xf32, #tpu.memory_space<vmem>> -> memref<1x128x16xf32, #tpu.memory_space<vmem>>
        %get3A_1399 = tpu.memref_squeeze %get3A_1398 : memref<1x128x16xf32, #tpu.memory_space<vmem>> -> memref<128x16xf32, #tpu.memory_space<vmem>>
        %get3A_1400 = arith.index_cast %add3A_1395 : i32 to index
        %get3A_1401 = arith.constant 0 : index
        %get3A_1402 = tpu.vector_load %get3A_1399[%get3A_1400, %get3A_1401] {strides = array<i32>} : memref<128x16xf32, #tpu.memory_space<vmem>>, vector<1x16xf32>,
        %get3A_1403 = vector.shape_cast %get3A_1402 : vector<1x16xf32> to vector<16xf32>
        %get3A_1404 = arith.constant 0 : i32
        %get3A_1405 = arith.constant 0 : i32
        %get3A_1406 = tpu.memref_slice %arg10[%scan3A_473, %get3A_1404, %get3A_1405] : memref<2x128x16xf32, #tpu.memory_space<vmem>> -> memref<1x128x16xf32, #tpu.memory_space<vmem>>
        %get3A_1407 = tpu.memref_squeeze %get3A_1406 : memref<1x128x16xf32, #tpu.memory_space<vmem>> -> memref<128x16xf32, #tpu.memory_space<vmem>>
        %get3A_1408 = arith.index_cast %add3A_1395 : i32 to index
        %get3A_1409 = arith.constant 0 : index
        %get3A_1410 = tpu.vector_load %get3A_1407[%get3A_1408, %get3A_1409] {strides = array<i32>} : memref<128x16xf32, #tpu.memory_space<vmem>>, vector<1x16xf32>,
        %get3A_1411 = vector.shape_cast %get3A_1410 : vector<1x16xf32> to vector<16xf32>
        %add3A_1412 = arith.addf %get3A_1403, %get3A_1411 : vector<16xf32>
        %jit3A_1413 = arith.constant 8 : i32
        %div3A_1414 = arith.divsi %add3A_1395, %jit3A_1413 : i32
        %sign3A_1415 = arith.constant 0 : i32
        %sign3A_1416 = arith.cmpi sgt, %add3A_1395, %sign3A_1415 : i32
        %sign3A_1417 = arith.extui %sign3A_1416 : i1 to i32
        %sign3A_1418 = arith.constant 0 : i32
        %sign3A_1419 = arith.cmpi slt, %add3A_1395, %sign3A_1418 : i32
        %sign3A_1420 = arith.extui %sign3A_1419 : i1 to i32
        %sign3A_1421 = arith.subi %sign3A_1417, %sign3A_1420 : i32
        %sign3A_1422 = arith.constant 0 : i32
        %sign3A_1423 = arith.cmpi sgt, %jit3A_1413, %sign3A_1422 : i32
        %sign3A_1424 = arith.extui %sign3A_1423 : i1 to i32
        %sign3A_1425 = arith.constant 0 : i32
        %sign3A_1426 = arith.cmpi slt, %jit3A_1413, %sign3A_1425 : i32
        %sign3A_1427 = arith.extui %sign3A_1426 : i1 to i32
        %sign3A_1428 = arith.subi %sign3A_1424, %sign3A_1427 : i32
        %ne3A_1429 = arith.cmpi ne, %sign3A_1421, %sign3A_1428 : i32
        %rem3A_1430 = arith.remsi %add3A_1395, %jit3A_1413 : i32
        %ne3A_1431 = arith.constant 0 : i32
        %ne3A_1432 = arith.cmpi ne, %rem3A_1430, %ne3A_1431 : i32
        %and3A_1433 = arith.andi %ne3A_1429, %ne3A_1432 : i1
        %sub3A_1434 = arith.constant 1 : i32
        %sub3A_1435 = arith.subi %div3A_1414, %sub3A_1434 : i32
        %select_n3A_1436 = arith.select %and3A_1433, %sub3A_1435, %div3A_1414 : i32
        %jit3A_1437 = arith.constant 8 : i32
        %eq3A_1438 = arith.constant 0 : i32
        %eq3A_1439 = arith.cmpi eq, %jit3A_1437, %eq3A_1438 : i32
        %jit3A_1440 = arith.constant 1 : i32
        %select_n3A_1441 = arith.select %eq3A_1439, %jit3A_1440, %jit3A_1437 : i32
        %rem3A_1442 = arith.remsi %add3A_1395, %select_n3A_1441 : i32
        %ne3A_1443 = arith.constant 0 : i32
        %ne3A_1444 = arith.cmpi ne, %rem3A_1442, %ne3A_1443 : i32
        %lt3A_1445 = arith.constant 0 : i32
        %lt3A_1446 = arith.cmpi slt, %rem3A_1442, %lt3A_1445 : i32
        %lt3A_1447 = arith.constant 0 : i32
        %lt3A_1448 = arith.cmpi slt, %select_n3A_1441, %lt3A_1447 : i32
        %ne3A_1449 = arith.xori %lt3A_1446, %lt3A_1448 : i1
        %and3A_1450 = arith.andi %ne3A_1449, %ne3A_1444 : i1
        %add3A_1451 = arith.addi %rem3A_1442, %select_n3A_1441 : i32
        %select_n3A_1452 = arith.select %and3A_1450, %add3A_1451, %rem3A_1442 : i32
        %mul3A_1453 = arith.constant 16 : i32
        %mul3A_1454 = arith.muli %select_n3A_1452, %mul3A_1453 : i32
        %get3A_1455 = arith.constant 0 : i32
        %get3A_1456 = arith.constant 0 : i32
        %get3A_1457 = tpu.memref_slice %arg11[%scan3A_474, %get3A_1455, %get3A_1456] : memref<2x16x128xf32, #tpu.memory_space<vmem>> -> memref<1x16x128xf32, #tpu.memory_space<vmem>>
        %get3A_1458 = tpu.memref_squeeze %get3A_1457 : memref<1x16x128xf32, #tpu.memory_space<vmem>> -> memref<16x128xf32, #tpu.memory_space<vmem>>
        %get3A_1459 = arith.index_cast %select_n3A_1436 : i32 to index
        %get3A_1460 = arith.index_cast %mul3A_1454 : i32 to index
        %get3A_1461 = tpu.vector_load %get3A_1458[%get3A_1459, %get3A_1460] {strides = array<i32>} : memref<16x128xf32, #tpu.memory_space<vmem>>, vector<1x16xf32>,
        %get3A_1462 = vector.shape_cast %get3A_1461 : vector<1x16xf32> to vector<16xf32>
        %add3A_1463 = arith.addf %add3A_1412, %get3A_1462 : vector<16xf32>
        %max3A_1464 = arith.constant 0.000000e+00 : f32
        %max3A_1465 = vector.broadcast %max3A_1464 : f32 to vector<16xf32>
        %max3A_1466 = arith.maximumf %add3A_1463, %max3A_1465 : vector<16xf32>
        %swap3A_1467 = arith.constant 0 : i32
        %swap3A_1468 = arith.constant 0 : i32
        %swap3A_1469 = tpu.memref_slice %arg9[%scan3A_472, %swap3A_1467, %swap3A_1468] : memref<2x128x16xf32, #tpu.memory_space<vmem>> -> memref<1x128x16xf32, #tpu.memory_space<vmem>>
        %swap3A_1470 = tpu.memref_squeeze %swap3A_1469 : memref<1x128x16xf32, #tpu.memory_space<vmem>> -> memref<128x16xf32, #tpu.memory_space<vmem>>
        %swap3A_1471 = arith.index_cast %add3A_1395 : i32 to index
        %swap3A_1472 = arith.constant 0 : index
        %swap3A_1473 = tpu.vector_load %swap3A_1470[%swap3A_1471, %swap3A_1472] {strides = array<i32>} : memref<128x16xf32, #tpu.memory_space<vmem>>, vector<1x16xf32>,
        %swap3A_1474 = vector.shape_cast %swap3A_1473 : vector<1x16xf32> to vector<16xf32>
        %swap3A_1475 = vector.shape_cast %max3A_1466 : vector<16xf32> to vector<1x16xf32>
        tpu.vector_store %swap3A_1470[%swap3A_1471, %swap3A_1472], %swap3A_1475 {strides = array<i32>} : memref<128x16xf32, #tpu.memory_space<vmem>>, vector<1x16xf32>,
        %scan3A_1476 = arith.constant 0 : i32
        scf.yield %scan3A_1476 : i32
      }
      %scan3A_481 = arith.constant 16 : i32
      %get3A_482 = arith.constant 0 : i32
      %get3A_483 = arith.constant 0 : i32
      %get3A_484 = tpu.memref_slice %arg8[%get3A_482, %get3A_483] : memref<2x128xi32, #tpu.memory_space<vmem>> -> memref<1x128xi32, #tpu.memory_space<vmem>>
      %get3A_485 = tpu.memref_squeeze %get3A_484 : memref<1x128xi32, #tpu.memory_space<vmem>> -> memref<128xi32, #tpu.memory_space<vmem>>
      %get3A_486 = arith.constant 0 : index
      %get3A_487 = tpu.vector_load %get3A_485[%get3A_486] {strides = array<i32>} : memref<128xi32, #tpu.memory_space<vmem>>, vector<16xi32>,
      %get3A_488 = vector.shape_cast %get3A_487 : vector<16xi32> to vector<16xi32>
      %swap3A_489 = arith.constant 0 : i32
      %swap3A_490 = arith.constant 0 : i32
      %swap3A_491 = tpu.memref_slice %arg19[%swap3A_489, %swap3A_490] : memref<2x128xi32, #tpu.memory_space<vmem>> -> memref<1x128xi32, #tpu.memory_space<vmem>>
      %swap3A_492 = tpu.memref_squeeze %swap3A_491 : memref<1x128xi32, #tpu.memory_space<vmem>> -> memref<128xi32, #tpu.memory_space<vmem>>
      %swap3A_493 = arith.constant 0 : index
      %swap3A_494 = tpu.vector_load %swap3A_492[%swap3A_493] {strides = array<i32>} : memref<128xi32, #tpu.memory_space<vmem>>, vector<16xi32>,
      %swap3A_495 = vector.shape_cast %swap3A_494 : vector<16xi32> to vector<16xi32>
      %swap3A_496 = vector.shape_cast %get3A_488 : vector<16xi32> to vector<16xi32>
      tpu.vector_store %swap3A_492[%swap3A_493], %swap3A_496 {strides = array<i32>} : memref<128xi32, #tpu.memory_space<vmem>>, vector<16xi32>,
      %get3A_497 = arith.constant 0 : i32
      %get3A_498 = arith.constant 0 : i32
      %get3A_499 = tpu.memref_slice %arg8[%get3A_497, %get3A_498] : memref<2x128xi32, #tpu.memory_space<vmem>> -> memref<1x128xi32, #tpu.memory_space<vmem>>
      %get3A_500 = tpu.memref_squeeze %get3A_499 : memref<1x128xi32, #tpu.memory_space<vmem>> -> memref<128xi32, #tpu.memory_space<vmem>>
      %get3A_501 = arith.constant 16 : index
      %get3A_502 = tpu.vector_load %get3A_500[%get3A_501] {strides = array<i32>} : memref<128xi32, #tpu.memory_space<vmem>>, vector<16xi32>,
      %get3A_503 = vector.shape_cast %get3A_502 : vector<16xi32> to vector<16xi32>
      %swap3A_504 = arith.constant 0 : i32
      %swap3A_505 = arith.constant 0 : i32
      %swap3A_506 = tpu.memref_slice %arg19[%swap3A_504, %swap3A_505] : memref<2x128xi32, #tpu.memory_space<vmem>> -> memref<1x128xi32, #tpu.memory_space<vmem>>
      %swap3A_507 = tpu.memref_squeeze %swap3A_506 : memref<1x128xi32, #tpu.memory_space<vmem>> -> memref<128xi32, #tpu.memory_space<vmem>>
      %swap3A_508 = arith.constant 16 : index
      %swap3A_509 = tpu.vector_load %swap3A_507[%swap3A_508] {strides = array<i32>} : memref<128xi32, #tpu.memory_space<vmem>>, vector<16xi32>,
      %swap3A_510 = vector.shape_cast %swap3A_509 : vector<16xi32> to vector<16xi32>
      %swap3A_511 = vector.shape_cast %get3A_503 : vector<16xi32> to vector<16xi32>
      tpu.vector_store %swap3A_507[%swap3A_508], %swap3A_511 {strides = array<i32>} : memref<128xi32, #tpu.memory_space<vmem>>, vector<16xi32>,
      %get3A_512 = arith.constant 0 : i32
      %get3A_513 = arith.constant 0 : i32
      %get3A_514 = tpu.memref_slice %arg8[%get3A_512, %get3A_513] : memref<2x128xi32, #tpu.memory_space<vmem>> -> memref<1x128xi32, #tpu.memory_space<vmem>>
      %get3A_515 = tpu.memref_squeeze %get3A_514 : memref<1x128xi32, #tpu.memory_space<vmem>> -> memref<128xi32, #tpu.memory_space<vmem>>
      %get3A_516 = arith.constant 32 : index
      %get3A_517 = tpu.vector_load %get3A_515[%get3A_516] {strides = array<i32>} : memref<128xi32, #tpu.memory_space<vmem>>, vector<16xi32>,
      %get3A_518 = vector.shape_cast %get3A_517 : vector<16xi32> to vector<16xi32>
      %swap3A_519 = arith.constant 0 : i32
      %swap3A_520 = arith.constant 0 : i32
      %swap3A_521 = tpu.memref_slice %arg19[%swap3A_519, %swap3A_520] : memref<2x128xi32, #tpu.memory_space<vmem>> -> memref<1x128xi32, #tpu.memory_space<vmem>>
      %swap3A_522 = tpu.memref_squeeze %swap3A_521 : memref<1x128xi32, #tpu.memory_space<vmem>> -> memref<128xi32, #tpu.memory_space<vmem>>
      %swap3A_523 = arith.constant 32 : index
      %swap3A_524 = tpu.vector_load %swap3A_522[%swap3A_523] {strides = array<i32>} : memref<128xi32, #tpu.memory_space<vmem>>, vector<16xi32>,
      %swap3A_525 = vector.shape_cast %swap3A_524 : vector<16xi32> to vector<16xi32>
      %swap3A_526 = vector.shape_cast %get3A_518 : vector<16xi32> to vector<16xi32>
      tpu.vector_store %swap3A_522[%swap3A_523], %swap3A_526 {strides = array<i32>} : memref<128xi32, #tpu.memory_space<vmem>>, vector<16xi32>,
      %get3A_527 = arith.constant 0 : i32
      %get3A_528 = arith.constant 0 : i32
      %get3A_529 = tpu.memref_slice %arg8[%get3A_527, %get3A_528] : memref<2x128xi32, #tpu.memory_space<vmem>> -> memref<1x128xi32, #tpu.memory_space<vmem>>
      %get3A_530 = tpu.memref_squeeze %get3A_529 : memref<1x128xi32, #tpu.memory_space<vmem>> -> memref<128xi32, #tpu.memory_space<vmem>>
      %get3A_531 = arith.constant 48 : index
      %get3A_532 = tpu.vector_load %get3A_530[%get3A_531] {strides = array<i32>} : memref<128xi32, #tpu.memory_space<vmem>>, vector<16xi32>,
      %get3A_533 = vector.shape_cast %get3A_532 : vector<16xi32> to vector<16xi32>
      %swap3A_534 = arith.constant 0 : i32
      %swap3A_535 = arith.constant 0 : i32
      %swap3A_536 = tpu.memref_slice %arg19[%swap3A_534, %swap3A_535] : memref<2x128xi32, #tpu.memory_space<vmem>> -> memref<1x128xi32, #tpu.memory_space<vmem>>
      %swap3A_537 = tpu.memref_squeeze %swap3A_536 : memref<1x128xi32, #tpu.memory_space<vmem>> -> memref<128xi32, #tpu.memory_space<vmem>>
      %swap3A_538 = arith.constant 48 : index
      %swap3A_539 = tpu.vector_load %swap3A_537[%swap3A_538] {strides = array<i32>} : memref<128xi32, #tpu.memory_space<vmem>>, vector<16xi32>,
      %swap3A_540 = vector.shape_cast %swap3A_539 : vector<16xi32> to vector<16xi32>
      %swap3A_541 = vector.shape_cast %get3A_533 : vector<16xi32> to vector<16xi32>
      tpu.vector_store %swap3A_537[%swap3A_538], %swap3A_541 {strides = array<i32>} : memref<128xi32, #tpu.memory_space<vmem>>, vector<16xi32>,
      %get3A_542 = arith.constant 0 : i32
      %get3A_543 = arith.constant 0 : i32
      %get3A_544 = tpu.memref_slice %arg8[%get3A_542, %get3A_543] : memref<2x128xi32, #tpu.memory_space<vmem>> -> memref<1x128xi32, #tpu.memory_space<vmem>>
      %get3A_545 = tpu.memref_squeeze %get3A_544 : memref<1x128xi32, #tpu.memory_space<vmem>> -> memref<128xi32, #tpu.memory_space<vmem>>
      %get3A_546 = arith.constant 64 : index
      %get3A_547 = tpu.vector_load %get3A_545[%get3A_546] {strides = array<i32>} : memref<128xi32, #tpu.memory_space<vmem>>, vector<16xi32>,
      %get3A_548 = vector.shape_cast %get3A_547 : vector<16xi32> to vector<16xi32>
      %swap3A_549 = arith.constant 0 : i32
      %swap3A_550 = arith.constant 0 : i32
      %swap3A_551 = tpu.memref_slice %arg19[%swap3A_549, %swap3A_550] : memref<2x128xi32, #tpu.memory_space<vmem>> -> memref<1x128xi32, #tpu.memory_space<vmem>>
      %swap3A_552 = tpu.memref_squeeze %swap3A_551 : memref<1x128xi32, #tpu.memory_space<vmem>> -> memref<128xi32, #tpu.memory_space<vmem>>
      %swap3A_553 = arith.constant 64 : index
      %swap3A_554 = tpu.vector_load %swap3A_552[%swap3A_553] {strides = array<i32>} : memref<128xi32, #tpu.memory_space<vmem>>, vector<16xi32>,
      %swap3A_555 = vector.shape_cast %swap3A_554 : vector<16xi32> to vector<16xi32>
      %swap3A_556 = vector.shape_cast %get3A_548 : vector<16xi32> to vector<16xi32>
      tpu.vector_store %swap3A_552[%swap3A_553], %swap3A_556 {strides = array<i32>} : memref<128xi32, #tpu.memory_space<vmem>>, vector<16xi32>,
      %get3A_557 = arith.constant 0 : i32
      %get3A_558 = arith.constant 0 : i32
      %get3A_559 = tpu.memref_slice %arg8[%get3A_557, %get3A_558] : memref<2x128xi32, #tpu.memory_space<vmem>> -> memref<1x128xi32, #tpu.memory_space<vmem>>
      %get3A_560 = tpu.memref_squeeze %get3A_559 : memref<1x128xi32, #tpu.memory_space<vmem>> -> memref<128xi32, #tpu.memory_space<vmem>>
      %get3A_561 = arith.constant 80 : index
      %get3A_562 = tpu.vector_load %get3A_560[%get3A_561] {strides = array<i32>} : memref<128xi32, #tpu.memory_space<vmem>>, vector<16xi32>,
      %get3A_563 = vector.shape_cast %get3A_562 : vector<16xi32> to vector<16xi32>
      %swap3A_564 = arith.constant 0 : i32
      %swap3A_565 = arith.constant 0 : i32
      %swap3A_566 = tpu.memref_slice %arg19[%swap3A_564, %swap3A_565] : memref<2x128xi32, #tpu.memory_space<vmem>> -> memref<1x128xi32, #tpu.memory_space<vmem>>
      %swap3A_567 = tpu.memref_squeeze %swap3A_566 : memref<1x128xi32, #tpu.memory_space<vmem>> -> memref<128xi32, #tpu.memory_space<vmem>>
      %swap3A_568 = arith.constant 80 : index
      %swap3A_569 = tpu.vector_load %swap3A_567[%swap3A_568] {strides = array<i32>} : memref<128xi32, #tpu.memory_space<vmem>>, vector<16xi32>,
      %swap3A_570 = vector.shape_cast %swap3A_569 : vector<16xi32> to vector<16xi32>
      %swap3A_571 = vector.shape_cast %get3A_563 : vector<16xi32> to vector<16xi32>
      tpu.vector_store %swap3A_567[%swap3A_568], %swap3A_571 {strides = array<i32>} : memref<128xi32, #tpu.memory_space<vmem>>, vector<16xi32>,
      %get3A_572 = arith.constant 0 : i32
      %get3A_573 = arith.constant 0 : i32
      %get3A_574 = tpu.memref_slice %arg8[%get3A_572, %get3A_573] : memref<2x128xi32, #tpu.memory_space<vmem>> -> memref<1x128xi32, #tpu.memory_space<vmem>>
      %get3A_575 = tpu.memref_squeeze %get3A_574 : memref<1x128xi32, #tpu.memory_space<vmem>> -> memref<128xi32, #tpu.memory_space<vmem>>
      %get3A_576 = arith.constant 96 : index
      %get3A_577 = tpu.vector_load %get3A_575[%get3A_576] {strides = array<i32>} : memref<128xi32, #tpu.memory_space<vmem>>, vector<16xi32>,
      %get3A_578 = vector.shape_cast %get3A_577 : vector<16xi32> to vector<16xi32>
      %swap3A_579 = arith.constant 0 : i32
      %swap3A_580 = arith.constant 0 : i32
      %swap3A_581 = tpu.memref_slice %arg19[%swap3A_579, %swap3A_580] : memref<2x128xi32, #tpu.memory_space<vmem>> -> memref<1x128xi32, #tpu.memory_space<vmem>>
      %swap3A_582 = tpu.memref_squeeze %swap3A_581 : memref<1x128xi32, #tpu.memory_space<vmem>> -> memref<128xi32, #tpu.memory_space<vmem>>
      %swap3A_583 = arith.constant 96 : index
      %swap3A_584 = tpu.vector_load %swap3A_582[%swap3A_583] {strides = array<i32>} : memref<128xi32, #tpu.memory_space<vmem>>, vector<16xi32>,
      %swap3A_585 = vector.shape_cast %swap3A_584 : vector<16xi32> to vector<16xi32>
      %swap3A_586 = vector.shape_cast %get3A_578 : vector<16xi32> to vector<16xi32>
      tpu.vector_store %swap3A_582[%swap3A_583], %swap3A_586 {strides = array<i32>} : memref<128xi32, #tpu.memory_space<vmem>>, vector<16xi32>,
      %get3A_587 = arith.constant 0 : i32
      %get3A_588 = arith.constant 0 : i32
      %get3A_589 = tpu.memref_slice %arg8[%get3A_587, %get3A_588] : memref<2x128xi32, #tpu.memory_space<vmem>> -> memref<1x128xi32, #tpu.memory_space<vmem>>
      %get3A_590 = tpu.memref_squeeze %get3A_589 : memref<1x128xi32, #tpu.memory_space<vmem>> -> memref<128xi32, #tpu.memory_space<vmem>>
      %get3A_591 = arith.constant 112 : index
      %get3A_592 = tpu.vector_load %get3A_590[%get3A_591] {strides = array<i32>} : memref<128xi32, #tpu.memory_space<vmem>>, vector<16xi32>,
      %get3A_593 = vector.shape_cast %get3A_592 : vector<16xi32> to vector<16xi32>
      %swap3A_594 = arith.constant 0 : i32
      %swap3A_595 = arith.constant 0 : i32
      %swap3A_596 = tpu.memref_slice %arg19[%swap3A_594, %swap3A_595] : memref<2x128xi32, #tpu.memory_space<vmem>> -> memref<1x128xi32, #tpu.memory_space<vmem>>
      %swap3A_597 = tpu.memref_squeeze %swap3A_596 : memref<1x128xi32, #tpu.memory_space<vmem>> -> memref<128xi32, #tpu.memory_space<vmem>>
      %swap3A_598 = arith.constant 112 : index
      %swap3A_599 = tpu.vector_load %swap3A_597[%swap3A_598] {strides = array<i32>} : memref<128xi32, #tpu.memory_space<vmem>>, vector<16xi32>,
      %swap3A_600 = vector.shape_cast %swap3A_599 : vector<16xi32> to vector<16xi32>
      %swap3A_601 = vector.shape_cast %get3A_593 : vector<16xi32> to vector<16xi32>
      tpu.vector_store %swap3A_597[%swap3A_598], %swap3A_601 {strides = array<i32>} : memref<128xi32, #tpu.memory_space<vmem>>, vector<16xi32>,
      %dma_start3A_602 = arith.constant 0 : i32
      %dma_start3A_603 = arith.constant 0 : i32
      %dma_start3A_604 = arith.constant 0 : i32
      %dma_start3A_605 = arith.constant 0 : i32
      %dma_start3A_606 = tpu.memref_slice %arg9[%dma_start3A_602, %dma_start3A_604, %dma_start3A_605] : memref<2x128x16xf32, #tpu.memory_space<vmem>> -> memref<1x128x16xf32, #tpu.memory_space<vmem>>
      %dma_start3A_607 = tpu.memref_squeeze %dma_start3A_606 : memref<1x128x16xf32, #tpu.memory_space<vmem>> -> memref<128x16xf32, #tpu.memory_space<vmem>>
      %dma_start3A_608 = arith.constant 0 : i32
      %dma_start3A_609 = tpu.memref_slice %arg19[%dma_start3A_603, %dma_start3A_608] : memref<2x128xi32, #tpu.memory_space<vmem>> -> memref<1x128xi32, #tpu.memory_space<vmem>>
      %dma_start3A_610 = tpu.memref_squeeze %dma_start3A_609 : memref<1x128xi32, #tpu.memory_space<vmem>> -> memref<128xi32, #tpu.memory_space<vmem>>
      %dma_start3A_611 = arith.constant 0 : i32
      %dma_start3A_612 = arith.constant 0 : i32
      %dma_start3A_613 = tpu.memref_slice %arg13[%dma_start3A_611, %dma_start3A_612] : memref<10000x16xf32, #tpu.memory_space<vmem_shared>> -> memref<10000x16xf32, #tpu.memory_space<vmem_shared>>
      tpu.enqueue_indirect_dma source(%dma_start3A_607 : memref<128x16xf32, #tpu.memory_space<vmem>>) target(%dma_start3A_613 : memref<10000x16xf32, #tpu.memory_space<vmem_shared>>) offsets(%dma_start3A_610 : memref<128xi32, #tpu.memory_space<vmem>>) semaphore(%arg24 : memref<!tpu.dma_semaphore, #tpu.memory_space<semaphore_mem>>) {add = true}
      %add3A_614 = arith.constant 2 : i32
      %add3A_615 = arith.addi %mul3A_440, %add3A_614 : i32
      %lt3A_616 = arith.constant 78 : i32
      %lt3A_617 = arith.cmpi slt, %add3A_615, %lt3A_616 : i32
      %convert_element_type3A_618 = arith.extui %lt3A_617 : i1 to i32
      %cond3A_619 = arith.constant 0 : i32
      %cond3A_620 = arith.cmpi ne, %convert_element_type3A_618, %cond3A_619 : i32
      scf.if %cond3A_620 {
        %add3A_804 = arith.constant 2 : i32
        %add3A_805 = arith.addi %mul3A_440, %add3A_804 : i32
        %mul3A_806 = arith.constant 10000 : i32
        %mul3A_807 = arith.muli %add3A, %mul3A_806 : i32
        %mul3A_808 = arith.constant 128 : i32
        %mul3A_809 = arith.muli %add3A_805, %mul3A_808 : i32
        %add3A_810 = arith.addi %mul3A_807, %mul3A_809 : i32
        %dma_start3A_811 = arith.constant 0 : i32
        %dma_start3A_812 = arith.constant 0 : i32
        %dma_start3A_813 = tpu.memref_slice %arg7[%dma_start3A_811, %dma_start3A_812] : memref<2x128xi32, #tpu.memory_space<vmem>> -> memref<1x128xi32, #tpu.memory_space<vmem>>
        %dma_start3A_814 = tpu.memref_squeeze %dma_start3A_813 : memref<1x128xi32, #tpu.memory_space<vmem>> -> memref<128xi32, #tpu.memory_space<vmem>>
        %dma_start3A_815 = tpu.memref_slice %arg2[%add3A_810] : memref<320000xi32, #tpu.memory_space<hbm>> -> memref<128xi32, #tpu.memory_space<hbm>>
        %dma_start3A_816 = arith.constant 0 : i32
        %dma_start3A_817 = tpu.memref_slice %arg7[%dma_start3A_811, %dma_start3A_816] : memref<2x128xi32, #tpu.memory_space<vmem>> -> memref<1x128xi32, #tpu.memory_space<vmem>>
        %dma_start3A_818 = tpu.memref_squeeze %dma_start3A_817 : memref<1x128xi32, #tpu.memory_space<vmem>> -> memref<128xi32, #tpu.memory_space<vmem>>
        %dma_start3A_819 = tpu.memref_slice %arg2[%add3A_810] : memref<320000xi32, #tpu.memory_space<hbm>> -> memref<128xi32, #tpu.memory_space<hbm>>
        tpu.enqueue_dma source(%dma_start3A_819 : memref<128xi32, #tpu.memory_space<hbm>>) target(%dma_start3A_818 : memref<128xi32, #tpu.memory_space<vmem>>) target_semaphore(%arg20 : memref<!tpu.dma_semaphore, #tpu.memory_space<semaphore_mem>>)
        %dma_start3A_820 = arith.constant 0 : i32
        %dma_start3A_821 = arith.constant 0 : i32
        %dma_start3A_822 = tpu.memref_slice %arg8[%dma_start3A_820, %dma_start3A_821] : memref<2x128xi32, #tpu.memory_space<vmem>> -> memref<1x128xi32, #tpu.memory_space<vmem>>
        %dma_start3A_823 = tpu.memref_squeeze %dma_start3A_822 : memref<1x128xi32, #tpu.memory_space<vmem>> -> memref<128xi32, #tpu.memory_space<vmem>>
        %dma_start3A_824 = tpu.memref_slice %arg3[%add3A_810] : memref<320000xi32, #tpu.memory_space<hbm>> -> memref<128xi32, #tpu.memory_space<hbm>>
        %dma_start3A_825 = arith.constant 0 : i32
        %dma_start3A_826 = tpu.memref_slice %arg8[%dma_start3A_820, %dma_start3A_825] : memref<2x128xi32, #tpu.memory_space<vmem>> -> memref<1x128xi32, #tpu.memory_space<vmem>>
        %dma_start3A_827 = tpu.memref_squeeze %dma_start3A_826 : memref<1x128xi32, #tpu.memory_space<vmem>> -> memref<128xi32, #tpu.memory_space<vmem>>
        %dma_start3A_828 = tpu.memref_slice %arg3[%add3A_810] : memref<320000xi32, #tpu.memory_space<hbm>> -> memref<128xi32, #tpu.memory_space<hbm>>
        tpu.enqueue_dma source(%dma_start3A_828 : memref<128xi32, #tpu.memory_space<hbm>>) target(%dma_start3A_827 : memref<128xi32, #tpu.memory_space<vmem>>) target_semaphore(%arg20 : memref<!tpu.dma_semaphore, #tpu.memory_space<semaphore_mem>>)
        %mul3A_829 = arith.constant 16 : i32
        %mul3A_830 = arith.muli %add3A_810, %mul3A_829 : i32
        %jit3A_831 = arith.constant 128 : i32
        %div3A_832 = arith.divsi %mul3A_830, %jit3A_831 : i32
        %sign3A_833 = arith.constant 0 : i32
        %sign3A_834 = arith.cmpi sgt, %mul3A_830, %sign3A_833 : i32
        %sign3A_835 = arith.extui %sign3A_834 : i1 to i32
        %sign3A_836 = arith.constant 0 : i32
        %sign3A_837 = arith.cmpi slt, %mul3A_830, %sign3A_836 : i32
        %sign3A_838 = arith.extui %sign3A_837 : i1 to i32
        %sign3A_839 = arith.subi %sign3A_835, %sign3A_838 : i32
        %sign3A_840 = arith.constant 0 : i32
        %sign3A_841 = arith.cmpi sgt, %jit3A_831, %sign3A_840 : i32
        %sign3A_842 = arith.extui %sign3A_841 : i1 to i32
        %sign3A_843 = arith.constant 0 : i32
        %sign3A_844 = arith.cmpi slt, %jit3A_831, %sign3A_843 : i32
        %sign3A_845 = arith.extui %sign3A_844 : i1 to i32
        %sign3A_846 = arith.subi %sign3A_842, %sign3A_845 : i32
        %ne3A_847 = arith.cmpi ne, %sign3A_839, %sign3A_846 : i32
        %rem3A_848 = arith.remsi %mul3A_830, %jit3A_831 : i32
        %ne3A_849 = arith.constant 0 : i32
        %ne3A_850 = arith.cmpi ne, %rem3A_848, %ne3A_849 : i32
        %and3A_851 = arith.andi %ne3A_847, %ne3A_850 : i1
        %sub3A_852 = arith.constant 1 : i32
        %sub3A_853 = arith.subi %div3A_832, %sub3A_852 : i32
        %select_n3A_854 = arith.select %and3A_851, %sub3A_853, %div3A_832 : i32
        %dma_start3A_855 = arith.constant 0 : i32
        %dma_start3A_856 = arith.constant 0 : i32
        %dma_start3A_857 = arith.constant 0 : i32
        %dma_start3A_858 = tpu.memref_slice %arg11[%dma_start3A_855, %dma_start3A_856, %dma_start3A_857] : memref<2x16x128xf32, #tpu.memory_space<vmem>> -> memref<1x16x128xf32, #tpu.memory_space<vmem>>
        %dma_start3A_859 = tpu.memref_squeeze %dma_start3A_858 : memref<1x16x128xf32, #tpu.memory_space<vmem>> -> memref<16x128xf32, #tpu.memory_space<vmem>>
        %dma_start3A_860 = arith.constant 0 : i32
        %dma_start3A_861 = tpu.memref_slice %arg5[%select_n3A_854, %dma_start3A_860] : memref<40000x128xf32, #tpu.memory_space<hbm>> -> memref<16x128xf32, #tpu.memory_space<hbm>>
        %dma_start3A_862 = arith.constant 0 : i32
        %dma_start3A_863 = arith.constant 0 : i32
        %dma_start3A_864 = tpu.memref_slice %arg11[%dma_start3A_855, %dma_start3A_862, %dma_start3A_863] : memref<2x16x128xf32, #tpu.memory_space<vmem>> -> memref<1x16x128xf32, #tpu.memory_space<vmem>>
        %dma_start3A_865 = tpu.memref_squeeze %dma_start3A_864 : memref<1x16x128xf32, #tpu.memory_space<vmem>> -> memref<16x128xf32, #tpu.memory_space<vmem>>
        %dma_start3A_866 = arith.constant 0 : i32
        %dma_start3A_867 = tpu.memref_slice %arg5[%select_n3A_854, %dma_start3A_866] : memref<40000x128xf32, #tpu.memory_space<hbm>> -> memref<16x128xf32, #tpu.memory_space<hbm>>
        tpu.enqueue_dma source(%dma_start3A_867 : memref<16x128xf32, #tpu.memory_space<hbm>>) target(%dma_start3A_865 : memref<16x128xf32, #tpu.memory_space<vmem>>) target_semaphore(%arg20 : memref<!tpu.dma_semaphore, #tpu.memory_space<semaphore_mem>>)
      } else {
      }
      %add3A_621 = arith.constant 1 : i32
      %add3A_622 = arith.addi %mul3A_440, %add3A_621 : i32
      %add3A_623 = arith.constant 1 : i32
      %add3A_624 = arith.addi %add3A_622, %add3A_623 : i32
      %lt3A_625 = arith.constant 78 : i32
      %lt3A_626 = arith.cmpi slt, %add3A_624, %lt3A_625 : i32
      %convert_element_type3A_627 = arith.extui %lt3A_626 : i1 to i32
      %cond3A_628 = arith.constant 0 : i32
      %cond3A_629 = arith.cmpi ne, %convert_element_type3A_627, %cond3A_628 : i32
      scf.if %cond3A_629 {
        %add3A_804 = arith.constant 1 : i32
        %add3A_805 = arith.addi %add3A_622, %add3A_804 : i32
        %mul3A_806 = arith.constant 10000 : i32
        %mul3A_807 = arith.muli %add3A, %mul3A_806 : i32
        %mul3A_808 = arith.constant 128 : i32
        %mul3A_809 = arith.muli %add3A_805, %mul3A_808 : i32
        %add3A_810 = arith.addi %mul3A_807, %mul3A_809 : i32
        %dma_wait3A_811 = arith.constant 0 : i32
        %dma_wait3A_812 = arith.constant 0 : i32
        %dma_wait3A_813 = tpu.memref_slice %arg7[%dma_wait3A_811, %dma_wait3A_812] : memref<2x128xi32, #tpu.memory_space<vmem>> -> memref<1x128xi32, #tpu.memory_space<vmem>>
        %dma_wait3A_814 = tpu.memref_squeeze %dma_wait3A_813 : memref<1x128xi32, #tpu.memory_space<vmem>> -> memref<128xi32, #tpu.memory_space<vmem>>
        %dma_wait3A_815 = tpu.memref_slice %arg2[%add3A_810] : memref<320000xi32, #tpu.memory_space<hbm>> -> memref<128xi32, #tpu.memory_space<hbm>>
        %dma_wait3A_816 = arith.constant 0 : i32
        %dma_wait3A_817 = tpu.memref_slice %arg7[%dma_wait3A_811, %dma_wait3A_816] : memref<2x128xi32, #tpu.memory_space<vmem>> -> memref<1x128xi32, #tpu.memory_space<vmem>>
        %dma_wait3A_818 = tpu.memref_squeeze %dma_wait3A_817 : memref<1x128xi32, #tpu.memory_space<vmem>> -> memref<128xi32, #tpu.memory_space<vmem>>
        %dma_wait3A_819 = tpu.memref_slice %arg2[%add3A_810] : memref<320000xi32, #tpu.memory_space<hbm>> -> memref<128xi32, #tpu.memory_space<hbm>>
        tpu.wait_dma2 semaphore(%arg20 : memref<!tpu.dma_semaphore, #tpu.memory_space<semaphore_mem>>) src(%dma_wait3A_819 : memref<128xi32, #tpu.memory_space<hbm>>) dst(%dma_wait3A_818 : memref<128xi32, #tpu.memory_space<vmem>>)
        %dma_wait3A_820 = arith.constant 0 : i32
        %dma_wait3A_821 = arith.constant 0 : i32
        %dma_wait3A_822 = tpu.memref_slice %arg8[%dma_wait3A_820, %dma_wait3A_821] : memref<2x128xi32, #tpu.memory_space<vmem>> -> memref<1x128xi32, #tpu.memory_space<vmem>>
        %dma_wait3A_823 = tpu.memref_squeeze %dma_wait3A_822 : memref<1x128xi32, #tpu.memory_space<vmem>> -> memref<128xi32, #tpu.memory_space<vmem>>
        %dma_wait3A_824 = tpu.memref_slice %arg3[%add3A_810] : memref<320000xi32, #tpu.memory_space<hbm>> -> memref<128xi32, #tpu.memory_space<hbm>>
        %dma_wait3A_825 = arith.constant 0 : i32
        %dma_wait3A_826 = tpu.memref_slice %arg8[%dma_wait3A_820, %dma_wait3A_825] : memref<2x128xi32, #tpu.memory_space<vmem>> -> memref<1x128xi32, #tpu.memory_space<vmem>>
        %dma_wait3A_827 = tpu.memref_squeeze %dma_wait3A_826 : memref<1x128xi32, #tpu.memory_space<vmem>> -> memref<128xi32, #tpu.memory_space<vmem>>
        %dma_wait3A_828 = tpu.memref_slice %arg3[%add3A_810] : memref<320000xi32, #tpu.memory_space<hbm>> -> memref<128xi32, #tpu.memory_space<hbm>>
        tpu.wait_dma2 semaphore(%arg20 : memref<!tpu.dma_semaphore, #tpu.memory_space<semaphore_mem>>) src(%dma_wait3A_828 : memref<128xi32, #tpu.memory_space<hbm>>) dst(%dma_wait3A_827 : memref<128xi32, #tpu.memory_space<vmem>>)
        %mul3A_829 = arith.constant 16 : i32
        %mul3A_830 = arith.muli %add3A_810, %mul3A_829 : i32
        %jit3A_831 = arith.constant 128 : i32
        %div3A_832 = arith.divsi %mul3A_830, %jit3A_831 : i32
        %sign3A_833 = arith.constant 0 : i32
        %sign3A_834 = arith.cmpi sgt, %mul3A_830, %sign3A_833 : i32
        %sign3A_835 = arith.extui %sign3A_834 : i1 to i32
        %sign3A_836 = arith.constant 0 : i32
        %sign3A_837 = arith.cmpi slt, %mul3A_830, %sign3A_836 : i32
        %sign3A_838 = arith.extui %sign3A_837 : i1 to i32
        %sign3A_839 = arith.subi %sign3A_835, %sign3A_838 : i32
        %sign3A_840 = arith.constant 0 : i32
        %sign3A_841 = arith.cmpi sgt, %jit3A_831, %sign3A_840 : i32
        %sign3A_842 = arith.extui %sign3A_841 : i1 to i32
        %sign3A_843 = arith.constant 0 : i32
        %sign3A_844 = arith.cmpi slt, %jit3A_831, %sign3A_843 : i32
        %sign3A_845 = arith.extui %sign3A_844 : i1 to i32
        %sign3A_846 = arith.subi %sign3A_842, %sign3A_845 : i32
        %ne3A_847 = arith.cmpi ne, %sign3A_839, %sign3A_846 : i32
        %rem3A_848 = arith.remsi %mul3A_830, %jit3A_831 : i32
        %ne3A_849 = arith.constant 0 : i32
        %ne3A_850 = arith.cmpi ne, %rem3A_848, %ne3A_849 : i32
        %and3A_851 = arith.andi %ne3A_847, %ne3A_850 : i1
        %sub3A_852 = arith.constant 1 : i32
        %sub3A_853 = arith.subi %div3A_832, %sub3A_852 : i32
        %select_n3A_854 = arith.select %and3A_851, %sub3A_853, %div3A_832 : i32
        %dma_wait3A_855 = arith.constant 0 : i32
        %dma_wait3A_856 = arith.constant 0 : i32
        %dma_wait3A_857 = arith.constant 0 : i32
        %dma_wait3A_858 = tpu.memref_slice %arg11[%dma_wait3A_855, %dma_wait3A_856, %dma_wait3A_857] : memref<2x16x128xf32, #tpu.memory_space<vmem>> -> memref<1x16x128xf32, #tpu.memory_space<vmem>>
        %dma_wait3A_859 = tpu.memref_squeeze %dma_wait3A_858 : memref<1x16x128xf32, #tpu.memory_space<vmem>> -> memref<16x128xf32, #tpu.memory_space<vmem>>
        %dma_wait3A_860 = arith.constant 0 : i32
        %dma_wait3A_861 = tpu.memref_slice %arg5[%select_n3A_854, %dma_wait3A_860] : memref<40000x128xf32, #tpu.memory_space<hbm>> -> memref<16x128xf32, #tpu.memory_space<hbm>>
        %dma_wait3A_862 = arith.constant 0 : i32
        %dma_wait3A_863 = arith.constant 0 : i32
        %dma_wait3A_864 = tpu.memref_slice %arg11[%dma_wait3A_855, %dma_wait3A_862, %dma_wait3A_863] : memref<2x16x128xf32, #tpu.memory_space<vmem>> -> memref<1x16x128xf32, #tpu.memory_space<vmem>>
        %dma_wait3A_865 = tpu.memref_squeeze %dma_wait3A_864 : memref<1x16x128xf32, #tpu.memory_space<vmem>> -> memref<16x128xf32, #tpu.memory_space<vmem>>
        %dma_wait3A_866 = arith.constant 0 : i32
        %dma_wait3A_867 = tpu.memref_slice %arg5[%select_n3A_854, %dma_wait3A_866] : memref<40000x128xf32, #tpu.memory_space<hbm>> -> memref<16x128xf32, #tpu.memory_space<hbm>>
        tpu.wait_dma2 semaphore(%arg20 : memref<!tpu.dma_semaphore, #tpu.memory_space<semaphore_mem>>) src(%dma_wait3A_867 : memref<16x128xf32, #tpu.memory_space<hbm>>) dst(%dma_wait3A_865 : memref<16x128xf32, #tpu.memory_space<vmem>>)
        %get3A_868 = arith.constant 0 : i32
        %get3A_869 = arith.constant 0 : i32
        %get3A_870 = tpu.memref_slice %arg7[%get3A_868, %get3A_869] : memref<2x128xi32, #tpu.memory_space<vmem>> -> memref<1x128xi32, #tpu.memory_space<vmem>>
        %get3A_871 = tpu.memref_squeeze %get3A_870 : memref<1x128xi32, #tpu.memory_space<vmem>> -> memref<128xi32, #tpu.memory_space<vmem>>
        %get3A_872 = arith.constant 0 : index
        %get3A_873 = tpu.vector_load %get3A_871[%get3A_872] {strides = array<i32>} : memref<128xi32, #tpu.memory_space<vmem>>, vector<16xi32>,
        %get3A_874 = vector.shape_cast %get3A_873 : vector<16xi32> to vector<16xi32>
        %add3A_875 = arith.constant 10000 : i32
        %add3A_876 = vector.broadcast %add3A_875 : i32 to vector<16xi32>
        %add3A_877 = arith.addi %get3A_874, %add3A_876 : vector<16xi32>
        %swap3A_878 = arith.constant 0 : i32
        %swap3A_879 = arith.constant 0 : i32
        %swap3A_880 = tpu.memref_slice %arg7[%swap3A_878, %swap3A_879] : memref<2x128xi32, #tpu.memory_space<vmem>> -> memref<1x128xi32, #tpu.memory_space<vmem>>
        %swap3A_881 = tpu.memref_squeeze %swap3A_880 : memref<1x128xi32, #tpu.memory_space<vmem>> -> memref<128xi32, #tpu.memory_space<vmem>>
        %swap3A_882 = arith.constant 0 : index
        %swap3A_883 = tpu.vector_load %swap3A_881[%swap3A_882] {strides = array<i32>} : memref<128xi32, #tpu.memory_space<vmem>>, vector<16xi32>,
        %swap3A_884 = vector.shape_cast %swap3A_883 : vector<16xi32> to vector<16xi32>
        %swap3A_885 = vector.shape_cast %add3A_877 : vector<16xi32> to vector<16xi32>
        tpu.vector_store %swap3A_881[%swap3A_882], %swap3A_885 {strides = array<i32>} : memref<128xi32, #tpu.memory_space<vmem>>, vector<16xi32>,
        %get3A_886 = arith.constant 0 : i32
        %get3A_887 = arith.constant 0 : i32
        %get3A_888 = tpu.memref_slice %arg7[%get3A_886, %get3A_887] : memref<2x128xi32, #tpu.memory_space<vmem>> -> memref<1x128xi32, #tpu.memory_space<vmem>>
        %get3A_889 = tpu.memref_squeeze %get3A_888 : memref<1x128xi32, #tpu.memory_space<vmem>> -> memref<128xi32, #tpu.memory_space<vmem>>
        %get3A_890 = arith.constant 16 : index
        %get3A_891 = tpu.vector_load %get3A_889[%get3A_890] {strides = array<i32>} : memref<128xi32, #tpu.memory_space<vmem>>, vector<16xi32>,
        %get3A_892 = vector.shape_cast %get3A_891 : vector<16xi32> to vector<16xi32>
        %add3A_893 = arith.constant 10000 : i32
        %add3A_894 = vector.broadcast %add3A_893 : i32 to vector<16xi32>
        %add3A_895 = arith.addi %get3A_892, %add3A_894 : vector<16xi32>
        %swap3A_896 = arith.constant 0 : i32
        %swap3A_897 = arith.constant 0 : i32
        %swap3A_898 = tpu.memref_slice %arg7[%swap3A_896, %swap3A_897] : memref<2x128xi32, #tpu.memory_space<vmem>> -> memref<1x128xi32, #tpu.memory_space<vmem>>
        %swap3A_899 = tpu.memref_squeeze %swap3A_898 : memref<1x128xi32, #tpu.memory_space<vmem>> -> memref<128xi32, #tpu.memory_space<vmem>>
        %swap3A_900 = arith.constant 16 : index
        %swap3A_901 = tpu.vector_load %swap3A_899[%swap3A_900] {strides = array<i32>} : memref<128xi32, #tpu.memory_space<vmem>>, vector<16xi32>,
        %swap3A_902 = vector.shape_cast %swap3A_901 : vector<16xi32> to vector<16xi32>
        %swap3A_903 = vector.shape_cast %add3A_895 : vector<16xi32> to vector<16xi32>
        tpu.vector_store %swap3A_899[%swap3A_900], %swap3A_903 {strides = array<i32>} : memref<128xi32, #tpu.memory_space<vmem>>, vector<16xi32>,
        %get3A_904 = arith.constant 0 : i32
        %get3A_905 = arith.constant 0 : i32
        %get3A_906 = tpu.memref_slice %arg7[%get3A_904, %get3A_905] : memref<2x128xi32, #tpu.memory_space<vmem>> -> memref<1x128xi32, #tpu.memory_space<vmem>>
        %get3A_907 = tpu.memref_squeeze %get3A_906 : memref<1x128xi32, #tpu.memory_space<vmem>> -> memref<128xi32, #tpu.memory_space<vmem>>
        %get3A_908 = arith.constant 32 : index
        %get3A_909 = tpu.vector_load %get3A_907[%get3A_908] {strides = array<i32>} : memref<128xi32, #tpu.memory_space<vmem>>, vector<16xi32>,
        %get3A_910 = vector.shape_cast %get3A_909 : vector<16xi32> to vector<16xi32>
        %add3A_911 = arith.constant 10000 : i32
        %add3A_912 = vector.broadcast %add3A_911 : i32 to vector<16xi32>
        %add3A_913 = arith.addi %get3A_910, %add3A_912 : vector<16xi32>
        %swap3A_914 = arith.constant 0 : i32
        %swap3A_915 = arith.constant 0 : i32
        %swap3A_916 = tpu.memref_slice %arg7[%swap3A_914, %swap3A_915] : memref<2x128xi32, #tpu.memory_space<vmem>> -> memref<1x128xi32, #tpu.memory_space<vmem>>
        %swap3A_917 = tpu.memref_squeeze %swap3A_916 : memref<1x128xi32, #tpu.memory_space<vmem>> -> memref<128xi32, #tpu.memory_space<vmem>>
        %swap3A_918 = arith.constant 32 : index
        %swap3A_919 = tpu.vector_load %swap3A_917[%swap3A_918] {strides = array<i32>} : memref<128xi32, #tpu.memory_space<vmem>>, vector<16xi32>,
        %swap3A_920 = vector.shape_cast %swap3A_919 : vector<16xi32> to vector<16xi32>
        %swap3A_921 = vector.shape_cast %add3A_913 : vector<16xi32> to vector<16xi32>
        tpu.vector_store %swap3A_917[%swap3A_918], %swap3A_921 {strides = array<i32>} : memref<128xi32, #tpu.memory_space<vmem>>, vector<16xi32>,
        %get3A_922 = arith.constant 0 : i32
        %get3A_923 = arith.constant 0 : i32
        %get3A_924 = tpu.memref_slice %arg7[%get3A_922, %get3A_923] : memref<2x128xi32, #tpu.memory_space<vmem>> -> memref<1x128xi32, #tpu.memory_space<vmem>>
        %get3A_925 = tpu.memref_squeeze %get3A_924 : memref<1x128xi32, #tpu.memory_space<vmem>> -> memref<128xi32, #tpu.memory_space<vmem>>
        %get3A_926 = arith.constant 48 : index
        %get3A_927 = tpu.vector_load %get3A_925[%get3A_926] {strides = array<i32>} : memref<128xi32, #tpu.memory_space<vmem>>, vector<16xi32>,
        %get3A_928 = vector.shape_cast %get3A_927 : vector<16xi32> to vector<16xi32>
        %add3A_929 = arith.constant 10000 : i32
        %add3A_930 = vector.broadcast %add3A_929 : i32 to vector<16xi32>
        %add3A_931 = arith.addi %get3A_928, %add3A_930 : vector<16xi32>
        %swap3A_932 = arith.constant 0 : i32
        %swap3A_933 = arith.constant 0 : i32
        %swap3A_934 = tpu.memref_slice %arg7[%swap3A_932, %swap3A_933] : memref<2x128xi32, #tpu.memory_space<vmem>> -> memref<1x128xi32, #tpu.memory_space<vmem>>
        %swap3A_935 = tpu.memref_squeeze %swap3A_934 : memref<1x128xi32, #tpu.memory_space<vmem>> -> memref<128xi32, #tpu.memory_space<vmem>>
        %swap3A_936 = arith.constant 48 : index
        %swap3A_937 = tpu.vector_load %swap3A_935[%swap3A_936] {strides = array<i32>} : memref<128xi32, #tpu.memory_space<vmem>>, vector<16xi32>,
        %swap3A_938 = vector.shape_cast %swap3A_937 : vector<16xi32> to vector<16xi32>
        %swap3A_939 = vector.shape_cast %add3A_931 : vector<16xi32> to vector<16xi32>
        tpu.vector_store %swap3A_935[%swap3A_936], %swap3A_939 {strides = array<i32>} : memref<128xi32, #tpu.memory_space<vmem>>, vector<16xi32>,
        %get3A_940 = arith.constant 0 : i32
        %get3A_941 = arith.constant 0 : i32
        %get3A_942 = tpu.memref_slice %arg7[%get3A_940, %get3A_941] : memref<2x128xi32, #tpu.memory_space<vmem>> -> memref<1x128xi32, #tpu.memory_space<vmem>>
        %get3A_943 = tpu.memref_squeeze %get3A_942 : memref<1x128xi32, #tpu.memory_space<vmem>> -> memref<128xi32, #tpu.memory_space<vmem>>
        %get3A_944 = arith.constant 64 : index
        %get3A_945 = tpu.vector_load %get3A_943[%get3A_944] {strides = array<i32>} : memref<128xi32, #tpu.memory_space<vmem>>, vector<16xi32>,
        %get3A_946 = vector.shape_cast %get3A_945 : vector<16xi32> to vector<16xi32>
        %add3A_947 = arith.constant 10000 : i32
        %add3A_948 = vector.broadcast %add3A_947 : i32 to vector<16xi32>
        %add3A_949 = arith.addi %get3A_946, %add3A_948 : vector<16xi32>
        %swap3A_950 = arith.constant 0 : i32
        %swap3A_951 = arith.constant 0 : i32
        %swap3A_952 = tpu.memref_slice %arg7[%swap3A_950, %swap3A_951] : memref<2x128xi32, #tpu.memory_space<vmem>> -> memref<1x128xi32, #tpu.memory_space<vmem>>
        %swap3A_953 = tpu.memref_squeeze %swap3A_952 : memref<1x128xi32, #tpu.memory_space<vmem>> -> memref<128xi32, #tpu.memory_space<vmem>>
        %swap3A_954 = arith.constant 64 : index
        %swap3A_955 = tpu.vector_load %swap3A_953[%swap3A_954] {strides = array<i32>} : memref<128xi32, #tpu.memory_space<vmem>>, vector<16xi32>,
        %swap3A_956 = vector.shape_cast %swap3A_955 : vector<16xi32> to vector<16xi32>
        %swap3A_957 = vector.shape_cast %add3A_949 : vector<16xi32> to vector<16xi32>
        tpu.vector_store %swap3A_953[%swap3A_954], %swap3A_957 {strides = array<i32>} : memref<128xi32, #tpu.memory_space<vmem>>, vector<16xi32>,
        %get3A_958 = arith.constant 0 : i32
        %get3A_959 = arith.constant 0 : i32
        %get3A_960 = tpu.memref_slice %arg7[%get3A_958, %get3A_959] : memref<2x128xi32, #tpu.memory_space<vmem>> -> memref<1x128xi32, #tpu.memory_space<vmem>>
        %get3A_961 = tpu.memref_squeeze %get3A_960 : memref<1x128xi32, #tpu.memory_space<vmem>> -> memref<128xi32, #tpu.memory_space<vmem>>
        %get3A_962 = arith.constant 80 : index
        %get3A_963 = tpu.vector_load %get3A_961[%get3A_962] {strides = array<i32>} : memref<128xi32, #tpu.memory_space<vmem>>, vector<16xi32>,
        %get3A_964 = vector.shape_cast %get3A_963 : vector<16xi32> to vector<16xi32>
        %add3A_965 = arith.constant 10000 : i32
        %add3A_966 = vector.broadcast %add3A_965 : i32 to vector<16xi32>
        %add3A_967 = arith.addi %get3A_964, %add3A_966 : vector<16xi32>
        %swap3A_968 = arith.constant 0 : i32
        %swap3A_969 = arith.constant 0 : i32
        %swap3A_970 = tpu.memref_slice %arg7[%swap3A_968, %swap3A_969] : memref<2x128xi32, #tpu.memory_space<vmem>> -> memref<1x128xi32, #tpu.memory_space<vmem>>
        %swap3A_971 = tpu.memref_squeeze %swap3A_970 : memref<1x128xi32, #tpu.memory_space<vmem>> -> memref<128xi32, #tpu.memory_space<vmem>>
        %swap3A_972 = arith.constant 80 : index
        %swap3A_973 = tpu.vector_load %swap3A_971[%swap3A_972] {strides = array<i32>} : memref<128xi32, #tpu.memory_space<vmem>>, vector<16xi32>,
        %swap3A_974 = vector.shape_cast %swap3A_973 : vector<16xi32> to vector<16xi32>
        %swap3A_975 = vector.shape_cast %add3A_967 : vector<16xi32> to vector<16xi32>
        tpu.vector_store %swap3A_971[%swap3A_972], %swap3A_975 {strides = array<i32>} : memref<128xi32, #tpu.memory_space<vmem>>, vector<16xi32>,
        %get3A_976 = arith.constant 0 : i32
        %get3A_977 = arith.constant 0 : i32
        %get3A_978 = tpu.memref_slice %arg7[%get3A_976, %get3A_977] : memref<2x128xi32, #tpu.memory_space<vmem>> -> memref<1x128xi32, #tpu.memory_space<vmem>>
        %get3A_979 = tpu.memref_squeeze %get3A_978 : memref<1x128xi32, #tpu.memory_space<vmem>> -> memref<128xi32, #tpu.memory_space<vmem>>
        %get3A_980 = arith.constant 96 : index
        %get3A_981 = tpu.vector_load %get3A_979[%get3A_980] {strides = array<i32>} : memref<128xi32, #tpu.memory_space<vmem>>, vector<16xi32>,
        %get3A_982 = vector.shape_cast %get3A_981 : vector<16xi32> to vector<16xi32>
        %add3A_983 = arith.constant 10000 : i32
        %add3A_984 = vector.broadcast %add3A_983 : i32 to vector<16xi32>
        %add3A_985 = arith.addi %get3A_982, %add3A_984 : vector<16xi32>
        %swap3A_986 = arith.constant 0 : i32
        %swap3A_987 = arith.constant 0 : i32
        %swap3A_988 = tpu.memref_slice %arg7[%swap3A_986, %swap3A_987] : memref<2x128xi32, #tpu.memory_space<vmem>> -> memref<1x128xi32, #tpu.memory_space<vmem>>
        %swap3A_989 = tpu.memref_squeeze %swap3A_988 : memref<1x128xi32, #tpu.memory_space<vmem>> -> memref<128xi32, #tpu.memory_space<vmem>>
        %swap3A_990 = arith.constant 96 : index
        %swap3A_991 = tpu.vector_load %swap3A_989[%swap3A_990] {strides = array<i32>} : memref<128xi32, #tpu.memory_space<vmem>>, vector<16xi32>,
        %swap3A_992 = vector.shape_cast %swap3A_991 : vector<16xi32> to vector<16xi32>
        %swap3A_993 = vector.shape_cast %add3A_985 : vector<16xi32> to vector<16xi32>
        tpu.vector_store %swap3A_989[%swap3A_990], %swap3A_993 {strides = array<i32>} : memref<128xi32, #tpu.memory_space<vmem>>, vector<16xi32>,
        %get3A_994 = arith.constant 0 : i32
        %get3A_995 = arith.constant 0 : i32
        %get3A_996 = tpu.memref_slice %arg7[%get3A_994, %get3A_995] : memref<2x128xi32, #tpu.memory_space<vmem>> -> memref<1x128xi32, #tpu.memory_space<vmem>>
        %get3A_997 = tpu.memref_squeeze %get3A_996 : memref<1x128xi32, #tpu.memory_space<vmem>> -> memref<128xi32, #tpu.memory_space<vmem>>
        %get3A_998 = arith.constant 112 : index
        %get3A_999 = tpu.vector_load %get3A_997[%get3A_998] {strides = array<i32>} : memref<128xi32, #tpu.memory_space<vmem>>, vector<16xi32>,
        %get3A_1000 = vector.shape_cast %get3A_999 : vector<16xi32> to vector<16xi32>
        %add3A_1001 = arith.constant 10000 : i32
        %add3A_1002 = vector.broadcast %add3A_1001 : i32 to vector<16xi32>
        %add3A_1003 = arith.addi %get3A_1000, %add3A_1002 : vector<16xi32>
        %swap3A_1004 = arith.constant 0 : i32
        %swap3A_1005 = arith.constant 0 : i32
        %swap3A_1006 = tpu.memref_slice %arg7[%swap3A_1004, %swap3A_1005] : memref<2x128xi32, #tpu.memory_space<vmem>> -> memref<1x128xi32, #tpu.memory_space<vmem>>
        %swap3A_1007 = tpu.memref_squeeze %swap3A_1006 : memref<1x128xi32, #tpu.memory_space<vmem>> -> memref<128xi32, #tpu.memory_space<vmem>>
        %swap3A_1008 = arith.constant 112 : index
        %swap3A_1009 = tpu.vector_load %swap3A_1007[%swap3A_1008] {strides = array<i32>} : memref<128xi32, #tpu.memory_space<vmem>>, vector<16xi32>,
        %swap3A_1010 = vector.shape_cast %swap3A_1009 : vector<16xi32> to vector<16xi32>
        %swap3A_1011 = vector.shape_cast %add3A_1003 : vector<16xi32> to vector<16xi32>
        tpu.vector_store %swap3A_1007[%swap3A_1008], %swap3A_1011 {strides = array<i32>} : memref<128xi32, #tpu.memory_space<vmem>>, vector<16xi32>,
        %ge3A = arith.constant 1 : i32
        %ge3A_1012 = arith.cmpi sge, %add3A_622, %ge3A : i32
        %convert_element_type3A_1013 = arith.extui %ge3A_1012 : i1 to i32
        %cond3A_1014 = arith.constant 0 : i32
        %cond3A_1015 = arith.cmpi ne, %convert_element_type3A_1013, %cond3A_1014 : i32
        scf.if %cond3A_1015 {
          %dma_wait3A_1040 = arith.constant 0 : i32
          %dma_wait3A_1041 = arith.constant 0 : i32
          %dma_wait3A_1042 = arith.constant 0 : i32
          %dma_wait3A_1043 = arith.constant 0 : i32
          %dma_wait3A_1044 = tpu.memref_slice %arg9[%dma_wait3A_1040, %dma_wait3A_1042, %dma_wait3A_1043] : memref<2x128x16xf32, #tpu.memory_space<vmem>> -> memref<1x128x16xf32, #tpu.memory_space<vmem>>
          %dma_wait3A_1045 = tpu.memref_squeeze %dma_wait3A_1044 : memref<1x128x16xf32, #tpu.memory_space<vmem>> -> memref<128x16xf32, #tpu.memory_space<vmem>>
          %dma_wait3A_1046 = arith.constant 0 : i32
          %dma_wait3A_1047 = tpu.memref_slice %arg19[%dma_wait3A_1041, %dma_wait3A_1046] : memref<2x128xi32, #tpu.memory_space<vmem>> -> memref<1x128xi32, #tpu.memory_space<vmem>>
          %dma_wait3A_1048 = tpu.memref_squeeze %dma_wait3A_1047 : memref<1x128xi32, #tpu.memory_space<vmem>> -> memref<128xi32, #tpu.memory_space<vmem>>
          %dma_wait3A_1049 = arith.constant 0 : i32
          %dma_wait3A_1050 = arith.constant 0 : i32
          %dma_wait3A_1051 = tpu.memref_slice %arg13[%dma_wait3A_1049, %dma_wait3A_1050] : memref<10000x16xf32, #tpu.memory_space<vmem_shared>> -> memref<10000x16xf32, #tpu.memory_space<vmem_shared>>
          tpu.wait_indirect_dma semaphore(%arg24 : memref<!tpu.dma_semaphore, #tpu.memory_space<semaphore_mem>>) src(%dma_wait3A_1045 : memref<128x16xf32, #tpu.memory_space<vmem>>) dst(%dma_wait3A_1051 : memref<10000x16xf32, #tpu.memory_space<vmem_shared>>)
        } else {
        }
        %dma_start3A_1016 = arith.constant 0 : i32
        %dma_start3A_1017 = arith.constant 0 : i32
        %dma_start3A_1018 = arith.constant 0 : i32
        %dma_start3A_1019 = arith.constant 0 : i32
        %dma_start3A_1020 = tpu.memref_slice %arg9[%dma_start3A_1017, %dma_start3A_1018, %dma_start3A_1019] : memref<2x128x16xf32, #tpu.memory_space<vmem>> -> memref<1x128x16xf32, #tpu.memory_space<vmem>>
        %dma_start3A_1021 = tpu.memref_squeeze %dma_start3A_1020 : memref<1x128x16xf32, #tpu.memory_space<vmem>> -> memref<128x16xf32, #tpu.memory_space<vmem>>
        %dma_start3A_1022 = arith.constant 0 : i32
        %dma_start3A_1023 = tpu.memref_slice %arg7[%dma_start3A_1016, %dma_start3A_1022] : memref<2x128xi32, #tpu.memory_space<vmem>> -> memref<1x128xi32, #tpu.memory_space<vmem>>
        %dma_start3A_1024 = tpu.memref_squeeze %dma_start3A_1023 : memref<1x128xi32, #tpu.memory_space<vmem>> -> memref<128xi32, #tpu.memory_space<vmem>>
        %dma_start3A_1025 = arith.constant 0 : i32
        %dma_start3A_1026 = arith.constant 0 : i32
        %dma_start3A_1027 = tpu.memref_slice %arg4[%dma_start3A_1025, %dma_start3A_1026] : memref<20000x16xf32, #tpu.memory_space<hbm>> -> memref<20000x16xf32, #tpu.memory_space<hbm>>
        tpu.enqueue_indirect_dma source(%dma_start3A_1027 : memref<20000x16xf32, #tpu.memory_space<hbm>>) target(%dma_start3A_1021 : memref<128x16xf32, #tpu.memory_space<vmem>>) offsets(%dma_start3A_1024 : memref<128xi32, #tpu.memory_space<vmem>>) semaphore(%arg22 : memref<!tpu.dma_semaphore, #tpu.memory_space<semaphore_mem>>)
        %dma_start3A_1028 = arith.constant 0 : i32
        %dma_start3A_1029 = arith.constant 0 : i32
        %dma_start3A_1030 = arith.constant 0 : i32
        %dma_start3A_1031 = arith.constant 0 : i32
        %dma_start3A_1032 = tpu.memref_slice %arg10[%dma_start3A_1029, %dma_start3A_1030, %dma_start3A_1031] : memref<2x128x16xf32, #tpu.memory_space<vmem>> -> memref<1x128x16xf32, #tpu.memory_space<vmem>>
        %dma_start3A_1033 = tpu.memref_squeeze %dma_start3A_1032 : memref<1x128x16xf32, #tpu.memory_space<vmem>> -> memref<128x16xf32, #tpu.memory_space<vmem>>
        %dma_start3A_1034 = arith.constant 0 : i32
        %dma_start3A_1035 = tpu.memref_slice %arg8[%dma_start3A_1028, %dma_start3A_1034] : memref<2x128xi32, #tpu.memory_space<vmem>> -> memref<1x128xi32, #tpu.memory_space<vmem>>
        %dma_start3A_1036 = tpu.memref_squeeze %dma_start3A_1035 : memref<1x128xi32, #tpu.memory_space<vmem>> -> memref<128xi32, #tpu.memory_space<vmem>>
        %dma_start3A_1037 = arith.constant 0 : i32
        %dma_start3A_1038 = arith.constant 0 : i32
        %dma_start3A_1039 = tpu.memref_slice %arg4[%dma_start3A_1037, %dma_start3A_1038] : memref<20000x16xf32, #tpu.memory_space<hbm>> -> memref<20000x16xf32, #tpu.memory_space<hbm>>
        tpu.enqueue_indirect_dma source(%dma_start3A_1039 : memref<20000x16xf32, #tpu.memory_space<hbm>>) target(%dma_start3A_1033 : memref<128x16xf32, #tpu.memory_space<vmem>>) offsets(%dma_start3A_1036 : memref<128xi32, #tpu.memory_space<vmem>>) semaphore(%arg22 : memref<!tpu.dma_semaphore, #tpu.memory_space<semaphore_mem>>)
      } else {
      }
      %dma_wait3A_630 = arith.constant 1 : i32
      %dma_wait3A_631 = arith.constant 1 : i32
      %dma_wait3A_632 = arith.constant 0 : i32
      %dma_wait3A_633 = arith.constant 0 : i32
      %dma_wait3A_634 = tpu.memref_slice %arg9[%dma_wait3A_631, %dma_wait3A_632, %dma_wait3A_633] : memref<2x128x16xf32, #tpu.memory_space<vmem>> -> memref<1x128x16xf32, #tpu.memory_space<vmem>>
      %dma_wait3A_635 = tpu.memref_squeeze %dma_wait3A_634 : memref<1x128x16xf32, #tpu.memory_space<vmem>> -> memref<128x16xf32, #tpu.memory_space<vmem>>
      %dma_wait3A_636 = arith.constant 0 : i32
      %dma_wait3A_637 = tpu.memref_slice %arg7[%dma_wait3A_630, %dma_wait3A_636] : memref<2x128xi32, #tpu.memory_space<vmem>> -> memref<1x128xi32, #tpu.memory_space<vmem>>
      %dma_wait3A_638 = tpu.memref_squeeze %dma_wait3A_637 : memref<1x128xi32, #tpu.memory_space<vmem>> -> memref<128xi32, #tpu.memory_space<vmem>>
      %dma_wait3A_639 = arith.constant 0 : i32
      %dma_wait3A_640 = arith.constant 0 : i32
      %dma_wait3A_641 = tpu.memref_slice %arg4[%dma_wait3A_639, %dma_wait3A_640] : memref<20000x16xf32, #tpu.memory_space<hbm>> -> memref<20000x16xf32, #tpu.memory_space<hbm>>
      tpu.wait_indirect_dma semaphore(%arg23 : memref<!tpu.dma_semaphore, #tpu.memory_space<semaphore_mem>>) src(%dma_wait3A_641 : memref<20000x16xf32, #tpu.memory_space<hbm>>) dst(%dma_wait3A_635 : memref<128x16xf32, #tpu.memory_space<vmem>>)
      %dma_wait3A_642 = arith.constant 1 : i32
      %dma_wait3A_643 = arith.constant 1 : i32
      %dma_wait3A_644 = arith.constant 0 : i32
      %dma_wait3A_645 = arith.constant 0 : i32
      %dma_wait3A_646 = tpu.memref_slice %arg10[%dma_wait3A_643, %dma_wait3A_644, %dma_wait3A_645] : memref<2x128x16xf32, #tpu.memory_space<vmem>> -> memref<1x128x16xf32, #tpu.memory_space<vmem>>
      %dma_wait3A_647 = tpu.memref_squeeze %dma_wait3A_646 : memref<1x128x16xf32, #tpu.memory_space<vmem>> -> memref<128x16xf32, #tpu.memory_space<vmem>>
      %dma_wait3A_648 = arith.constant 0 : i32
      %dma_wait3A_649 = tpu.memref_slice %arg8[%dma_wait3A_642, %dma_wait3A_648] : memref<2x128xi32, #tpu.memory_space<vmem>> -> memref<1x128xi32, #tpu.memory_space<vmem>>
      %dma_wait3A_650 = tpu.memref_squeeze %dma_wait3A_649 : memref<1x128xi32, #tpu.memory_space<vmem>> -> memref<128xi32, #tpu.memory_space<vmem>>
      %dma_wait3A_651 = arith.constant 0 : i32
      %dma_wait3A_652 = arith.constant 0 : i32
      %dma_wait3A_653 = tpu.memref_slice %arg4[%dma_wait3A_651, %dma_wait3A_652] : memref<20000x16xf32, #tpu.memory_space<hbm>> -> memref<20000x16xf32, #tpu.memory_space<hbm>>
      tpu.wait_indirect_dma semaphore(%arg23 : memref<!tpu.dma_semaphore, #tpu.memory_space<semaphore_mem>>) src(%dma_wait3A_653 : memref<20000x16xf32, #tpu.memory_space<hbm>>) dst(%dma_wait3A_647 : memref<128x16xf32, #tpu.memory_space<vmem>>)
      %scan3A_654 = arith.constant 1 : i32
      %scan3A_655 = arith.constant 1 : i32
      %scan3A_656 = arith.constant 1 : i32
      %scan3A_657 = arith.constant 0 : i32
      %scan3A_658 = arith.constant 0 : i32
      %scan3A_659 = arith.constant 16 : i32
      %scan3A_660 = arith.addi %scan3A_658, %scan3A_659 : i32
      %scan3A_661 = arith.constant 1 : i32
      %scan3A_662 = scf.for %scan3A_804 = %scan3A_658 to %scan3A_660 step %scan3A_661 iter_args(%scan3A_805 = %scan3A_657) -> (i32)  : i32 {
        %mul3A_806 = arith.constant 8 : i32
        %mul3A_807 = arith.muli %scan3A_804, %mul3A_806 : i32
        %add3A_808 = arith.constant 0 : i32
        %add3A_809 = arith.addi %mul3A_807, %add3A_808 : i32
        %get3A_810 = arith.constant 0 : i32
        %get3A_811 = arith.constant 0 : i32
        %get3A_812 = tpu.memref_slice %arg9[%scan3A_654, %get3A_810, %get3A_811] : memref<2x128x16xf32, #tpu.memory_space<vmem>> -> memref<1x128x16xf32, #tpu.memory_space<vmem>>
        %get3A_813 = tpu.memref_squeeze %get3A_812 : memref<1x128x16xf32, #tpu.memory_space<vmem>> -> memref<128x16xf32, #tpu.memory_space<vmem>>
        %get3A_814 = arith.index_cast %add3A_809 : i32 to index
        %get3A_815 = arith.constant 0 : index
        %get3A_816 = tpu.vector_load %get3A_813[%get3A_814, %get3A_815] {strides = array<i32>} : memref<128x16xf32, #tpu.memory_space<vmem>>, vector<1x16xf32>,
        %get3A_817 = vector.shape_cast %get3A_816 : vector<1x16xf32> to vector<16xf32>
        %get3A_818 = arith.constant 0 : i32
        %get3A_819 = arith.constant 0 : i32
        %get3A_820 = tpu.memref_slice %arg10[%scan3A_655, %get3A_818, %get3A_819] : memref<2x128x16xf32, #tpu.memory_space<vmem>> -> memref<1x128x16xf32, #tpu.memory_space<vmem>>
        %get3A_821 = tpu.memref_squeeze %get3A_820 : memref<1x128x16xf32, #tpu.memory_space<vmem>> -> memref<128x16xf32, #tpu.memory_space<vmem>>
        %get3A_822 = arith.index_cast %add3A_809 : i32 to index
        %get3A_823 = arith.constant 0 : index
        %get3A_824 = tpu.vector_load %get3A_821[%get3A_822, %get3A_823] {strides = array<i32>} : memref<128x16xf32, #tpu.memory_space<vmem>>, vector<1x16xf32>,
        %get3A_825 = vector.shape_cast %get3A_824 : vector<1x16xf32> to vector<16xf32>
        %add3A_826 = arith.addf %get3A_817, %get3A_825 : vector<16xf32>
        %jit3A_827 = arith.constant 8 : i32
        %div3A_828 = arith.divsi %add3A_809, %jit3A_827 : i32
        %sign3A_829 = arith.constant 0 : i32
        %sign3A_830 = arith.cmpi sgt, %add3A_809, %sign3A_829 : i32
        %sign3A_831 = arith.extui %sign3A_830 : i1 to i32
        %sign3A_832 = arith.constant 0 : i32
        %sign3A_833 = arith.cmpi slt, %add3A_809, %sign3A_832 : i32
        %sign3A_834 = arith.extui %sign3A_833 : i1 to i32
        %sign3A_835 = arith.subi %sign3A_831, %sign3A_834 : i32
        %sign3A_836 = arith.constant 0 : i32
        %sign3A_837 = arith.cmpi sgt, %jit3A_827, %sign3A_836 : i32
        %sign3A_838 = arith.extui %sign3A_837 : i1 to i32
        %sign3A_839 = arith.constant 0 : i32
        %sign3A_840 = arith.cmpi slt, %jit3A_827, %sign3A_839 : i32
        %sign3A_841 = arith.extui %sign3A_840 : i1 to i32
        %sign3A_842 = arith.subi %sign3A_838, %sign3A_841 : i32
        %ne3A_843 = arith.cmpi ne, %sign3A_835, %sign3A_842 : i32
        %rem3A_844 = arith.remsi %add3A_809, %jit3A_827 : i32
        %ne3A_845 = arith.constant 0 : i32
        %ne3A_846 = arith.cmpi ne, %rem3A_844, %ne3A_845 : i32
        %and3A_847 = arith.andi %ne3A_843, %ne3A_846 : i1
        %sub3A_848 = arith.constant 1 : i32
        %sub3A_849 = arith.subi %div3A_828, %sub3A_848 : i32
        %select_n3A_850 = arith.select %and3A_847, %sub3A_849, %div3A_828 : i32
        %jit3A_851 = arith.constant 8 : i32
        %eq3A = arith.constant 0 : i32
        %eq3A_852 = arith.cmpi eq, %jit3A_851, %eq3A : i32
        %jit3A_853 = arith.constant 1 : i32
        %select_n3A_854 = arith.select %eq3A_852, %jit3A_853, %jit3A_851 : i32
        %rem3A_855 = arith.remsi %add3A_809, %select_n3A_854 : i32
        %ne3A_856 = arith.constant 0 : i32
        %ne3A_857 = arith.cmpi ne, %rem3A_855, %ne3A_856 : i32
        %lt3A_858 = arith.constant 0 : i32
        %lt3A_859 = arith.cmpi slt, %rem3A_855, %lt3A_858 : i32
        %lt3A_860 = arith.constant 0 : i32
        %lt3A_861 = arith.cmpi slt, %select_n3A_854, %lt3A_860 : i32
        %ne3A_862 = arith.xori %lt3A_859, %lt3A_861 : i1
        %and3A_863 = arith.andi %ne3A_862, %ne3A_857 : i1
        %add3A_864 = arith.addi %rem3A_855, %select_n3A_854 : i32
        %select_n3A_865 = arith.select %and3A_863, %add3A_864, %rem3A_855 : i32
        %mul3A_866 = arith.constant 16 : i32
        %mul3A_867 = arith.muli %select_n3A_865, %mul3A_866 : i32
        %get3A_868 = arith.constant 0 : i32
        %get3A_869 = arith.constant 0 : i32
        %get3A_870 = tpu.memref_slice %arg11[%scan3A_656, %get3A_868, %get3A_869] : memref<2x16x128xf32, #tpu.memory_space<vmem>> -> memref<1x16x128xf32, #tpu.memory_space<vmem>>
        %get3A_871 = tpu.memref_squeeze %get3A_870 : memref<1x16x128xf32, #tpu.memory_space<vmem>> -> memref<16x128xf32, #tpu.memory_space<vmem>>
        %get3A_872 = arith.index_cast %select_n3A_850 : i32 to index
        %get3A_873 = arith.index_cast %mul3A_867 : i32 to index
        %get3A_874 = tpu.vector_load %get3A_871[%get3A_872, %get3A_873] {strides = array<i32>} : memref<16x128xf32, #tpu.memory_space<vmem>>, vector<1x16xf32>,
        %get3A_875 = vector.shape_cast %get3A_874 : vector<1x16xf32> to vector<16xf32>
        %add3A_876 = arith.addf %add3A_826, %get3A_875 : vector<16xf32>
        %max3A = arith.constant 0.000000e+00 : f32
        %max3A_877 = vector.broadcast %max3A : f32 to vector<16xf32>
        %max3A_878 = arith.maximumf %add3A_876, %max3A_877 : vector<16xf32>
        %swap3A_879 = arith.constant 0 : i32
        %swap3A_880 = arith.constant 0 : i32
        %swap3A_881 = tpu.memref_slice %arg9[%scan3A_654, %swap3A_879, %swap3A_880] : memref<2x128x16xf32, #tpu.memory_space<vmem>> -> memref<1x128x16xf32, #tpu.memory_space<vmem>>
        %swap3A_882 = tpu.memref_squeeze %swap3A_881 : memref<1x128x16xf32, #tpu.memory_space<vmem>> -> memref<128x16xf32, #tpu.memory_space<vmem>>
        %swap3A_883 = arith.index_cast %add3A_809 : i32 to index
        %swap3A_884 = arith.constant 0 : index
        %swap3A_885 = tpu.vector_load %swap3A_882[%swap3A_883, %swap3A_884] {strides = array<i32>} : memref<128x16xf32, #tpu.memory_space<vmem>>, vector<1x16xf32>,
        %swap3A_886 = vector.shape_cast %swap3A_885 : vector<1x16xf32> to vector<16xf32>
        %swap3A_887 = vector.shape_cast %max3A_878 : vector<16xf32> to vector<1x16xf32>
        tpu.vector_store %swap3A_882[%swap3A_883, %swap3A_884], %swap3A_887 {strides = array<i32>} : memref<128x16xf32, #tpu.memory_space<vmem>>, vector<1x16xf32>,
        %mul3A_888 = arith.constant 8 : i32
        %mul3A_889 = arith.muli %scan3A_804, %mul3A_888 : i32
        %add3A_890 = arith.constant 1 : i32
        %add3A_891 = arith.addi %mul3A_889, %add3A_890 : i32
        %get3A_892 = arith.constant 0 : i32
        %get3A_893 = arith.constant 0 : i32
        %get3A_894 = tpu.memref_slice %arg9[%scan3A_654, %get3A_892, %get3A_893] : memref<2x128x16xf32, #tpu.memory_space<vmem>> -> memref<1x128x16xf32, #tpu.memory_space<vmem>>
        %get3A_895 = tpu.memref_squeeze %get3A_894 : memref<1x128x16xf32, #tpu.memory_space<vmem>> -> memref<128x16xf32, #tpu.memory_space<vmem>>
        %get3A_896 = arith.index_cast %add3A_891 : i32 to index
        %get3A_897 = arith.constant 0 : index
        %get3A_898 = tpu.vector_load %get3A_895[%get3A_896, %get3A_897] {strides = array<i32>} : memref<128x16xf32, #tpu.memory_space<vmem>>, vector<1x16xf32>,
        %get3A_899 = vector.shape_cast %get3A_898 : vector<1x16xf32> to vector<16xf32>
        %get3A_900 = arith.constant 0 : i32
        %get3A_901 = arith.constant 0 : i32
        %get3A_902 = tpu.memref_slice %arg10[%scan3A_655, %get3A_900, %get3A_901] : memref<2x128x16xf32, #tpu.memory_space<vmem>> -> memref<1x128x16xf32, #tpu.memory_space<vmem>>
        %get3A_903 = tpu.memref_squeeze %get3A_902 : memref<1x128x16xf32, #tpu.memory_space<vmem>> -> memref<128x16xf32, #tpu.memory_space<vmem>>
        %get3A_904 = arith.index_cast %add3A_891 : i32 to index
        %get3A_905 = arith.constant 0 : index
        %get3A_906 = tpu.vector_load %get3A_903[%get3A_904, %get3A_905] {strides = array<i32>} : memref<128x16xf32, #tpu.memory_space<vmem>>, vector<1x16xf32>,
        %get3A_907 = vector.shape_cast %get3A_906 : vector<1x16xf32> to vector<16xf32>
        %add3A_908 = arith.addf %get3A_899, %get3A_907 : vector<16xf32>
        %jit3A_909 = arith.constant 8 : i32
        %div3A_910 = arith.divsi %add3A_891, %jit3A_909 : i32
        %sign3A_911 = arith.constant 0 : i32
        %sign3A_912 = arith.cmpi sgt, %add3A_891, %sign3A_911 : i32
        %sign3A_913 = arith.extui %sign3A_912 : i1 to i32
        %sign3A_914 = arith.constant 0 : i32
        %sign3A_915 = arith.cmpi slt, %add3A_891, %sign3A_914 : i32
        %sign3A_916 = arith.extui %sign3A_915 : i1 to i32
        %sign3A_917 = arith.subi %sign3A_913, %sign3A_916 : i32
        %sign3A_918 = arith.constant 0 : i32
        %sign3A_919 = arith.cmpi sgt, %jit3A_909, %sign3A_918 : i32
        %sign3A_920 = arith.extui %sign3A_919 : i1 to i32
        %sign3A_921 = arith.constant 0 : i32
        %sign3A_922 = arith.cmpi slt, %jit3A_909, %sign3A_921 : i32
        %sign3A_923 = arith.extui %sign3A_922 : i1 to i32
        %sign3A_924 = arith.subi %sign3A_920, %sign3A_923 : i32
        %ne3A_925 = arith.cmpi ne, %sign3A_917, %sign3A_924 : i32
        %rem3A_926 = arith.remsi %add3A_891, %jit3A_909 : i32
        %ne3A_927 = arith.constant 0 : i32
        %ne3A_928 = arith.cmpi ne, %rem3A_926, %ne3A_927 : i32
        %and3A_929 = arith.andi %ne3A_925, %ne3A_928 : i1
        %sub3A_930 = arith.constant 1 : i32
        %sub3A_931 = arith.subi %div3A_910, %sub3A_930 : i32
        %select_n3A_932 = arith.select %and3A_929, %sub3A_931, %div3A_910 : i32
        %jit3A_933 = arith.constant 8 : i32
        %eq3A_934 = arith.constant 0 : i32
        %eq3A_935 = arith.cmpi eq, %jit3A_933, %eq3A_934 : i32
        %jit3A_936 = arith.constant 1 : i32
        %select_n3A_937 = arith.select %eq3A_935, %jit3A_936, %jit3A_933 : i32
        %rem3A_938 = arith.remsi %add3A_891, %select_n3A_937 : i32
        %ne3A_939 = arith.constant 0 : i32
        %ne3A_940 = arith.cmpi ne, %rem3A_938, %ne3A_939 : i32
        %lt3A_941 = arith.constant 0 : i32
        %lt3A_942 = arith.cmpi slt, %rem3A_938, %lt3A_941 : i32
        %lt3A_943 = arith.constant 0 : i32
        %lt3A_944 = arith.cmpi slt, %select_n3A_937, %lt3A_943 : i32
        %ne3A_945 = arith.xori %lt3A_942, %lt3A_944 : i1
        %and3A_946 = arith.andi %ne3A_945, %ne3A_940 : i1
        %add3A_947 = arith.addi %rem3A_938, %select_n3A_937 : i32
        %select_n3A_948 = arith.select %and3A_946, %add3A_947, %rem3A_938 : i32
        %mul3A_949 = arith.constant 16 : i32
        %mul3A_950 = arith.muli %select_n3A_948, %mul3A_949 : i32
        %get3A_951 = arith.constant 0 : i32
        %get3A_952 = arith.constant 0 : i32
        %get3A_953 = tpu.memref_slice %arg11[%scan3A_656, %get3A_951, %get3A_952] : memref<2x16x128xf32, #tpu.memory_space<vmem>> -> memref<1x16x128xf32, #tpu.memory_space<vmem>>
        %get3A_954 = tpu.memref_squeeze %get3A_953 : memref<1x16x128xf32, #tpu.memory_space<vmem>> -> memref<16x128xf32, #tpu.memory_space<vmem>>
        %get3A_955 = arith.index_cast %select_n3A_932 : i32 to index
        %get3A_956 = arith.index_cast %mul3A_950 : i32 to index
        %get3A_957 = tpu.vector_load %get3A_954[%get3A_955, %get3A_956] {strides = array<i32>} : memref<16x128xf32, #tpu.memory_space<vmem>>, vector<1x16xf32>,
        %get3A_958 = vector.shape_cast %get3A_957 : vector<1x16xf32> to vector<16xf32>
        %add3A_959 = arith.addf %add3A_908, %get3A_958 : vector<16xf32>
        %max3A_960 = arith.constant 0.000000e+00 : f32
        %max3A_961 = vector.broadcast %max3A_960 : f32 to vector<16xf32>
        %max3A_962 = arith.maximumf %add3A_959, %max3A_961 : vector<16xf32>
        %swap3A_963 = arith.constant 0 : i32
        %swap3A_964 = arith.constant 0 : i32
        %swap3A_965 = tpu.memref_slice %arg9[%scan3A_654, %swap3A_963, %swap3A_964] : memref<2x128x16xf32, #tpu.memory_space<vmem>> -> memref<1x128x16xf32, #tpu.memory_space<vmem>>
        %swap3A_966 = tpu.memref_squeeze %swap3A_965 : memref<1x128x16xf32, #tpu.memory_space<vmem>> -> memref<128x16xf32, #tpu.memory_space<vmem>>
        %swap3A_967 = arith.index_cast %add3A_891 : i32 to index
        %swap3A_968 = arith.constant 0 : index
        %swap3A_969 = tpu.vector_load %swap3A_966[%swap3A_967, %swap3A_968] {strides = array<i32>} : memref<128x16xf32, #tpu.memory_space<vmem>>, vector<1x16xf32>,
        %swap3A_970 = vector.shape_cast %swap3A_969 : vector<1x16xf32> to vector<16xf32>
        %swap3A_971 = vector.shape_cast %max3A_962 : vector<16xf32> to vector<1x16xf32>
        tpu.vector_store %swap3A_966[%swap3A_967, %swap3A_968], %swap3A_971 {strides = array<i32>} : memref<128x16xf32, #tpu.memory_space<vmem>>, vector<1x16xf32>,
        %mul3A_972 = arith.constant 8 : i32
        %mul3A_973 = arith.muli %scan3A_804, %mul3A_972 : i32
        %add3A_974 = arith.constant 2 : i32
        %add3A_975 = arith.addi %mul3A_973, %add3A_974 : i32
        %get3A_976 = arith.constant 0 : i32
        %get3A_977 = arith.constant 0 : i32
        %get3A_978 = tpu.memref_slice %arg9[%scan3A_654, %get3A_976, %get3A_977] : memref<2x128x16xf32, #tpu.memory_space<vmem>> -> memref<1x128x16xf32, #tpu.memory_space<vmem>>
        %get3A_979 = tpu.memref_squeeze %get3A_978 : memref<1x128x16xf32, #tpu.memory_space<vmem>> -> memref<128x16xf32, #tpu.memory_space<vmem>>
        %get3A_980 = arith.index_cast %add3A_975 : i32 to index
        %get3A_981 = arith.constant 0 : index
        %get3A_982 = tpu.vector_load %get3A_979[%get3A_980, %get3A_981] {strides = array<i32>} : memref<128x16xf32, #tpu.memory_space<vmem>>, vector<1x16xf32>,
        %get3A_983 = vector.shape_cast %get3A_982 : vector<1x16xf32> to vector<16xf32>
        %get3A_984 = arith.constant 0 : i32
        %get3A_985 = arith.constant 0 : i32
        %get3A_986 = tpu.memref_slice %arg10[%scan3A_655, %get3A_984, %get3A_985] : memref<2x128x16xf32, #tpu.memory_space<vmem>> -> memref<1x128x16xf32, #tpu.memory_space<vmem>>
        %get3A_987 = tpu.memref_squeeze %get3A_986 : memref<1x128x16xf32, #tpu.memory_space<vmem>> -> memref<128x16xf32, #tpu.memory_space<vmem>>
        %get3A_988 = arith.index_cast %add3A_975 : i32 to index
        %get3A_989 = arith.constant 0 : index
        %get3A_990 = tpu.vector_load %get3A_987[%get3A_988, %get3A_989] {strides = array<i32>} : memref<128x16xf32, #tpu.memory_space<vmem>>, vector<1x16xf32>,
        %get3A_991 = vector.shape_cast %get3A_990 : vector<1x16xf32> to vector<16xf32>
        %add3A_992 = arith.addf %get3A_983, %get3A_991 : vector<16xf32>
        %jit3A_993 = arith.constant 8 : i32
        %div3A_994 = arith.divsi %add3A_975, %jit3A_993 : i32
        %sign3A_995 = arith.constant 0 : i32
        %sign3A_996 = arith.cmpi sgt, %add3A_975, %sign3A_995 : i32
        %sign3A_997 = arith.extui %sign3A_996 : i1 to i32
        %sign3A_998 = arith.constant 0 : i32
        %sign3A_999 = arith.cmpi slt, %add3A_975, %sign3A_998 : i32
        %sign3A_1000 = arith.extui %sign3A_999 : i1 to i32
        %sign3A_1001 = arith.subi %sign3A_997, %sign3A_1000 : i32
        %sign3A_1002 = arith.constant 0 : i32
        %sign3A_1003 = arith.cmpi sgt, %jit3A_993, %sign3A_1002 : i32
        %sign3A_1004 = arith.extui %sign3A_1003 : i1 to i32
        %sign3A_1005 = arith.constant 0 : i32
        %sign3A_1006 = arith.cmpi slt, %jit3A_993, %sign3A_1005 : i32
        %sign3A_1007 = arith.extui %sign3A_1006 : i1 to i32
        %sign3A_1008 = arith.subi %sign3A_1004, %sign3A_1007 : i32
        %ne3A_1009 = arith.cmpi ne, %sign3A_1001, %sign3A_1008 : i32
        %rem3A_1010 = arith.remsi %add3A_975, %jit3A_993 : i32
        %ne3A_1011 = arith.constant 0 : i32
        %ne3A_1012 = arith.cmpi ne, %rem3A_1010, %ne3A_1011 : i32
        %and3A_1013 = arith.andi %ne3A_1009, %ne3A_1012 : i1
        %sub3A_1014 = arith.constant 1 : i32
        %sub3A_1015 = arith.subi %div3A_994, %sub3A_1014 : i32
        %select_n3A_1016 = arith.select %and3A_1013, %sub3A_1015, %div3A_994 : i32
        %jit3A_1017 = arith.constant 8 : i32
        %eq3A_1018 = arith.constant 0 : i32
        %eq3A_1019 = arith.cmpi eq, %jit3A_1017, %eq3A_1018 : i32
        %jit3A_1020 = arith.constant 1 : i32
        %select_n3A_1021 = arith.select %eq3A_1019, %jit3A_1020, %jit3A_1017 : i32
        %rem3A_1022 = arith.remsi %add3A_975, %select_n3A_1021 : i32
        %ne3A_1023 = arith.constant 0 : i32
        %ne3A_1024 = arith.cmpi ne, %rem3A_1022, %ne3A_1023 : i32
        %lt3A_1025 = arith.constant 0 : i32
        %lt3A_1026 = arith.cmpi slt, %rem3A_1022, %lt3A_1025 : i32
        %lt3A_1027 = arith.constant 0 : i32
        %lt3A_1028 = arith.cmpi slt, %select_n3A_1021, %lt3A_1027 : i32
        %ne3A_1029 = arith.xori %lt3A_1026, %lt3A_1028 : i1
        %and3A_1030 = arith.andi %ne3A_1029, %ne3A_1024 : i1
        %add3A_1031 = arith.addi %rem3A_1022, %select_n3A_1021 : i32
        %select_n3A_1032 = arith.select %and3A_1030, %add3A_1031, %rem3A_1022 : i32
        %mul3A_1033 = arith.constant 16 : i32
        %mul3A_1034 = arith.muli %select_n3A_1032, %mul3A_1033 : i32
        %get3A_1035 = arith.constant 0 : i32
        %get3A_1036 = arith.constant 0 : i32
        %get3A_1037 = tpu.memref_slice %arg11[%scan3A_656, %get3A_1035, %get3A_1036] : memref<2x16x128xf32, #tpu.memory_space<vmem>> -> memref<1x16x128xf32, #tpu.memory_space<vmem>>
        %get3A_1038 = tpu.memref_squeeze %get3A_1037 : memref<1x16x128xf32, #tpu.memory_space<vmem>> -> memref<16x128xf32, #tpu.memory_space<vmem>>
        %get3A_1039 = arith.index_cast %select_n3A_1016 : i32 to index
        %get3A_1040 = arith.index_cast %mul3A_1034 : i32 to index
        %get3A_1041 = tpu.vector_load %get3A_1038[%get3A_1039, %get3A_1040] {strides = array<i32>} : memref<16x128xf32, #tpu.memory_space<vmem>>, vector<1x16xf32>,
        %get3A_1042 = vector.shape_cast %get3A_1041 : vector<1x16xf32> to vector<16xf32>
        %add3A_1043 = arith.addf %add3A_992, %get3A_1042 : vector<16xf32>
        %max3A_1044 = arith.constant 0.000000e+00 : f32
        %max3A_1045 = vector.broadcast %max3A_1044 : f32 to vector<16xf32>
        %max3A_1046 = arith.maximumf %add3A_1043, %max3A_1045 : vector<16xf32>
        %swap3A_1047 = arith.constant 0 : i32
        %swap3A_1048 = arith.constant 0 : i32
        %swap3A_1049 = tpu.memref_slice %arg9[%scan3A_654, %swap3A_1047, %swap3A_1048] : memref<2x128x16xf32, #tpu.memory_space<vmem>> -> memref<1x128x16xf32, #tpu.memory_space<vmem>>
        %swap3A_1050 = tpu.memref_squeeze %swap3A_1049 : memref<1x128x16xf32, #tpu.memory_space<vmem>> -> memref<128x16xf32, #tpu.memory_space<vmem>>
        %swap3A_1051 = arith.index_cast %add3A_975 : i32 to index
        %swap3A_1052 = arith.constant 0 : index
        %swap3A_1053 = tpu.vector_load %swap3A_1050[%swap3A_1051, %swap3A_1052] {strides = array<i32>} : memref<128x16xf32, #tpu.memory_space<vmem>>, vector<1x16xf32>,
        %swap3A_1054 = vector.shape_cast %swap3A_1053 : vector<1x16xf32> to vector<16xf32>
        %swap3A_1055 = vector.shape_cast %max3A_1046 : vector<16xf32> to vector<1x16xf32>
        tpu.vector_store %swap3A_1050[%swap3A_1051, %swap3A_1052], %swap3A_1055 {strides = array<i32>} : memref<128x16xf32, #tpu.memory_space<vmem>>, vector<1x16xf32>,
        %mul3A_1056 = arith.constant 8 : i32
        %mul3A_1057 = arith.muli %scan3A_804, %mul3A_1056 : i32
        %add3A_1058 = arith.constant 3 : i32
        %add3A_1059 = arith.addi %mul3A_1057, %add3A_1058 : i32
        %get3A_1060 = arith.constant 0 : i32
        %get3A_1061 = arith.constant 0 : i32
        %get3A_1062 = tpu.memref_slice %arg9[%scan3A_654, %get3A_1060, %get3A_1061] : memref<2x128x16xf32, #tpu.memory_space<vmem>> -> memref<1x128x16xf32, #tpu.memory_space<vmem>>
        %get3A_1063 = tpu.memref_squeeze %get3A_1062 : memref<1x128x16xf32, #tpu.memory_space<vmem>> -> memref<128x16xf32, #tpu.memory_space<vmem>>
        %get3A_1064 = arith.index_cast %add3A_1059 : i32 to index
        %get3A_1065 = arith.constant 0 : index
        %get3A_1066 = tpu.vector_load %get3A_1063[%get3A_1064, %get3A_1065] {strides = array<i32>} : memref<128x16xf32, #tpu.memory_space<vmem>>, vector<1x16xf32>,
        %get3A_1067 = vector.shape_cast %get3A_1066 : vector<1x16xf32> to vector<16xf32>
        %get3A_1068 = arith.constant 0 : i32
        %get3A_1069 = arith.constant 0 : i32
        %get3A_1070 = tpu.memref_slice %arg10[%scan3A_655, %get3A_1068, %get3A_1069] : memref<2x128x16xf32, #tpu.memory_space<vmem>> -> memref<1x128x16xf32, #tpu.memory_space<vmem>>
        %get3A_1071 = tpu.memref_squeeze %get3A_1070 : memref<1x128x16xf32, #tpu.memory_space<vmem>> -> memref<128x16xf32, #tpu.memory_space<vmem>>
        %get3A_1072 = arith.index_cast %add3A_1059 : i32 to index
        %get3A_1073 = arith.constant 0 : index
        %get3A_1074 = tpu.vector_load %get3A_1071[%get3A_1072, %get3A_1073] {strides = array<i32>} : memref<128x16xf32, #tpu.memory_space<vmem>>, vector<1x16xf32>,
        %get3A_1075 = vector.shape_cast %get3A_1074 : vector<1x16xf32> to vector<16xf32>
        %add3A_1076 = arith.addf %get3A_1067, %get3A_1075 : vector<16xf32>
        %jit3A_1077 = arith.constant 8 : i32
        %div3A_1078 = arith.divsi %add3A_1059, %jit3A_1077 : i32
        %sign3A_1079 = arith.constant 0 : i32
        %sign3A_1080 = arith.cmpi sgt, %add3A_1059, %sign3A_1079 : i32
        %sign3A_1081 = arith.extui %sign3A_1080 : i1 to i32
        %sign3A_1082 = arith.constant 0 : i32
        %sign3A_1083 = arith.cmpi slt, %add3A_1059, %sign3A_1082 : i32
        %sign3A_1084 = arith.extui %sign3A_1083 : i1 to i32
        %sign3A_1085 = arith.subi %sign3A_1081, %sign3A_1084 : i32
        %sign3A_1086 = arith.constant 0 : i32
        %sign3A_1087 = arith.cmpi sgt, %jit3A_1077, %sign3A_1086 : i32
        %sign3A_1088 = arith.extui %sign3A_1087 : i1 to i32
        %sign3A_1089 = arith.constant 0 : i32
        %sign3A_1090 = arith.cmpi slt, %jit3A_1077, %sign3A_1089 : i32
        %sign3A_1091 = arith.extui %sign3A_1090 : i1 to i32
        %sign3A_1092 = arith.subi %sign3A_1088, %sign3A_1091 : i32
        %ne3A_1093 = arith.cmpi ne, %sign3A_1085, %sign3A_1092 : i32
        %rem3A_1094 = arith.remsi %add3A_1059, %jit3A_1077 : i32
        %ne3A_1095 = arith.constant 0 : i32
        %ne3A_1096 = arith.cmpi ne, %rem3A_1094, %ne3A_1095 : i32
        %and3A_1097 = arith.andi %ne3A_1093, %ne3A_1096 : i1
        %sub3A_1098 = arith.constant 1 : i32
        %sub3A_1099 = arith.subi %div3A_1078, %sub3A_1098 : i32
        %select_n3A_1100 = arith.select %and3A_1097, %sub3A_1099, %div3A_1078 : i32
        %jit3A_1101 = arith.constant 8 : i32
        %eq3A_1102 = arith.constant 0 : i32
        %eq3A_1103 = arith.cmpi eq, %jit3A_1101, %eq3A_1102 : i32
        %jit3A_1104 = arith.constant 1 : i32
        %select_n3A_1105 = arith.select %eq3A_1103, %jit3A_1104, %jit3A_1101 : i32
        %rem3A_1106 = arith.remsi %add3A_1059, %select_n3A_1105 : i32
        %ne3A_1107 = arith.constant 0 : i32
        %ne3A_1108 = arith.cmpi ne, %rem3A_1106, %ne3A_1107 : i32
        %lt3A_1109 = arith.constant 0 : i32
        %lt3A_1110 = arith.cmpi slt, %rem3A_1106, %lt3A_1109 : i32
        %lt3A_1111 = arith.constant 0 : i32
        %lt3A_1112 = arith.cmpi slt, %select_n3A_1105, %lt3A_1111 : i32
        %ne3A_1113 = arith.xori %lt3A_1110, %lt3A_1112 : i1
        %and3A_1114 = arith.andi %ne3A_1113, %ne3A_1108 : i1
        %add3A_1115 = arith.addi %rem3A_1106, %select_n3A_1105 : i32
        %select_n3A_1116 = arith.select %and3A_1114, %add3A_1115, %rem3A_1106 : i32
        %mul3A_1117 = arith.constant 16 : i32
        %mul3A_1118 = arith.muli %select_n3A_1116, %mul3A_1117 : i32
        %get3A_1119 = arith.constant 0 : i32
        %get3A_1120 = arith.constant 0 : i32
        %get3A_1121 = tpu.memref_slice %arg11[%scan3A_656, %get3A_1119, %get3A_1120] : memref<2x16x128xf32, #tpu.memory_space<vmem>> -> memref<1x16x128xf32, #tpu.memory_space<vmem>>
        %get3A_1122 = tpu.memref_squeeze %get3A_1121 : memref<1x16x128xf32, #tpu.memory_space<vmem>> -> memref<16x128xf32, #tpu.memory_space<vmem>>
        %get3A_1123 = arith.index_cast %select_n3A_1100 : i32 to index
        %get3A_1124 = arith.index_cast %mul3A_1118 : i32 to index
        %get3A_1125 = tpu.vector_load %get3A_1122[%get3A_1123, %get3A_1124] {strides = array<i32>} : memref<16x128xf32, #tpu.memory_space<vmem>>, vector<1x16xf32>,
        %get3A_1126 = vector.shape_cast %get3A_1125 : vector<1x16xf32> to vector<16xf32>
        %add3A_1127 = arith.addf %add3A_1076, %get3A_1126 : vector<16xf32>
        %max3A_1128 = arith.constant 0.000000e+00 : f32
        %max3A_1129 = vector.broadcast %max3A_1128 : f32 to vector<16xf32>
        %max3A_1130 = arith.maximumf %add3A_1127, %max3A_1129 : vector<16xf32>
        %swap3A_1131 = arith.constant 0 : i32
        %swap3A_1132 = arith.constant 0 : i32
        %swap3A_1133 = tpu.memref_slice %arg9[%scan3A_654, %swap3A_1131, %swap3A_1132] : memref<2x128x16xf32, #tpu.memory_space<vmem>> -> memref<1x128x16xf32, #tpu.memory_space<vmem>>
        %swap3A_1134 = tpu.memref_squeeze %swap3A_1133 : memref<1x128x16xf32, #tpu.memory_space<vmem>> -> memref<128x16xf32, #tpu.memory_space<vmem>>
        %swap3A_1135 = arith.index_cast %add3A_1059 : i32 to index
        %swap3A_1136 = arith.constant 0 : index
        %swap3A_1137 = tpu.vector_load %swap3A_1134[%swap3A_1135, %swap3A_1136] {strides = array<i32>} : memref<128x16xf32, #tpu.memory_space<vmem>>, vector<1x16xf32>,
        %swap3A_1138 = vector.shape_cast %swap3A_1137 : vector<1x16xf32> to vector<16xf32>
        %swap3A_1139 = vector.shape_cast %max3A_1130 : vector<16xf32> to vector<1x16xf32>
        tpu.vector_store %swap3A_1134[%swap3A_1135, %swap3A_1136], %swap3A_1139 {strides = array<i32>} : memref<128x16xf32, #tpu.memory_space<vmem>>, vector<1x16xf32>,
        %mul3A_1140 = arith.constant 8 : i32
        %mul3A_1141 = arith.muli %scan3A_804, %mul3A_1140 : i32
        %add3A_1142 = arith.constant 4 : i32
        %add3A_1143 = arith.addi %mul3A_1141, %add3A_1142 : i32
        %get3A_1144 = arith.constant 0 : i32
        %get3A_1145 = arith.constant 0 : i32
        %get3A_1146 = tpu.memref_slice %arg9[%scan3A_654, %get3A_1144, %get3A_1145] : memref<2x128x16xf32, #tpu.memory_space<vmem>> -> memref<1x128x16xf32, #tpu.memory_space<vmem>>
        %get3A_1147 = tpu.memref_squeeze %get3A_1146 : memref<1x128x16xf32, #tpu.memory_space<vmem>> -> memref<128x16xf32, #tpu.memory_space<vmem>>
        %get3A_1148 = arith.index_cast %add3A_1143 : i32 to index
        %get3A_1149 = arith.constant 0 : index
        %get3A_1150 = tpu.vector_load %get3A_1147[%get3A_1148, %get3A_1149] {strides = array<i32>} : memref<128x16xf32, #tpu.memory_space<vmem>>, vector<1x16xf32>,
        %get3A_1151 = vector.shape_cast %get3A_1150 : vector<1x16xf32> to vector<16xf32>
        %get3A_1152 = arith.constant 0 : i32
        %get3A_1153 = arith.constant 0 : i32
        %get3A_1154 = tpu.memref_slice %arg10[%scan3A_655, %get3A_1152, %get3A_1153] : memref<2x128x16xf32, #tpu.memory_space<vmem>> -> memref<1x128x16xf32, #tpu.memory_space<vmem>>
        %get3A_1155 = tpu.memref_squeeze %get3A_1154 : memref<1x128x16xf32, #tpu.memory_space<vmem>> -> memref<128x16xf32, #tpu.memory_space<vmem>>
        %get3A_1156 = arith.index_cast %add3A_1143 : i32 to index
        %get3A_1157 = arith.constant 0 : index
        %get3A_1158 = tpu.vector_load %get3A_1155[%get3A_1156, %get3A_1157] {strides = array<i32>} : memref<128x16xf32, #tpu.memory_space<vmem>>, vector<1x16xf32>,
        %get3A_1159 = vector.shape_cast %get3A_1158 : vector<1x16xf32> to vector<16xf32>
        %add3A_1160 = arith.addf %get3A_1151, %get3A_1159 : vector<16xf32>
        %jit3A_1161 = arith.constant 8 : i32
        %div3A_1162 = arith.divsi %add3A_1143, %jit3A_1161 : i32
        %sign3A_1163 = arith.constant 0 : i32
        %sign3A_1164 = arith.cmpi sgt, %add3A_1143, %sign3A_1163 : i32
        %sign3A_1165 = arith.extui %sign3A_1164 : i1 to i32
        %sign3A_1166 = arith.constant 0 : i32
        %sign3A_1167 = arith.cmpi slt, %add3A_1143, %sign3A_1166 : i32
        %sign3A_1168 = arith.extui %sign3A_1167 : i1 to i32
        %sign3A_1169 = arith.subi %sign3A_1165, %sign3A_1168 : i32
        %sign3A_1170 = arith.constant 0 : i32
        %sign3A_1171 = arith.cmpi sgt, %jit3A_1161, %sign3A_1170 : i32
        %sign3A_1172 = arith.extui %sign3A_1171 : i1 to i32
        %sign3A_1173 = arith.constant 0 : i32
        %sign3A_1174 = arith.cmpi slt, %jit3A_1161, %sign3A_1173 : i32
        %sign3A_1175 = arith.extui %sign3A_1174 : i1 to i32
        %sign3A_1176 = arith.subi %sign3A_1172, %sign3A_1175 : i32
        %ne3A_1177 = arith.cmpi ne, %sign3A_1169, %sign3A_1176 : i32
        %rem3A_1178 = arith.remsi %add3A_1143, %jit3A_1161 : i32
        %ne3A_1179 = arith.constant 0 : i32
        %ne3A_1180 = arith.cmpi ne, %rem3A_1178, %ne3A_1179 : i32
        %and3A_1181 = arith.andi %ne3A_1177, %ne3A_1180 : i1
        %sub3A_1182 = arith.constant 1 : i32
        %sub3A_1183 = arith.subi %div3A_1162, %sub3A_1182 : i32
        %select_n3A_1184 = arith.select %and3A_1181, %sub3A_1183, %div3A_1162 : i32
        %jit3A_1185 = arith.constant 8 : i32
        %eq3A_1186 = arith.constant 0 : i32
        %eq3A_1187 = arith.cmpi eq, %jit3A_1185, %eq3A_1186 : i32
        %jit3A_1188 = arith.constant 1 : i32
        %select_n3A_1189 = arith.select %eq3A_1187, %jit3A_1188, %jit3A_1185 : i32
        %rem3A_1190 = arith.remsi %add3A_1143, %select_n3A_1189 : i32
        %ne3A_1191 = arith.constant 0 : i32
        %ne3A_1192 = arith.cmpi ne, %rem3A_1190, %ne3A_1191 : i32
        %lt3A_1193 = arith.constant 0 : i32
        %lt3A_1194 = arith.cmpi slt, %rem3A_1190, %lt3A_1193 : i32
        %lt3A_1195 = arith.constant 0 : i32
        %lt3A_1196 = arith.cmpi slt, %select_n3A_1189, %lt3A_1195 : i32
        %ne3A_1197 = arith.xori %lt3A_1194, %lt3A_1196 : i1
        %and3A_1198 = arith.andi %ne3A_1197, %ne3A_1192 : i1
        %add3A_1199 = arith.addi %rem3A_1190, %select_n3A_1189 : i32
        %select_n3A_1200 = arith.select %and3A_1198, %add3A_1199, %rem3A_1190 : i32
        %mul3A_1201 = arith.constant 16 : i32
        %mul3A_1202 = arith.muli %select_n3A_1200, %mul3A_1201 : i32
        %get3A_1203 = arith.constant 0 : i32
        %get3A_1204 = arith.constant 0 : i32
        %get3A_1205 = tpu.memref_slice %arg11[%scan3A_656, %get3A_1203, %get3A_1204] : memref<2x16x128xf32, #tpu.memory_space<vmem>> -> memref<1x16x128xf32, #tpu.memory_space<vmem>>
        %get3A_1206 = tpu.memref_squeeze %get3A_1205 : memref<1x16x128xf32, #tpu.memory_space<vmem>> -> memref<16x128xf32, #tpu.memory_space<vmem>>
        %get3A_1207 = arith.index_cast %select_n3A_1184 : i32 to index
        %get3A_1208 = arith.index_cast %mul3A_1202 : i32 to index
        %get3A_1209 = tpu.vector_load %get3A_1206[%get3A_1207, %get3A_1208] {strides = array<i32>} : memref<16x128xf32, #tpu.memory_space<vmem>>, vector<1x16xf32>,
        %get3A_1210 = vector.shape_cast %get3A_1209 : vector<1x16xf32> to vector<16xf32>
        %add3A_1211 = arith.addf %add3A_1160, %get3A_1210 : vector<16xf32>
        %max3A_1212 = arith.constant 0.000000e+00 : f32
        %max3A_1213 = vector.broadcast %max3A_1212 : f32 to vector<16xf32>
        %max3A_1214 = arith.maximumf %add3A_1211, %max3A_1213 : vector<16xf32>
        %swap3A_1215 = arith.constant 0 : i32
        %swap3A_1216 = arith.constant 0 : i32
        %swap3A_1217 = tpu.memref_slice %arg9[%scan3A_654, %swap3A_1215, %swap3A_1216] : memref<2x128x16xf32, #tpu.memory_space<vmem>> -> memref<1x128x16xf32, #tpu.memory_space<vmem>>
        %swap3A_1218 = tpu.memref_squeeze %swap3A_1217 : memref<1x128x16xf32, #tpu.memory_space<vmem>> -> memref<128x16xf32, #tpu.memory_space<vmem>>
        %swap3A_1219 = arith.index_cast %add3A_1143 : i32 to index
        %swap3A_1220 = arith.constant 0 : index
        %swap3A_1221 = tpu.vector_load %swap3A_1218[%swap3A_1219, %swap3A_1220] {strides = array<i32>} : memref<128x16xf32, #tpu.memory_space<vmem>>, vector<1x16xf32>,
        %swap3A_1222 = vector.shape_cast %swap3A_1221 : vector<1x16xf32> to vector<16xf32>
        %swap3A_1223 = vector.shape_cast %max3A_1214 : vector<16xf32> to vector<1x16xf32>
        tpu.vector_store %swap3A_1218[%swap3A_1219, %swap3A_1220], %swap3A_1223 {strides = array<i32>} : memref<128x16xf32, #tpu.memory_space<vmem>>, vector<1x16xf32>,
        %mul3A_1224 = arith.constant 8 : i32
        %mul3A_1225 = arith.muli %scan3A_804, %mul3A_1224 : i32
        %add3A_1226 = arith.constant 5 : i32
        %add3A_1227 = arith.addi %mul3A_1225, %add3A_1226 : i32
        %get3A_1228 = arith.constant 0 : i32
        %get3A_1229 = arith.constant 0 : i32
        %get3A_1230 = tpu.memref_slice %arg9[%scan3A_654, %get3A_1228, %get3A_1229] : memref<2x128x16xf32, #tpu.memory_space<vmem>> -> memref<1x128x16xf32, #tpu.memory_space<vmem>>
        %get3A_1231 = tpu.memref_squeeze %get3A_1230 : memref<1x128x16xf32, #tpu.memory_space<vmem>> -> memref<128x16xf32, #tpu.memory_space<vmem>>
        %get3A_1232 = arith.index_cast %add3A_1227 : i32 to index
        %get3A_1233 = arith.constant 0 : index
        %get3A_1234 = tpu.vector_load %get3A_1231[%get3A_1232, %get3A_1233] {strides = array<i32>} : memref<128x16xf32, #tpu.memory_space<vmem>>, vector<1x16xf32>,
        %get3A_1235 = vector.shape_cast %get3A_1234 : vector<1x16xf32> to vector<16xf32>
        %get3A_1236 = arith.constant 0 : i32
        %get3A_1237 = arith.constant 0 : i32
        %get3A_1238 = tpu.memref_slice %arg10[%scan3A_655, %get3A_1236, %get3A_1237] : memref<2x128x16xf32, #tpu.memory_space<vmem>> -> memref<1x128x16xf32, #tpu.memory_space<vmem>>
        %get3A_1239 = tpu.memref_squeeze %get3A_1238 : memref<1x128x16xf32, #tpu.memory_space<vmem>> -> memref<128x16xf32, #tpu.memory_space<vmem>>
        %get3A_1240 = arith.index_cast %add3A_1227 : i32 to index
        %get3A_1241 = arith.constant 0 : index
        %get3A_1242 = tpu.vector_load %get3A_1239[%get3A_1240, %get3A_1241] {strides = array<i32>} : memref<128x16xf32, #tpu.memory_space<vmem>>, vector<1x16xf32>,
        %get3A_1243 = vector.shape_cast %get3A_1242 : vector<1x16xf32> to vector<16xf32>
        %add3A_1244 = arith.addf %get3A_1235, %get3A_1243 : vector<16xf32>
        %jit3A_1245 = arith.constant 8 : i32
        %div3A_1246 = arith.divsi %add3A_1227, %jit3A_1245 : i32
        %sign3A_1247 = arith.constant 0 : i32
        %sign3A_1248 = arith.cmpi sgt, %add3A_1227, %sign3A_1247 : i32
        %sign3A_1249 = arith.extui %sign3A_1248 : i1 to i32
        %sign3A_1250 = arith.constant 0 : i32
        %sign3A_1251 = arith.cmpi slt, %add3A_1227, %sign3A_1250 : i32
        %sign3A_1252 = arith.extui %sign3A_1251 : i1 to i32
        %sign3A_1253 = arith.subi %sign3A_1249, %sign3A_1252 : i32
        %sign3A_1254 = arith.constant 0 : i32
        %sign3A_1255 = arith.cmpi sgt, %jit3A_1245, %sign3A_1254 : i32
        %sign3A_1256 = arith.extui %sign3A_1255 : i1 to i32
        %sign3A_1257 = arith.constant 0 : i32
        %sign3A_1258 = arith.cmpi slt, %jit3A_1245, %sign3A_1257 : i32
        %sign3A_1259 = arith.extui %sign3A_1258 : i1 to i32
        %sign3A_1260 = arith.subi %sign3A_1256, %sign3A_1259 : i32
        %ne3A_1261 = arith.cmpi ne, %sign3A_1253, %sign3A_1260 : i32
        %rem3A_1262 = arith.remsi %add3A_1227, %jit3A_1245 : i32
        %ne3A_1263 = arith.constant 0 : i32
        %ne3A_1264 = arith.cmpi ne, %rem3A_1262, %ne3A_1263 : i32
        %and3A_1265 = arith.andi %ne3A_1261, %ne3A_1264 : i1
        %sub3A_1266 = arith.constant 1 : i32
        %sub3A_1267 = arith.subi %div3A_1246, %sub3A_1266 : i32
        %select_n3A_1268 = arith.select %and3A_1265, %sub3A_1267, %div3A_1246 : i32
        %jit3A_1269 = arith.constant 8 : i32
        %eq3A_1270 = arith.constant 0 : i32
        %eq3A_1271 = arith.cmpi eq, %jit3A_1269, %eq3A_1270 : i32
        %jit3A_1272 = arith.constant 1 : i32
        %select_n3A_1273 = arith.select %eq3A_1271, %jit3A_1272, %jit3A_1269 : i32
        %rem3A_1274 = arith.remsi %add3A_1227, %select_n3A_1273 : i32
        %ne3A_1275 = arith.constant 0 : i32
        %ne3A_1276 = arith.cmpi ne, %rem3A_1274, %ne3A_1275 : i32
        %lt3A_1277 = arith.constant 0 : i32
        %lt3A_1278 = arith.cmpi slt, %rem3A_1274, %lt3A_1277 : i32
        %lt3A_1279 = arith.constant 0 : i32
        %lt3A_1280 = arith.cmpi slt, %select_n3A_1273, %lt3A_1279 : i32
        %ne3A_1281 = arith.xori %lt3A_1278, %lt3A_1280 : i1
        %and3A_1282 = arith.andi %ne3A_1281, %ne3A_1276 : i1
        %add3A_1283 = arith.addi %rem3A_1274, %select_n3A_1273 : i32
        %select_n3A_1284 = arith.select %and3A_1282, %add3A_1283, %rem3A_1274 : i32
        %mul3A_1285 = arith.constant 16 : i32
        %mul3A_1286 = arith.muli %select_n3A_1284, %mul3A_1285 : i32
        %get3A_1287 = arith.constant 0 : i32
        %get3A_1288 = arith.constant 0 : i32
        %get3A_1289 = tpu.memref_slice %arg11[%scan3A_656, %get3A_1287, %get3A_1288] : memref<2x16x128xf32, #tpu.memory_space<vmem>> -> memref<1x16x128xf32, #tpu.memory_space<vmem>>
        %get3A_1290 = tpu.memref_squeeze %get3A_1289 : memref<1x16x128xf32, #tpu.memory_space<vmem>> -> memref<16x128xf32, #tpu.memory_space<vmem>>
        %get3A_1291 = arith.index_cast %select_n3A_1268 : i32 to index
        %get3A_1292 = arith.index_cast %mul3A_1286 : i32 to index
        %get3A_1293 = tpu.vector_load %get3A_1290[%get3A_1291, %get3A_1292] {strides = array<i32>} : memref<16x128xf32, #tpu.memory_space<vmem>>, vector<1x16xf32>,
        %get3A_1294 = vector.shape_cast %get3A_1293 : vector<1x16xf32> to vector<16xf32>
        %add3A_1295 = arith.addf %add3A_1244, %get3A_1294 : vector<16xf32>
        %max3A_1296 = arith.constant 0.000000e+00 : f32
        %max3A_1297 = vector.broadcast %max3A_1296 : f32 to vector<16xf32>
        %max3A_1298 = arith.maximumf %add3A_1295, %max3A_1297 : vector<16xf32>
        %swap3A_1299 = arith.constant 0 : i32
        %swap3A_1300 = arith.constant 0 : i32
        %swap3A_1301 = tpu.memref_slice %arg9[%scan3A_654, %swap3A_1299, %swap3A_1300] : memref<2x128x16xf32, #tpu.memory_space<vmem>> -> memref<1x128x16xf32, #tpu.memory_space<vmem>>
        %swap3A_1302 = tpu.memref_squeeze %swap3A_1301 : memref<1x128x16xf32, #tpu.memory_space<vmem>> -> memref<128x16xf32, #tpu.memory_space<vmem>>
        %swap3A_1303 = arith.index_cast %add3A_1227 : i32 to index
        %swap3A_1304 = arith.constant 0 : index
        %swap3A_1305 = tpu.vector_load %swap3A_1302[%swap3A_1303, %swap3A_1304] {strides = array<i32>} : memref<128x16xf32, #tpu.memory_space<vmem>>, vector<1x16xf32>,
        %swap3A_1306 = vector.shape_cast %swap3A_1305 : vector<1x16xf32> to vector<16xf32>
        %swap3A_1307 = vector.shape_cast %max3A_1298 : vector<16xf32> to vector<1x16xf32>
        tpu.vector_store %swap3A_1302[%swap3A_1303, %swap3A_1304], %swap3A_1307 {strides = array<i32>} : memref<128x16xf32, #tpu.memory_space<vmem>>, vector<1x16xf32>,
        %mul3A_1308 = arith.constant 8 : i32
        %mul3A_1309 = arith.muli %scan3A_804, %mul3A_1308 : i32
        %add3A_1310 = arith.constant 6 : i32
        %add3A_1311 = arith.addi %mul3A_1309, %add3A_1310 : i32
        %get3A_1312 = arith.constant 0 : i32
        %get3A_1313 = arith.constant 0 : i32
        %get3A_1314 = tpu.memref_slice %arg9[%scan3A_654, %get3A_1312, %get3A_1313] : memref<2x128x16xf32, #tpu.memory_space<vmem>> -> memref<1x128x16xf32, #tpu.memory_space<vmem>>
        %get3A_1315 = tpu.memref_squeeze %get3A_1314 : memref<1x128x16xf32, #tpu.memory_space<vmem>> -> memref<128x16xf32, #tpu.memory_space<vmem>>
        %get3A_1316 = arith.index_cast %add3A_1311 : i32 to index
        %get3A_1317 = arith.constant 0 : index
        %get3A_1318 = tpu.vector_load %get3A_1315[%get3A_1316, %get3A_1317] {strides = array<i32>} : memref<128x16xf32, #tpu.memory_space<vmem>>, vector<1x16xf32>,
        %get3A_1319 = vector.shape_cast %get3A_1318 : vector<1x16xf32> to vector<16xf32>
        %get3A_1320 = arith.constant 0 : i32
        %get3A_1321 = arith.constant 0 : i32
        %get3A_1322 = tpu.memref_slice %arg10[%scan3A_655, %get3A_1320, %get3A_1321] : memref<2x128x16xf32, #tpu.memory_space<vmem>> -> memref<1x128x16xf32, #tpu.memory_space<vmem>>
        %get3A_1323 = tpu.memref_squeeze %get3A_1322 : memref<1x128x16xf32, #tpu.memory_space<vmem>> -> memref<128x16xf32, #tpu.memory_space<vmem>>
        %get3A_1324 = arith.index_cast %add3A_1311 : i32 to index
        %get3A_1325 = arith.constant 0 : index
        %get3A_1326 = tpu.vector_load %get3A_1323[%get3A_1324, %get3A_1325] {strides = array<i32>} : memref<128x16xf32, #tpu.memory_space<vmem>>, vector<1x16xf32>,
        %get3A_1327 = vector.shape_cast %get3A_1326 : vector<1x16xf32> to vector<16xf32>
        %add3A_1328 = arith.addf %get3A_1319, %get3A_1327 : vector<16xf32>
        %jit3A_1329 = arith.constant 8 : i32
        %div3A_1330 = arith.divsi %add3A_1311, %jit3A_1329 : i32
        %sign3A_1331 = arith.constant 0 : i32
        %sign3A_1332 = arith.cmpi sgt, %add3A_1311, %sign3A_1331 : i32
        %sign3A_1333 = arith.extui %sign3A_1332 : i1 to i32
        %sign3A_1334 = arith.constant 0 : i32
        %sign3A_1335 = arith.cmpi slt, %add3A_1311, %sign3A_1334 : i32
        %sign3A_1336 = arith.extui %sign3A_1335 : i1 to i32
        %sign3A_1337 = arith.subi %sign3A_1333, %sign3A_1336 : i32
        %sign3A_1338 = arith.constant 0 : i32
        %sign3A_1339 = arith.cmpi sgt, %jit3A_1329, %sign3A_1338 : i32
        %sign3A_1340 = arith.extui %sign3A_1339 : i1 to i32
        %sign3A_1341 = arith.constant 0 : i32
        %sign3A_1342 = arith.cmpi slt, %jit3A_1329, %sign3A_1341 : i32
        %sign3A_1343 = arith.extui %sign3A_1342 : i1 to i32
        %sign3A_1344 = arith.subi %sign3A_1340, %sign3A_1343 : i32
        %ne3A_1345 = arith.cmpi ne, %sign3A_1337, %sign3A_1344 : i32
        %rem3A_1346 = arith.remsi %add3A_1311, %jit3A_1329 : i32
        %ne3A_1347 = arith.constant 0 : i32
        %ne3A_1348 = arith.cmpi ne, %rem3A_1346, %ne3A_1347 : i32
        %and3A_1349 = arith.andi %ne3A_1345, %ne3A_1348 : i1
        %sub3A_1350 = arith.constant 1 : i32
        %sub3A_1351 = arith.subi %div3A_1330, %sub3A_1350 : i32
        %select_n3A_1352 = arith.select %and3A_1349, %sub3A_1351, %div3A_1330 : i32
        %jit3A_1353 = arith.constant 8 : i32
        %eq3A_1354 = arith.constant 0 : i32
        %eq3A_1355 = arith.cmpi eq, %jit3A_1353, %eq3A_1354 : i32
        %jit3A_1356 = arith.constant 1 : i32
        %select_n3A_1357 = arith.select %eq3A_1355, %jit3A_1356, %jit3A_1353 : i32
        %rem3A_1358 = arith.remsi %add3A_1311, %select_n3A_1357 : i32
        %ne3A_1359 = arith.constant 0 : i32
        %ne3A_1360 = arith.cmpi ne, %rem3A_1358, %ne3A_1359 : i32
        %lt3A_1361 = arith.constant 0 : i32
        %lt3A_1362 = arith.cmpi slt, %rem3A_1358, %lt3A_1361 : i32
        %lt3A_1363 = arith.constant 0 : i32
        %lt3A_1364 = arith.cmpi slt, %select_n3A_1357, %lt3A_1363 : i32
        %ne3A_1365 = arith.xori %lt3A_1362, %lt3A_1364 : i1
        %and3A_1366 = arith.andi %ne3A_1365, %ne3A_1360 : i1
        %add3A_1367 = arith.addi %rem3A_1358, %select_n3A_1357 : i32
        %select_n3A_1368 = arith.select %and3A_1366, %add3A_1367, %rem3A_1358 : i32
        %mul3A_1369 = arith.constant 16 : i32
        %mul3A_1370 = arith.muli %select_n3A_1368, %mul3A_1369 : i32
        %get3A_1371 = arith.constant 0 : i32
        %get3A_1372 = arith.constant 0 : i32
        %get3A_1373 = tpu.memref_slice %arg11[%scan3A_656, %get3A_1371, %get3A_1372] : memref<2x16x128xf32, #tpu.memory_space<vmem>> -> memref<1x16x128xf32, #tpu.memory_space<vmem>>
        %get3A_1374 = tpu.memref_squeeze %get3A_1373 : memref<1x16x128xf32, #tpu.memory_space<vmem>> -> memref<16x128xf32, #tpu.memory_space<vmem>>
        %get3A_1375 = arith.index_cast %select_n3A_1352 : i32 to index
        %get3A_1376 = arith.index_cast %mul3A_1370 : i32 to index
        %get3A_1377 = tpu.vector_load %get3A_1374[%get3A_1375, %get3A_1376] {strides = array<i32>} : memref<16x128xf32, #tpu.memory_space<vmem>>, vector<1x16xf32>,
        %get3A_1378 = vector.shape_cast %get3A_1377 : vector<1x16xf32> to vector<16xf32>
        %add3A_1379 = arith.addf %add3A_1328, %get3A_1378 : vector<16xf32>
        %max3A_1380 = arith.constant 0.000000e+00 : f32
        %max3A_1381 = vector.broadcast %max3A_1380 : f32 to vector<16xf32>
        %max3A_1382 = arith.maximumf %add3A_1379, %max3A_1381 : vector<16xf32>
        %swap3A_1383 = arith.constant 0 : i32
        %swap3A_1384 = arith.constant 0 : i32
        %swap3A_1385 = tpu.memref_slice %arg9[%scan3A_654, %swap3A_1383, %swap3A_1384] : memref<2x128x16xf32, #tpu.memory_space<vmem>> -> memref<1x128x16xf32, #tpu.memory_space<vmem>>
        %swap3A_1386 = tpu.memref_squeeze %swap3A_1385 : memref<1x128x16xf32, #tpu.memory_space<vmem>> -> memref<128x16xf32, #tpu.memory_space<vmem>>
        %swap3A_1387 = arith.index_cast %add3A_1311 : i32 to index
        %swap3A_1388 = arith.constant 0 : index
        %swap3A_1389 = tpu.vector_load %swap3A_1386[%swap3A_1387, %swap3A_1388] {strides = array<i32>} : memref<128x16xf32, #tpu.memory_space<vmem>>, vector<1x16xf32>,
        %swap3A_1390 = vector.shape_cast %swap3A_1389 : vector<1x16xf32> to vector<16xf32>
        %swap3A_1391 = vector.shape_cast %max3A_1382 : vector<16xf32> to vector<1x16xf32>
        tpu.vector_store %swap3A_1386[%swap3A_1387, %swap3A_1388], %swap3A_1391 {strides = array<i32>} : memref<128x16xf32, #tpu.memory_space<vmem>>, vector<1x16xf32>,
        %mul3A_1392 = arith.constant 8 : i32
        %mul3A_1393 = arith.muli %scan3A_804, %mul3A_1392 : i32
        %add3A_1394 = arith.constant 7 : i32
        %add3A_1395 = arith.addi %mul3A_1393, %add3A_1394 : i32
        %get3A_1396 = arith.constant 0 : i32
        %get3A_1397 = arith.constant 0 : i32
        %get3A_1398 = tpu.memref_slice %arg9[%scan3A_654, %get3A_1396, %get3A_1397] : memref<2x128x16xf32, #tpu.memory_space<vmem>> -> memref<1x128x16xf32, #tpu.memory_space<vmem>>
        %get3A_1399 = tpu.memref_squeeze %get3A_1398 : memref<1x128x16xf32, #tpu.memory_space<vmem>> -> memref<128x16xf32, #tpu.memory_space<vmem>>
        %get3A_1400 = arith.index_cast %add3A_1395 : i32 to index
        %get3A_1401 = arith.constant 0 : index
        %get3A_1402 = tpu.vector_load %get3A_1399[%get3A_1400, %get3A_1401] {strides = array<i32>} : memref<128x16xf32, #tpu.memory_space<vmem>>, vector<1x16xf32>,
        %get3A_1403 = vector.shape_cast %get3A_1402 : vector<1x16xf32> to vector<16xf32>
        %get3A_1404 = arith.constant 0 : i32
        %get3A_1405 = arith.constant 0 : i32
        %get3A_1406 = tpu.memref_slice %arg10[%scan3A_655, %get3A_1404, %get3A_1405] : memref<2x128x16xf32, #tpu.memory_space<vmem>> -> memref<1x128x16xf32, #tpu.memory_space<vmem>>
        %get3A_1407 = tpu.memref_squeeze %get3A_1406 : memref<1x128x16xf32, #tpu.memory_space<vmem>> -> memref<128x16xf32, #tpu.memory_space<vmem>>
        %get3A_1408 = arith.index_cast %add3A_1395 : i32 to index
        %get3A_1409 = arith.constant 0 : index
        %get3A_1410 = tpu.vector_load %get3A_1407[%get3A_1408, %get3A_1409] {strides = array<i32>} : memref<128x16xf32, #tpu.memory_space<vmem>>, vector<1x16xf32>,
        %get3A_1411 = vector.shape_cast %get3A_1410 : vector<1x16xf32> to vector<16xf32>
        %add3A_1412 = arith.addf %get3A_1403, %get3A_1411 : vector<16xf32>
        %jit3A_1413 = arith.constant 8 : i32
        %div3A_1414 = arith.divsi %add3A_1395, %jit3A_1413 : i32
        %sign3A_1415 = arith.constant 0 : i32
        %sign3A_1416 = arith.cmpi sgt, %add3A_1395, %sign3A_1415 : i32
        %sign3A_1417 = arith.extui %sign3A_1416 : i1 to i32
        %sign3A_1418 = arith.constant 0 : i32
        %sign3A_1419 = arith.cmpi slt, %add3A_1395, %sign3A_1418 : i32
        %sign3A_1420 = arith.extui %sign3A_1419 : i1 to i32
        %sign3A_1421 = arith.subi %sign3A_1417, %sign3A_1420 : i32
        %sign3A_1422 = arith.constant 0 : i32
        %sign3A_1423 = arith.cmpi sgt, %jit3A_1413, %sign3A_1422 : i32
        %sign3A_1424 = arith.extui %sign3A_1423 : i1 to i32
        %sign3A_1425 = arith.constant 0 : i32
        %sign3A_1426 = arith.cmpi slt, %jit3A_1413, %sign3A_1425 : i32
        %sign3A_1427 = arith.extui %sign3A_1426 : i1 to i32
        %sign3A_1428 = arith.subi %sign3A_1424, %sign3A_1427 : i32
        %ne3A_1429 = arith.cmpi ne, %sign3A_1421, %sign3A_1428 : i32
        %rem3A_1430 = arith.remsi %add3A_1395, %jit3A_1413 : i32
        %ne3A_1431 = arith.constant 0 : i32
        %ne3A_1432 = arith.cmpi ne, %rem3A_1430, %ne3A_1431 : i32
        %and3A_1433 = arith.andi %ne3A_1429, %ne3A_1432 : i1
        %sub3A_1434 = arith.constant 1 : i32
        %sub3A_1435 = arith.subi %div3A_1414, %sub3A_1434 : i32
        %select_n3A_1436 = arith.select %and3A_1433, %sub3A_1435, %div3A_1414 : i32
        %jit3A_1437 = arith.constant 8 : i32
        %eq3A_1438 = arith.constant 0 : i32
        %eq3A_1439 = arith.cmpi eq, %jit3A_1437, %eq3A_1438 : i32
        %jit3A_1440 = arith.constant 1 : i32
        %select_n3A_1441 = arith.select %eq3A_1439, %jit3A_1440, %jit3A_1437 : i32
        %rem3A_1442 = arith.remsi %add3A_1395, %select_n3A_1441 : i32
        %ne3A_1443 = arith.constant 0 : i32
        %ne3A_1444 = arith.cmpi ne, %rem3A_1442, %ne3A_1443 : i32
        %lt3A_1445 = arith.constant 0 : i32
        %lt3A_1446 = arith.cmpi slt, %rem3A_1442, %lt3A_1445 : i32
        %lt3A_1447 = arith.constant 0 : i32
        %lt3A_1448 = arith.cmpi slt, %select_n3A_1441, %lt3A_1447 : i32
        %ne3A_1449 = arith.xori %lt3A_1446, %lt3A_1448 : i1
        %and3A_1450 = arith.andi %ne3A_1449, %ne3A_1444 : i1
        %add3A_1451 = arith.addi %rem3A_1442, %select_n3A_1441 : i32
        %select_n3A_1452 = arith.select %and3A_1450, %add3A_1451, %rem3A_1442 : i32
        %mul3A_1453 = arith.constant 16 : i32
        %mul3A_1454 = arith.muli %select_n3A_1452, %mul3A_1453 : i32
        %get3A_1455 = arith.constant 0 : i32
        %get3A_1456 = arith.constant 0 : i32
        %get3A_1457 = tpu.memref_slice %arg11[%scan3A_656, %get3A_1455, %get3A_1456] : memref<2x16x128xf32, #tpu.memory_space<vmem>> -> memref<1x16x128xf32, #tpu.memory_space<vmem>>
        %get3A_1458 = tpu.memref_squeeze %get3A_1457 : memref<1x16x128xf32, #tpu.memory_space<vmem>> -> memref<16x128xf32, #tpu.memory_space<vmem>>
        %get3A_1459 = arith.index_cast %select_n3A_1436 : i32 to index
        %get3A_1460 = arith.index_cast %mul3A_1454 : i32 to index
        %get3A_1461 = tpu.vector_load %get3A_1458[%get3A_1459, %get3A_1460] {strides = array<i32>} : memref<16x128xf32, #tpu.memory_space<vmem>>, vector<1x16xf32>,
        %get3A_1462 = vector.shape_cast %get3A_1461 : vector<1x16xf32> to vector<16xf32>
        %add3A_1463 = arith.addf %add3A_1412, %get3A_1462 : vector<16xf32>
        %max3A_1464 = arith.constant 0.000000e+00 : f32
        %max3A_1465 = vector.broadcast %max3A_1464 : f32 to vector<16xf32>
        %max3A_1466 = arith.maximumf %add3A_1463, %max3A_1465 : vector<16xf32>
        %swap3A_1467 = arith.constant 0 : i32
        %swap3A_1468 = arith.constant 0 : i32
        %swap3A_1469 = tpu.memref_slice %arg9[%scan3A_654, %swap3A_1467, %swap3A_1468] : memref<2x128x16xf32, #tpu.memory_space<vmem>> -> memref<1x128x16xf32, #tpu.memory_space<vmem>>
        %swap3A_1470 = tpu.memref_squeeze %swap3A_1469 : memref<1x128x16xf32, #tpu.memory_space<vmem>> -> memref<128x16xf32, #tpu.memory_space<vmem>>
        %swap3A_1471 = arith.index_cast %add3A_1395 : i32 to index
        %swap3A_1472 = arith.constant 0 : index
        %swap3A_1473 = tpu.vector_load %swap3A_1470[%swap3A_1471, %swap3A_1472] {strides = array<i32>} : memref<128x16xf32, #tpu.memory_space<vmem>>, vector<1x16xf32>,
        %swap3A_1474 = vector.shape_cast %swap3A_1473 : vector<1x16xf32> to vector<16xf32>
        %swap3A_1475 = vector.shape_cast %max3A_1466 : vector<16xf32> to vector<1x16xf32>
        tpu.vector_store %swap3A_1470[%swap3A_1471, %swap3A_1472], %swap3A_1475 {strides = array<i32>} : memref<128x16xf32, #tpu.memory_space<vmem>>, vector<1x16xf32>,
        %scan3A_1476 = arith.constant 0 : i32
        scf.yield %scan3A_1476 : i32
      }
      %scan3A_663 = arith.constant 16 : i32
      %get3A_664 = arith.constant 1 : i32
      %get3A_665 = arith.constant 0 : i32
      %get3A_666 = tpu.memref_slice %arg8[%get3A_664, %get3A_665] : memref<2x128xi32, #tpu.memory_space<vmem>> -> memref<1x128xi32, #tpu.memory_space<vmem>>
      %get3A_667 = tpu.memref_squeeze %get3A_666 : memref<1x128xi32, #tpu.memory_space<vmem>> -> memref<128xi32, #tpu.memory_space<vmem>>
      %get3A_668 = arith.constant 0 : index
      %get3A_669 = tpu.vector_load %get3A_667[%get3A_668] {strides = array<i32>} : memref<128xi32, #tpu.memory_space<vmem>>, vector<16xi32>,
      %get3A_670 = vector.shape_cast %get3A_669 : vector<16xi32> to vector<16xi32>
      %swap3A_671 = arith.constant 1 : i32
      %swap3A_672 = arith.constant 0 : i32
      %swap3A_673 = tpu.memref_slice %arg19[%swap3A_671, %swap3A_672] : memref<2x128xi32, #tpu.memory_space<vmem>> -> memref<1x128xi32, #tpu.memory_space<vmem>>
      %swap3A_674 = tpu.memref_squeeze %swap3A_673 : memref<1x128xi32, #tpu.memory_space<vmem>> -> memref<128xi32, #tpu.memory_space<vmem>>
      %swap3A_675 = arith.constant 0 : index
      %swap3A_676 = tpu.vector_load %swap3A_674[%swap3A_675] {strides = array<i32>} : memref<128xi32, #tpu.memory_space<vmem>>, vector<16xi32>,
      %swap3A_677 = vector.shape_cast %swap3A_676 : vector<16xi32> to vector<16xi32>
      %swap3A_678 = vector.shape_cast %get3A_670 : vector<16xi32> to vector<16xi32>
      tpu.vector_store %swap3A_674[%swap3A_675], %swap3A_678 {strides = array<i32>} : memref<128xi32, #tpu.memory_space<vmem>>, vector<16xi32>,
      %get3A_679 = arith.constant 1 : i32
      %get3A_680 = arith.constant 0 : i32
      %get3A_681 = tpu.memref_slice %arg8[%get3A_679, %get3A_680] : memref<2x128xi32, #tpu.memory_space<vmem>> -> memref<1x128xi32, #tpu.memory_space<vmem>>
      %get3A_682 = tpu.memref_squeeze %get3A_681 : memref<1x128xi32, #tpu.memory_space<vmem>> -> memref<128xi32, #tpu.memory_space<vmem>>
      %get3A_683 = arith.constant 16 : index
      %get3A_684 = tpu.vector_load %get3A_682[%get3A_683] {strides = array<i32>} : memref<128xi32, #tpu.memory_space<vmem>>, vector<16xi32>,
      %get3A_685 = vector.shape_cast %get3A_684 : vector<16xi32> to vector<16xi32>
      %swap3A_686 = arith.constant 1 : i32
      %swap3A_687 = arith.constant 0 : i32
      %swap3A_688 = tpu.memref_slice %arg19[%swap3A_686, %swap3A_687] : memref<2x128xi32, #tpu.memory_space<vmem>> -> memref<1x128xi32, #tpu.memory_space<vmem>>
      %swap3A_689 = tpu.memref_squeeze %swap3A_688 : memref<1x128xi32, #tpu.memory_space<vmem>> -> memref<128xi32, #tpu.memory_space<vmem>>
      %swap3A_690 = arith.constant 16 : index
      %swap3A_691 = tpu.vector_load %swap3A_689[%swap3A_690] {strides = array<i32>} : memref<128xi32, #tpu.memory_space<vmem>>, vector<16xi32>,
      %swap3A_692 = vector.shape_cast %swap3A_691 : vector<16xi32> to vector<16xi32>
      %swap3A_693 = vector.shape_cast %get3A_685 : vector<16xi32> to vector<16xi32>
      tpu.vector_store %swap3A_689[%swap3A_690], %swap3A_693 {strides = array<i32>} : memref<128xi32, #tpu.memory_space<vmem>>, vector<16xi32>,
      %get3A_694 = arith.constant 1 : i32
      %get3A_695 = arith.constant 0 : i32
      %get3A_696 = tpu.memref_slice %arg8[%get3A_694, %get3A_695] : memref<2x128xi32, #tpu.memory_space<vmem>> -> memref<1x128xi32, #tpu.memory_space<vmem>>
      %get3A_697 = tpu.memref_squeeze %get3A_696 : memref<1x128xi32, #tpu.memory_space<vmem>> -> memref<128xi32, #tpu.memory_space<vmem>>
      %get3A_698 = arith.constant 32 : index
      %get3A_699 = tpu.vector_load %get3A_697[%get3A_698] {strides = array<i32>} : memref<128xi32, #tpu.memory_space<vmem>>, vector<16xi32>,
      %get3A_700 = vector.shape_cast %get3A_699 : vector<16xi32> to vector<16xi32>
      %swap3A_701 = arith.constant 1 : i32
      %swap3A_702 = arith.constant 0 : i32
      %swap3A_703 = tpu.memref_slice %arg19[%swap3A_701, %swap3A_702] : memref<2x128xi32, #tpu.memory_space<vmem>> -> memref<1x128xi32, #tpu.memory_space<vmem>>
      %swap3A_704 = tpu.memref_squeeze %swap3A_703 : memref<1x128xi32, #tpu.memory_space<vmem>> -> memref<128xi32, #tpu.memory_space<vmem>>
      %swap3A_705 = arith.constant 32 : index
      %swap3A_706 = tpu.vector_load %swap3A_704[%swap3A_705] {strides = array<i32>} : memref<128xi32, #tpu.memory_space<vmem>>, vector<16xi32>,
      %swap3A_707 = vector.shape_cast %swap3A_706 : vector<16xi32> to vector<16xi32>
      %swap3A_708 = vector.shape_cast %get3A_700 : vector<16xi32> to vector<16xi32>
      tpu.vector_store %swap3A_704[%swap3A_705], %swap3A_708 {strides = array<i32>} : memref<128xi32, #tpu.memory_space<vmem>>, vector<16xi32>,
      %get3A_709 = arith.constant 1 : i32
      %get3A_710 = arith.constant 0 : i32
      %get3A_711 = tpu.memref_slice %arg8[%get3A_709, %get3A_710] : memref<2x128xi32, #tpu.memory_space<vmem>> -> memref<1x128xi32, #tpu.memory_space<vmem>>
      %get3A_712 = tpu.memref_squeeze %get3A_711 : memref<1x128xi32, #tpu.memory_space<vmem>> -> memref<128xi32, #tpu.memory_space<vmem>>
      %get3A_713 = arith.constant 48 : index
      %get3A_714 = tpu.vector_load %get3A_712[%get3A_713] {strides = array<i32>} : memref<128xi32, #tpu.memory_space<vmem>>, vector<16xi32>,
      %get3A_715 = vector.shape_cast %get3A_714 : vector<16xi32> to vector<16xi32>
      %swap3A_716 = arith.constant 1 : i32
      %swap3A_717 = arith.constant 0 : i32
      %swap3A_718 = tpu.memref_slice %arg19[%swap3A_716, %swap3A_717] : memref<2x128xi32, #tpu.memory_space<vmem>> -> memref<1x128xi32, #tpu.memory_space<vmem>>
      %swap3A_719 = tpu.memref_squeeze %swap3A_718 : memref<1x128xi32, #tpu.memory_space<vmem>> -> memref<128xi32, #tpu.memory_space<vmem>>
      %swap3A_720 = arith.constant 48 : index
      %swap3A_721 = tpu.vector_load %swap3A_719[%swap3A_720] {strides = array<i32>} : memref<128xi32, #tpu.memory_space<vmem>>, vector<16xi32>,
      %swap3A_722 = vector.shape_cast %swap3A_721 : vector<16xi32> to vector<16xi32>
      %swap3A_723 = vector.shape_cast %get3A_715 : vector<16xi32> to vector<16xi32>
      tpu.vector_store %swap3A_719[%swap3A_720], %swap3A_723 {strides = array<i32>} : memref<128xi32, #tpu.memory_space<vmem>>, vector<16xi32>,
      %get3A_724 = arith.constant 1 : i32
      %get3A_725 = arith.constant 0 : i32
      %get3A_726 = tpu.memref_slice %arg8[%get3A_724, %get3A_725] : memref<2x128xi32, #tpu.memory_space<vmem>> -> memref<1x128xi32, #tpu.memory_space<vmem>>
      %get3A_727 = tpu.memref_squeeze %get3A_726 : memref<1x128xi32, #tpu.memory_space<vmem>> -> memref<128xi32, #tpu.memory_space<vmem>>
      %get3A_728 = arith.constant 64 : index
      %get3A_729 = tpu.vector_load %get3A_727[%get3A_728] {strides = array<i32>} : memref<128xi32, #tpu.memory_space<vmem>>, vector<16xi32>,
      %get3A_730 = vector.shape_cast %get3A_729 : vector<16xi32> to vector<16xi32>
      %swap3A_731 = arith.constant 1 : i32
      %swap3A_732 = arith.constant 0 : i32
      %swap3A_733 = tpu.memref_slice %arg19[%swap3A_731, %swap3A_732] : memref<2x128xi32, #tpu.memory_space<vmem>> -> memref<1x128xi32, #tpu.memory_space<vmem>>
      %swap3A_734 = tpu.memref_squeeze %swap3A_733 : memref<1x128xi32, #tpu.memory_space<vmem>> -> memref<128xi32, #tpu.memory_space<vmem>>
      %swap3A_735 = arith.constant 64 : index
      %swap3A_736 = tpu.vector_load %swap3A_734[%swap3A_735] {strides = array<i32>} : memref<128xi32, #tpu.memory_space<vmem>>, vector<16xi32>,
      %swap3A_737 = vector.shape_cast %swap3A_736 : vector<16xi32> to vector<16xi32>
      %swap3A_738 = vector.shape_cast %get3A_730 : vector<16xi32> to vector<16xi32>
      tpu.vector_store %swap3A_734[%swap3A_735], %swap3A_738 {strides = array<i32>} : memref<128xi32, #tpu.memory_space<vmem>>, vector<16xi32>,
      %get3A_739 = arith.constant 1 : i32
      %get3A_740 = arith.constant 0 : i32
      %get3A_741 = tpu.memref_slice %arg8[%get3A_739, %get3A_740] : memref<2x128xi32, #tpu.memory_space<vmem>> -> memref<1x128xi32, #tpu.memory_space<vmem>>
      %get3A_742 = tpu.memref_squeeze %get3A_741 : memref<1x128xi32, #tpu.memory_space<vmem>> -> memref<128xi32, #tpu.memory_space<vmem>>
      %get3A_743 = arith.constant 80 : index
      %get3A_744 = tpu.vector_load %get3A_742[%get3A_743] {strides = array<i32>} : memref<128xi32, #tpu.memory_space<vmem>>, vector<16xi32>,
      %get3A_745 = vector.shape_cast %get3A_744 : vector<16xi32> to vector<16xi32>
      %swap3A_746 = arith.constant 1 : i32
      %swap3A_747 = arith.constant 0 : i32
      %swap3A_748 = tpu.memref_slice %arg19[%swap3A_746, %swap3A_747] : memref<2x128xi32, #tpu.memory_space<vmem>> -> memref<1x128xi32, #tpu.memory_space<vmem>>
      %swap3A_749 = tpu.memref_squeeze %swap3A_748 : memref<1x128xi32, #tpu.memory_space<vmem>> -> memref<128xi32, #tpu.memory_space<vmem>>
      %swap3A_750 = arith.constant 80 : index
      %swap3A_751 = tpu.vector_load %swap3A_749[%swap3A_750] {strides = array<i32>} : memref<128xi32, #tpu.memory_space<vmem>>, vector<16xi32>,
      %swap3A_752 = vector.shape_cast %swap3A_751 : vector<16xi32> to vector<16xi32>
      %swap3A_753 = vector.shape_cast %get3A_745 : vector<16xi32> to vector<16xi32>
      tpu.vector_store %swap3A_749[%swap3A_750], %swap3A_753 {strides = array<i32>} : memref<128xi32, #tpu.memory_space<vmem>>, vector<16xi32>,
      %get3A_754 = arith.constant 1 : i32
      %get3A_755 = arith.constant 0 : i32
      %get3A_756 = tpu.memref_slice %arg8[%get3A_754, %get3A_755] : memref<2x128xi32, #tpu.memory_space<vmem>> -> memref<1x128xi32, #tpu.memory_space<vmem>>
      %get3A_757 = tpu.memref_squeeze %get3A_756 : memref<1x128xi32, #tpu.memory_space<vmem>> -> memref<128xi32, #tpu.memory_space<vmem>>
      %get3A_758 = arith.constant 96 : index
      %get3A_759 = tpu.vector_load %get3A_757[%get3A_758] {strides = array<i32>} : memref<128xi32, #tpu.memory_space<vmem>>, vector<16xi32>,
      %get3A_760 = vector.shape_cast %get3A_759 : vector<16xi32> to vector<16xi32>
      %swap3A_761 = arith.constant 1 : i32
      %swap3A_762 = arith.constant 0 : i32
      %swap3A_763 = tpu.memref_slice %arg19[%swap3A_761, %swap3A_762] : memref<2x128xi32, #tpu.memory_space<vmem>> -> memref<1x128xi32, #tpu.memory_space<vmem>>
      %swap3A_764 = tpu.memref_squeeze %swap3A_763 : memref<1x128xi32, #tpu.memory_space<vmem>> -> memref<128xi32, #tpu.memory_space<vmem>>
      %swap3A_765 = arith.constant 96 : index
      %swap3A_766 = tpu.vector_load %swap3A_764[%swap3A_765] {strides = array<i32>} : memref<128xi32, #tpu.memory_space<vmem>>, vector<16xi32>,
      %swap3A_767 = vector.shape_cast %swap3A_766 : vector<16xi32> to vector<16xi32>
      %swap3A_768 = vector.shape_cast %get3A_760 : vector<16xi32> to vector<16xi32>
      tpu.vector_store %swap3A_764[%swap3A_765], %swap3A_768 {strides = array<i32>} : memref<128xi32, #tpu.memory_space<vmem>>, vector<16xi32>,
      %get3A_769 = arith.constant 1 : i32
      %get3A_770 = arith.constant 0 : i32
      %get3A_771 = tpu.memref_slice %arg8[%get3A_769, %get3A_770] : memref<2x128xi32, #tpu.memory_space<vmem>> -> memref<1x128xi32, #tpu.memory_space<vmem>>
      %get3A_772 = tpu.memref_squeeze %get3A_771 : memref<1x128xi32, #tpu.memory_space<vmem>> -> memref<128xi32, #tpu.memory_space<vmem>>
      %get3A_773 = arith.constant 112 : index
      %get3A_774 = tpu.vector_load %get3A_772[%get3A_773] {strides = array<i32>} : memref<128xi32, #tpu.memory_space<vmem>>, vector<16xi32>,
      %get3A_775 = vector.shape_cast %get3A_774 : vector<16xi32> to vector<16xi32>
      %swap3A_776 = arith.constant 1 : i32
      %swap3A_777 = arith.constant 0 : i32
      %swap3A_778 = tpu.memref_slice %arg19[%swap3A_776, %swap3A_777] : memref<2x128xi32, #tpu.memory_space<vmem>> -> memref<1x128xi32, #tpu.memory_space<vmem>>
      %swap3A_779 = tpu.memref_squeeze %swap3A_778 : memref<1x128xi32, #tpu.memory_space<vmem>> -> memref<128xi32, #tpu.memory_space<vmem>>
      %swap3A_780 = arith.constant 112 : index
      %swap3A_781 = tpu.vector_load %swap3A_779[%swap3A_780] {strides = array<i32>} : memref<128xi32, #tpu.memory_space<vmem>>, vector<16xi32>,
      %swap3A_782 = vector.shape_cast %swap3A_781 : vector<16xi32> to vector<16xi32>
      %swap3A_783 = vector.shape_cast %get3A_775 : vector<16xi32> to vector<16xi32>
      tpu.vector_store %swap3A_779[%swap3A_780], %swap3A_783 {strides = array<i32>} : memref<128xi32, #tpu.memory_space<vmem>>, vector<16xi32>,
      %dma_start3A_784 = arith.constant 1 : i32
      %dma_start3A_785 = arith.constant 1 : i32
      %dma_start3A_786 = arith.constant 0 : i32
      %dma_start3A_787 = arith.constant 0 : i32
      %dma_start3A_788 = tpu.memref_slice %arg9[%dma_start3A_784, %dma_start3A_786, %dma_start3A_787] : memref<2x128x16xf32, #tpu.memory_space<vmem>> -> memref<1x128x16xf32, #tpu.memory_space<vmem>>
      %dma_start3A_789 = tpu.memref_squeeze %dma_start3A_788 : memref<1x128x16xf32, #tpu.memory_space<vmem>> -> memref<128x16xf32, #tpu.memory_space<vmem>>
      %dma_start3A_790 = arith.constant 0 : i32
      %dma_start3A_791 = tpu.memref_slice %arg19[%dma_start3A_785, %dma_start3A_790] : memref<2x128xi32, #tpu.memory_space<vmem>> -> memref<1x128xi32, #tpu.memory_space<vmem>>
      %dma_start3A_792 = tpu.memref_squeeze %dma_start3A_791 : memref<1x128xi32, #tpu.memory_space<vmem>> -> memref<128xi32, #tpu.memory_space<vmem>>
      %dma_start3A_793 = arith.constant 0 : i32
      %dma_start3A_794 = arith.constant 0 : i32
      %dma_start3A_795 = tpu.memref_slice %arg13[%dma_start3A_793, %dma_start3A_794] : memref<10000x16xf32, #tpu.memory_space<vmem_shared>> -> memref<10000x16xf32, #tpu.memory_space<vmem_shared>>
      tpu.enqueue_indirect_dma source(%dma_start3A_789 : memref<128x16xf32, #tpu.memory_space<vmem>>) target(%dma_start3A_795 : memref<10000x16xf32, #tpu.memory_space<vmem_shared>>) offsets(%dma_start3A_792 : memref<128xi32, #tpu.memory_space<vmem>>) semaphore(%arg25 : memref<!tpu.dma_semaphore, #tpu.memory_space<semaphore_mem>>) {add = true}
      %add3A_796 = arith.constant 2 : i32
      %add3A_797 = arith.addi %add3A_622, %add3A_796 : i32
      %lt3A_798 = arith.constant 78 : i32
      %lt3A_799 = arith.cmpi slt, %add3A_797, %lt3A_798 : i32
      %convert_element_type3A_800 = arith.extui %lt3A_799 : i1 to i32
      %cond3A_801 = arith.constant 0 : i32
      %cond3A_802 = arith.cmpi ne, %convert_element_type3A_800, %cond3A_801 : i32
      scf.if %cond3A_802 {
        %add3A_804 = arith.constant 2 : i32
        %add3A_805 = arith.addi %add3A_622, %add3A_804 : i32
        %mul3A_806 = arith.constant 10000 : i32
        %mul3A_807 = arith.muli %add3A, %mul3A_806 : i32
        %mul3A_808 = arith.constant 128 : i32
        %mul3A_809 = arith.muli %add3A_805, %mul3A_808 : i32
        %add3A_810 = arith.addi %mul3A_807, %mul3A_809 : i32
        %dma_start3A_811 = arith.constant 1 : i32
        %dma_start3A_812 = arith.constant 0 : i32
        %dma_start3A_813 = tpu.memref_slice %arg7[%dma_start3A_811, %dma_start3A_812] : memref<2x128xi32, #tpu.memory_space<vmem>> -> memref<1x128xi32, #tpu.memory_space<vmem>>
        %dma_start3A_814 = tpu.memref_squeeze %dma_start3A_813 : memref<1x128xi32, #tpu.memory_space<vmem>> -> memref<128xi32, #tpu.memory_space<vmem>>
        %dma_start3A_815 = tpu.memref_slice %arg2[%add3A_810] : memref<320000xi32, #tpu.memory_space<hbm>> -> memref<128xi32, #tpu.memory_space<hbm>>
        %dma_start3A_816 = arith.constant 0 : i32
        %dma_start3A_817 = tpu.memref_slice %arg7[%dma_start3A_811, %dma_start3A_816] : memref<2x128xi32, #tpu.memory_space<vmem>> -> memref<1x128xi32, #tpu.memory_space<vmem>>
        %dma_start3A_818 = tpu.memref_squeeze %dma_start3A_817 : memref<1x128xi32, #tpu.memory_space<vmem>> -> memref<128xi32, #tpu.memory_space<vmem>>
        %dma_start3A_819 = tpu.memref_slice %arg2[%add3A_810] : memref<320000xi32, #tpu.memory_space<hbm>> -> memref<128xi32, #tpu.memory_space<hbm>>
        tpu.enqueue_dma source(%dma_start3A_819 : memref<128xi32, #tpu.memory_space<hbm>>) target(%dma_start3A_818 : memref<128xi32, #tpu.memory_space<vmem>>) target_semaphore(%arg21 : memref<!tpu.dma_semaphore, #tpu.memory_space<semaphore_mem>>)
        %dma_start3A_820 = arith.constant 1 : i32
        %dma_start3A_821 = arith.constant 0 : i32
        %dma_start3A_822 = tpu.memref_slice %arg8[%dma_start3A_820, %dma_start3A_821] : memref<2x128xi32, #tpu.memory_space<vmem>> -> memref<1x128xi32, #tpu.memory_space<vmem>>
        %dma_start3A_823 = tpu.memref_squeeze %dma_start3A_822 : memref<1x128xi32, #tpu.memory_space<vmem>> -> memref<128xi32, #tpu.memory_space<vmem>>
        %dma_start3A_824 = tpu.memref_slice %arg3[%add3A_810] : memref<320000xi32, #tpu.memory_space<hbm>> -> memref<128xi32, #tpu.memory_space<hbm>>
        %dma_start3A_825 = arith.constant 0 : i32
        %dma_start3A_826 = tpu.memref_slice %arg8[%dma_start3A_820, %dma_start3A_825] : memref<2x128xi32, #tpu.memory_space<vmem>> -> memref<1x128xi32, #tpu.memory_space<vmem>>
        %dma_start3A_827 = tpu.memref_squeeze %dma_start3A_826 : memref<1x128xi32, #tpu.memory_space<vmem>> -> memref<128xi32, #tpu.memory_space<vmem>>
        %dma_start3A_828 = tpu.memref_slice %arg3[%add3A_810] : memref<320000xi32, #tpu.memory_space<hbm>> -> memref<128xi32, #tpu.memory_space<hbm>>
        tpu.enqueue_dma source(%dma_start3A_828 : memref<128xi32, #tpu.memory_space<hbm>>) target(%dma_start3A_827 : memref<128xi32, #tpu.memory_space<vmem>>) target_semaphore(%arg21 : memref<!tpu.dma_semaphore, #tpu.memory_space<semaphore_mem>>)
        %mul3A_829 = arith.constant 16 : i32
        %mul3A_830 = arith.muli %add3A_810, %mul3A_829 : i32
        %jit3A_831 = arith.constant 128 : i32
        %div3A_832 = arith.divsi %mul3A_830, %jit3A_831 : i32
        %sign3A_833 = arith.constant 0 : i32
        %sign3A_834 = arith.cmpi sgt, %mul3A_830, %sign3A_833 : i32
        %sign3A_835 = arith.extui %sign3A_834 : i1 to i32
        %sign3A_836 = arith.constant 0 : i32
        %sign3A_837 = arith.cmpi slt, %mul3A_830, %sign3A_836 : i32
        %sign3A_838 = arith.extui %sign3A_837 : i1 to i32
        %sign3A_839 = arith.subi %sign3A_835, %sign3A_838 : i32
        %sign3A_840 = arith.constant 0 : i32
        %sign3A_841 = arith.cmpi sgt, %jit3A_831, %sign3A_840 : i32
        %sign3A_842 = arith.extui %sign3A_841 : i1 to i32
        %sign3A_843 = arith.constant 0 : i32
        %sign3A_844 = arith.cmpi slt, %jit3A_831, %sign3A_843 : i32
        %sign3A_845 = arith.extui %sign3A_844 : i1 to i32
        %sign3A_846 = arith.subi %sign3A_842, %sign3A_845 : i32
        %ne3A_847 = arith.cmpi ne, %sign3A_839, %sign3A_846 : i32
        %rem3A_848 = arith.remsi %mul3A_830, %jit3A_831 : i32
        %ne3A_849 = arith.constant 0 : i32
        %ne3A_850 = arith.cmpi ne, %rem3A_848, %ne3A_849 : i32
        %and3A_851 = arith.andi %ne3A_847, %ne3A_850 : i1
        %sub3A_852 = arith.constant 1 : i32
        %sub3A_853 = arith.subi %div3A_832, %sub3A_852 : i32
        %select_n3A_854 = arith.select %and3A_851, %sub3A_853, %div3A_832 : i32
        %dma_start3A_855 = arith.constant 1 : i32
        %dma_start3A_856 = arith.constant 0 : i32
        %dma_start3A_857 = arith.constant 0 : i32
        %dma_start3A_858 = tpu.memref_slice %arg11[%dma_start3A_855, %dma_start3A_856, %dma_start3A_857] : memref<2x16x128xf32, #tpu.memory_space<vmem>> -> memref<1x16x128xf32, #tpu.memory_space<vmem>>
        %dma_start3A_859 = tpu.memref_squeeze %dma_start3A_858 : memref<1x16x128xf32, #tpu.memory_space<vmem>> -> memref<16x128xf32, #tpu.memory_space<vmem>>
        %dma_start3A_860 = arith.constant 0 : i32
        %dma_start3A_861 = tpu.memref_slice %arg5[%select_n3A_854, %dma_start3A_860] : memref<40000x128xf32, #tpu.memory_space<hbm>> -> memref<16x128xf32, #tpu.memory_space<hbm>>
        %dma_start3A_862 = arith.constant 0 : i32
        %dma_start3A_863 = arith.constant 0 : i32
        %dma_start3A_864 = tpu.memref_slice %arg11[%dma_start3A_855, %dma_start3A_862, %dma_start3A_863] : memref<2x16x128xf32, #tpu.memory_space<vmem>> -> memref<1x16x128xf32, #tpu.memory_space<vmem>>
        %dma_start3A_865 = tpu.memref_squeeze %dma_start3A_864 : memref<1x16x128xf32, #tpu.memory_space<vmem>> -> memref<16x128xf32, #tpu.memory_space<vmem>>
        %dma_start3A_866 = arith.constant 0 : i32
        %dma_start3A_867 = tpu.memref_slice %arg5[%select_n3A_854, %dma_start3A_866] : memref<40000x128xf32, #tpu.memory_space<hbm>> -> memref<16x128xf32, #tpu.memory_space<hbm>>
        tpu.enqueue_dma source(%dma_start3A_867 : memref<16x128xf32, #tpu.memory_space<hbm>>) target(%dma_start3A_865 : memref<16x128xf32, #tpu.memory_space<vmem>>) target_semaphore(%arg21 : memref<!tpu.dma_semaphore, #tpu.memory_space<semaphore_mem>>)
      } else {
      }
      %scan3A_803 = arith.constant 0 : i32
      scf.yield %scan3A_803 : i32
    }
    %scan3A_347 = arith.constant 39 : i32
    %dma_wait3A_348 = arith.constant 0 : i32
    %dma_wait3A_349 = arith.constant 0 : i32
    %dma_wait3A_350 = arith.constant 0 : i32
    %dma_wait3A_351 = arith.constant 0 : i32
    %dma_wait3A_352 = tpu.memref_slice %arg9[%dma_wait3A_348, %dma_wait3A_350, %dma_wait3A_351] : memref<2x128x16xf32, #tpu.memory_space<vmem>> -> memref<1x128x16xf32, #tpu.memory_space<vmem>>
    %dma_wait3A_353 = tpu.memref_squeeze %dma_wait3A_352 : memref<1x128x16xf32, #tpu.memory_space<vmem>> -> memref<128x16xf32, #tpu.memory_space<vmem>>
    %dma_wait3A_354 = arith.constant 0 : i32
    %dma_wait3A_355 = tpu.memref_slice %arg19[%dma_wait3A_349, %dma_wait3A_354] : memref<2x128xi32, #tpu.memory_space<vmem>> -> memref<1x128xi32, #tpu.memory_space<vmem>>
    %dma_wait3A_356 = tpu.memref_squeeze %dma_wait3A_355 : memref<1x128xi32, #tpu.memory_space<vmem>> -> memref<128xi32, #tpu.memory_space<vmem>>
    %dma_wait3A_357 = arith.constant 0 : i32
    %dma_wait3A_358 = arith.constant 0 : i32
    %dma_wait3A_359 = tpu.memref_slice %arg13[%dma_wait3A_357, %dma_wait3A_358] : memref<10000x16xf32, #tpu.memory_space<vmem_shared>> -> memref<10000x16xf32, #tpu.memory_space<vmem_shared>>
    tpu.wait_indirect_dma semaphore(%arg24 : memref<!tpu.dma_semaphore, #tpu.memory_space<semaphore_mem>>) src(%dma_wait3A_353 : memref<128x16xf32, #tpu.memory_space<vmem>>) dst(%dma_wait3A_359 : memref<10000x16xf32, #tpu.memory_space<vmem_shared>>)
    %dma_wait3A_360 = arith.constant 1 : i32
    %dma_wait3A_361 = arith.constant 1 : i32
    %dma_wait3A_362 = arith.constant 0 : i32
    %dma_wait3A_363 = arith.constant 0 : i32
    %dma_wait3A_364 = tpu.memref_slice %arg9[%dma_wait3A_360, %dma_wait3A_362, %dma_wait3A_363] : memref<2x128x16xf32, #tpu.memory_space<vmem>> -> memref<1x128x16xf32, #tpu.memory_space<vmem>>
    %dma_wait3A_365 = tpu.memref_squeeze %dma_wait3A_364 : memref<1x128x16xf32, #tpu.memory_space<vmem>> -> memref<128x16xf32, #tpu.memory_space<vmem>>
    %dma_wait3A_366 = arith.constant 0 : i32
    %dma_wait3A_367 = tpu.memref_slice %arg19[%dma_wait3A_361, %dma_wait3A_366] : memref<2x128xi32, #tpu.memory_space<vmem>> -> memref<1x128xi32, #tpu.memory_space<vmem>>
    %dma_wait3A_368 = tpu.memref_squeeze %dma_wait3A_367 : memref<1x128xi32, #tpu.memory_space<vmem>> -> memref<128xi32, #tpu.memory_space<vmem>>
    %dma_wait3A_369 = arith.constant 0 : i32
    %dma_wait3A_370 = arith.constant 0 : i32
    %dma_wait3A_371 = tpu.memref_slice %arg13[%dma_wait3A_369, %dma_wait3A_370] : memref<10000x16xf32, #tpu.memory_space<vmem_shared>> -> memref<10000x16xf32, #tpu.memory_space<vmem_shared>>
    tpu.wait_indirect_dma semaphore(%arg25 : memref<!tpu.dma_semaphore, #tpu.memory_space<semaphore_mem>>) src(%dma_wait3A_365 : memref<128x16xf32, #tpu.memory_space<vmem>>) dst(%dma_wait3A_371 : memref<10000x16xf32, #tpu.memory_space<vmem_shared>>)
    %mul3A_372 = arith.constant 10000 : i32
    %mul3A_373 = arith.muli %add3A, %mul3A_372 : i32
    %add3A_374 = arith.constant 9984 : i32
    %add3A_375 = arith.addi %mul3A_373, %add3A_374 : i32
    "tpu.region"() ({
      %run_scoped3A = tpu.sem_alloc : memref<!tpu.dma_semaphore, #tpu.memory_space<semaphore_mem>>
      %dma_start3A_437 = tpu.memref_slice %arg2[%add3A_375] : memref<320000xi32, #tpu.memory_space<hbm>> -> memref<16xi32, #tpu.memory_space<hbm>>
      %dma_start3A_438 = tpu.memref_slice %arg2[%add3A_375] : memref<320000xi32, #tpu.memory_space<hbm>> -> memref<16xi32, #tpu.memory_space<hbm>>
      tpu.enqueue_dma source(%dma_start3A_438 : memref<16xi32, #tpu.memory_space<hbm>>) target(%arg14 : memref<16xi32, #tpu.memory_space<vmem>>) target_semaphore(%run_scoped3A : memref<!tpu.dma_semaphore, #tpu.memory_space<semaphore_mem>>)
      %dma_wait3A_439 = tpu.memref_slice %arg2[%add3A_375] : memref<320000xi32, #tpu.memory_space<hbm>> -> memref<16xi32, #tpu.memory_space<hbm>>
      %dma_wait3A_440 = tpu.memref_slice %arg2[%add3A_375] : memref<320000xi32, #tpu.memory_space<hbm>> -> memref<16xi32, #tpu.memory_space<hbm>>
      tpu.wait_dma2 semaphore(%run_scoped3A : memref<!tpu.dma_semaphore, #tpu.memory_space<semaphore_mem>>) src(%dma_wait3A_440 : memref<16xi32, #tpu.memory_space<hbm>>) dst(%arg14 : memref<16xi32, #tpu.memory_space<vmem>>)
      tpu.yield
    }) : () -> ()
    "tpu.region"() ({
      %run_scoped3A = tpu.sem_alloc : memref<!tpu.dma_semaphore, #tpu.memory_space<semaphore_mem>>
      %dma_start3A_437 = tpu.memref_slice %arg3[%add3A_375] : memref<320000xi32, #tpu.memory_space<hbm>> -> memref<16xi32, #tpu.memory_space<hbm>>
      %dma_start3A_438 = tpu.memref_slice %arg3[%add3A_375] : memref<320000xi32, #tpu.memory_space<hbm>> -> memref<16xi32, #tpu.memory_space<hbm>>
      tpu.enqueue_dma source(%dma_start3A_438 : memref<16xi32, #tpu.memory_space<hbm>>) target(%arg15 : memref<16xi32, #tpu.memory_space<vmem>>) target_semaphore(%run_scoped3A : memref<!tpu.dma_semaphore, #tpu.memory_space<semaphore_mem>>)
      %dma_wait3A_439 = tpu.memref_slice %arg3[%add3A_375] : memref<320000xi32, #tpu.memory_space<hbm>> -> memref<16xi32, #tpu.memory_space<hbm>>
      %dma_wait3A_440 = tpu.memref_slice %arg3[%add3A_375] : memref<320000xi32, #tpu.memory_space<hbm>> -> memref<16xi32, #tpu.memory_space<hbm>>
      tpu.wait_dma2 semaphore(%run_scoped3A : memref<!tpu.dma_semaphore, #tpu.memory_space<semaphore_mem>>) src(%dma_wait3A_440 : memref<16xi32, #tpu.memory_space<hbm>>) dst(%arg15 : memref<16xi32, #tpu.memory_space<vmem>>)
      tpu.yield
    }) : () -> ()
    %get3A_376 = arith.constant 0 : index
    %get3A_377 = tpu.vector_load %arg14[%get3A_376] {strides = array<i32>} : memref<16xi32, #tpu.memory_space<vmem>>, vector<16xi32>,
    %get3A_378 = vector.shape_cast %get3A_377 : vector<16xi32> to vector<16xi32>
    %add3A_379 = arith.constant 10000 : i32
    %add3A_380 = vector.broadcast %add3A_379 : i32 to vector<16xi32>
    %add3A_381 = arith.addi %get3A_378, %add3A_380 : vector<16xi32>
    %swap3A_382 = arith.constant 0 : index
    %swap3A_383 = tpu.vector_load %arg14[%swap3A_382] {strides = array<i32>} : memref<16xi32, #tpu.memory_space<vmem>>, vector<16xi32>,
    %swap3A_384 = vector.shape_cast %swap3A_383 : vector<16xi32> to vector<16xi32>
    %swap3A_385 = vector.shape_cast %add3A_381 : vector<16xi32> to vector<16xi32>
    tpu.vector_store %arg14[%swap3A_382], %swap3A_385 {strides = array<i32>} : memref<16xi32, #tpu.memory_space<vmem>>, vector<16xi32>,
    %dma_start3A_386 = arith.constant 0 : i32
    %dma_start3A_387 = arith.constant 0 : i32
    %dma_start3A_388 = tpu.memref_slice %arg4[%dma_start3A_386, %dma_start3A_387] : memref<20000x16xf32, #tpu.memory_space<hbm>> -> memref<20000x16xf32, #tpu.memory_space<hbm>>
    tpu.enqueue_indirect_dma source(%dma_start3A_388 : memref<20000x16xf32, #tpu.memory_space<hbm>>) target(%arg16 : memref<16x16xf32, #tpu.memory_space<vmem>>) offsets(%arg14 : memref<16xi32, #tpu.memory_space<vmem>>) semaphore(%arg22 : memref<!tpu.dma_semaphore, #tpu.memory_space<semaphore_mem>>)
    %dma_start3A_389 = arith.constant 0 : i32
    %dma_start3A_390 = arith.constant 0 : i32
    %dma_start3A_391 = tpu.memref_slice %arg4[%dma_start3A_389, %dma_start3A_390] : memref<20000x16xf32, #tpu.memory_space<hbm>> -> memref<20000x16xf32, #tpu.memory_space<hbm>>
    tpu.enqueue_indirect_dma source(%dma_start3A_391 : memref<20000x16xf32, #tpu.memory_space<hbm>>) target(%arg17 : memref<16x16xf32, #tpu.memory_space<vmem>>) offsets(%arg15 : memref<16xi32, #tpu.memory_space<vmem>>) semaphore(%arg23 : memref<!tpu.dma_semaphore, #tpu.memory_space<semaphore_mem>>)
    %mul3A_392 = arith.constant 16 : i32
    %mul3A_393 = arith.muli %add3A_375, %mul3A_392 : i32
    %jit3A_394 = arith.constant 128 : i32
    %div3A_395 = arith.divsi %mul3A_393, %jit3A_394 : i32
    %sign3A_396 = arith.constant 0 : i32
    %sign3A_397 = arith.cmpi sgt, %mul3A_393, %sign3A_396 : i32
    %sign3A_398 = arith.extui %sign3A_397 : i1 to i32
    %sign3A_399 = arith.constant 0 : i32
    %sign3A_400 = arith.cmpi slt, %mul3A_393, %sign3A_399 : i32
    %sign3A_401 = arith.extui %sign3A_400 : i1 to i32
    %sign3A_402 = arith.subi %sign3A_398, %sign3A_401 : i32
    %sign3A_403 = arith.constant 0 : i32
    %sign3A_404 = arith.cmpi sgt, %jit3A_394, %sign3A_403 : i32
    %sign3A_405 = arith.extui %sign3A_404 : i1 to i32
    %sign3A_406 = arith.constant 0 : i32
    %sign3A_407 = arith.cmpi slt, %jit3A_394, %sign3A_406 : i32
    %sign3A_408 = arith.extui %sign3A_407 : i1 to i32
    %sign3A_409 = arith.subi %sign3A_405, %sign3A_408 : i32
    %ne3A_410 = arith.cmpi ne, %sign3A_402, %sign3A_409 : i32
    %rem3A_411 = arith.remsi %mul3A_393, %jit3A_394 : i32
    %ne3A_412 = arith.constant 0 : i32
    %ne3A_413 = arith.cmpi ne, %rem3A_411, %ne3A_412 : i32
    %and3A_414 = arith.andi %ne3A_410, %ne3A_413 : i1
    %sub3A_415 = arith.constant 1 : i32
    %sub3A_416 = arith.subi %div3A_395, %sub3A_415 : i32
    %select_n3A_417 = arith.select %and3A_414, %sub3A_416, %div3A_395 : i32
    "tpu.region"() ({
      %run_scoped3A = tpu.sem_alloc : memref<!tpu.dma_semaphore, #tpu.memory_space<semaphore_mem>>
      %dma_start3A_437 = arith.constant 0 : i32
      %dma_start3A_438 = tpu.memref_slice %arg5[%select_n3A_417, %dma_start3A_437] : memref<40000x128xf32, #tpu.memory_space<hbm>> -> memref<2x128xf32, #tpu.memory_space<hbm>>
      %dma_start3A_439 = arith.constant 0 : i32
      %dma_start3A_440 = tpu.memref_slice %arg5[%select_n3A_417, %dma_start3A_439] : memref<40000x128xf32, #tpu.memory_space<hbm>> -> memref<2x128xf32, #tpu.memory_space<hbm>>
      tpu.enqueue_dma source(%dma_start3A_440 : memref<2x128xf32, #tpu.memory_space<hbm>>) target(%arg18 : memref<2x128xf32, #tpu.memory_space<vmem>>) target_semaphore(%run_scoped3A : memref<!tpu.dma_semaphore, #tpu.memory_space<semaphore_mem>>)
      %dma_wait3A_441 = arith.constant 0 : i32
      %dma_wait3A_442 = tpu.memref_slice %arg5[%select_n3A_417, %dma_wait3A_441] : memref<40000x128xf32, #tpu.memory_space<hbm>> -> memref<2x128xf32, #tpu.memory_space<hbm>>
      %dma_wait3A_443 = arith.constant 0 : i32
      %dma_wait3A_444 = tpu.memref_slice %arg5[%select_n3A_417, %dma_wait3A_443] : memref<40000x128xf32, #tpu.memory_space<hbm>> -> memref<2x128xf32, #tpu.memory_space<hbm>>
      tpu.wait_dma2 semaphore(%run_scoped3A : memref<!tpu.dma_semaphore, #tpu.memory_space<semaphore_mem>>) src(%dma_wait3A_444 : memref<2x128xf32, #tpu.memory_space<hbm>>) dst(%arg18 : memref<2x128xf32, #tpu.memory_space<vmem>>)
      tpu.yield
    }) : () -> ()
    %dma_wait3A_418 = arith.constant 0 : i32
    %dma_wait3A_419 = arith.constant 0 : i32
    %dma_wait3A_420 = tpu.memref_slice %arg4[%dma_wait3A_418, %dma_wait3A_419] : memref<20000x16xf32, #tpu.memory_space<hbm>> -> memref<20000x16xf32, #tpu.memory_space<hbm>>
    tpu.wait_indirect_dma semaphore(%arg22 : memref<!tpu.dma_semaphore, #tpu.memory_space<semaphore_mem>>) src(%dma_wait3A_420 : memref<20000x16xf32, #tpu.memory_space<hbm>>) dst(%arg16 : memref<16x16xf32, #tpu.memory_space<vmem>>)
    %dma_wait3A_421 = arith.constant 0 : i32
    %dma_wait3A_422 = arith.constant 0 : i32
    %dma_wait3A_423 = tpu.memref_slice %arg4[%dma_wait3A_421, %dma_wait3A_422] : memref<20000x16xf32, #tpu.memory_space<hbm>> -> memref<20000x16xf32, #tpu.memory_space<hbm>>
    tpu.wait_indirect_dma semaphore(%arg23 : memref<!tpu.dma_semaphore, #tpu.memory_space<semaphore_mem>>) src(%dma_wait3A_423 : memref<20000x16xf32, #tpu.memory_space<hbm>>) dst(%arg17 : memref<16x16xf32, #tpu.memory_space<vmem>>)
    %scan3A_424 = arith.constant 0 : i32
    %scan3A_425 = arith.constant 0 : i32
    %scan3A_426 = arith.constant 16 : i32
    %scan3A_427 = arith.addi %scan3A_425, %scan3A_426 : i32
    %scan3A_428 = arith.constant 1 : i32
    %scan3A_429 = scf.for %scan3A_437 = %scan3A_425 to %scan3A_427 step %scan3A_428 iter_args(%scan3A_438 = %scan3A_424) -> (i32)  : i32 {
      %get3A_439 = arith.index_cast %scan3A_437 : i32 to index
      %get3A_440 = arith.constant 0 : index
      %get3A_441 = tpu.vector_load %arg16[%get3A_439, %get3A_440] {strides = array<i32>} : memref<16x16xf32, #tpu.memory_space<vmem>>, vector<1x16xf32>,
      %get3A_442 = vector.shape_cast %get3A_441 : vector<1x16xf32> to vector<16xf32>
      %get3A_443 = arith.index_cast %scan3A_437 : i32 to index
      %get3A_444 = arith.constant 0 : index
      %get3A_445 = tpu.vector_load %arg17[%get3A_443, %get3A_444] {strides = array<i32>} : memref<16x16xf32, #tpu.memory_space<vmem>>, vector<1x16xf32>,
      %get3A_446 = vector.shape_cast %get3A_445 : vector<1x16xf32> to vector<16xf32>
      %add3A_447 = arith.addf %get3A_442, %get3A_446 : vector<16xf32>
      %jit3A_448 = arith.constant 8 : i32
      %div3A_449 = arith.divsi %scan3A_437, %jit3A_448 : i32
      %sign3A_450 = arith.constant 0 : i32
      %sign3A_451 = arith.cmpi sgt, %scan3A_437, %sign3A_450 : i32
      %sign3A_452 = arith.extui %sign3A_451 : i1 to i32
      %sign3A_453 = arith.constant 0 : i32
      %sign3A_454 = arith.cmpi slt, %scan3A_437, %sign3A_453 : i32
      %sign3A_455 = arith.extui %sign3A_454 : i1 to i32
      %sign3A_456 = arith.subi %sign3A_452, %sign3A_455 : i32
      %sign3A_457 = arith.constant 0 : i32
      %sign3A_458 = arith.cmpi sgt, %jit3A_448, %sign3A_457 : i32
      %sign3A_459 = arith.extui %sign3A_458 : i1 to i32
      %sign3A_460 = arith.constant 0 : i32
      %sign3A_461 = arith.cmpi slt, %jit3A_448, %sign3A_460 : i32
      %sign3A_462 = arith.extui %sign3A_461 : i1 to i32
      %sign3A_463 = arith.subi %sign3A_459, %sign3A_462 : i32
      %ne3A_464 = arith.cmpi ne, %sign3A_456, %sign3A_463 : i32
      %rem3A_465 = arith.remsi %scan3A_437, %jit3A_448 : i32
      %ne3A_466 = arith.constant 0 : i32
      %ne3A_467 = arith.cmpi ne, %rem3A_465, %ne3A_466 : i32
      %and3A_468 = arith.andi %ne3A_464, %ne3A_467 : i1
      %sub3A_469 = arith.constant 1 : i32
      %sub3A_470 = arith.subi %div3A_449, %sub3A_469 : i32
      %select_n3A_471 = arith.select %and3A_468, %sub3A_470, %div3A_449 : i32
      %jit3A_472 = arith.constant 8 : i32
      %eq3A = arith.constant 0 : i32
      %eq3A_473 = arith.cmpi eq, %jit3A_472, %eq3A : i32
      %jit3A_474 = arith.constant 1 : i32
      %select_n3A_475 = arith.select %eq3A_473, %jit3A_474, %jit3A_472 : i32
      %rem3A_476 = arith.remsi %scan3A_437, %select_n3A_475 : i32
      %ne3A_477 = arith.constant 0 : i32
      %ne3A_478 = arith.cmpi ne, %rem3A_476, %ne3A_477 : i32
      %lt3A_479 = arith.constant 0 : i32
      %lt3A_480 = arith.cmpi slt, %rem3A_476, %lt3A_479 : i32
      %lt3A_481 = arith.constant 0 : i32
      %lt3A_482 = arith.cmpi slt, %select_n3A_475, %lt3A_481 : i32
      %ne3A_483 = arith.xori %lt3A_480, %lt3A_482 : i1
      %and3A_484 = arith.andi %ne3A_483, %ne3A_478 : i1
      %add3A_485 = arith.addi %rem3A_476, %select_n3A_475 : i32
      %select_n3A_486 = arith.select %and3A_484, %add3A_485, %rem3A_476 : i32
      %mul3A_487 = arith.constant 16 : i32
      %mul3A_488 = arith.muli %select_n3A_486, %mul3A_487 : i32
      %get3A_489 = arith.index_cast %select_n3A_471 : i32 to index
      %get3A_490 = arith.index_cast %mul3A_488 : i32 to index
      %get3A_491 = tpu.vector_load %arg18[%get3A_489, %get3A_490] {strides = array<i32>} : memref<2x128xf32, #tpu.memory_space<vmem>>, vector<1x16xf32>,
      %get3A_492 = vector.shape_cast %get3A_491 : vector<1x16xf32> to vector<16xf32>
      %add3A_493 = arith.addf %add3A_447, %get3A_492 : vector<16xf32>
      %max3A = arith.constant 0.000000e+00 : f32
      %max3A_494 = vector.broadcast %max3A : f32 to vector<16xf32>
      %max3A_495 = arith.maximumf %add3A_493, %max3A_494 : vector<16xf32>
      %swap3A_496 = arith.index_cast %scan3A_437 : i32 to index
      %swap3A_497 = arith.constant 0 : index
      %swap3A_498 = tpu.vector_load %arg16[%swap3A_496, %swap3A_497] {strides = array<i32>} : memref<16x16xf32, #tpu.memory_space<vmem>>, vector<1x16xf32>,
      %swap3A_499 = vector.shape_cast %swap3A_498 : vector<1x16xf32> to vector<16xf32>
      %swap3A_500 = vector.shape_cast %max3A_495 : vector<16xf32> to vector<1x16xf32>
      tpu.vector_store %arg16[%swap3A_496, %swap3A_497], %swap3A_500 {strides = array<i32>} : memref<16x16xf32, #tpu.memory_space<vmem>>, vector<1x16xf32>,
      %scan3A_501 = arith.constant 0 : i32
      scf.yield %scan3A_501 : i32
    }
    %scan3A_430 = arith.constant 16 : i32
    "tpu.region"() ({
      %run_scoped3A = tpu.sem_alloc : memref<!tpu.dma_semaphore, #tpu.memory_space<semaphore_mem>>
      %dma_start3A_437 = arith.constant 0 : i32
      %dma_start3A_438 = arith.constant 0 : i32
      %dma_start3A_439 = tpu.memref_slice %arg13[%dma_start3A_437, %dma_start3A_438] : memref<10000x16xf32, #tpu.memory_space<vmem_shared>> -> memref<10000x16xf32, #tpu.memory_space<vmem_shared>>
      tpu.enqueue_indirect_dma source(%arg16 : memref<16x16xf32, #tpu.memory_space<vmem>>) target(%dma_start3A_439 : memref<10000x16xf32, #tpu.memory_space<vmem_shared>>) offsets(%arg15 : memref<16xi32, #tpu.memory_space<vmem>>) semaphore(%run_scoped3A : memref<!tpu.dma_semaphore, #tpu.memory_space<semaphore_mem>>) {add = true}
      %dma_wait3A_440 = arith.constant 0 : i32
      %dma_wait3A_441 = arith.constant 0 : i32
      %dma_wait3A_442 = tpu.memref_slice %arg13[%dma_wait3A_440, %dma_wait3A_441] : memref<10000x16xf32, #tpu.memory_space<vmem_shared>> -> memref<10000x16xf32, #tpu.memory_space<vmem_shared>>
      tpu.wait_indirect_dma semaphore(%run_scoped3A : memref<!tpu.dma_semaphore, #tpu.memory_space<semaphore_mem>>) src(%arg16 : memref<16x16xf32, #tpu.memory_space<vmem>>) dst(%dma_wait3A_442 : memref<10000x16xf32, #tpu.memory_space<vmem_shared>>)
      tpu.yield
    }) : () -> ()
    %barrier3A_431 = arith.constant 0 : index
    tpu.barrier barrier_id(%barrier3A_431)
    %lt3A_432 = arith.constant 10 : i32
    %lt3A_433 = arith.cmpi slt, %arg1, %lt3A_432 : i32
    %convert_element_type3A_434 = arith.extui %lt3A_433 : i1 to i32
    %cond3A_435 = arith.constant 0 : i32
    %cond3A_436 = arith.cmpi ne, %convert_element_type3A_434, %cond3A_435 : i32
    scf.if %cond3A_436 {
      %mul3A_437 = arith.constant 1000 : i32
      %mul3A_438 = arith.muli %arg1, %mul3A_437 : i32
      "tpu.region"() ({
        %run_scoped3A = tpu.sem_alloc : memref<!tpu.dma_semaphore, #tpu.memory_space<semaphore_mem>>
        %dma_start3A_439 = arith.constant 0 : i32
        %dma_start3A_440 = tpu.memref_slice %arg6[%arg0, %mul3A_438, %dma_start3A_439] : memref<2x10000x16xf32, #tpu.memory_space<hbm>> -> memref<1x1000x16xf32, #tpu.memory_space<hbm>>
        %dma_start3A_441 = tpu.memref_squeeze %dma_start3A_440 : memref<1x1000x16xf32, #tpu.memory_space<hbm>> -> memref<1000x16xf32, #tpu.memory_space<hbm>>
        %dma_start3A_442 = arith.constant 0 : i32
        %dma_start3A_443 = tpu.memref_slice %arg13[%mul3A_438, %dma_start3A_442] : memref<10000x16xf32, #tpu.memory_space<vmem_shared>> -> memref<1000x16xf32, #tpu.memory_space<vmem_shared>>
        tpu.enqueue_dma source(%dma_start3A_443 : memref<1000x16xf32, #tpu.memory_space<vmem_shared>>) target(%dma_start3A_441 : memref<1000x16xf32, #tpu.memory_space<hbm>>) target_semaphore(%run_scoped3A : memref<!tpu.dma_semaphore, #tpu.memory_space<semaphore_mem>>)
        %dma_wait3A_444 = arith.constant 0 : i32
        %dma_wait3A_445 = tpu.memref_slice %arg6[%arg0, %mul3A_438, %dma_wait3A_444] : memref<2x10000x16xf32, #tpu.memory_space<hbm>> -> memref<1x1000x16xf32, #tpu.memory_space<hbm>>
        %dma_wait3A_446 = tpu.memref_squeeze %dma_wait3A_445 : memref<1x1000x16xf32, #tpu.memory_space<hbm>> -> memref<1000x16xf32, #tpu.memory_space<hbm>>
        %dma_wait3A_447 = arith.constant 0 : i32
        %dma_wait3A_448 = tpu.memref_slice %arg13[%mul3A_438, %dma_wait3A_447] : memref<10000x16xf32, #tpu.memory_space<vmem_shared>> -> memref<1000x16xf32, #tpu.memory_space<vmem_shared>>
        tpu.wait_dma2 semaphore(%run_scoped3A : memref<!tpu.dma_semaphore, #tpu.memory_space<semaphore_mem>>) src(%dma_wait3A_448 : memref<1000x16xf32, #tpu.memory_space<vmem_shared>>) dst(%dma_wait3A_446 : memref<1000x16xf32, #tpu.memory_space<hbm>>)
        tpu.yield
      }) : () -> ()
    } else {
    }
    return
  }
}

module attributes {stable_mosaic.version = 14 : i64} {
  func.func @body(%arg0: i32, %arg1: memref<1000x128xf32, #tpu.memory_space<vmem>>, %arg2: memref<1x128x16xf32, #tpu.memory_space<vmem>>, %arg3: memref<128x8xf32, #tpu.memory_space<vmem>>, %arg4: memref<2000x128xf32, #tpu.memory_space<vmem>>, %arg5: memref<128x128xf32, #tpu.memory_space<vmem>>, %arg6: memref<1x128xf32, #tpu.memory_space<vmem>>, %arg7: memref<1000x16xf32, #tpu.memory_space<vmem>>, %arg8: memref<1000x8xf32, #tpu.memory_space<vmem>>, %arg9: memref<2000x128xf32, #tpu.memory_space<vmem>>) attributes {dimension_semantics = [#tpu.dimension_semantics<arbitrary>], iteration_bounds = array<i64: 20>, scalar_prefetch = 0 : i64, scratch_operands = 0 : i64, tpu.core_type = #tpu.core_type<tc>, window_params = [{transform_indices = @transform_0, window_bounds = array<i64: 1000, 128>}, {transform_indices = @transform_1, window_bounds = array<i64: 1, 128, 16>}, {pipeline_mode = #tpu.pipeline_mode<synchronous>, transform_indices = @transform_2, window_bounds = array<i64: 128, 8>}, {transform_indices = @transform_3, window_bounds = array<i64: 2000, 128>}, {pipeline_mode = #tpu.pipeline_mode<synchronous>, transform_indices = @transform_4, window_bounds = array<i64: 128, 128>}, {pipeline_mode = #tpu.pipeline_mode<synchronous>, transform_indices = @transform_5, window_bounds = array<i64: 1, 128>}, {transform_indices = @transform_6, window_bounds = array<i64: 1000, 16>}, {transform_indices = @transform_7, window_bounds = array<i64: 1000, 8>}, {transform_indices = @transform_8, window_bounds = array<i64: 2000, 128>}]} {
    %get3A = arith.constant 0 : index
    %get3A_0 = arith.constant 0 : index
    %get3A_1 = vector.load %arg1[%get3A, %get3A_0] : memref<1000x128xf32, #tpu.memory_space<vmem>>, vector<1000x128xf32>
    %get3A_2 = arith.constant 0 : index
    %get3A_3 = arith.constant 0 : index
    %get3A_4 = arith.constant 0 : index
    %get3A_5 = vector.load %arg2[%get3A_2, %get3A_3, %get3A_4] : memref<1x128x16xf32, #tpu.memory_space<vmem>>, vector<1x128x16xf32>
    %get3A_6 = vector.shape_cast %get3A_5 : vector<1x128x16xf32> to vector<128x16xf32>
    %dot_general3A = arith.constant dense<0.000000e+00> : vector<1000x16xf32>
    %dot_general3A_7 = tpu.matmul %get3A_1, %get3A_6, %dot_general3A {dimension_numbers = #tpu.dot_dimension_numbers<[1], [0], [0], [1], [0, 0, 1, 1], [], []>, transpose_lhs_hint = false} : vector<1000x128xf32>, vector<128x16xf32>, vector<1000x16xf32> -> vector<1000x16xf32>
    %swap3A = arith.constant 0 : index
    %swap3A_8 = arith.constant 0 : index
    %swap3A_9 = vector.load %arg7[%swap3A, %swap3A_8] : memref<1000x16xf32, #tpu.memory_space<vmem>>, vector<1000x16xf32>
    tpu.vector_store %arg7[%swap3A, %swap3A_8], %dot_general3A_7 {strides = array<i32>} : memref<1000x16xf32, #tpu.memory_space<vmem>>, vector<1000x16xf32>,
    %get3A_10 = arith.constant 0 : index
    %get3A_11 = arith.constant 0 : index
    %get3A_12 = vector.load %arg3[%get3A_10, %get3A_11] : memref<128x8xf32, #tpu.memory_space<vmem>>, vector<128x8xf32>
    %dot_general3A_13 = arith.constant dense<0.000000e+00> : vector<1000x8xf32>
    %dot_general3A_14 = tpu.matmul %get3A_1, %get3A_12, %dot_general3A_13 {dimension_numbers = #tpu.dot_dimension_numbers<[1], [0], [0], [1], [0, 0, 1, 1], [], []>, transpose_lhs_hint = false} : vector<1000x128xf32>, vector<128x8xf32>, vector<1000x8xf32> -> vector<1000x8xf32>
    %swap3A_15 = arith.constant 0 : index
    %swap3A_16 = arith.constant 0 : index
    %swap3A_17 = vector.load %arg8[%swap3A_15, %swap3A_16] : memref<1000x8xf32, #tpu.memory_space<vmem>>, vector<1000x8xf32>
    tpu.vector_store %arg8[%swap3A_15, %swap3A_16], %dot_general3A_14 {strides = array<i32>} : memref<1000x8xf32, #tpu.memory_space<vmem>>, vector<1000x8xf32>,
    %get3A_18 = arith.constant 0 : index
    %get3A_19 = arith.constant 0 : index
    %get3A_20 = vector.load %arg4[%get3A_18, %get3A_19] : memref<2000x128xf32, #tpu.memory_space<vmem>>, vector<2000x128xf32>
    %get3A_21 = arith.constant 0 : index
    %get3A_22 = arith.constant 0 : index
    %get3A_23 = vector.load %arg5[%get3A_21, %get3A_22] : memref<128x128xf32, #tpu.memory_space<vmem>>, vector<128x128xf32>
    %dot_general3A_24 = arith.constant dense<0.000000e+00> : vector<2000x128xf32>
    %dot_general3A_25 = tpu.matmul %get3A_20, %get3A_23, %dot_general3A_24 {dimension_numbers = #tpu.dot_dimension_numbers<[1], [0], [0], [1], [0, 0, 1, 1], [], []>, transpose_lhs_hint = false} : vector<2000x128xf32>, vector<128x128xf32>, vector<2000x128xf32> -> vector<2000x128xf32>
    %get3A_26 = arith.constant 0 : index
    %get3A_27 = arith.constant 0 : index
    %get3A_28 = vector.load %arg6[%get3A_26, %get3A_27] : memref<1x128xf32, #tpu.memory_space<vmem>>, vector<1x128xf32>
    %add3A = vector.broadcast %get3A_28 : vector<1x128xf32> to vector<2000x128xf32>
    %add3A_29 = arith.addf %dot_general3A_25, %add3A : vector<2000x128xf32>
    %swap3A_30 = arith.constant 0 : index
    %swap3A_31 = arith.constant 0 : index
    %swap3A_32 = vector.load %arg9[%swap3A_30, %swap3A_31] : memref<2000x128xf32, #tpu.memory_space<vmem>>, vector<2000x128xf32>
    tpu.vector_store %arg9[%swap3A_30, %swap3A_31], %add3A_29 {strides = array<i32>} : memref<2000x128xf32, #tpu.memory_space<vmem>>, vector<2000x128xf32>,
    return
  }
  func.func @transform_0(%arg0: i32) -> (i32, i32) {
    %jit3A = arith.constant 10 : i32
    %eq3A = arith.constant 0 : i32
    %eq3A_0 = arith.cmpi eq, %jit3A, %eq3A : i32
    %jit3A_1 = arith.constant 1 : i32
    %select_n3A = arith.select %eq3A_0, %jit3A_1, %jit3A : i32
    %rem3A = arith.remsi %arg0, %select_n3A : i32
    %ne3A = arith.constant 0 : i32
    %ne3A_2 = arith.cmpi ne, %rem3A, %ne3A : i32
    %lt3A = arith.constant 0 : i32
    %lt3A_3 = arith.cmpi slt, %rem3A, %lt3A : i32
    %lt3A_4 = arith.constant 0 : i32
    %lt3A_5 = arith.cmpi slt, %select_n3A, %lt3A_4 : i32
    %ne3A_6 = arith.xori %lt3A_3, %lt3A_5 : i1
    %and3A = arith.andi %ne3A_6, %ne3A_2 : i1
    %add3A = arith.addi %rem3A, %select_n3A : i32
    %select_n3A_7 = arith.select %and3A, %add3A, %rem3A : i32
    %c0_i32 = arith.constant 0 : i32
    %c0_i32_8 = arith.constant 0 : i32
    return %select_n3A_7, %c0_i32 : i32, i32
  }
  func.func @transform_1(%arg0: i32) -> (i32, i32, i32) {
    %jit3A = arith.constant 10 : i32
    %div3A = arith.divsi %arg0, %jit3A : i32
    %sign3A = arith.constant 0 : i32
    %sign3A_0 = arith.cmpi sgt, %arg0, %sign3A : i32
    %sign3A_1 = arith.extui %sign3A_0 : i1 to i32
    %sign3A_2 = arith.constant 0 : i32
    %sign3A_3 = arith.cmpi slt, %arg0, %sign3A_2 : i32
    %sign3A_4 = arith.extui %sign3A_3 : i1 to i32
    %sign3A_5 = arith.subi %sign3A_1, %sign3A_4 : i32
    %sign3A_6 = arith.constant 0 : i32
    %sign3A_7 = arith.cmpi sgt, %jit3A, %sign3A_6 : i32
    %sign3A_8 = arith.extui %sign3A_7 : i1 to i32
    %sign3A_9 = arith.constant 0 : i32
    %sign3A_10 = arith.cmpi slt, %jit3A, %sign3A_9 : i32
    %sign3A_11 = arith.extui %sign3A_10 : i1 to i32
    %sign3A_12 = arith.subi %sign3A_8, %sign3A_11 : i32
    %ne3A = arith.cmpi ne, %sign3A_5, %sign3A_12 : i32
    %rem3A = arith.remsi %arg0, %jit3A : i32
    %ne3A_13 = arith.constant 0 : i32
    %ne3A_14 = arith.cmpi ne, %rem3A, %ne3A_13 : i32
    %and3A = arith.andi %ne3A, %ne3A_14 : i1
    %sub3A = arith.constant 1 : i32
    %sub3A_15 = arith.subi %div3A, %sub3A : i32
    %select_n3A = arith.select %and3A, %sub3A_15, %div3A : i32
    %c0_i32 = arith.constant 0 : i32
    %c0_i32_16 = arith.constant 0 : i32
    %c0_i32_17 = arith.constant 0 : i32
    return %select_n3A, %c0_i32, %c0_i32_16 : i32, i32, i32
  }
  func.func @transform_2(%arg0: i32) -> (i32, i32) {
    %c0_i32 = arith.constant 0 : i32
    %c0_i32_0 = arith.constant 0 : i32
    %c0_i32_1 = arith.constant 0 : i32
    return %c0_i32, %c0_i32_0 : i32, i32
  }
  func.func @transform_3(%arg0: i32) -> (i32, i32) {
    %c0_i32 = arith.constant 0 : i32
    %c0_i32_0 = arith.constant 0 : i32
    return %arg0, %c0_i32 : i32, i32
  }
  func.func @transform_4(%arg0: i32) -> (i32, i32) {
    %c0_i32 = arith.constant 0 : i32
    %c0_i32_0 = arith.constant 0 : i32
    %c0_i32_1 = arith.constant 0 : i32
    return %c0_i32, %c0_i32_0 : i32, i32
  }
  func.func @transform_5(%arg0: i32) -> (i32, i32) {
    %c0_i32 = arith.constant 0 : i32
    %c0_i32_0 = arith.constant 0 : i32
    %c0_i32_1 = arith.constant 0 : i32
    return %c0_i32, %c0_i32_0 : i32, i32
  }
  func.func @transform_6(%arg0: i32) -> (i32, i32) {
    %c0_i32 = arith.constant 0 : i32
    %c0_i32_0 = arith.constant 0 : i32
    return %arg0, %c0_i32 : i32, i32
  }
  func.func @transform_7(%arg0: i32) -> (i32, i32) {
    %jit3A = arith.constant 10 : i32
    %eq3A = arith.constant 0 : i32
    %eq3A_0 = arith.cmpi eq, %jit3A, %eq3A : i32
    %jit3A_1 = arith.constant 1 : i32
    %select_n3A = arith.select %eq3A_0, %jit3A_1, %jit3A : i32
    %rem3A = arith.remsi %arg0, %select_n3A : i32
    %ne3A = arith.constant 0 : i32
    %ne3A_2 = arith.cmpi ne, %rem3A, %ne3A : i32
    %lt3A = arith.constant 0 : i32
    %lt3A_3 = arith.cmpi slt, %rem3A, %lt3A : i32
    %lt3A_4 = arith.constant 0 : i32
    %lt3A_5 = arith.cmpi slt, %select_n3A, %lt3A_4 : i32
    %ne3A_6 = arith.xori %lt3A_3, %lt3A_5 : i1
    %and3A = arith.andi %ne3A_6, %ne3A_2 : i1
    %add3A = arith.addi %rem3A, %select_n3A : i32
    %select_n3A_7 = arith.select %and3A, %add3A, %rem3A : i32
    %c0_i32 = arith.constant 0 : i32
    %c0_i32_8 = arith.constant 0 : i32
    return %select_n3A_7, %c0_i32 : i32, i32
  }
  func.func @transform_8(%arg0: i32) -> (i32, i32) {
    %c0_i32 = arith.constant 0 : i32
    %c0_i32_0 = arith.constant 0 : i32
    return %arg0, %c0_i32 : i32, i32
  }
}

module attributes {stable_mosaic.version = 14 : i64} {
  func.func @body(%arg0: i32, %arg1: memref<1000x16xf32, #tpu.memory_space<vmem>>, %arg2: memref<1000x16xf32, #tpu.memory_space<vmem>>, %arg3: memref<1000x8xf32, #tpu.memory_space<vmem>>, %arg4: memref<16x8xf32, #tpu.memory_space<vmem>>, %arg5: memref<1x8xf32, #tpu.memory_space<vmem>>, %arg6: memref<8x4xf32, #tpu.memory_space<vmem>>, %arg7: memref<1x4xf32, #tpu.memory_space<vmem>>, %arg8: memref<1000x4xf32, #tpu.memory_space<vmem>>) attributes {dimension_semantics = [#tpu.dimension_semantics<arbitrary>], iteration_bounds = array<i64: 10>, scalar_prefetch = 0 : i64, scratch_operands = 0 : i64, tpu.core_type = #tpu.core_type<tc>, window_params = [{transform_indices = @transform_0, window_bounds = array<i64: 1000, 16>}, {transform_indices = @transform_1, window_bounds = array<i64: 1000, 16>}, {transform_indices = @transform_2, window_bounds = array<i64: 1000, 8>}, {pipeline_mode = #tpu.pipeline_mode<synchronous>, transform_indices = @transform_3, window_bounds = array<i64: 16, 8>}, {pipeline_mode = #tpu.pipeline_mode<synchronous>, transform_indices = @transform_4, window_bounds = array<i64: 1, 8>}, {pipeline_mode = #tpu.pipeline_mode<synchronous>, transform_indices = @transform_5, window_bounds = array<i64: 8, 4>}, {pipeline_mode = #tpu.pipeline_mode<synchronous>, transform_indices = @transform_6, window_bounds = array<i64: 1, 4>}, {transform_indices = @transform_7, window_bounds = array<i64: 1000, 4>}]} {
    %get3A = arith.constant 0 : index
    %get3A_0 = arith.constant 0 : index
    %get3A_1 = vector.load %arg1[%get3A, %get3A_0] : memref<1000x16xf32, #tpu.memory_space<vmem>>, vector<1000x16xf32>
    %get3A_2 = arith.constant 0 : index
    %get3A_3 = arith.constant 0 : index
    %get3A_4 = vector.load %arg2[%get3A_2, %get3A_3] : memref<1000x16xf32, #tpu.memory_space<vmem>>, vector<1000x16xf32>
    %add3A = arith.addf %get3A_1, %get3A_4 : vector<1000x16xf32>
    %get3A_5 = arith.constant 0 : index
    %get3A_6 = arith.constant 0 : index
    %get3A_7 = vector.load %arg4[%get3A_5, %get3A_6] : memref<16x8xf32, #tpu.memory_space<vmem>>, vector<16x8xf32>
    %dot_general3A = arith.constant dense<0.000000e+00> : vector<1000x8xf32>
    %dot_general3A_8 = tpu.matmul %add3A, %get3A_7, %dot_general3A {dimension_numbers = #tpu.dot_dimension_numbers<[1], [0], [0], [1], [0, 0, 1, 1], [], []>, transpose_lhs_hint = false} : vector<1000x16xf32>, vector<16x8xf32>, vector<1000x8xf32> -> vector<1000x8xf32>
    %get3A_9 = arith.constant 0 : index
    %get3A_10 = arith.constant 0 : index
    %get3A_11 = vector.load %arg3[%get3A_9, %get3A_10] : memref<1000x8xf32, #tpu.memory_space<vmem>>, vector<1000x8xf32>
    %add3A_12 = arith.addf %dot_general3A_8, %get3A_11 : vector<1000x8xf32>
    %get3A_13 = arith.constant 0 : index
    %get3A_14 = arith.constant 0 : index
    %get3A_15 = vector.load %arg5[%get3A_13, %get3A_14] : memref<1x8xf32, #tpu.memory_space<vmem>>, vector<1x8xf32>
    %add3A_16 = vector.broadcast %get3A_15 : vector<1x8xf32> to vector<1000x8xf32>
    %add3A_17 = arith.addf %add3A_12, %add3A_16 : vector<1000x8xf32>
    %max3A = arith.constant 0.000000e+00 : f32
    %max3A_18 = vector.broadcast %max3A : f32 to vector<1000x8xf32>
    %max3A_19 = arith.maximumf %add3A_17, %max3A_18 : vector<1000x8xf32>
    %get3A_20 = arith.constant 0 : index
    %get3A_21 = arith.constant 0 : index
    %get3A_22 = vector.load %arg6[%get3A_20, %get3A_21] : memref<8x4xf32, #tpu.memory_space<vmem>>, vector<8x4xf32>
    %dot_general3A_23 = arith.constant dense<0.000000e+00> : vector<1000x4xf32>
    %dot_general3A_24 = tpu.matmul %max3A_19, %get3A_22, %dot_general3A_23 {dimension_numbers = #tpu.dot_dimension_numbers<[1], [0], [0], [1], [0, 0, 1, 1], [], []>, transpose_lhs_hint = false} : vector<1000x8xf32>, vector<8x4xf32>, vector<1000x4xf32> -> vector<1000x4xf32>
    %get3A_25 = arith.constant 0 : index
    %get3A_26 = arith.constant 0 : index
    %get3A_27 = vector.load %arg7[%get3A_25, %get3A_26] : memref<1x4xf32, #tpu.memory_space<vmem>>, vector<1x4xf32>
    %add3A_28 = vector.broadcast %get3A_27 : vector<1x4xf32> to vector<1000x4xf32>
    %add3A_29 = arith.addf %dot_general3A_24, %add3A_28 : vector<1000x4xf32>
    %swap3A = arith.constant 0 : index
    %swap3A_30 = arith.constant 0 : index
    %swap3A_31 = vector.load %arg8[%swap3A, %swap3A_30] : memref<1000x4xf32, #tpu.memory_space<vmem>>, vector<1000x4xf32>
    tpu.vector_store %arg8[%swap3A, %swap3A_30], %add3A_29 {strides = array<i32>} : memref<1000x4xf32, #tpu.memory_space<vmem>>, vector<1000x4xf32>,
    return
  }
  func.func @transform_0(%arg0: i32) -> (i32, i32) {
    %c0_i32 = arith.constant 0 : i32
    %c0_i32_0 = arith.constant 0 : i32
    return %arg0, %c0_i32 : i32, i32
  }
  func.func @transform_1(%arg0: i32) -> (i32, i32) {
    %c0_i32 = arith.constant 0 : i32
    %c0_i32_0 = arith.constant 0 : i32
    return %arg0, %c0_i32 : i32, i32
  }
  func.func @transform_2(%arg0: i32) -> (i32, i32) {
    %c0_i32 = arith.constant 0 : i32
    %c0_i32_0 = arith.constant 0 : i32
    return %arg0, %c0_i32 : i32, i32
  }
  func.func @transform_3(%arg0: i32) -> (i32, i32) {
    %c0_i32 = arith.constant 0 : i32
    %c0_i32_0 = arith.constant 0 : i32
    %c0_i32_1 = arith.constant 0 : i32
    return %c0_i32, %c0_i32_0 : i32, i32
  }
  func.func @transform_4(%arg0: i32) -> (i32, i32) {
    %c0_i32 = arith.constant 0 : i32
    %c0_i32_0 = arith.constant 0 : i32
    %c0_i32_1 = arith.constant 0 : i32
    return %c0_i32, %c0_i32_0 : i32, i32
  }
  func.func @transform_5(%arg0: i32) -> (i32, i32) {
    %c0_i32 = arith.constant 0 : i32
    %c0_i32_0 = arith.constant 0 : i32
    %c0_i32_1 = arith.constant 0 : i32
    return %c0_i32, %c0_i32_0 : i32, i32
  }
  func.func @transform_6(%arg0: i32) -> (i32, i32) {
    %c0_i32 = arith.constant 0 : i32
    %c0_i32_0 = arith.constant 0 : i32
    %c0_i32_1 = arith.constant 0 : i32
    return %c0_i32, %c0_i32_0 : i32, i32
  }
  func.func @transform_7(%arg0: i32) -> (i32, i32) {
    %c0_i32 = arith.constant 0 : i32
    %c0_i32_0 = arith.constant 0 : i32
    return %arg0, %c0_i32 : i32, i32
  }
}

</mosaic_0001>

<sc_bundles>
// kernel: kernel.5.cloned.1.call-start
scs
__scs_entry_jumppad:
0x0: {  	(pc) =	sbr.rel $0x88, $3  }
0x1: {  	(tag) =	ssettag $0x0;
	lr =	simm.s32 $0x1  }
0x2: {  	[smem:$0x3F98] =	sst lr;
	_ =	strace $0xD0000000  }
0x3: {  	_ = 	snop  }
0x4: {  	_ = 	snop  }
0x5: {  	_ = 	snop  }
0x6: {  	_ = 	snop  }
0x7: {  	_ = 	snop  }
__scs_overlays_trampoline_lowered:
0x8: {  	[smem:$0x3FA7] =	sst s0  }
0x9: {  	[smem:$0x3FA8] =	sst s1  }
0xa: {  	[smem:$0x3FA9] =	sst s2  }
0xb: {  	[smem:$0x3FAA] =	sst s3  }
0xc: {  	[smem:$0x3FAB] =	sst s4  }
0xd: {  	[smem:$0x3FAC] =	sst s5  }
0xe: {  	[smem:$0x3FAD] =	sst s6  }
0xf: {  	[smem:$0x3FAE] =	sst s7  }
0x10: {  	[smem:$0x3FAF] =	sst s8  }
0x11: {  	[smem:$0x3FB0] =	sst s9;
	s0 =	simm.s32 @!p0 $0x0  }
0x12: {  	s1 =	sld [smem:$0x3F96];
	s0 =	simm.s32 @p0 $0x1  }
0x13: {  	[smem:$0x3FB1] =	sst s0;
	s0 =	simm.s32 @!p1 $0x0  }
0x14: {  	s2 =	sld [smem:$0x3F95];
	s0 =	simm.s32 @p1 $0x1  }
0x15: {  	[smem:$0x3FB2] =	sst s0;
	s0 =	simm.s32 @!p2 $0x0  }
0x16: {  	s3 =	sld [smem:$0x3FDB];
	s0 =	simm.s32 @p2 $0x1  }
0x17: {  	s4 =	simm.s32 $0x1BF5;
	[smem:$0x3FB4] =	sst s0  }
0x18: {  	s0 =	sld [smem:$0x3F97];
	_ =	swait.ge [sflag:s4], $0x0  }
0x19: {  	s7 =	sld [smem:$0x3F98]  }
0x1a: {  	s8 =	sadd.s32 $0xFFFFE003, lr  }
0x1b: {  	s9 =	sadd.s32 $0xFFFFFEF7, lr;
	s5 =	simm.s32 $0xFFFFFFFF;
	p2 =	slt.u32 s8, $0xFFFFF086  }
0x1c: {  	p1 =	slt.u32 s9, $0xF7A;
	s5 =	simm.s32 @!p2 $0x0  }
0x1d: {  	s5 =	simm.s32 @p1 $0x1;
	p0 =	seq.s32 s7, s2  }
0x1e: {  	s7 =	smul.u32 @!p0 $0xF7A, s2;
	p2 =	seq.s32 @!p0 s5, $0x0  }
0x1f: {  	s9 =	smul.u32 $0xF7A, s1;
	s8 =	simm.s32 @!p0 $0x1BF5;
	p2 =	por !p2, p0  }
0x20: {  	[sflag:s8] =	ssyncset.s32 @!p0 $0xFFFFF086;
	s6 =	sadd.s32 @!p0 s3, s7;
	s7 =	simm.s32 @!p0 $0x108  }
0x21: {  	s3 =	sadd.s32 s3, s9;
	s6 =	sadd.s32 @!p0 $0x88, s6;
	s7 =	simm.s32 @p2 $0x1082  }
0x22: {  	[simem:s7], [sflag:s8] =	dma.local @!p0 [hbm:s6], $0xF7A  }
0x23: {  	s9 =	sor.u32 $0xD0000000, s2;
	s6 =	simm.s32 $0x108;
	_ =	swait.ge @!p0 [sflag:s8], $0x0  }
0x24: {  	s3 =	sadd.s32 $0x88, s3;
	s6 =	simm.s32 @!p1 $0x1082;
	[sflag:s4] =	ssyncset.s32 $0xFFFFF086  }
0x25: {  	[simem:s6], [sflag:s4] =	dma.local [hbm:s3], $0xF7A  }
0x26: {  	[smem:$0x3F98] =	sst s1;
	(tag) =	ssettag s2;
	_ =	strace s9  }
0x27: {  	s1 =	sld [smem:$0x3FA8]  }
0x28: {  	s2 =	sld [smem:$0x3FA9]  }
0x29: {  	s4 =	sld [smem:$0x3FAB]  }
0x2a: {  	p0 =	seq.s32 s5, $0x0;
	s5 =	sld [smem:$0x3FAC]  }
0x2b: {  	s6 =	sld [smem:$0x3FAD]  }
0x2c: {  	s7 =	sld [smem:$0x3FAE]  }
0x2d: {  	s3 =	simm.s32 $0x108;
	s8 =	sld [smem:$0x3FAF]  }
0x2e: {  	s3 =	simm.s32 @!p0 $0x1082;
	s9 =	sld [smem:$0x3FB0]  }
0x2f: {  	lr =	sadd.s32 s0, s3;
	s0 =	sld [smem:$0x3FA7]  }
0x30: {  	s3 =	sld [smem:$0x3FAA]  }
0x31: {  	[smem:$0x3FB3] =	sst s10  }
0x32: {  	s10 =	sld [smem:$0x3FB1];
	_ =	sdelay $0x3  }
0x33: {  	p0 =	seq.s32 s10, $0x1;
	s10 =	sld [smem:$0x3FB3];
	_ =	sdelay $0x3  }
0x34: {  	[smem:$0x3FB3] =	sst s10  }
0x35: {  	s10 =	sld [smem:$0x3FB2];
	_ =	sdelay $0x3  }
0x36: {  	p1 =	seq.s32 s10, $0x1;
	s10 =	sld [smem:$0x3FB3];
	_ =	sdelay $0x3  }
0x37: {  	[smem:$0x3FB3] =	sst s10  }
0x38: {  	s10 =	sld [smem:$0x3FB4]  }
0x39: {  	_ = 	snop;
	(pc) =	sbr.ind lr, $3  }
0x3a: {  	_ = 	snop  }
0x3b: {  	_ = 	snop  }
0x3c: {  	p2 =	seq.s32 s10, $0x1;
	s10 =	sld [smem:$0x3FB3]  }
0x3d: {  	_ =	shalt  }
0x3e: {  	_ =	shalt  }
0x3f: {  	_ =	shalt  }
0x40: {  	_ =	shalt  }
0x41: {  	_ =	shalt  }
0x42: {  	_ =	shalt  }
0x43: {  	_ =	shalt  }
0x44: {  	_ =	shalt  }
0x45: {  	_ =	shalt  }
0x46: {  	_ =	shalt  }
0x47: {  	_ =	shalt  }
0x48: {  	_ =	shalt  }
0x49: {  	_ =	shalt  }
0x4a: {  	_ =	shalt  }
0x4b: {  	_ =	shalt  }
0x4c: {  	_ =	shalt  }
0x4d: {  	_ =	shalt  }
0x4e: {  	_ =	shalt  }
0x4f: {  	_ =	shalt  }
0x50: {  	_ =	shalt  }
0x51: {  	_ =	shalt  }
0x52: {  	_ =	shalt  }
0x53: {  	_ =	shalt  }
0x54: {  	_ =	shalt  }
0x55: {  	_ =	shalt  }
0x56: {  	_ =	shalt  }
0x57: {  	_ =	shalt  }
0x58: {  	_ =	shalt  }
0x59: {  	_ =	shalt  }
0x5a: {  	_ =	shalt  }
0x5b: {  	_ =	shalt  }
0x5c: {  	_ =	shalt  }
0x5d: {  	_ =	shalt  }
0x5e: {  	_ =	shalt  }
0x5f: {  	_ =	shalt  }
0x60: {  	_ =	shalt  }
0x61: {  	_ =	shalt  }
0x62: {  	_ =	shalt  }
0x63: {  	_ =	shalt  }
0x64: {  	_ =	shalt  }
0x65: {  	_ =	shalt  }
0x66: {  	_ =	shalt  }
0x67: {  	_ =	shalt  }
0x68: {  	_ =	shalt  }
0x69: {  	_ =	shalt  }
0x6a: {  	_ =	shalt  }
0x6b: {  	_ =	shalt  }
0x6c: {  	_ =	shalt  }
0x6d: {  	_ =	shalt  }
0x6e: {  	_ =	shalt  }
0x6f: {  	_ =	shalt  }
0x70: {  	_ =	shalt  }
0x71: {  	_ =	shalt  }
0x72: {  	_ =	shalt  }
0x73: {  	_ =	shalt  }
0x74: {  	_ =	shalt  }
0x75: {  	_ =	shalt  }
0x76: {  	_ =	shalt  }
0x77: {  	_ =	shalt  }
0x78: {  	_ =	shalt  }
0x79: {  	_ =	shalt  }
0x7a: {  	_ =	shalt  }
0x7b: {  	_ =	shalt  }
0x7c: {  	_ =	shalt  }
0x7d: {  	_ =	shalt  }
0x7e: {  	_ =	shalt  }
0x7f: {  	_ =	shalt  }
0x80: {  	_ =	shalt  }
0x81: {  	_ =	shalt  }
0x82: {  	_ =	shalt  }
0x83: {  	_ =	shalt  }
0x84: {  	_ =	shalt  }
0x85: {  	_ =	shalt  }
0x86: {  	_ =	shalt  }
0x87: {  	_ =	shalt  }
.Lfunc_end0:
.L_simem_size_0:
called_computation_lowered:
.L_overlay_start_0:
0x88: {  	s2 =	sld [smem:$0x3FD9]  }
0x89: {  	s3 =	sld [smem:$0x3FFE];
	_ =	sdelay $0x1  }
0x8a: {  	s1 =	srdreg.scid  }
0x8b: {  	s0 =	sand.u32 $0x1, s1  }
0x8c: {  	s16 =	sshll.u32 s0, $0xA;
	s2 =	sadd.s32 s3, s2  }
0x8d: {  	s2 =	sadd.s32 s2, s16  }
0x8e: {  	[smem:$0x3FBF] =	sst s2  }
0x8f: {  	_ = 	snop  }
0x90: {  	(tm) =	ssettm $0x1  }
0x91: {  	s17 =	sld [smem:$0x3FFB];
	_ =	sdelay $0x3  }
0x92: {  	_ =	strace s17  }
0x93: {  	s2 =	sld [smem:$0x3FFC];
	_ =	sdelay $0x3  }
0x94: {  	_ =	strace s2  }
0x95: {  	s2 =	sld [smem:$0x3FFD];
	_ =	sdelay $0x3  }
0x96: {  	_ =	strace s2  }
0x97: {  	_ =	strace $0x8FFFFFFF  }
0x98: {  	s18 =	sld [smem:$0x3FDB];
	_ =	sdelay $0x1  }
0x99: {  	s19 =	simm.s32 $_scs_section_size  }
0x9a: {  	s4 =	simm.s32 $_size__tile_overlayer_lowered;
	s5 =	simm.s32 $_tile_overlayer_lowered  }
0x9b: {  	s22 =	simm.s32 $0x1BFF;
	s21 =	sshll.u32 s5, $0x1;
	s2 =	sadd.s32 s19, s18  }
0x9c: {  	s6 =	simm.s32 $0x0;
	s20 =	sshll.u32 s4, $0x1;
	s4 =	sadd.s32 s21, s2  }
0x9d: {  	[timem:s6], [sflag:s22] =	dma.local [hbm:s4], s20  }
0x9e: {  	_ =	swait.ge [sflag:s22], s20  }
0x9f: {  	s3 =	ssub.s32 $0x0, s20;
	[sflag:s22] =	ssyncset.done $0x0  }
0xa0: {  	[sflag:s22] =	ssyncadd.s32 s3;
	_ =	sdelay $0x1  }
0xa1: {  	s23 =	simm.s32 $0x1B8B  }
0xa2: {  	_ =	swait.ge [sflag:s23], $0x1  }
0xa3: {  	[sflag:s23] =	ssyncset.done $0x0  }
0xa4: {  	s25 =	simm.s32 $0x1B8E;
	s24 =	sld [smem:$0x3FFE];
	[sflag:s23] =	ssyncadd.s32 $0xFFFFFFFF  }
0xa5: {  	s26 =	simm.s32 $execute0_lowered;
	[smem:$0x3FD2] =	sst s25  }
0xa6: {  	s4 =	sshll.u32 s26, $0x1;
	_ =	strace $0x80000046;
	[dreg:$0x1] =	wrdreg $0xFFFFFFFF  }
0xa7: {  	s28 =	simm.s32 $_size_execute0_lowered;
	s2 =	sadd.s32 s2, s4;
	[dreg:$0x0] =	wrdreg $0x0  }
0xa8: {  	s4 =	sshll.u32 s28, $0x1;
	[dreg:$0x2] =	wrdreg s2  }
0xa9: {  	[dreg:$0x3] =	wrdreg s4  }
0xaa: {  	[dreg:$0x4] =	wrdreg $0xC0  }
0xab: {  	_ =	task [dreg:s6], $0x5FFFF  }
0xac: {  	[dreg:$0x1] =	wrdreg $0xFFFFFFFF  }
0xad: {  	[dreg:$0x0] =	wrdreg $0x60  }
0xae: {  	[dreg:$0x2] =	wrdreg s24  }
0xaf: {  	[dreg:$0x3] =	wrdreg $0x70800  }
0xb0: {  	[dreg:$0x4] =	wrdreg $0x9  }
0xb1: {  	_ =	task.clear_ibuf [dreg:s6], $0x5FFFF;
	_ =	strace $0x90000046  }
0xb2: {  	s29 =	simm.s32 $0x9;
	_ =	strace $0x80000048  }
0xb3: {  	_ =	swait.ge [sflag:s29], $0x1  }
0xb4: {  	[sflag:s29] =	ssyncadd.s32 $0xFFFFFFFF  }
0xb5: {  	_ =	strace $0x90000048  }
0xb6: {  	_ =	sfence  }
0xb7: {  	s30 =	sld [smem:$0x0];
	_ =	sdelay $0x2  }
0xb8: {  	s31 =	sshll.u32 s1, $0xD;
	s1 =	sshrl.u32 s1, $0x2  }
0xb9: {  	s3 =	sand.u32 $0x4000, s31;
	s1 =	sadd.s32 s1, s30  }
0xba: {  	s0 =	sor.u32 s3, s0;
	s1 =	sshll.u32 s1, $0x11  }
0xbb: {  	s0 =	sor.u32 s1, s0  }
0xbc: {  	s0 =	sadd.s32 $0x8F2B, s0  }
0xbd: {  	[sflag:s0] =	ssyncadd.remote.s32 $0x1  }
0xbe: {  	_ =	sfence.sel $0xFFFF  }
0xbf: {  	[dreg:$0x0] =	wrdreg $0xFFFFFFFF;
	(pc) =	sbr.abs _section_cstart, $3  }
0xc0: {  	[dreg:$0x1] =	wrdreg $0xFFFFFFFF  }
0xc1: {  	_ =	task.clear_ibuf [dreg:s6], $0x2FFFF;
	_ =	strace $0x9FFFFFFF  }
0xc2: {  	(tm) =	ssettm $0x7FFFFFFF  }
0xc3: {  	_ =	shalt  }
tec
execute0_lowered:
.L_overlay_start_1:
0x0: {  	(tag) =	ssettag $0x1  }
0x1: {  	s0 =	rddreg [dreg:$0x0]  }
0x2: {  	s1 =	rddreg [dreg:$0x1]  }
0x3: {  	s3 =	simm.s32 $0x0;
	s2 =	srdreg.scid;
	s14 =	stileid.u32  }
0x4: {  	s28 =	simm.s32 $0x80;
	s29 =	simm.s32 $0x180;
	s30 =	simm.s32 $0x2A00  }
0x5: {  	s31 =	simm.s32 $0x1;
	[smem:$0x7FF] =	sst s3;
	s2 =	sand.u32 $0x1, s2  }
0x6: {  	s9 =	smul.u32 $0x3E80, s14;
	s4 =	sadd.s32 $0xB2000, s0;
	s5 =	sadd.s32 $0xA8200, s0  }
0x7: {  	s6 =	sadd.s32 $0x9E400, s0;
	s7 =	sadd.s32 $0x2000, s0;
	s25 =	smul.u32 $0xFA00, s14  }
0x8: {  	s10 =	sshll.u32 s14, $0x1;
	p0 =	sgt.u32 s14, $0x9;
	s8 =	smul.u32 $0x27100, s2  }
0x9: {  	_ =	strace $0x80000047;
	s11 =	ssub.s32 $0x2, s2;
	s2 =	sor.u32 s2, s10  }
0xa: {  	s12 =	sshrl.u32 s11, $0x1;
	s13 =	smul.u32 $0x2710, s2;
	s10 =	sshrl.u32 s25, $0x2  }
0xb: {  	s2 =	smul.u32 $0x4E20, s2;
	s8 =	sadd.s32 s9, s8;
	s26 =	ssub.s32 s11, s12  }
0xc: {  	s10 =	sadd.s32 s10, s1;
	s8 =	sshrl.u32 s8, $0x3;
	s15 =	sshrl.u32 s13, $0x3  }
0xd: {  	s16 =	sadd.s32 $0x80, s13;
	[dreg:$0x3] =	wrdreg s10;
	s2 =	sadd.s32 s7, s2  }
0xe: {  	s22 =	sadd.s32 $0x2700, s13;
	s26 =	smax.u32 s26, $0x1;
	s0 =	sadd.s32 s8, s0  }
0xf: {  	s17 =	sadd.s32 s4, s15;
	s18 =	sshrl.u32 s16, $0x3;
	s11 =	sadd.s32 s5, s15  }
0x10: {  	[dreg:$0x6] =	wrdreg s2;
	s21 =	sshll.u32 s16, $0x1;
	s15 =	sadd.s32 $0x100, s13  }
0x11: {  	s23 =	sshrl.u32 s22, $0x3;
	s16 =	sadd.s32 $0x180, s13;
	[dreg:$0xe] =	wrdreg s26  }
0x12: {  	s10 =	sshll.u32 s22, $0x1;
	s8 =	simm.s32 $0x2;
	[dreg:$0x4] =	wrdreg s17  }
0x13: {  	s26 =	simm.s32 $0xA00;
	[dreg:$0x5] =	wrdreg s11;
	s19 =	sadd.s32 s4, s18  }
0x14: {  	s22 =	simm.s32 $0x1A00;
	s20 =	sadd.s32 s5, s18;
	[dreg:$0x7] =	wrdreg s19  }
0x15: {  	s13 =	simm.s32 $0x6;
	s2 =	sadd.s32 s7, s21;
	[dreg:$0x8] =	wrdreg s20  }
0x16: {  	s24 =	sadd.s32 s4, s23;
	s25 =	sadd.s32 s7, s10;
	[dreg:$0x9] =	wrdreg s2  }
0x17: {  	s0 =	sadd.s32 $0xBBE00, s0;
	s10 =	simm.s32 $0x4;
	[dreg:$0xa] =	wrdreg s24  }
0x18: {  	s11 =	simm.s32 $0x9B30;
	s17 =	simm.s32 $0x10;
	[dreg:$0xc] =	wrdreg s25  }
0x19: {  	s2 =	sadd.s32 s5, s23;
	[dreg:$0xd] =	wrdreg s0;
	s0 =	sadd.s32 s9, s1  }
0x1a: {  	s23 =	simm.s32 $0x7;
	s9 =	simm.s32 $0x9AB0;
	s24 =	simm.s32 $0x97A0  }
0x1b: {  	s19 =	simm.s32 $0x0;
	[dreg:$0xb] =	wrdreg s2;
	s0 =	sshrl.u32 @!p0 s0, $0x3  }
0x1c: {  	v0 =	vimm.f32 $0.0e+00;
	s2 =	simm.s32 $0x3;
	[dreg:$0xf] =	wrdreg s0;
	s0 =	simm.s32 $0x200  }
.LBB2_1:
.Ltmp0:
0x1d: {  	(pc) =	sbr.rel @p0 .LBB2_5-.Ltmp0, $1  }
0x1e: {  	_ =	sdelay $0x3  }
0x1f: {  	s14 =	sshra.s32 s3, $0x2;
	s20 =	sadd.s32 $0x200, s3  }
.LBB2_3:
0x20: {  	p1 =	sne.s32 s20, $0xF800;
	[tilespmem:s14+$0x3270] =	vst v0  }
0x21: {  	[tilespmem:s14+$0x3200] =	vst v0  }
0x22: {  	[tilespmem:s14+$0x3210] =	vst v0  }
.Ltmp1:
0x23: {  	[tilespmem:s14+$0x3220] =	vst v0;
	(pc) =	sbr.rel @p1 .LBB2_3-.Ltmp1, $4  }
0x24: {  	[tilespmem:s14+$0x3230] =	vst v0  }
0x25: {  	[tilespmem:s14+$0x3240] =	vst v0  }
0x26: {  	[tilespmem:s14+$0x3250] =	vst v0  }
0x27: {  	[tilespmem:s14+$0x3260] =	vst v0;
	s14 =	sshra.s32 s20, $0x2;
	s20 =	sadd.s32 $0x200, s20  }
0x28: {  	[tilespmem:s14+$0x3270] =	vst v0  }
0x29: {  	[tilespmem:s14+$0x3200] =	vst v0  }
0x2a: {  	[tilespmem:s14+$0x3210] =	vst v0  }
0x2b: {  	[tilespmem:s14+$0x3220] =	vst v0  }
0x2c: {  	[tilespmem:s14+$0x3230] =	vst v0  }
0x2d: {  	[tilespmem:s14+$0x3240] =	vst v0  }
0x2e: {  	[tilespmem:s14+$0x3250] =	vst v0  }
0x2f: {  	[tilespmem:s14+$0x3260] =	vst v0;
	s12 =	rddreg [dreg:$0x3];
	s25 =	simm.s32 $0x3200  }
0x30: {  	[spmem:s12] =	stream.linear.scatter [tilespmem:s25], [sflag:$0x7], $0x3E80, $0x38;
	[tilespmem:$0x9BB0] =	vst v63  }
0x31: {  	_ =	swait.ge [sflag:s23], $0x3E80  }
0x32: {  	[sflag:s23] =	ssyncset.done $0x0  }
0x33: {  	[sflag:s23] =	ssyncadd.s32 $0xFFFFC180  }
.LBB2_5:
0x34: {  	[bflag:$0x0] =	sbarrier.arrive $0xFFFF  }
0x35: {  	s20 =	simm.s32 $0x0;
	s12 =	rddreg [dreg:$0x4]  }
0x36: {  	[tilespmem:s20], [sflag:$0x1] =	stream.linear.gather [hbm4b:s12+s20], $0x80, $0x38;
	[tilespmem:$0x9BB0] =	vst v63  }
0x37: {  	s14 =	simm.s32 $0x100;
	s18 =	rddreg [dreg:$0x5]  }
0x38: {  	[tilespmem:s14], [sflag:$0x1] =	stream.linear.gather [hbm4b:s18+s20], $0x80, $0x38;
	[tilespmem:$0x9BB0] =	vst v63  }
0x39: {  	s21 =	rddreg [dreg:$0x6];
	s18 =	simm.s32 $0x2200  }
0x3a: {  	[tilespmem:s18], [sflag:$0x1] =	stream.linear.gather [hbm4b:s21+s20], $0x800, $0x38;
	[tilespmem:$0x9BB0] =	vst v63  }
0x3b: {  	s25 =	rddreg [dreg:$0x7]  }
0x3c: {  	[tilespmem:s28], [sflag:$0x2] =	stream.linear.gather [hbm4b:s25+s20], $0x80, $0x38;
	[tilespmem:$0x9BB0] =	vst v63  }
0x3d: {  	s18 =	rddreg [dreg:$0x8]  }
0x3e: {  	[tilespmem:s29], [sflag:$0x2] =	stream.linear.gather [hbm4b:s18+s20], $0x80, $0x38;
	[tilespmem:$0x9BB0] =	vst v63  }
0x3f: {  	s21 =	rddreg [dreg:$0x9]  }
0x40: {  	[tilespmem:s30], [sflag:$0x2] =	stream.linear.gather [hbm4b:s21+s20], $0x800, $0x38;
	[tilespmem:$0x9BB0] =	vst v63  }
0x41: {  	_ =	swait.ge [sflag:s31], $0x80  }
0x42: {  	[sflag:s31] =	ssyncset.done $0x0  }
0x43: {  	[sflag:s31] =	ssyncadd.s32 $0xFFFFFF80  }
0x44: {  	_ =	swait.ge [sflag:s31], $0x80  }
0x45: {  	[sflag:s31] =	ssyncset.done $0x0  }
0x46: {  	[sflag:s31] =	ssyncadd.s32 $0xFFFFFF80  }
0x47: {  	_ =	swait.ge [sflag:s31], $0x800  }
0x48: {  	[sflag:s31] =	ssyncset.done $0x0  }
0x49: {  	[sflag:s31] =	ssyncadd.s32 $0xFFFFF800  }
0x4a: {  	v1 =	vld [tilespmem:$0x0]  }
0x4b: {  	v2 =	vld [tilespmem:$0x10]  }
0x4c: {  	v3 =	vld [tilespmem:$0x20]  }
0x4d: {  	v4 =	vld [tilespmem:$0x30]  }
0x4e: {  	v5 =	vld [tilespmem:$0x40]  }
0x4f: {  	v6 =	vld [tilespmem:$0x50];
	v1 =	vadd.s32 $0x2710, v1  }
0x50: {  	[tilespmem:$0x0] =	vst v1;
	v1 =	vadd.s32 $0x2710, v2;
	v2 =	vld [tilespmem:$0x60]  }
0x51: {  	[tilespmem:$0x10] =	vst v1;
	v1 =	vadd.s32 $0x2710, v3;
	v3 =	vld [tilespmem:$0x70]  }
0x52: {  	[tilespmem:$0x20] =	vst v1;
	v1 =	vadd.s32 $0x2710, v4  }
0x53: {  	[tilespmem:$0x30] =	vst v1;
	v1 =	vadd.s32 $0x2710, v5  }
0x54: {  	[tilespmem:$0x40] =	vst v1;
	v1 =	vadd.s32 $0x2710, v6  }
0x55: {  	[tilespmem:$0x50] =	vst v1;
	v1 =	vadd.s32 $0x2710, v2  }
0x56: {  	[tilespmem:$0x60] =	vst v1;
	v1 =	vadd.s32 $0x2710, v3  }
0x57: {  	[tilespmem:$0x70] =	vst v1  }
0x58: {  	[tilespmem:s0], [sflag:$0x3] =	stream.indirect.gather [hbm4b:s6+s28], $0x10, s20, s28, $0xb8;
	[tilespmem:$0x9BB0] =	vst v63  }
0x59: {  	s25 =	simm.s32 $0x1200  }
0x5a: {  	[tilespmem:s25], [sflag:$0x3] =	stream.indirect.gather [hbm4b:s6+s28], $0x10, s14, s28, $0xb8;
	[tilespmem:$0x9BB0] =	vst v63  }
.LBB2_6:
0x5b: {  	_ =	swait.ge [sflag:s8], $0x80  }
0x5c: {  	[sflag:s8] =	ssyncset.done $0x0  }
0x5d: {  	[sflag:s8] =	ssyncadd.s32 $0xFFFFFF80  }
0x5e: {  	_ =	swait.ge [sflag:s8], $0x80  }
0x5f: {  	[sflag:s8] =	ssyncset.done $0x0  }
0x60: {  	[sflag:s8] =	ssyncadd.s32 $0xFFFFFF80  }
0x61: {  	_ =	swait.ge [sflag:s8], $0x800  }
0x62: {  	[sflag:s8] =	ssyncset.done $0x0  }
0x63: {  	[sflag:s8] =	ssyncadd.s32 $0xFFFFF800  }
0x64: {  	v1 =	vld [tilespmem:$0x80]  }
0x65: {  	v2 =	vld [tilespmem:$0x90]  }
0x66: {  	v3 =	vld [tilespmem:$0xA0]  }
0x67: {  	v4 =	vld [tilespmem:$0xB0]  }
0x68: {  	v5 =	vld [tilespmem:$0xC0]  }
0x69: {  	v6 =	vld [tilespmem:$0xD0];
	v1 =	vadd.s32 $0x2710, v1  }
0x6a: {  	[tilespmem:$0x80] =	vst v1;
	v1 =	vadd.s32 $0x2710, v2;
	v2 =	vld [tilespmem:$0xE0]  }
0x6b: {  	[tilespmem:$0x90] =	vst v1;
	v1 =	vadd.s32 $0x2710, v3;
	v3 =	vld [tilespmem:$0xF0]  }
0x6c: {  	[tilespmem:$0xA0] =	vst v1;
	v1 =	vadd.s32 $0x2710, v4  }
0x6d: {  	[tilespmem:$0xB0] =	vst v1;
	v1 =	vadd.s32 $0x2710, v5  }
0x6e: {  	[tilespmem:$0xC0] =	vst v1;
	v1 =	vadd.s32 $0x2710, v6  }
0x6f: {  	[tilespmem:$0xD0] =	vst v1;
	v1 =	vadd.s32 $0x2710, v2  }
0x70: {  	p1 =	seq.s32 s20, $0x0;
	[tilespmem:$0xE0] =	vst v1;
	v1 =	vadd.s32 $0x2710, v3  }
0x71: {  	s14 =	simm.s32 @!p1 $0x6;
	[tilespmem:$0xF0] =	vst v1  }
0x72: {  	_ =	swait.ge @!p1 [sflag:s14], $0x800  }
0x73: {  	[sflag:s14] =	ssyncset.done @!p1 $0x0  }
0x74: {  	[sflag:s14] =	ssyncadd.s32 @!p1 $0xFFFFF800  }
0x75: {  	[tilespmem:s26], [sflag:$0x4] =	stream.indirect.gather [hbm4b:s6+s28], $0x10, s28, s28, $0xb8;
	[tilespmem:$0x9BB0] =	vst v63  }
0x76: {  	_ = 	snop  }
0x77: {  	[tilespmem:s22], [sflag:$0x4] =	stream.indirect.gather [hbm4b:s6+s28], $0x10, s29, s28, $0xb8;
	[tilespmem:$0x9BB0] =	vst v63  }
0x78: {  	_ =	swait.ge [sflag:s2], $0x800  }
0x79: {  	[sflag:s2] =	ssyncset.done $0x0  }
0x7a: {  	[sflag:s2] =	ssyncadd.s32 $0xFFFFF800  }
0x7b: {  	_ =	swait.ge [sflag:s2], $0x800  }
0x7c: {  	[sflag:s2] =	ssyncset.done $0x0  }
0x7d: {  	s25 =	simm.s32 $0x0;
	[sflag:s2] =	ssyncadd.s32 $0xFFFFF800  }
0x7e: {  	v5 =	vld [tilespmem:s25+$0x2200]  }
0x7f: {  	v6 =	vld [tilespmem:s25+$0x2210]  }
0x80: {  	v4 =	vld [tilespmem:s25+$0x2220]  }
0x81: {  	v3 =	vld [tilespmem:s25+$0x2230]  }
0x82: {  	v2 =	vld [tilespmem:s25+$0x2240]  }
0x83: {  	v1 =	vld [tilespmem:s25+$0x2250]  }
0x84: {  	v13 =	vld [tilespmem:s25+$0x1200]  }
0x85: {  	v18 =	vld [tilespmem:s25+$0x1210]  }
0x86: {  	v12 =	vld [tilespmem:s25+$0x1220]  }
0x87: {  	v11 =	vld [tilespmem:s25+$0x1230]  }
0x88: {  	v10 =	vld [tilespmem:s25+$0x1240]  }
0x89: {  	v9 =	vld [tilespmem:s25+$0x1250]  }
0x8a: {  	v8 =	vld [tilespmem:s25+$0x1260]  }
0x8b: {  	v7 =	vld [tilespmem:s25+$0x1270]  }
0x8c: {  	v19 =	vld [tilespmem:s25+$0x200]  }
0x8d: {  	v20 =	vld [tilespmem:s25+$0x210]  }
0x8e: {  	v17 =	vld [tilespmem:s25+$0x220]  }
0x8f: {  	v16 =	vld [tilespmem:s25+$0x230]  }
0x90: {  	v15 =	vld [tilespmem:s25+$0x240]  }
0x91: {  	v14 =	vld [tilespmem:s25+$0x250];
	v19 =	vadd.f32 v13, v19  }
0x92: {  	s21 =	sshll.u32 s20, $0x8;
	s14 =	simm.s32 $0x200;
	v18 =	vadd.f32 v18, v20;
	v13 =	vld [tilespmem:s25+$0x260]  }
.LBB2_7:
0x93: {  	p1 =	sne.s32 s14, $0x1E00;
	v5 =	vadd.f32 v5, v19;
	v12 =	vadd.f32 v12, v17;
	v17 =	vld [tilespmem:s25+$0x270]  }
0x94: {  	v6 =	vadd.f32 v6, v18;
	v11 =	vadd.f32 v11, v16;
	v16 =	vld [tilespmem:s25+$0x2260]  }
0x95: {  	s18 =	sshra.s32 s14, $0x2;
	v18 =	vmax.f32 v5, $0.0e+00;
	v4 =	vadd.f32 v4, v12;
	v10 =	vadd.f32 v10, v15;
	v12 =	vld [tilespmem:s25+$0x2270]  }
0x96: {  	v5 =	vld [tilespmem:s18+$0x2200];
	[tilespmem:s25+$0x200] =	vst v18;
	v15 =	vmax.f32 v6, $0.0e+00;
	v3 =	vadd.f32 v3, v11;
	v9 =	vadd.f32 v9, v14  }
0x97: {  	v6 =	vld [tilespmem:s18+$0x2210];
	[tilespmem:s25+$0x210] =	vst v15;
	v11 =	vmax.f32 v4, $0.0e+00;
	v2 =	vadd.f32 v2, v10;
	v8 =	vadd.f32 v8, v13  }
0x98: {  	v4 =	vld [tilespmem:s18+$0x2220];
	[tilespmem:s25+$0x220] =	vst v11;
	v10 =	vmax.f32 v3, $0.0e+00;
	v1 =	vadd.f32 v1, v9;
	v7 =	vadd.f32 v7, v17  }
0x99: {  	v3 =	vld [tilespmem:s18+$0x2230];
	[tilespmem:s25+$0x230] =	vst v10;
	v9 =	vmax.f32 v2, $0.0e+00;
	v8 =	vadd.f32 v16, v8  }
0x9a: {  	v2 =	vld [tilespmem:s18+$0x2240];
	[tilespmem:s25+$0x240] =	vst v9;
	v9 =	vmax.f32 v1, $0.0e+00;
	v7 =	vadd.f32 v12, v7  }
0x9b: {  	v1 =	vld [tilespmem:s18+$0x2250];
	[tilespmem:s25+$0x250] =	vst v9;
	v8 =	vmax.f32 v8, $0.0e+00  }
0x9c: {  	v13 =	vld [tilespmem:s18+$0x1200];
	[tilespmem:s25+$0x260] =	vst v8;
	v7 =	vmax.f32 v7, $0.0e+00  }
0x9d: {  	v18 =	vld [tilespmem:s18+$0x1210];
	[tilespmem:s25+$0x270] =	vst v7;
	s25 =	smov.u32 s18  }
0x9e: {  	v12 =	vld [tilespmem:s25+$0x1220]  }
0x9f: {  	v11 =	vld [tilespmem:s25+$0x1230]  }
0xa0: {  	v10 =	vld [tilespmem:s25+$0x1240]  }
0xa1: {  	v9 =	vld [tilespmem:s25+$0x1250]  }
0xa2: {  	v8 =	vld [tilespmem:s25+$0x1260]  }
0xa3: {  	v7 =	vld [tilespmem:s25+$0x1270]  }
0xa4: {  	v14 =	vld [tilespmem:s25+$0x200]  }
0xa5: {  	v20 =	vld [tilespmem:s25+$0x210]  }
.Ltmp2:
0xa6: {  	v17 =	vld [tilespmem:s25+$0x220];
	(pc) =	sbr.rel @p1 .LBB2_7-.Ltmp2, $4  }
0xa7: {  	v16 =	vld [tilespmem:s25+$0x230]  }
0xa8: {  	v15 =	vld [tilespmem:s25+$0x240]  }
0xa9: {  	v19 =	vadd.f32 v13, v14;
	v14 =	vld [tilespmem:s25+$0x250]  }
0xaa: {  	s14 =	sadd.s32 $0x200, s14;
	v18 =	vadd.f32 v18, v20;
	v13 =	vld [tilespmem:s25+$0x260]  }
0xab: {  	v5 =	vadd.f32 v5, v19;
	v12 =	vadd.f32 v12, v17;
	v17 =	vld [tilespmem:s25+$0x270]  }
0xac: {  	v6 =	vadd.f32 v6, v18;
	v11 =	vadd.f32 v11, v16;
	v16 =	vld [tilespmem:s25+$0x2260]  }
0xad: {  	v5 =	vmax.f32 v5, $0.0e+00;
	v4 =	vadd.f32 v4, v12;
	v10 =	vadd.f32 v10, v15;
	v12 =	vld [tilespmem:s25+$0x2270]  }
0xae: {  	[tilespmem:s25+$0x200] =	vst v5;
	v5 =	vmax.f32 v6, $0.0e+00;
	v3 =	vadd.f32 v3, v11;
	v6 =	vadd.f32 v9, v14  }
0xaf: {  	[tilespmem:s25+$0x210] =	vst v5;
	v4 =	vmax.f32 v4, $0.0e+00;
	v2 =	vadd.f32 v2, v10;
	v5 =	vadd.f32 v8, v13  }
0xb0: {  	[tilespmem:s25+$0x220] =	vst v4;
	v3 =	vmax.f32 v3, $0.0e+00;
	v1 =	vadd.f32 v1, v6;
	v4 =	vadd.f32 v7, v17  }
0xb1: {  	[tilespmem:s25+$0x230] =	vst v3;
	v2 =	vmax.f32 v2, $0.0e+00;
	v3 =	vadd.f32 v16, v5  }
0xb2: {  	[tilespmem:s25+$0x240] =	vst v2;
	v1 =	vmax.f32 v1, $0.0e+00;
	v2 =	vadd.f32 v12, v4  }
0xb3: {  	[tilespmem:s25+$0x250] =	vst v1;
	v1 =	vmax.f32 v3, $0.0e+00  }
0xb4: {  	[tilespmem:s25+$0x260] =	vst v1;
	v1 =	vmax.f32 v2, $0.0e+00  }
0xb5: {  	[tilespmem:s25+$0x270] =	vst v1  }
0xb6: {  	v1 =	vld [tilespmem:$0x100]  }
0xb7: {  	v2 =	vld [tilespmem:$0x110]  }
0xb8: {  	v3 =	vld [tilespmem:$0x120]  }
0xb9: {  	v4 =	vld [tilespmem:$0x130]  }
0xba: {  	v5 =	vld [tilespmem:$0x140]  }
0xbb: {  	[tilespmem:$0x9AB0] =	vst v1;
	v1 =	vld [tilespmem:$0x150]  }
0xbc: {  	[tilespmem:$0x9AC0] =	vst v2;
	v2 =	vld [tilespmem:$0x160]  }
0xbd: {  	[tilespmem:$0x9AD0] =	vst v3;
	v3 =	vld [tilespmem:$0x170]  }
0xbe: {  	[tilespmem:$0x9AE0] =	vst v4  }
0xbf: {  	[tilespmem:$0x9AF0] =	vst v5  }
0xc0: {  	p1 =	seq.s32 s20, $0x26;
	[tilespmem:$0x9B00] =	vst v1  }
0xc1: {  	s14 =	sadd.s32 @!p1 s21, s15;
	[tilespmem:$0x9B10] =	vst v2  }
0xc2: {  	s18 =	sshrl.u32 @!p1 s14, $0x3;
	[tilespmem:$0x9B20] =	vst v3  }
0xc3: {  	[spmem:s1] =	stream.indirect.scatter.add.f32 [tilespmem:s0], [sflag:$0x5], $0x10, s9, s28, $0xb8;
	[tilespmem:$0x9BB0] =	vst v63  }
0xc4: {  	s12 =	simm.s32 @!p1 $0x0;
	s14 =	sshll.u32 @!p1 s14, $0x1;
	s25 =	sadd.s32 @!p1 s4, s18  }
0xc5: {  	[tilespmem:s12], [sflag:$0x1] =	stream.linear.gather @!p1 [hbm4b:s25+s12], $0x80, $0x38;
	[tilespmem:$0x9BB0] =	vst v63  }
0xc6: {  	s14 =	sand.u32 @!p1 $0x1FFFFFE0, s14;
	s18 =	sadd.s32 @!p1 s5, s18;
	s25 =	simm.s32 @!p1 $0x100  }
0xc7: {  	[tilespmem:s25], [sflag:$0x1] =	stream.linear.gather @!p1 [hbm4b:s18+s12], $0x80, $0x38;
	[tilespmem:$0x9BB0] =	vst v63  }
0xc8: {  	s14 =	sadd.s32 @!p1 s7, s14;
	s18 =	simm.s32 @!p1 $0x2200  }
0xc9: {  	[tilespmem:s18], [sflag:$0x1] =	stream.linear.gather @!p1 [hbm4b:s14+s12], $0x800, $0x38;
	[tilespmem:$0x9BB0] =	vst v63  }
0xca: {  	s14 =	simm.s32 @!p1 $0x1  }
0xcb: {  	_ =	swait.ge @!p1 [sflag:s14], $0x80  }
0xcc: {  	[sflag:s14] =	ssyncset.done @!p1 $0x0  }
0xcd: {  	[sflag:s14] =	ssyncadd.s32 @!p1 $0xFFFFFF80  }
0xce: {  	_ =	swait.ge @!p1 [sflag:s14], $0x80  }
0xcf: {  	[sflag:s14] =	ssyncset.done @!p1 $0x0  }
0xd0: {  	[sflag:s14] =	ssyncadd.s32 @!p1 $0xFFFFFF80  }
0xd1: {  	_ =	swait.ge @!p1 [sflag:s14], $0x800  }
0xd2: {  	[sflag:s14] =	ssyncset.done @!p1 $0x0  }
0xd3: {  	[sflag:s14] =	ssyncadd.s32 @!p1 $0xFFFFF800  }
0xd4: {  	v1 =	vld @!p1 [tilespmem:$0x0]  }
0xd5: {  	v2 =	vld @!p1 [tilespmem:$0x10]  }
0xd6: {  	v3 =	vld @!p1 [tilespmem:$0x20]  }
0xd7: {  	v4 =	vld @!p1 [tilespmem:$0x30]  }
0xd8: {  	v5 =	vld @!p1 [tilespmem:$0x40]  }
0xd9: {  	v6 =	vld @!p1 [tilespmem:$0x50];
	v1 =	vadd.s32 @!p1 $0x2710, v1  }
0xda: {  	[tilespmem:$0x0] =	vst @!p1 v1;
	v1 =	vadd.s32 @!p1 $0x2710, v2;
	v2 =	vld @!p1 [tilespmem:$0x60]  }
0xdb: {  	[tilespmem:$0x10] =	vst @!p1 v1;
	v1 =	vadd.s32 @!p1 $0x2710, v3;
	v3 =	vld @!p1 [tilespmem:$0x70]  }
0xdc: {  	[tilespmem:$0x20] =	vst @!p1 v1;
	v1 =	vadd.s32 @!p1 $0x2710, v4  }
0xdd: {  	[tilespmem:$0x30] =	vst @!p1 v1;
	v1 =	vadd.s32 @!p1 $0x2710, v5  }
0xde: {  	[tilespmem:$0x40] =	vst @!p1 v1;
	v1 =	vadd.s32 @!p1 $0x2710, v6  }
0xdf: {  	[tilespmem:$0x50] =	vst @!p1 v1;
	v1 =	vadd.s32 @!p1 $0x2710, v2  }
0xe0: {  	[tilespmem:$0x60] =	vst @!p1 v1;
	v1 =	vadd.s32 @!p1 $0x2710, v3  }
0xe1: {  	s14 =	simm.s32 @!p1 $0x5;
	[tilespmem:$0x70] =	vst @!p1 v1  }
0xe2: {  	_ =	swait.ge @!p1 [sflag:s14], $0x800  }
0xe3: {  	[sflag:s14] =	ssyncset.done @!p1 $0x0  }
0xe4: {  	s18 =	simm.s32 @!p1 $0x200;
	[sflag:s14] =	ssyncadd.s32 @!p1 $0xFFFFF800;
	s14 =	simm.s32 @!p1 $0x80  }
0xe5: {  	[tilespmem:s18], [sflag:$0x3] =	stream.indirect.gather @!p1 [hbm4b:s6+s14], $0x10, s12, s14, $0xb8;
	[tilespmem:$0x9BB0] =	vst v63  }
0xe6: {  	s12 =	simm.s32 @!p1 $0x1200  }
0xe7: {  	[tilespmem:s12], [sflag:$0x3] =	stream.indirect.gather @!p1 [hbm4b:s6+s14], $0x10, s25, s14, $0xb8;
	[tilespmem:$0x9BB0] =	vst v63  }
0xe8: {  	_ =	swait.ge [sflag:s10], $0x800  }
0xe9: {  	[sflag:s10] =	ssyncset.done $0x0  }
0xea: {  	[sflag:s10] =	ssyncadd.s32 $0xFFFFF800  }
0xeb: {  	_ =	swait.ge [sflag:s10], $0x800  }
0xec: {  	[sflag:s10] =	ssyncset.done $0x0  }
0xed: {  	s25 =	simm.s32 $0x0;
	[sflag:s10] =	ssyncadd.s32 $0xFFFFF800  }
0xee: {  	v5 =	vld [tilespmem:s25+$0x2A00]  }
0xef: {  	v6 =	vld [tilespmem:s25+$0x2A10]  }
0xf0: {  	v4 =	vld [tilespmem:s25+$0x2A20]  }
0xf1: {  	v3 =	vld [tilespmem:s25+$0x2A30]  }
0xf2: {  	v2 =	vld [tilespmem:s25+$0x2A40]  }
0xf3: {  	v1 =	vld [tilespmem:s25+$0x2A50]  }
0xf4: {  	v13 =	vld [tilespmem:s25+$0x1A00]  }
0xf5: {  	v18 =	vld [tilespmem:s25+$0x1A10]  }
0xf6: {  	v12 =	vld [tilespmem:s25+$0x1A20]  }
0xf7: {  	v11 =	vld [tilespmem:s25+$0x1A30]  }
0xf8: {  	v10 =	vld [tilespmem:s25+$0x1A40]  }
0xf9: {  	v9 =	vld [tilespmem:s25+$0x1A50]  }
0xfa: {  	v8 =	vld [tilespmem:s25+$0x1A60]  }
0xfb: {  	v7 =	vld [tilespmem:s25+$0x1A70]  }
0xfc: {  	v19 =	vld [tilespmem:s25+$0xA00]  }
0xfd: {  	v20 =	vld [tilespmem:s25+$0xA10]  }
0xfe: {  	v17 =	vld [tilespmem:s25+$0xA20]  }
0xff: {  	v16 =	vld [tilespmem:s25+$0xA30]  }
0x100: {  	v15 =	vld [tilespmem:s25+$0xA40]  }
0x101: {  	v14 =	vld [tilespmem:s25+$0xA50];
	v19 =	vadd.f32 v13, v19  }
0x102: {  	s14 =	simm.s32 $0x200;
	v18 =	vadd.f32 v18, v20;
	v13 =	vld [tilespmem:s25+$0xA60]  }
.LBB2_9:
0x103: {  	p2 =	sne.s32 s14, $0x1E00;
	v5 =	vadd.f32 v5, v19;
	v12 =	vadd.f32 v12, v17;
	v17 =	vld [tilespmem:s25+$0xA70]  }
0x104: {  	v6 =	vadd.f32 v6, v18;
	v11 =	vadd.f32 v11, v16;
	v16 =	vld [tilespmem:s25+$0x2A60]  }
0x105: {  	s12 =	sshra.s32 s14, $0x2;
	v18 =	vmax.f32 v5, $0.0e+00;
	v4 =	vadd.f32 v4, v12;
	v10 =	vadd.f32 v10, v15;
	v12 =	vld [tilespmem:s25+$0x2A70]  }
0x106: {  	v5 =	vld [tilespmem:s12+$0x2A00];
	[tilespmem:s25+$0xA00] =	vst v18;
	v15 =	vmax.f32 v6, $0.0e+00;
	v3 =	vadd.f32 v3, v11;
	v9 =	vadd.f32 v9, v14  }
0x107: {  	v6 =	vld [tilespmem:s12+$0x2A10];
	[tilespmem:s25+$0xA10] =	vst v15;
	v11 =	vmax.f32 v4, $0.0e+00;
	v2 =	vadd.f32 v2, v10;
	v8 =	vadd.f32 v8, v13  }
0x108: {  	v4 =	vld [tilespmem:s12+$0x2A20];
	[tilespmem:s25+$0xA20] =	vst v11;
	v10 =	vmax.f32 v3, $0.0e+00;
	v1 =	vadd.f32 v1, v9;
	v7 =	vadd.f32 v7, v17  }
0x109: {  	v3 =	vld [tilespmem:s12+$0x2A30];
	[tilespmem:s25+$0xA30] =	vst v10;
	v9 =	vmax.f32 v2, $0.0e+00;
	v8 =	vadd.f32 v16, v8  }
0x10a: {  	v2 =	vld [tilespmem:s12+$0x2A40];
	[tilespmem:s25+$0xA40] =	vst v9;
	v9 =	vmax.f32 v1, $0.0e+00;
	v7 =	vadd.f32 v12, v7  }
0x10b: {  	v1 =	vld [tilespmem:s12+$0x2A50];
	[tilespmem:s25+$0xA50] =	vst v9;
	v8 =	vmax.f32 v8, $0.0e+00  }
0x10c: {  	v13 =	vld [tilespmem:s12+$0x1A00];
	[tilespmem:s25+$0xA60] =	vst v8;
	v7 =	vmax.f32 v7, $0.0e+00  }
0x10d: {  	v18 =	vld [tilespmem:s12+$0x1A10];
	[tilespmem:s25+$0xA70] =	vst v7;
	s25 =	smov.u32 s12  }
0x10e: {  	v12 =	vld [tilespmem:s25+$0x1A20]  }
0x10f: {  	v11 =	vld [tilespmem:s25+$0x1A30]  }
0x110: {  	v10 =	vld [tilespmem:s25+$0x1A40]  }
0x111: {  	v9 =	vld [tilespmem:s25+$0x1A50]  }
0x112: {  	v8 =	vld [tilespmem:s25+$0x1A60]  }
0x113: {  	v7 =	vld [tilespmem:s25+$0x1A70]  }
0x114: {  	v14 =	vld [tilespmem:s25+$0xA00]  }
0x115: {  	v20 =	vld [tilespmem:s25+$0xA10]  }
.Ltmp3:
0x116: {  	v17 =	vld [tilespmem:s25+$0xA20];
	(pc) =	sbr.rel @p2 .LBB2_9-.Ltmp3, $4  }
0x117: {  	v16 =	vld [tilespmem:s25+$0xA30]  }
0x118: {  	v15 =	vld [tilespmem:s25+$0xA40]  }
0x119: {  	v19 =	vadd.f32 v13, v14;
	v14 =	vld [tilespmem:s25+$0xA50]  }
0x11a: {  	s14 =	sadd.s32 $0x200, s14;
	v18 =	vadd.f32 v18, v20;
	v13 =	vld [tilespmem:s25+$0xA60]  }
0x11b: {  	v5 =	vadd.f32 v5, v19;
	v12 =	vadd.f32 v12, v17;
	v55 =	vld [tilespmem:s25+$0xA70]  }
0x11c: {  	v56 =	vld [tilespmem:s25+$0x2A60];
	v6 =	vadd.f32 v6, v18;
	v11 =	vadd.f32 v11, v16  }
0x11d: {  	v57 =	vld [tilespmem:s25+$0x2A70];
	v5 =	vmax.f32 v5, $0.0e+00;
	v4 =	vadd.f32 v4, v12;
	v10 =	vadd.f32 v10, v15  }
0x11e: {  	[tilespmem:s25+$0xA00] =	vst v5;
	v58 =	vmax.f32 v6, $0.0e+00;
	v3 =	vadd.f32 v3, v11;
	v59 =	vadd.f32 v9, v14  }
0x11f: {  	[tilespmem:s25+$0xA10] =	vst v58;
	v4 =	vmax.f32 v4, $0.0e+00;
	v2 =	vadd.f32 v2, v10;
	v60 =	vadd.f32 v8, v13  }
0x120: {  	[tilespmem:s25+$0xA20] =	vst v4;
	v3 =	vmax.f32 v3, $0.0e+00;
	v1 =	vadd.f32 v1, v59;
	v61 =	vadd.f32 v7, v55  }
0x121: {  	[tilespmem:s25+$0xA30] =	vst v3;
	v2 =	vmax.f32 v2, $0.0e+00;
	v3 =	vadd.f32 v56, v60  }
0x122: {  	[tilespmem:s25+$0xA40] =	vst v2;
	v1 =	vmax.f32 v1, $0.0e+00;
	v2 =	vadd.f32 v57, v61  }
0x123: {  	[tilespmem:s25+$0xA50] =	vst v1;
	v1 =	vmax.f32 v3, $0.0e+00  }
0x124: {  	[tilespmem:s25+$0xA60] =	vst v1;
	v1 =	vmax.f32 v2, $0.0e+00  }
0x125: {  	[tilespmem:s25+$0xA70] =	vst v1  }
0x126: {  	v1 =	vld [tilespmem:$0x180]  }
0x127: {  	v2 =	vld [tilespmem:$0x190]  }
0x128: {  	v3 =	vld [tilespmem:$0x1A0]  }
0x129: {  	v62 =	vld [tilespmem:$0x1B0]  }
0x12a: {  	v63 =	vld [tilespmem:$0x1C0]  }
0x12b: {  	[tilespmem:$0x9B30] =	vst v1;
	v1 =	vld [tilespmem:$0x1D0]  }
0x12c: {  	[tilespmem:$0x9B40] =	vst v2;
	v2 =	vld [tilespmem:$0x1E0]  }
0x12d: {  	[tilespmem:$0x9B50] =	vst v3;
	v3 =	vld [tilespmem:$0x1F0]  }
0x12e: {  	[tilespmem:$0x9B60] =	vst v62  }
.Ltmp4:
0x12f: {  	[tilespmem:$0x9B70] =	vst v63;
	(pc) =	sbr.rel @p1 .LBB2_12-.Ltmp4, $4  }
0x130: {  	[tilespmem:$0x9B80] =	vst v1  }
0x131: {  	[tilespmem:$0x9B90] =	vst v2  }
0x132: {  	[tilespmem:$0x9BA0] =	vst v3  }
0x133: {  	[spmem:s1] =	stream.indirect.scatter.add.f32 [tilespmem:s26], [sflag:$0x6], $0x10, s11, s28, $0xb8;
	[tilespmem:$0x9BB0] =	vst v63  }
0x134: {  	s12 =	sadd.s32 s21, s16  }
0x135: {  	s14 =	sshrl.u32 s12, $0x3  }
0x136: {  	s18 =	sadd.s32 s4, s14  }
0x137: {  	[tilespmem:s28], [sflag:$0x2] =	stream.linear.gather [hbm4b:s18+s3], $0x80, $0x38;
	[tilespmem:$0x9BB0] =	vst v63  }
.Ltmp5:
0x138: {  	s12 =	sshll.u32 s12, $0x1;
	(pc) =	sbr.rel .LBB2_6-.Ltmp5, $4  }
0x139: {  	s14 =	sadd.s32 s5, s14;
	s12 =	sand.u32 $0x1FFFFFE0, s12  }
0x13a: {  	[tilespmem:s29], [sflag:$0x2] =	stream.linear.gather [hbm4b:s14+s3], $0x80, $0x38;
	[tilespmem:$0x9BB0] =	vst v63  }
0x13b: {  	s20 =	sadd.s32 $0x1, s20;
	s12 =	sadd.s32 s7, s12  }
0x13c: {  	[tilespmem:s30], [sflag:$0x2] =	stream.linear.gather [hbm4b:s12+s3], $0x800, $0x38;
	[tilespmem:$0x9BB0] =	vst v63  }
.LBB2_12:
0x13d: {  	s12 =	simm.s32 $0x5  }
0x13e: {  	_ =	swait.ge [sflag:s12], $0x800  }
0x13f: {  	[sflag:s12] =	ssyncset.done $0x0  }
0x140: {  	[sflag:s12] =	ssyncadd.s32 $0xFFFFF800  }
0x141: {  	_ =	swait.ge [sflag:s13], $0x800  }
0x142: {  	s14 =	simm.s32 $0x0;
	[sflag:s13] =	ssyncset.done $0x0  }
0x143: {  	s18 =	simm.s32 $0x9790;
	s20 =	rddreg [dreg:$0xa];
	[sflag:s13] =	ssyncadd.s32 $0xFFFFF800  }
0x144: {  	[tilespmem:s18], [sflag:$0x7] =	stream.linear.gather [hbm4b:s20+s14], $0x10, $0x38;
	[tilespmem:$0x9BB0] =	vst v63  }
0x145: {  	_ =	swait.ge [sflag:s23], $0x10  }
0x146: {  	[sflag:s23] =	ssyncset.done $0x0  }
0x147: {  	s21 =	rddreg [dreg:$0xb];
	[sflag:s23] =	ssyncadd.s32 $0xFFFFFFF0  }
0x148: {  	[tilespmem:s24], [sflag:$0x7] =	stream.linear.gather [hbm4b:s21+s14], $0x10, $0x38;
	[tilespmem:$0x9BB0] =	vst v63  }
0x149: {  	_ =	swait.ge [sflag:s23], $0x10  }
0x14a: {  	[sflag:s23] =	ssyncset.done $0x0  }
0x14b: {  	[sflag:s23] =	ssyncadd.s32 $0xFFFFFFF0  }
0x14c: {  	v1 =	vld [tilespmem:$0x9790];
	_ =	sdelay $0x4  }
0x14d: {  	v1 =	vadd.s32 $0x2710, v1  }
0x14e: {  	s25 =	simm.s32 $0x97B0;
	[tilespmem:$0x9790] =	vst v1  }
0x14f: {  	[tilespmem:s25], [sflag:$0x3] =	stream.indirect.gather [hbm4b:s6+s17], $0x10, s18, s17, $0xb8;
	[tilespmem:$0x9BB0] =	vst v63  }
0x150: {  	s20 =	simm.s32 $0x98B0  }
0x151: {  	[tilespmem:s20], [sflag:$0x4] =	stream.indirect.gather [hbm4b:s6+s17], $0x10, s24, s17, $0xb8;
	[tilespmem:$0x9BB0] =	vst v63  }
0x152: {  	s21 =	rddreg [dreg:$0xc];
	s25 =	simm.s32 $0x99B0  }
0x153: {  	[tilespmem:s25], [sflag:$0x7] =	stream.linear.gather [hbm4b:s21+s14], $0x100, $0x38;
	[tilespmem:$0x9BB0] =	vst v63  }
0x154: {  	_ =	swait.ge [sflag:s23], $0x100  }
0x155: {  	[sflag:s23] =	ssyncset.done $0x0  }
0x156: {  	[sflag:s23] =	ssyncadd.s32 $0xFFFFFF00  }
0x157: {  	_ =	swait.ge [sflag:s2], $0x100  }
0x158: {  	[sflag:s2] =	ssyncset.done $0x0  }
0x159: {  	[sflag:s2] =	ssyncadd.s32 $0xFFFFFF00  }
0x15a: {  	_ =	swait.ge [sflag:s10], $0x100  }
0x15b: {  	[sflag:s10] =	ssyncset.done $0x0  }
0x15c: {  	s20 =	simm.s32 $0x0;
	[sflag:s10] =	ssyncadd.s32 $0xFFFFFF00  }
0x15d: {  	s25 =	sand.u32 $0x200, s14;
	s21 =	simm.s32 $0x40;
	v1 =	vld [tilespmem:s20+$0x98B0]  }
.LBB2_13:
0x15e: {  	p1 =	sne.s32 s21, $0x3C0;
	v2 =	vld [tilespmem:s20+$0x97B0];
	s12 =	sand.u32 $0x70, s14;
	s18 =	sshrl.u32 s25, $0x2  }
0x15f: {  	s12 =	sor.u32 s12, s18;
	s18 =	smov.u32 s20  }
0x160: {  	v3 =	vld [tilespmem:s12+$0x99B0];
	_ =	sdelay $0x2  }
0x161: {  	v1 =	vadd.f32 v1, v2  }
.Ltmp6:
0x162: {  	(pc) =	sbr.rel @p1 .LBB2_13-.Ltmp6, $3  }
0x163: {  	v1 =	vadd.f32 v3, v1;
	_ =	sdelay $0x1  }
0x164: {  	s20 =	sshra.s32 s21, $0x2;
	v2 =	vmax.f32 v1, $0.0e+00  }
0x165: {  	s25 =	sand.u32 $0x200, s21;
	s14 =	sadd.s32 $0x10, s14;
	s21 =	sadd.s32 $0x40, s21;
	v1 =	vld [tilespmem:s20+$0x98B0];
	[tilespmem:s18+$0x97B0] =	vst v2  }
0x166: {  	v2 =	vld [tilespmem:s20+$0x97B0];
	s12 =	sand.u32 $0x70, s14;
	s18 =	sshrl.u32 s25, $0x2  }
0x167: {  	s12 =	sor.u32 s12, s18  }
0x168: {  	v3 =	vld [tilespmem:s12+$0x99B0];
	_ =	sdelay $0x2  }
0x169: {  	v1 =	vadd.f32 v1, v2;
	_ =	sdelay $0x1  }
0x16a: {  	v1 =	vadd.f32 v3, v1;
	_ =	sdelay $0x1  }
0x16b: {  	v1 =	vmax.f32 v1, $0.0e+00  }
0x16c: {  	s21 =	simm.s32 $0x97B0;
	[tilespmem:s20+$0x97B0] =	vst v1  }
0x16d: {  	[spmem:s1] =	stream.indirect.scatter.add.f32 [tilespmem:s21], [sflag:$0x7], $0x10, s24, s17, $0xb8;
	[tilespmem:$0x9BB0] =	vst v63  }
0x16e: {  	_ =	swait.ge [sflag:s23], $0x100  }
0x16f: {  	[sflag:s23] =	ssyncset.done $0x0  }
0x170: {  	[sflag:s23] =	ssyncadd.s32 $0xFFFFFF00  }
0x171: {  	s12 =	stileid.u32;
	[bflag:$0x0] =	sbarrier.arrive $0xFFFF  }
0x172: {  	s12 =	sshll.u32 @!p0 s12, $0x6;
	s14 =	rddreg [dreg:$0xd]  }
0x173: {  	s12 =	sor.u32 @!p0 $0x1C07, s12;
	s18 =	rddreg [dreg:$0xf]  }
0x174: {  	[hbm:s14], [sflag:s12] =	dma.local @!p0 [spmem:s18], $0x7D0  }
0x175: {  	s12 =	simm.s32 @!p0 $0x7  }
0x176: {  	_ =	swait.ge @!p0 [sflag:s12], $0x7D0  }
0x177: {  	s19 =	sadd.s32 $0x1, s19;
	s25 =	rddreg [dreg:$0xe]  }
0x178: {  	p1 =	sne.s32 s19, s25  }
.Ltmp7:
0x179: {  	_ = 	snop;
	(pc) =	sbr.rel @p1 .LBB2_1-.Ltmp7, $3  }
0x17a: {  	_ =	sdelay $0x1  }
0x17b: {  	[sflag:s12] =	ssyncset.done @!p0 $0x0  }
0x17c: {  	[sflag:s12] =	ssyncadd.s32 @!p0 $0xFFFFF830  }
0x17d: {  	_ =	sfence.sel $0x180000  }
0x17e: {  	[bflag:$0x0] =	sbarrier.arrive $0xFFFF  }
0x17f: {  	_ =	strace $0x90000047  }
0x180: {  	s0 =	stileid.u32;
	[bflag:$0x2] =	sbarrier.arrive $0xFFFF  }
0x181: {  	p0 =	sne.s32 s0, $0x0;
	s0 =	rddreg [dreg:$0x2]  }
0x182: {  	s0 =	sadd.s32 @!p0 $0x100000, s0  }
0x183: {  	[sflag:s0] =	ssyncadd.tile.s32 @!p0 $0x1;
	_ =	shalt  }
.Lfunc_end2:
_tile_overlayer_lowered:
.L_overlay_start_2:
0x184: {  	(tag) =	ssettag $0x2  }
0x185: {  	s0 =	rddreg [dreg:$0x0];
	s2 =	stileid.u32  }
0x186: {  	s1 =	rddreg [dreg:$0x1];
	p0 =	sne.s32 s2, $0x0  }
0x187: {  	s3 =	rddreg [dreg:$0x2];
	[bflag:$0x3] =	sbarrier.arrive $0xFFFF;
	s2 =	simm.s32 @!p0 $0x1C07  }
0x188: {  	[timem:s3], [sflag:s2] =	dma.local @!p0 [hbm:s0], s1  }
0x189: {  	s0 =	simm.s32 @!p0 $0x7  }
0x18a: {  	_ =	swait.ge @!p0 [sflag:s0], s1  }
0x18b: {  	s1 =	ssub.s32 @!p0 $0x0, s1;
	[sflag:s0] =	ssyncset.done @!p0 $0x0  }
0x18c: {  	[sflag:s0] =	ssyncadd.s32 @!p0 s1  }
0x18d: {  	[bflag:$0x3] =	sbarrier.arrive $0xFFFF  }
0x18e: {  	_ =	shalt  }

</sc_bundles>
